<compile_context>
chip_gen: v7x
topology: tpu7x:2x2x1
jax: 0.10.2.dev20260603
libtpu: 0.0.44.dev20260713+nightly
codegen_flags: <defaults>
</compile_context>

<pallas_src>
import functools

import jax
import jax.numpy as jnp
from jax import lax
from jax.experimental import pallas as pl
from jax.experimental.pallas import tpu as pltpu
from jax.experimental.pallas import tpu_sc as plsc

L = 2
E = 8
TOPK = 2
H = 1024
I = 2048
T = 2048

TM = 256
P = T * TOPK
R = P + E * TM
NT = R // TM

NC = 2
NS = 16
NW = NC * NS
GCH = 48
CCH = 32


def _router_body(x_ref, gw_ref, ei_ref, cw_ref):
    x = x_ref[...]
    gw = gw_ref[...]
    logits = lax.dot_general(x, gw, (((1,), (1,)), ((), ())),
                             preferred_element_type=jnp.float32)
    col = lax.broadcasted_iota(jnp.int32, logits.shape, 1)
    m0 = jnp.max(logits, axis=1, keepdims=True)
    i0 = jnp.min(jnp.where(logits == m0, col, E), axis=1, keepdims=True)
    masked = jnp.where(col == i0, -jnp.inf, logits)
    m1 = jnp.max(masked, axis=1, keepdims=True)
    i1 = jnp.min(jnp.where(masked == m1, col, E), axis=1, keepdims=True)
    c0 = 1.0 / (1.0 + jnp.exp(m1 - m0))
    ei_ref[...] = jnp.concatenate([i0, i1], axis=1)
    cw_ref[...] = jnp.concatenate([c0, 1.0 - c0], axis=1)


def _run_router(hidden, gw):
    return pl.pallas_call(
        _router_body,
        out_shape=(
            jax.ShapeDtypeStruct((T, TOPK), jnp.int32),
            jax.ShapeDtypeStruct((T, TOPK), jnp.float32),
        ),
    )(hidden, gw)


def _build_dispatch(ei, cw):
    e_flat = ei.reshape(-1)
    c_flat = cw.reshape(-1)
    onehot = (e_flat[:, None] == jnp.arange(E, dtype=jnp.int32)[None, :])
    onehot = onehot.astype(jnp.int32)
    incl = jnp.cumsum(onehot, axis=0)
    counts = incl[-1]
    rank = jnp.take_along_axis(incl, e_flat[:, None], axis=1)[:, 0] - 1
    padded = ((counts + TM - 1) // TM) * TM
    ends_cum = jnp.cumsum(padded)
    offs = ends_cum - padded
    row = offs[e_flat] + rank
    tok = jnp.arange(P, dtype=jnp.int32) // TOPK
    g = (jnp.arange(R, dtype=jnp.int32) % T).at[row].set(tok)
    c_row = jnp.zeros((R,), jnp.float32).at[row].set(c_flat)
    pos = row.reshape(T, TOPK).astype(jnp.int32)
    tile_start = jnp.arange(NT, dtype=jnp.int32) * TM
    texp = (jnp.searchsorted(offs, tile_start, side="right") - 1)
    texp = jnp.clip(texp, 0, E - 1).astype(jnp.int32)
    is_real = (tile_start < ends_cum[texp]).astype(jnp.int32)
    return g, c_row.reshape(R, 1), pos[:, 0], pos[:, 1], texp, is_real


def _sc_gather_body(hid_hbm, g_hbm, xs_hbm, idx_all, b0, b1,
                    gs0, gs1, ws0, ws1):
    wid = lax.axis_index("s") * NC + lax.axis_index("c")
    rpw = R // NW
    base = wid * rpw
    nch = rpw // GCH
    bufs = (b0, b1)
    gsems = (gs0, gs1)
    wsems = (ws0, ws1)
    pltpu.sync_copy(g_hbm.at[pl.ds(base, rpw)], idx_all)
    gops = [None] * nch
    wops = [None] * nch
    for j in range(nch):
        if j >= 2:
            wops[j - 2].wait()
        gops[j] = pltpu.async_copy(
            hid_hbm.at[idx_all.at[pl.ds(j * GCH, GCH)]], bufs[j % 2],
            gsems[j % 2])
        if j >= 1:
            gops[j - 1].wait()
            wops[j - 1] = pltpu.async_copy(
                bufs[(j - 1) % 2],
                xs_hbm.at[pl.ds(base + (j - 1) * GCH, GCH)],
                wsems[(j - 1) % 2])
    gops[nch - 1].wait()
    wops[nch - 1] = pltpu.async_copy(
        bufs[(nch - 1) % 2],
        xs_hbm.at[pl.ds(base + (nch - 1) * GCH, GCH)],
        wsems[(nch - 1) % 2])
    wops[nch - 2].wait()
    wops[nch - 1].wait()


def _run_sc_gather(hidden, g):
    mesh = plsc.VectorSubcoreMesh(core_axis_name="c", subcore_axis_name="s")
    f = pl.kernel(
        _sc_gather_body,
        out_type=jax.ShapeDtypeStruct((R, H), jnp.float32),
        mesh=mesh,
        scratch_types=[
            pltpu.VMEM((R // NW,), jnp.int32),
            pltpu.VMEM((GCH, H), jnp.float32),
            pltpu.VMEM((GCH, H), jnp.float32),
            pltpu.SemaphoreType.DMA,
            pltpu.SemaphoreType.DMA,
            pltpu.SemaphoreType.DMA,
            pltpu.SemaphoreType.DMA,
        ],
    )
    return f(hidden, g)


def _ffn_body(te, ir, x_ref, w1_ref, w3_ref, w2_ref, c_ref, y_ref):
    i = pl.program_id(0)

    @pl.when(ir[i] == 1)
    def _():
        x = x_ref[...].astype(jnp.bfloat16)
        h1 = lax.dot_general(x, w1_ref[...], (((1,), (1,)), ((), ())),
                             preferred_element_type=jnp.float32)
        h3 = lax.dot_general(x, w3_ref[...], (((1,), (1,)), ((), ())),
                             preferred_element_type=jnp.float32)
        act = (h1 * jax.nn.sigmoid(h1)) * h3 * c_ref[...]
        y_ref[...] = lax.dot_general(act.astype(jnp.bfloat16), w2_ref[...],
                                     (((1,), (1,)), ((), ())),
                                     preferred_element_type=jnp.float32)


def _run_ffn(xs, ws_ih, ws_hi, c_row, texp, is_real):
    grid_spec = pltpu.PrefetchScalarGridSpec(
        num_scalar_prefetch=2,
        grid=(NT,),
        in_specs=[
            pl.BlockSpec((TM, H), lambda i, te, ir: (i, 0)),
            pl.BlockSpec((None, None, I, H),
                         lambda i, te, ir: (te[i], 0, 0, 0)),
            pl.BlockSpec((None, None, I, H),
                         lambda i, te, ir: (te[i], 1, 0, 0)),
            pl.BlockSpec((None, None, H, I),
                         lambda i, te, ir: (te[i], 2, 0, 0)),
            pl.BlockSpec((TM, 1), lambda i, te, ir: (i, 0)),
        ],
        out_specs=pl.BlockSpec((TM, H), lambda i, te, ir: (i, 0)),
    )
    return pl.pallas_call(
        _ffn_body,
        grid_spec=grid_spec,
        out_shape=jax.ShapeDtypeStruct((R, H), jnp.float32),
    )(texp, is_real, xs, ws_ih, ws_ih, ws_hi, c_row)


def _sc_combine_body(ys_hbm, p0_hbm, p1_hbm, out_hbm,
                     i0_all, i1_all, b0, b1, s0, s1, wsem):
    wid = lax.axis_index("s") * NC + lax.axis_index("c")
    tpw = T // NW
    base = wid * tpw
    pltpu.sync_copy(p0_hbm.at[pl.ds(base, tpw)], i0_all)
    pltpu.sync_copy(p1_hbm.at[pl.ds(base, tpw)], i1_all)
    wop = None
    for j in range(tpw // CCH):
        off = base + j * CCH
        if wop is not None:
            wop.wait()
        c0 = pltpu.async_copy(ys_hbm.at[i0_all.at[pl.ds(j * CCH, CCH)]],
                              b0, s0)
        c1 = pltpu.async_copy(ys_hbm.at[i1_all.at[pl.ds(j * CCH, CCH)]],
                              b1, s1)
        c0.wait()
        c1.wait()

        def body(r, carry):
            for v in range(H // 16):
                sl = pl.ds(v * 16, 16)
                b0[r, sl] = b0[r, sl] + b1[r, sl]
            return carry

        lax.fori_loop(0, CCH, body, 0)
        wop = pltpu.async_copy(b0, out_hbm.at[pl.ds(off, CCH)], wsem)
    wop.wait()


def _run_sc_combine(ys, p0, p1):
    mesh = plsc.VectorSubcoreMesh(core_axis_name="c", subcore_axis_name="s")
    f = pl.kernel(
        _sc_combine_body,
        out_type=jax.ShapeDtypeStruct((T, H), jnp.float32),
        mesh=mesh,
        scratch_types=[
            pltpu.VMEM((T // NW,), jnp.int32),
            pltpu.VMEM((T // NW,), jnp.int32),
            pltpu.VMEM((CCH, H), jnp.float32),
            pltpu.VMEM((CCH, H), jnp.float32),
            pltpu.SemaphoreType.DMA,
            pltpu.SemaphoreType.DMA,
            pltpu.SemaphoreType.DMA,
        ],
    )
    return f(ys, p0, p1)


def kernel(index, hidden_states, gate_w, ws):
    gw = gate_w[index]
    ws_l = ws[index]
    ws_ih = ws_l.reshape(E, 3, I, H).astype(jnp.bfloat16)
    ws_hi = ws_l.reshape(E, 3, H, I).astype(jnp.bfloat16)
    ei, cw = _run_router(hidden_states, gw)
    g, c_row, p0, p1, texp, is_real = _build_dispatch(ei, cw)
    xs = _run_sc_gather(hidden_states, g)
    ys = _run_ffn(xs, ws_ih, ws_hi, c_row, texp, is_real)
    return _run_sc_combine(ys, p0, p1)

# --- scband reference (transcript-rebuilt; emitter-appended) ---
"""Pipeline reference for scband-mixtral-mo-e-59493886984630 (READ-ONLY COPY).

The authoritative reference and input builder live on the scoring server;
editing this copy changes nothing except your own understanding.
"""

import jax, jax.numpy as jnp
import numpy as np

L = 2
E = 8
TOPK = 2
H = 1024
I = 2048
T = 2048


def setup_inputs(seed: int = 0) -> dict:
    key = jax.random.key(seed)
    k1, k2, k3 = jax.random.split(key, 3)
    hidden_states = jax.random.normal(k1, (T, H), dtype=jnp.float32)
    # StackedLinear gate: per-layer router weight [E, H] (no bias)
    gate_w = jax.random.normal(k2, (L, E, H), dtype=jnp.float32) * 0.02
    # ws packs [w1 | w3 | w2] flattened per (layer, expert):
    #   w1: [I, H], w3: [I, H], w2: [H, I]
    ws = jax.random.normal(k3, (L, E, 3 * I * H), dtype=jnp.float32) * 0.02
    return {"index": 0, "hidden_states": hidden_states, "gate_w": gate_w, "ws": ws}


def _silu(x):
    return x * jax.nn.sigmoid(x)


def _moe_forward(index, hidden_states, gate_w, ws):
    # router logits: gates(index, hidden_states)
    router_logits = hidden_states @ gate_w[index].T  # [T, E]
    probs = jax.nn.softmax(router_logits.astype(jnp.float32), axis=-1)
    topv, topi = jax.lax.top_k(probs, TOPK)  # [T, k]
    # renormalize=True
    topv = topv / jnp.sum(topv, axis=-1, keepdims=True)
    # combine weights as dense [T, E] (zero for unselected experts)
    combine = jnp.sum(jax.nn.one_hot(topi, E, dtype=topv.dtype) * topv[..., None], axis=1)  # [T, E]
    # unpack expert weights for this layer
    w = ws[index]  # [E, 3*I*H]
    w1 = w[:, : I * H].reshape(E, I, H)
    w3 = w[:, I * H : 2 * I * H].reshape(E, I, H)
    w2 = w[:, 2 * I * H :].reshape(E, H, I)
    # fused MoE math (dense over experts; combine masks unselected experts)
    h1 = jnp.einsum("th,eih->tei", hidden_states, w1)
    h3 = jnp.einsum("th,eih->tei", hidden_states, w3)
    act = _silu(h1) * h3
    out_e = jnp.einsum("tei,ehi->teh", act, w2)
    out = jnp.einsum("teh,te->th", out_e, combine)
    return out.astype(hidden_states.dtype)


def reference(index, hidden_states, gate_w, ws):
    return _moe_forward(index, hidden_states, gate_w, ws)

if __name__ == "__main__":
    import jax
    _d = setup_inputs()
    print(jax.jit(kernel)(*tuple(_d.values())))

</pallas_src>

<mosaic_0001>
#map = affine_map<(d0, d1) -> (0, 0)>
#map1 = affine_map<(d0, d1) -> (0)>
module attributes {stable_mosaic.version = 14 : i64} {
  func.func @_sc_gather_body(%arg0: i32, %arg1: i32, %arg2: memref<2048x1024xf32, #tpu.memory_space<hbm>>, %arg3: memref<6144xi32, #tpu.memory_space<hbm>>, %arg4: memref<6144x1024xf32, #tpu.memory_space<hbm>>, %arg5: memref<192xi32, #tpu.memory_space<vmem>>, %arg6: memref<48x1024xf32, #tpu.memory_space<vmem>>, %arg7: memref<48x1024xf32, #tpu.memory_space<vmem>>, %arg8: memref<!tpu.dma_semaphore, #tpu.memory_space<semaphore_mem>>, %arg9: memref<!tpu.dma_semaphore, #tpu.memory_space<semaphore_mem>>, %arg10: memref<!tpu.dma_semaphore, #tpu.memory_space<semaphore_mem>>, %arg11: memref<!tpu.dma_semaphore, #tpu.memory_space<semaphore_mem>>) attributes {dimension_semantics = [#tpu.dimension_semantics<core_parallel>, #tpu.dimension_semantics<subcore_parallel>], iteration_bounds = array<i64: 2, 16>, scalar_prefetch = 0 : i64, scratch_operands = 7 : i64, tpu.core_type = #tpu.core_type<sc_vector_subcore>, window_params = [{transform_indices = #map}, {transform_indices = #map1}, {transform_indices = #map}]} {
    %mul3A = arith.constant 2 : i32
    %mul3A_0 = arith.muli %arg1, %mul3A : i32
    %add3A = arith.addi %mul3A_0, %arg0 : i32
    %mul3A_1 = arith.constant 192 : i32
    %mul3A_2 = arith.muli %add3A, %mul3A_1 : i32
    "tpu.region"() ({
      %run_scoped3A = tpu.sem_alloc : memref<!tpu.dma_semaphore, #tpu.memory_space<semaphore_mem>>
      %dma_start3A_81 = tpu.memref_slice %arg3[%mul3A_2] : memref<6144xi32, #tpu.memory_space<hbm>> -> memref<192xi32, #tpu.memory_space<hbm>>
      %dma_start3A_82 = tpu.memref_slice %arg3[%mul3A_2] : memref<6144xi32, #tpu.memory_space<hbm>> -> memref<192xi32, #tpu.memory_space<hbm>>
      tpu.enqueue_dma source(%dma_start3A_82 : memref<192xi32, #tpu.memory_space<hbm>>) target(%arg5 : memref<192xi32, #tpu.memory_space<vmem>>) target_semaphore(%run_scoped3A : memref<!tpu.dma_semaphore, #tpu.memory_space<semaphore_mem>>)
      %dma_wait3A_83 = tpu.memref_slice %arg3[%mul3A_2] : memref<6144xi32, #tpu.memory_space<hbm>> -> memref<192xi32, #tpu.memory_space<hbm>>
      %dma_wait3A_84 = tpu.memref_slice %arg3[%mul3A_2] : memref<6144xi32, #tpu.memory_space<hbm>> -> memref<192xi32, #tpu.memory_space<hbm>>
      tpu.wait_dma2 semaphore(%run_scoped3A : memref<!tpu.dma_semaphore, #tpu.memory_space<semaphore_mem>>) src(%dma_wait3A_84 : memref<192xi32, #tpu.memory_space<hbm>>) dst(%arg5 : memref<192xi32, #tpu.memory_space<vmem>>)
      tpu.yield
    }) : () -> ()
    %dma_start3A = arith.constant 0 : i32
    %dma_start3A_3 = tpu.memref_slice %arg5[%dma_start3A] : memref<192xi32, #tpu.memory_space<vmem>> -> memref<48xi32, #tpu.memory_space<vmem>>
    %dma_start3A_4 = arith.constant 0 : i32
    %dma_start3A_5 = arith.constant 0 : i32
    %dma_start3A_6 = tpu.memref_slice %arg2[%dma_start3A_4, %dma_start3A_5] : memref<2048x1024xf32, #tpu.memory_space<hbm>> -> memref<2048x1024xf32, #tpu.memory_space<hbm>>
    tpu.enqueue_indirect_dma source(%dma_start3A_6 : memref<2048x1024xf32, #tpu.memory_space<hbm>>) target(%arg6 : memref<48x1024xf32, #tpu.memory_space<vmem>>) offsets(%dma_start3A_3 : memref<48xi32, #tpu.memory_space<vmem>>) semaphore(%arg8 : memref<!tpu.dma_semaphore, #tpu.memory_space<semaphore_mem>>)
    %dma_start3A_7 = arith.constant 48 : i32
    %dma_start3A_8 = tpu.memref_slice %arg5[%dma_start3A_7] : memref<192xi32, #tpu.memory_space<vmem>> -> memref<48xi32, #tpu.memory_space<vmem>>
    %dma_start3A_9 = arith.constant 0 : i32
    %dma_start3A_10 = arith.constant 0 : i32
    %dma_start3A_11 = tpu.memref_slice %arg2[%dma_start3A_9, %dma_start3A_10] : memref<2048x1024xf32, #tpu.memory_space<hbm>> -> memref<2048x1024xf32, #tpu.memory_space<hbm>>
    tpu.enqueue_indirect_dma source(%dma_start3A_11 : memref<2048x1024xf32, #tpu.memory_space<hbm>>) target(%arg7 : memref<48x1024xf32, #tpu.memory_space<vmem>>) offsets(%dma_start3A_8 : memref<48xi32, #tpu.memory_space<vmem>>) semaphore(%arg9 : memref<!tpu.dma_semaphore, #tpu.memory_space<semaphore_mem>>)
    %dma_wait3A = arith.constant 0 : i32
    %dma_wait3A_12 = tpu.memref_slice %arg5[%dma_wait3A] : memref<192xi32, #tpu.memory_space<vmem>> -> memref<48xi32, #tpu.memory_space<vmem>>
    %dma_wait3A_13 = arith.constant 0 : i32
    %dma_wait3A_14 = arith.constant 0 : i32
    %dma_wait3A_15 = tpu.memref_slice %arg2[%dma_wait3A_13, %dma_wait3A_14] : memref<2048x1024xf32, #tpu.memory_space<hbm>> -> memref<2048x1024xf32, #tpu.memory_space<hbm>>
    tpu.wait_indirect_dma semaphore(%arg8 : memref<!tpu.dma_semaphore, #tpu.memory_space<semaphore_mem>>) src(%dma_wait3A_15 : memref<2048x1024xf32, #tpu.memory_space<hbm>>) dst(%arg6 : memref<48x1024xf32, #tpu.memory_space<vmem>>)
    %add3A_16 = arith.constant 0 : i32
    %add3A_17 = arith.addi %mul3A_2, %add3A_16 : i32
    %dma_start3A_18 = arith.constant 0 : i32
    %dma_start3A_19 = tpu.memref_slice %arg4[%add3A_17, %dma_start3A_18] : memref<6144x1024xf32, #tpu.memory_space<hbm>> -> memref<48x1024xf32, #tpu.memory_space<hbm>>
    %dma_start3A_20 = arith.constant 0 : i32
    %dma_start3A_21 = tpu.memref_slice %arg4[%add3A_17, %dma_start3A_20] : memref<6144x1024xf32, #tpu.memory_space<hbm>> -> memref<48x1024xf32, #tpu.memory_space<hbm>>
    tpu.enqueue_dma source(%arg6 : memref<48x1024xf32, #tpu.memory_space<vmem>>) target(%dma_start3A_21 : memref<48x1024xf32, #tpu.memory_space<hbm>>) target_semaphore(%arg10 : memref<!tpu.dma_semaphore, #tpu.memory_space<semaphore_mem>>)
    %dma_wait3A_22 = arith.constant 0 : i32
    %dma_wait3A_23 = tpu.memref_slice %arg4[%add3A_17, %dma_wait3A_22] : memref<6144x1024xf32, #tpu.memory_space<hbm>> -> memref<48x1024xf32, #tpu.memory_space<hbm>>
    %dma_wait3A_24 = arith.constant 0 : i32
    %dma_wait3A_25 = tpu.memref_slice %arg4[%add3A_17, %dma_wait3A_24] : memref<6144x1024xf32, #tpu.memory_space<hbm>> -> memref<48x1024xf32, #tpu.memory_space<hbm>>
    tpu.wait_dma2 semaphore(%arg10 : memref<!tpu.dma_semaphore, #tpu.memory_space<semaphore_mem>>) src(%arg6 : memref<48x1024xf32, #tpu.memory_space<vmem>>) dst(%dma_wait3A_25 : memref<48x1024xf32, #tpu.memory_space<hbm>>)
    %dma_start3A_26 = arith.constant 96 : i32
    %dma_start3A_27 = tpu.memref_slice %arg5[%dma_start3A_26] : memref<192xi32, #tpu.memory_space<vmem>> -> memref<48xi32, #tpu.memory_space<vmem>>
    %dma_start3A_28 = arith.constant 0 : i32
    %dma_start3A_29 = arith.constant 0 : i32
    %dma_start3A_30 = tpu.memref_slice %arg2[%dma_start3A_28, %dma_start3A_29] : memref<2048x1024xf32, #tpu.memory_space<hbm>> -> memref<2048x1024xf32, #tpu.memory_space<hbm>>
    tpu.enqueue_indirect_dma source(%dma_start3A_30 : memref<2048x1024xf32, #tpu.memory_space<hbm>>) target(%arg6 : memref<48x1024xf32, #tpu.memory_space<vmem>>) offsets(%dma_start3A_27 : memref<48xi32, #tpu.memory_space<vmem>>) semaphore(%arg8 : memref<!tpu.dma_semaphore, #tpu.memory_space<semaphore_mem>>)
    %dma_wait3A_31 = arith.constant 48 : i32
    %dma_wait3A_32 = tpu.memref_slice %arg5[%dma_wait3A_31] : memref<192xi32, #tpu.memory_space<vmem>> -> memref<48xi32, #tpu.memory_space<vmem>>
    %dma_wait3A_33 = arith.constant 0 : i32
    %dma_wait3A_34 = arith.constant 0 : i32
    %dma_wait3A_35 = tpu.memref_slice %arg2[%dma_wait3A_33, %dma_wait3A_34] : memref<2048x1024xf32, #tpu.memory_space<hbm>> -> memref<2048x1024xf32, #tpu.memory_space<hbm>>
    tpu.wait_indirect_dma semaphore(%arg9 : memref<!tpu.dma_semaphore, #tpu.memory_space<semaphore_mem>>) src(%dma_wait3A_35 : memref<2048x1024xf32, #tpu.memory_space<hbm>>) dst(%arg7 : memref<48x1024xf32, #tpu.memory_space<vmem>>)
    %add3A_36 = arith.constant 48 : i32
    %add3A_37 = arith.addi %mul3A_2, %add3A_36 : i32
    %dma_start3A_38 = arith.constant 0 : i32
    %dma_start3A_39 = tpu.memref_slice %arg4[%add3A_37, %dma_start3A_38] : memref<6144x1024xf32, #tpu.memory_space<hbm>> -> memref<48x1024xf32, #tpu.memory_space<hbm>>
    %dma_start3A_40 = arith.constant 0 : i32
    %dma_start3A_41 = tpu.memref_slice %arg4[%add3A_37, %dma_start3A_40] : memref<6144x1024xf32, #tpu.memory_space<hbm>> -> memref<48x1024xf32, #tpu.memory_space<hbm>>
    tpu.enqueue_dma source(%arg7 : memref<48x1024xf32, #tpu.memory_space<vmem>>) target(%dma_start3A_41 : memref<48x1024xf32, #tpu.memory_space<hbm>>) target_semaphore(%arg11 : memref<!tpu.dma_semaphore, #tpu.memory_space<semaphore_mem>>)
    %dma_wait3A_42 = arith.constant 0 : i32
    %dma_wait3A_43 = tpu.memref_slice %arg4[%add3A_37, %dma_wait3A_42] : memref<6144x1024xf32, #tpu.memory_space<hbm>> -> memref<48x1024xf32, #tpu.memory_space<hbm>>
    %dma_wait3A_44 = arith.constant 0 : i32
    %dma_wait3A_45 = tpu.memref_slice %arg4[%add3A_37, %dma_wait3A_44] : memref<6144x1024xf32, #tpu.memory_space<hbm>> -> memref<48x1024xf32, #tpu.memory_space<hbm>>
    tpu.wait_dma2 semaphore(%arg11 : memref<!tpu.dma_semaphore, #tpu.memory_space<semaphore_mem>>) src(%arg7 : memref<48x1024xf32, #tpu.memory_space<vmem>>) dst(%dma_wait3A_45 : memref<48x1024xf32, #tpu.memory_space<hbm>>)
    %dma_start3A_46 = arith.constant 144 : i32
    %dma_start3A_47 = tpu.memref_slice %arg5[%dma_start3A_46] : memref<192xi32, #tpu.memory_space<vmem>> -> memref<48xi32, #tpu.memory_space<vmem>>
    %dma_start3A_48 = arith.constant 0 : i32
    %dma_start3A_49 = arith.constant 0 : i32
    %dma_start3A_50 = tpu.memref_slice %arg2[%dma_start3A_48, %dma_start3A_49] : memref<2048x1024xf32, #tpu.memory_space<hbm>> -> memref<2048x1024xf32, #tpu.memory_space<hbm>>
    tpu.enqueue_indirect_dma source(%dma_start3A_50 : memref<2048x1024xf32, #tpu.memory_space<hbm>>) target(%arg7 : memref<48x1024xf32, #tpu.memory_space<vmem>>) offsets(%dma_start3A_47 : memref<48xi32, #tpu.memory_space<vmem>>) semaphore(%arg9 : memref<!tpu.dma_semaphore, #tpu.memory_space<semaphore_mem>>)
    %dma_wait3A_51 = arith.constant 96 : i32
    %dma_wait3A_52 = tpu.memref_slice %arg5[%dma_wait3A_51] : memref<192xi32, #tpu.memory_space<vmem>> -> memref<48xi32, #tpu.memory_space<vmem>>
    %dma_wait3A_53 = arith.constant 0 : i32
    %dma_wait3A_54 = arith.constant 0 : i32
    %dma_wait3A_55 = tpu.memref_slice %arg2[%dma_wait3A_53, %dma_wait3A_54] : memref<2048x1024xf32, #tpu.memory_space<hbm>> -> memref<2048x1024xf32, #tpu.memory_space<hbm>>
    tpu.wait_indirect_dma semaphore(%arg8 : memref<!tpu.dma_semaphore, #tpu.memory_space<semaphore_mem>>) src(%dma_wait3A_55 : memref<2048x1024xf32, #tpu.memory_space<hbm>>) dst(%arg6 : memref<48x1024xf32, #tpu.memory_space<vmem>>)
    %add3A_56 = arith.constant 96 : i32
    %add3A_57 = arith.addi %mul3A_2, %add3A_56 : i32
    %dma_start3A_58 = arith.constant 0 : i32
    %dma_start3A_59 = tpu.memref_slice %arg4[%add3A_57, %dma_start3A_58] : memref<6144x1024xf32, #tpu.memory_space<hbm>> -> memref<48x1024xf32, #tpu.memory_space<hbm>>
    %dma_start3A_60 = arith.constant 0 : i32
    %dma_start3A_61 = tpu.memref_slice %arg4[%add3A_57, %dma_start3A_60] : memref<6144x1024xf32, #tpu.memory_space<hbm>> -> memref<48x1024xf32, #tpu.memory_space<hbm>>
    tpu.enqueue_dma source(%arg6 : memref<48x1024xf32, #tpu.memory_space<vmem>>) target(%dma_start3A_61 : memref<48x1024xf32, #tpu.memory_space<hbm>>) target_semaphore(%arg10 : memref<!tpu.dma_semaphore, #tpu.memory_space<semaphore_mem>>)
    %dma_wait3A_62 = arith.constant 144 : i32
    %dma_wait3A_63 = tpu.memref_slice %arg5[%dma_wait3A_62] : memref<192xi32, #tpu.memory_space<vmem>> -> memref<48xi32, #tpu.memory_space<vmem>>
    %dma_wait3A_64 = arith.constant 0 : i32
    %dma_wait3A_65 = arith.constant 0 : i32
    %dma_wait3A_66 = tpu.memref_slice %arg2[%dma_wait3A_64, %dma_wait3A_65] : memref<2048x1024xf32, #tpu.memory_space<hbm>> -> memref<2048x1024xf32, #tpu.memory_space<hbm>>
    tpu.wait_indirect_dma semaphore(%arg9 : memref<!tpu.dma_semaphore, #tpu.memory_space<semaphore_mem>>) src(%dma_wait3A_66 : memref<2048x1024xf32, #tpu.memory_space<hbm>>) dst(%arg7 : memref<48x1024xf32, #tpu.memory_space<vmem>>)
    %add3A_67 = arith.constant 144 : i32
    %add3A_68 = arith.addi %mul3A_2, %add3A_67 : i32
    %dma_start3A_69 = arith.constant 0 : i32
    %dma_start3A_70 = tpu.memref_slice %arg4[%add3A_68, %dma_start3A_69] : memref<6144x1024xf32, #tpu.memory_space<hbm>> -> memref<48x1024xf32, #tpu.memory_space<hbm>>
    %dma_start3A_71 = arith.constant 0 : i32
    %dma_start3A_72 = tpu.memref_slice %arg4[%add3A_68, %dma_start3A_71] : memref<6144x1024xf32, #tpu.memory_space<hbm>> -> memref<48x1024xf32, #tpu.memory_space<hbm>>
    tpu.enqueue_dma source(%arg7 : memref<48x1024xf32, #tpu.memory_space<vmem>>) target(%dma_start3A_72 : memref<48x1024xf32, #tpu.memory_space<hbm>>) target_semaphore(%arg11 : memref<!tpu.dma_semaphore, #tpu.memory_space<semaphore_mem>>)
    %dma_wait3A_73 = arith.constant 0 : i32
    %dma_wait3A_74 = tpu.memref_slice %arg4[%add3A_57, %dma_wait3A_73] : memref<6144x1024xf32, #tpu.memory_space<hbm>> -> memref<48x1024xf32, #tpu.memory_space<hbm>>
    %dma_wait3A_75 = arith.constant 0 : i32
    %dma_wait3A_76 = tpu.memref_slice %arg4[%add3A_57, %dma_wait3A_75] : memref<6144x1024xf32, #tpu.memory_space<hbm>> -> memref<48x1024xf32, #tpu.memory_space<hbm>>
    tpu.wait_dma2 semaphore(%arg10 : memref<!tpu.dma_semaphore, #tpu.memory_space<semaphore_mem>>) src(%arg6 : memref<48x1024xf32, #tpu.memory_space<vmem>>) dst(%dma_wait3A_76 : memref<48x1024xf32, #tpu.memory_space<hbm>>)
    %dma_wait3A_77 = arith.constant 0 : i32
    %dma_wait3A_78 = tpu.memref_slice %arg4[%add3A_68, %dma_wait3A_77] : memref<6144x1024xf32, #tpu.memory_space<hbm>> -> memref<48x1024xf32, #tpu.memory_space<hbm>>
    %dma_wait3A_79 = arith.constant 0 : i32
    %dma_wait3A_80 = tpu.memref_slice %arg4[%add3A_68, %dma_wait3A_79] : memref<6144x1024xf32, #tpu.memory_space<hbm>> -> memref<48x1024xf32, #tpu.memory_space<hbm>>
    tpu.wait_dma2 semaphore(%arg11 : memref<!tpu.dma_semaphore, #tpu.memory_space<semaphore_mem>>) src(%arg7 : memref<48x1024xf32, #tpu.memory_space<vmem>>) dst(%dma_wait3A_80 : memref<48x1024xf32, #tpu.memory_space<hbm>>)
    return
  }
}

#map = affine_map<(d0, d1) -> (0, 0)>
#map1 = affine_map<(d0, d1) -> (0)>
module attributes {stable_mosaic.version = 14 : i64} {
  func.func @_sc_combine_body(%arg0: i32, %arg1: i32, %arg2: memref<6144x1024xf32, #tpu.memory_space<hbm>>, %arg3: memref<2048xi32, #tpu.memory_space<hbm>>, %arg4: memref<2048xi32, #tpu.memory_space<hbm>>, %arg5: memref<2048x1024xf32, #tpu.memory_space<hbm>>, %arg6: memref<64xi32, #tpu.memory_space<vmem>>, %arg7: memref<64xi32, #tpu.memory_space<vmem>>, %arg8: memref<32x1024xf32, #tpu.memory_space<vmem>>, %arg9: memref<32x1024xf32, #tpu.memory_space<vmem>>, %arg10: memref<!tpu.dma_semaphore, #tpu.memory_space<semaphore_mem>>, %arg11: memref<!tpu.dma_semaphore, #tpu.memory_space<semaphore_mem>>, %arg12: memref<!tpu.dma_semaphore, #tpu.memory_space<semaphore_mem>>) attributes {dimension_semantics = [#tpu.dimension_semantics<core_parallel>, #tpu.dimension_semantics<subcore_parallel>], iteration_bounds = array<i64: 2, 16>, scalar_prefetch = 0 : i64, scratch_operands = 7 : i64, tpu.core_type = #tpu.core_type<sc_vector_subcore>, window_params = [{transform_indices = #map}, {transform_indices = #map1}, {transform_indices = #map1}, {transform_indices = #map}]} {
    %mul3A = arith.constant 2 : i32
    %mul3A_0 = arith.muli %arg1, %mul3A : i32
    %add3A = arith.addi %mul3A_0, %arg0 : i32
    %mul3A_1 = arith.constant 64 : i32
    %mul3A_2 = arith.muli %add3A, %mul3A_1 : i32
    "tpu.region"() ({
      %run_scoped3A = tpu.sem_alloc : memref<!tpu.dma_semaphore, #tpu.memory_space<semaphore_mem>>
      %dma_start3A_72 = tpu.memref_slice %arg3[%mul3A_2] : memref<2048xi32, #tpu.memory_space<hbm>> -> memref<64xi32, #tpu.memory_space<hbm>>
      %dma_start3A_73 = tpu.memref_slice %arg3[%mul3A_2] : memref<2048xi32, #tpu.memory_space<hbm>> -> memref<64xi32, #tpu.memory_space<hbm>>
      tpu.enqueue_dma source(%dma_start3A_73 : memref<64xi32, #tpu.memory_space<hbm>>) target(%arg6 : memref<64xi32, #tpu.memory_space<vmem>>) target_semaphore(%run_scoped3A : memref<!tpu.dma_semaphore, #tpu.memory_space<semaphore_mem>>)
      %dma_wait3A_74 = tpu.memref_slice %arg3[%mul3A_2] : memref<2048xi32, #tpu.memory_space<hbm>> -> memref<64xi32, #tpu.memory_space<hbm>>
      %dma_wait3A_75 = tpu.memref_slice %arg3[%mul3A_2] : memref<2048xi32, #tpu.memory_space<hbm>> -> memref<64xi32, #tpu.memory_space<hbm>>
      tpu.wait_dma2 semaphore(%run_scoped3A : memref<!tpu.dma_semaphore, #tpu.memory_space<semaphore_mem>>) src(%dma_wait3A_75 : memref<64xi32, #tpu.memory_space<hbm>>) dst(%arg6 : memref<64xi32, #tpu.memory_space<vmem>>)
      tpu.yield
    }) : () -> ()
    "tpu.region"() ({
      %run_scoped3A = tpu.sem_alloc : memref<!tpu.dma_semaphore, #tpu.memory_space<semaphore_mem>>
      %dma_start3A_72 = tpu.memref_slice %arg4[%mul3A_2] : memref<2048xi32, #tpu.memory_space<hbm>> -> memref<64xi32, #tpu.memory_space<hbm>>
      %dma_start3A_73 = tpu.memref_slice %arg4[%mul3A_2] : memref<2048xi32, #tpu.memory_space<hbm>> -> memref<64xi32, #tpu.memory_space<hbm>>
      tpu.enqueue_dma source(%dma_start3A_73 : memref<64xi32, #tpu.memory_space<hbm>>) target(%arg7 : memref<64xi32, #tpu.memory_space<vmem>>) target_semaphore(%run_scoped3A : memref<!tpu.dma_semaphore, #tpu.memory_space<semaphore_mem>>)
      %dma_wait3A_74 = tpu.memref_slice %arg4[%mul3A_2] : memref<2048xi32, #tpu.memory_space<hbm>> -> memref<64xi32, #tpu.memory_space<hbm>>
      %dma_wait3A_75 = tpu.memref_slice %arg4[%mul3A_2] : memref<2048xi32, #tpu.memory_space<hbm>> -> memref<64xi32, #tpu.memory_space<hbm>>
      tpu.wait_dma2 semaphore(%run_scoped3A : memref<!tpu.dma_semaphore, #tpu.memory_space<semaphore_mem>>) src(%dma_wait3A_75 : memref<64xi32, #tpu.memory_space<hbm>>) dst(%arg7 : memref<64xi32, #tpu.memory_space<vmem>>)
      tpu.yield
    }) : () -> ()
    %add3A_3 = arith.constant 0 : i32
    %add3A_4 = arith.addi %mul3A_2, %add3A_3 : i32
    %dma_start3A = arith.constant 0 : i32
    %dma_start3A_5 = tpu.memref_slice %arg6[%dma_start3A] : memref<64xi32, #tpu.memory_space<vmem>> -> memref<32xi32, #tpu.memory_space<vmem>>
    %dma_start3A_6 = arith.constant 0 : i32
    %dma_start3A_7 = arith.constant 0 : i32
    %dma_start3A_8 = tpu.memref_slice %arg2[%dma_start3A_6, %dma_start3A_7] : memref<6144x1024xf32, #tpu.memory_space<hbm>> -> memref<6144x1024xf32, #tpu.memory_space<hbm>>
    tpu.enqueue_indirect_dma source(%dma_start3A_8 : memref<6144x1024xf32, #tpu.memory_space<hbm>>) target(%arg8 : memref<32x1024xf32, #tpu.memory_space<vmem>>) offsets(%dma_start3A_5 : memref<32xi32, #tpu.memory_space<vmem>>) semaphore(%arg10 : memref<!tpu.dma_semaphore, #tpu.memory_space<semaphore_mem>>)
    %dma_start3A_9 = arith.constant 0 : i32
    %dma_start3A_10 = tpu.memref_slice %arg7[%dma_start3A_9] : memref<64xi32, #tpu.memory_space<vmem>> -> memref<32xi32, #tpu.memory_space<vmem>>
    %dma_start3A_11 = arith.constant 0 : i32
    %dma_start3A_12 = arith.constant 0 : i32
    %dma_start3A_13 = tpu.memref_slice %arg2[%dma_start3A_11, %dma_start3A_12] : memref<6144x1024xf32, #tpu.memory_space<hbm>> -> memref<6144x1024xf32, #tpu.memory_space<hbm>>
    tpu.enqueue_indirect_dma source(%dma_start3A_13 : memref<6144x1024xf32, #tpu.memory_space<hbm>>) target(%arg9 : memref<32x1024xf32, #tpu.memory_space<vmem>>) offsets(%dma_start3A_10 : memref<32xi32, #tpu.memory_space<vmem>>) semaphore(%arg11 : memref<!tpu.dma_semaphore, #tpu.memory_space<semaphore_mem>>)
    %dma_wait3A = arith.constant 0 : i32
    %dma_wait3A_14 = tpu.memref_slice %arg6[%dma_wait3A] : memref<64xi32, #tpu.memory_space<vmem>> -> memref<32xi32, #tpu.memory_space<vmem>>
    %dma_wait3A_15 = arith.constant 0 : i32
    %dma_wait3A_16 = arith.constant 0 : i32
    %dma_wait3A_17 = tpu.memref_slice %arg2[%dma_wait3A_15, %dma_wait3A_16] : memref<6144x1024xf32, #tpu.memory_space<hbm>> -> memref<6144x1024xf32, #tpu.memory_space<hbm>>
    tpu.wait_indirect_dma semaphore(%arg10 : memref<!tpu.dma_semaphore, #tpu.memory_space<semaphore_mem>>) src(%dma_wait3A_17 : memref<6144x1024xf32, #tpu.memory_space<hbm>>) dst(%arg8 : memref<32x1024xf32, #tpu.memory_space<vmem>>)
    %dma_wait3A_18 = arith.constant 0 : i32
    %dma_wait3A_19 = tpu.memref_slice %arg7[%dma_wait3A_18] : memref<64xi32, #tpu.memory_space<vmem>> -> memref<32xi32, #tpu.memory_space<vmem>>
    %dma_wait3A_20 = arith.constant 0 : i32
    %dma_wait3A_21 = arith.constant 0 : i32
    %dma_wait3A_22 = tpu.memref_slice %arg2[%dma_wait3A_20, %dma_wait3A_21] : memref<6144x1024xf32, #tpu.memory_space<hbm>> -> memref<6144x1024xf32, #tpu.memory_space<hbm>>
    tpu.wait_indirect_dma semaphore(%arg11 : memref<!tpu.dma_semaphore, #tpu.memory_space<semaphore_mem>>) src(%dma_wait3A_22 : memref<6144x1024xf32, #tpu.memory_space<hbm>>) dst(%arg9 : memref<32x1024xf32, #tpu.memory_space<vmem>>)
    %scan3A = arith.constant 0 : i32
    %scan3A_23 = arith.constant 0 : i32
    %scan3A_24 = arith.constant 32 : i32
    %scan3A_25 = arith.addi %scan3A_23, %scan3A_24 : i32
    %scan3A_26 = arith.constant 1 : i32
    scf.for %scan3A_72 = %scan3A_23 to %scan3A_25 step %scan3A_26  : i32 {
      %get3A = arith.index_cast %scan3A_72 : i32 to index
      %get3A_73 = arith.constant 0 : index
      %get3A_74 = tpu.vector_load %arg8[%get3A, %get3A_73] {strides = array<i32>} : memref<32x1024xf32, #tpu.memory_space<vmem>>, vector<1x16xf32>,
      %get3A_75 = vector.shape_cast %get3A_74 : vector<1x16xf32> to vector<16xf32>
      %get3A_76 = arith.index_cast %scan3A_72 : i32 to index
      %get3A_77 = arith.constant 0 : index
      %get3A_78 = tpu.vector_load %arg9[%get3A_76, %get3A_77] {strides = array<i32>} : memref<32x1024xf32, #tpu.memory_space<vmem>>, vector<1x16xf32>,
      %get3A_79 = vector.shape_cast %get3A_78 : vector<1x16xf32> to vector<16xf32>
      %add3A_80 = arith.addf %get3A_75, %get3A_79 : vector<16xf32>
      %swap3A = arith.index_cast %scan3A_72 : i32 to index
      %swap3A_81 = arith.constant 0 : index
      %swap3A_82 = tpu.vector_load %arg8[%swap3A, %swap3A_81] {strides = array<i32>} : memref<32x1024xf32, #tpu.memory_space<vmem>>, vector<1x16xf32>,
      %swap3A_83 = vector.shape_cast %swap3A_82 : vector<1x16xf32> to vector<16xf32>
      %swap3A_84 = vector.shape_cast %add3A_80 : vector<16xf32> to vector<1x16xf32>
      tpu.vector_store %arg8[%swap3A, %swap3A_81], %swap3A_84 {strides = array<i32>} : memref<32x1024xf32, #tpu.memory_space<vmem>>, vector<1x16xf32>,
      %get3A_85 = arith.index_cast %scan3A_72 : i32 to index
      %get3A_86 = arith.constant 16 : index
      %get3A_87 = tpu.vector_load %arg8[%get3A_85, %get3A_86] {strides = array<i32>} : memref<32x1024xf32, #tpu.memory_space<vmem>>, vector<1x16xf32>,
      %get3A_88 = vector.shape_cast %get3A_87 : vector<1x16xf32> to vector<16xf32>
      %get3A_89 = arith.index_cast %scan3A_72 : i32 to index
      %get3A_90 = arith.constant 16 : index
      %get3A_91 = tpu.vector_load %arg9[%get3A_89, %get3A_90] {strides = array<i32>} : memref<32x1024xf32, #tpu.memory_space<vmem>>, vector<1x16xf32>,
      %get3A_92 = vector.shape_cast %get3A_91 : vector<1x16xf32> to vector<16xf32>
      %add3A_93 = arith.addf %get3A_88, %get3A_92 : vector<16xf32>
      %swap3A_94 = arith.index_cast %scan3A_72 : i32 to index
      %swap3A_95 = arith.constant 16 : index
      %swap3A_96 = tpu.vector_load %arg8[%swap3A_94, %swap3A_95] {strides = array<i32>} : memref<32x1024xf32, #tpu.memory_space<vmem>>, vector<1x16xf32>,
      %swap3A_97 = vector.shape_cast %swap3A_96 : vector<1x16xf32> to vector<16xf32>
      %swap3A_98 = vector.shape_cast %add3A_93 : vector<16xf32> to vector<1x16xf32>
      tpu.vector_store %arg8[%swap3A_94, %swap3A_95], %swap3A_98 {strides = array<i32>} : memref<32x1024xf32, #tpu.memory_space<vmem>>, vector<1x16xf32>,
      %get3A_99 = arith.index_cast %scan3A_72 : i32 to index
      %get3A_100 = arith.constant 32 : index
      %get3A_101 = tpu.vector_load %arg8[%get3A_99, %get3A_100] {strides = array<i32>} : memref<32x1024xf32, #tpu.memory_space<vmem>>, vector<1x16xf32>,
      %get3A_102 = vector.shape_cast %get3A_101 : vector<1x16xf32> to vector<16xf32>
      %get3A_103 = arith.index_cast %scan3A_72 : i32 to index
      %get3A_104 = arith.constant 32 : index
      %get3A_105 = tpu.vector_load %arg9[%get3A_103, %get3A_104] {strides = array<i32>} : memref<32x1024xf32, #tpu.memory_space<vmem>>, vector<1x16xf32>,
      %get3A_106 = vector.shape_cast %get3A_105 : vector<1x16xf32> to vector<16xf32>
      %add3A_107 = arith.addf %get3A_102, %get3A_106 : vector<16xf32>
      %swap3A_108 = arith.index_cast %scan3A_72 : i32 to index
      %swap3A_109 = arith.constant 32 : index
      %swap3A_110 = tpu.vector_load %arg8[%swap3A_108, %swap3A_109] {strides = array<i32>} : memref<32x1024xf32, #tpu.memory_space<vmem>>, vector<1x16xf32>,
      %swap3A_111 = vector.shape_cast %swap3A_110 : vector<1x16xf32> to vector<16xf32>
      %swap3A_112 = vector.shape_cast %add3A_107 : vector<16xf32> to vector<1x16xf32>
      tpu.vector_store %arg8[%swap3A_108, %swap3A_109], %swap3A_112 {strides = array<i32>} : memref<32x1024xf32, #tpu.memory_space<vmem>>, vector<1x16xf32>,
      %get3A_113 = arith.index_cast %scan3A_72 : i32 to index
      %get3A_114 = arith.constant 48 : index
      %get3A_115 = tpu.vector_load %arg8[%get3A_113, %get3A_114] {strides = array<i32>} : memref<32x1024xf32, #tpu.memory_space<vmem>>, vector<1x16xf32>,
      %get3A_116 = vector.shape_cast %get3A_115 : vector<1x16xf32> to vector<16xf32>
      %get3A_117 = arith.index_cast %scan3A_72 : i32 to index
      %get3A_118 = arith.constant 48 : index
      %get3A_119 = tpu.vector_load %arg9[%get3A_117, %get3A_118] {strides = array<i32>} : memref<32x1024xf32, #tpu.memory_space<vmem>>, vector<1x16xf32>,
      %get3A_120 = vector.shape_cast %get3A_119 : vector<1x16xf32> to vector<16xf32>
      %add3A_121 = arith.addf %get3A_116, %get3A_120 : vector<16xf32>
      %swap3A_122 = arith.index_cast %scan3A_72 : i32 to index
      %swap3A_123 = arith.constant 48 : index
      %swap3A_124 = tpu.vector_load %arg8[%swap3A_122, %swap3A_123] {strides = array<i32>} : memref<32x1024xf32, #tpu.memory_space<vmem>>, vector<1x16xf32>,
      %swap3A_125 = vector.shape_cast %swap3A_124 : vector<1x16xf32> to vector<16xf32>
      %swap3A_126 = vector.shape_cast %add3A_121 : vector<16xf32> to vector<1x16xf32>
      tpu.vector_store %arg8[%swap3A_122, %swap3A_123], %swap3A_126 {strides = array<i32>} : memref<32x1024xf32, #tpu.memory_space<vmem>>, vector<1x16xf32>,
      %get3A_127 = arith.index_cast %scan3A_72 : i32 to index
      %get3A_128 = arith.constant 64 : index
      %get3A_129 = tpu.vector_load %arg8[%get3A_127, %get3A_128] {strides = array<i32>} : memref<32x1024xf32, #tpu.memory_space<vmem>>, vector<1x16xf32>,
      %get3A_130 = vector.shape_cast %get3A_129 : vector<1x16xf32> to vector<16xf32>
      %get3A_131 = arith.index_cast %scan3A_72 : i32 to index
      %get3A_132 = arith.constant 64 : index
      %get3A_133 = tpu.vector_load %arg9[%get3A_131, %get3A_132] {strides = array<i32>} : memref<32x1024xf32, #tpu.memory_space<vmem>>, vector<1x16xf32>,
      %get3A_134 = vector.shape_cast %get3A_133 : vector<1x16xf32> to vector<16xf32>
      %add3A_135 = arith.addf %get3A_130, %get3A_134 : vector<16xf32>
      %swap3A_136 = arith.index_cast %scan3A_72 : i32 to index
      %swap3A_137 = arith.constant 64 : index
      %swap3A_138 = tpu.vector_load %arg8[%swap3A_136, %swap3A_137] {strides = array<i32>} : memref<32x1024xf32, #tpu.memory_space<vmem>>, vector<1x16xf32>,
      %swap3A_139 = vector.shape_cast %swap3A_138 : vector<1x16xf32> to vector<16xf32>
      %swap3A_140 = vector.shape_cast %add3A_135 : vector<16xf32> to vector<1x16xf32>
      tpu.vector_store %arg8[%swap3A_136, %swap3A_137], %swap3A_140 {strides = array<i32>} : memref<32x1024xf32, #tpu.memory_space<vmem>>, vector<1x16xf32>,
      %get3A_141 = arith.index_cast %scan3A_72 : i32 to index
      %get3A_142 = arith.constant 80 : index
      %get3A_143 = tpu.vector_load %arg8[%get3A_141, %get3A_142] {strides = array<i32>} : memref<32x1024xf32, #tpu.memory_space<vmem>>, vector<1x16xf32>,
      %get3A_144 = vector.shape_cast %get3A_143 : vector<1x16xf32> to vector<16xf32>
      %get3A_145 = arith.index_cast %scan3A_72 : i32 to index
      %get3A_146 = arith.constant 80 : index
      %get3A_147 = tpu.vector_load %arg9[%get3A_145, %get3A_146] {strides = array<i32>} : memref<32x1024xf32, #tpu.memory_space<vmem>>, vector<1x16xf32>,
      %get3A_148 = vector.shape_cast %get3A_147 : vector<1x16xf32> to vector<16xf32>
      %add3A_149 = arith.addf %get3A_144, %get3A_148 : vector<16xf32>
      %swap3A_150 = arith.index_cast %scan3A_72 : i32 to index
      %swap3A_151 = arith.constant 80 : index
      %swap3A_152 = tpu.vector_load %arg8[%swap3A_150, %swap3A_151] {strides = array<i32>} : memref<32x1024xf32, #tpu.memory_space<vmem>>, vector<1x16xf32>,
      %swap3A_153 = vector.shape_cast %swap3A_152 : vector<1x16xf32> to vector<16xf32>
      %swap3A_154 = vector.shape_cast %add3A_149 : vector<16xf32> to vector<1x16xf32>
      tpu.vector_store %arg8[%swap3A_150, %swap3A_151], %swap3A_154 {strides = array<i32>} : memref<32x1024xf32, #tpu.memory_space<vmem>>, vector<1x16xf32>,
      %get3A_155 = arith.index_cast %scan3A_72 : i32 to index
      %get3A_156 = arith.constant 96 : index
      %get3A_157 = tpu.vector_load %arg8[%get3A_155, %get3A_156] {strides = array<i32>} : memref<32x1024xf32, #tpu.memory_space<vmem>>, vector<1x16xf32>,
      %get3A_158 = vector.shape_cast %get3A_157 : vector<1x16xf32> to vector<16xf32>
      %get3A_159 = arith.index_cast %scan3A_72 : i32 to index
      %get3A_160 = arith.constant 96 : index
      %get3A_161 = tpu.vector_load %arg9[%get3A_159, %get3A_160] {strides = array<i32>} : memref<32x1024xf32, #tpu.memory_space<vmem>>, vector<1x16xf32>,
      %get3A_162 = vector.shape_cast %get3A_161 : vector<1x16xf32> to vector<16xf32>
      %add3A_163 = arith.addf %get3A_158, %get3A_162 : vector<16xf32>
      %swap3A_164 = arith.index_cast %scan3A_72 : i32 to index
      %swap3A_165 = arith.constant 96 : index
      %swap3A_166 = tpu.vector_load %arg8[%swap3A_164, %swap3A_165] {strides = array<i32>} : memref<32x1024xf32, #tpu.memory_space<vmem>>, vector<1x16xf32>,
      %swap3A_167 = vector.shape_cast %swap3A_166 : vector<1x16xf32> to vector<16xf32>
      %swap3A_168 = vector.shape_cast %add3A_163 : vector<16xf32> to vector<1x16xf32>
      tpu.vector_store %arg8[%swap3A_164, %swap3A_165], %swap3A_168 {strides = array<i32>} : memref<32x1024xf32, #tpu.memory_space<vmem>>, vector<1x16xf32>,
      %get3A_169 = arith.index_cast %scan3A_72 : i32 to index
      %get3A_170 = arith.constant 112 : index
      %get3A_171 = tpu.vector_load %arg8[%get3A_169, %get3A_170] {strides = array<i32>} : memref<32x1024xf32, #tpu.memory_space<vmem>>, vector<1x16xf32>,
      %get3A_172 = vector.shape_cast %get3A_171 : vector<1x16xf32> to vector<16xf32>
      %get3A_173 = arith.index_cast %scan3A_72 : i32 to index
      %get3A_174 = arith.constant 112 : index
      %get3A_175 = tpu.vector_load %arg9[%get3A_173, %get3A_174] {strides = array<i32>} : memref<32x1024xf32, #tpu.memory_space<vmem>>, vector<1x16xf32>,
      %get3A_176 = vector.shape_cast %get3A_175 : vector<1x16xf32> to vector<16xf32>
      %add3A_177 = arith.addf %get3A_172, %get3A_176 : vector<16xf32>
      %swap3A_178 = arith.index_cast %scan3A_72 : i32 to index
      %swap3A_179 = arith.constant 112 : index
      %swap3A_180 = tpu.vector_load %arg8[%swap3A_178, %swap3A_179] {strides = array<i32>} : memref<32x1024xf32, #tpu.memory_space<vmem>>, vector<1x16xf32>,
      %swap3A_181 = vector.shape_cast %swap3A_180 : vector<1x16xf32> to vector<16xf32>
      %swap3A_182 = vector.shape_cast %add3A_177 : vector<16xf32> to vector<1x16xf32>
      tpu.vector_store %arg8[%swap3A_178, %swap3A_179], %swap3A_182 {strides = array<i32>} : memref<32x1024xf32, #tpu.memory_space<vmem>>, vector<1x16xf32>,
      %get3A_183 = arith.index_cast %scan3A_72 : i32 to index
      %get3A_184 = arith.constant 128 : index
      %get3A_185 = tpu.vector_load %arg8[%get3A_183, %get3A_184] {strides = array<i32>} : memref<32x1024xf32, #tpu.memory_space<vmem>>, vector<1x16xf32>,
      %get3A_186 = vector.shape_cast %get3A_185 : vector<1x16xf32> to vector<16xf32>
      %get3A_187 = arith.index_cast %scan3A_72 : i32 to index
      %get3A_188 = arith.constant 128 : index
      %get3A_189 = tpu.vector_load %arg9[%get3A_187, %get3A_188] {strides = array<i32>} : memref<32x1024xf32, #tpu.memory_space<vmem>>, vector<1x16xf32>,
      %get3A_190 = vector.shape_cast %get3A_189 : vector<1x16xf32> to vector<16xf32>
      %add3A_191 = arith.addf %get3A_186, %get3A_190 : vector<16xf32>
      %swap3A_192 = arith.index_cast %scan3A_72 : i32 to index
      %swap3A_193 = arith.constant 128 : index
      %swap3A_194 = tpu.vector_load %arg8[%swap3A_192, %swap3A_193] {strides = array<i32>} : memref<32x1024xf32, #tpu.memory_space<vmem>>, vector<1x16xf32>,
      %swap3A_195 = vector.shape_cast %swap3A_194 : vector<1x16xf32> to vector<16xf32>
      %swap3A_196 = vector.shape_cast %add3A_191 : vector<16xf32> to vector<1x16xf32>
      tpu.vector_store %arg8[%swap3A_192, %swap3A_193], %swap3A_196 {strides = array<i32>} : memref<32x1024xf32, #tpu.memory_space<vmem>>, vector<1x16xf32>,
      %get3A_197 = arith.index_cast %scan3A_72 : i32 to index
      %get3A_198 = arith.constant 144 : index
      %get3A_199 = tpu.vector_load %arg8[%get3A_197, %get3A_198] {strides = array<i32>} : memref<32x1024xf32, #tpu.memory_space<vmem>>, vector<1x16xf32>,
      %get3A_200 = vector.shape_cast %get3A_199 : vector<1x16xf32> to vector<16xf32>
      %get3A_201 = arith.index_cast %scan3A_72 : i32 to index
      %get3A_202 = arith.constant 144 : index
      %get3A_203 = tpu.vector_load %arg9[%get3A_201, %get3A_202] {strides = array<i32>} : memref<32x1024xf32, #tpu.memory_space<vmem>>, vector<1x16xf32>,
      %get3A_204 = vector.shape_cast %get3A_203 : vector<1x16xf32> to vector<16xf32>
      %add3A_205 = arith.addf %get3A_200, %get3A_204 : vector<16xf32>
      %swap3A_206 = arith.index_cast %scan3A_72 : i32 to index
      %swap3A_207 = arith.constant 144 : index
      %swap3A_208 = tpu.vector_load %arg8[%swap3A_206, %swap3A_207] {strides = array<i32>} : memref<32x1024xf32, #tpu.memory_space<vmem>>, vector<1x16xf32>,
      %swap3A_209 = vector.shape_cast %swap3A_208 : vector<1x16xf32> to vector<16xf32>
      %swap3A_210 = vector.shape_cast %add3A_205 : vector<16xf32> to vector<1x16xf32>
      tpu.vector_store %arg8[%swap3A_206, %swap3A_207], %swap3A_210 {strides = array<i32>} : memref<32x1024xf32, #tpu.memory_space<vmem>>, vector<1x16xf32>,
      %get3A_211 = arith.index_cast %scan3A_72 : i32 to index
      %get3A_212 = arith.constant 160 : index
      %get3A_213 = tpu.vector_load %arg8[%get3A_211, %get3A_212] {strides = array<i32>} : memref<32x1024xf32, #tpu.memory_space<vmem>>, vector<1x16xf32>,
      %get3A_214 = vector.shape_cast %get3A_213 : vector<1x16xf32> to vector<16xf32>
      %get3A_215 = arith.index_cast %scan3A_72 : i32 to index
      %get3A_216 = arith.constant 160 : index
      %get3A_217 = tpu.vector_load %arg9[%get3A_215, %get3A_216] {strides = array<i32>} : memref<32x1024xf32, #tpu.memory_space<vmem>>, vector<1x16xf32>,
      %get3A_218 = vector.shape_cast %get3A_217 : vector<1x16xf32> to vector<16xf32>
      %add3A_219 = arith.addf %get3A_214, %get3A_218 : vector<16xf32>
      %swap3A_220 = arith.index_cast %scan3A_72 : i32 to index
      %swap3A_221 = arith.constant 160 : index
      %swap3A_222 = tpu.vector_load %arg8[%swap3A_220, %swap3A_221] {strides = array<i32>} : memref<32x1024xf32, #tpu.memory_space<vmem>>, vector<1x16xf32>,
      %swap3A_223 = vector.shape_cast %swap3A_222 : vector<1x16xf32> to vector<16xf32>
      %swap3A_224 = vector.shape_cast %add3A_219 : vector<16xf32> to vector<1x16xf32>
      tpu.vector_store %arg8[%swap3A_220, %swap3A_221], %swap3A_224 {strides = array<i32>} : memref<32x1024xf32, #tpu.memory_space<vmem>>, vector<1x16xf32>,
      %get3A_225 = arith.index_cast %scan3A_72 : i32 to index
      %get3A_226 = arith.constant 176 : index
      %get3A_227 = tpu.vector_load %arg8[%get3A_225, %get3A_226] {strides = array<i32>} : memref<32x1024xf32, #tpu.memory_space<vmem>>, vector<1x16xf32>,
      %get3A_228 = vector.shape_cast %get3A_227 : vector<1x16xf32> to vector<16xf32>
      %get3A_229 = arith.index_cast %scan3A_72 : i32 to index
      %get3A_230 = arith.constant 176 : index
      %get3A_231 = tpu.vector_load %arg9[%get3A_229, %get3A_230] {strides = array<i32>} : memref<32x1024xf32, #tpu.memory_space<vmem>>, vector<1x16xf32>,
      %get3A_232 = vector.shape_cast %get3A_231 : vector<1x16xf32> to vector<16xf32>
      %add3A_233 = arith.addf %get3A_228, %get3A_232 : vector<16xf32>
      %swap3A_234 = arith.index_cast %scan3A_72 : i32 to index
      %swap3A_235 = arith.constant 176 : index
      %swap3A_236 = tpu.vector_load %arg8[%swap3A_234, %swap3A_235] {strides = array<i32>} : memref<32x1024xf32, #tpu.memory_space<vmem>>, vector<1x16xf32>,
      %swap3A_237 = vector.shape_cast %swap3A_236 : vector<1x16xf32> to vector<16xf32>
      %swap3A_238 = vector.shape_cast %add3A_233 : vector<16xf32> to vector<1x16xf32>
      tpu.vector_store %arg8[%swap3A_234, %swap3A_235], %swap3A_238 {strides = array<i32>} : memref<32x1024xf32, #tpu.memory_space<vmem>>, vector<1x16xf32>,
      %get3A_239 = arith.index_cast %scan3A_72 : i32 to index
      %get3A_240 = arith.constant 192 : index
      %get3A_241 = tpu.vector_load %arg8[%get3A_239, %get3A_240] {strides = array<i32>} : memref<32x1024xf32, #tpu.memory_space<vmem>>, vector<1x16xf32>,
      %get3A_242 = vector.shape_cast %get3A_241 : vector<1x16xf32> to vector<16xf32>
      %get3A_243 = arith.index_cast %scan3A_72 : i32 to index
      %get3A_244 = arith.constant 192 : index
      %get3A_245 = tpu.vector_load %arg9[%get3A_243, %get3A_244] {strides = array<i32>} : memref<32x1024xf32, #tpu.memory_space<vmem>>, vector<1x16xf32>,
      %get3A_246 = vector.shape_cast %get3A_245 : vector<1x16xf32> to vector<16xf32>
      %add3A_247 = arith.addf %get3A_242, %get3A_246 : vector<16xf32>
      %swap3A_248 = arith.index_cast %scan3A_72 : i32 to index
      %swap3A_249 = arith.constant 192 : index
      %swap3A_250 = tpu.vector_load %arg8[%swap3A_248, %swap3A_249] {strides = array<i32>} : memref<32x1024xf32, #tpu.memory_space<vmem>>, vector<1x16xf32>,
      %swap3A_251 = vector.shape_cast %swap3A_250 : vector<1x16xf32> to vector<16xf32>
      %swap3A_252 = vector.shape_cast %add3A_247 : vector<16xf32> to vector<1x16xf32>
      tpu.vector_store %arg8[%swap3A_248, %swap3A_249], %swap3A_252 {strides = array<i32>} : memref<32x1024xf32, #tpu.memory_space<vmem>>, vector<1x16xf32>,
      %get3A_253 = arith.index_cast %scan3A_72 : i32 to index
      %get3A_254 = arith.constant 208 : index
      %get3A_255 = tpu.vector_load %arg8[%get3A_253, %get3A_254] {strides = array<i32>} : memref<32x1024xf32, #tpu.memory_space<vmem>>, vector<1x16xf32>,
      %get3A_256 = vector.shape_cast %get3A_255 : vector<1x16xf32> to vector<16xf32>
      %get3A_257 = arith.index_cast %scan3A_72 : i32 to index
      %get3A_258 = arith.constant 208 : index
      %get3A_259 = tpu.vector_load %arg9[%get3A_257, %get3A_258] {strides = array<i32>} : memref<32x1024xf32, #tpu.memory_space<vmem>>, vector<1x16xf32>,
      %get3A_260 = vector.shape_cast %get3A_259 : vector<1x16xf32> to vector<16xf32>
      %add3A_261 = arith.addf %get3A_256, %get3A_260 : vector<16xf32>
      %swap3A_262 = arith.index_cast %scan3A_72 : i32 to index
      %swap3A_263 = arith.constant 208 : index
      %swap3A_264 = tpu.vector_load %arg8[%swap3A_262, %swap3A_263] {strides = array<i32>} : memref<32x1024xf32, #tpu.memory_space<vmem>>, vector<1x16xf32>,
      %swap3A_265 = vector.shape_cast %swap3A_264 : vector<1x16xf32> to vector<16xf32>
      %swap3A_266 = vector.shape_cast %add3A_261 : vector<16xf32> to vector<1x16xf32>
      tpu.vector_store %arg8[%swap3A_262, %swap3A_263], %swap3A_266 {strides = array<i32>} : memref<32x1024xf32, #tpu.memory_space<vmem>>, vector<1x16xf32>,
      %get3A_267 = arith.index_cast %scan3A_72 : i32 to index
      %get3A_268 = arith.constant 224 : index
      %get3A_269 = tpu.vector_load %arg8[%get3A_267, %get3A_268] {strides = array<i32>} : memref<32x1024xf32, #tpu.memory_space<vmem>>, vector<1x16xf32>,
      %get3A_270 = vector.shape_cast %get3A_269 : vector<1x16xf32> to vector<16xf32>
      %get3A_271 = arith.index_cast %scan3A_72 : i32 to index
      %get3A_272 = arith.constant 224 : index
      %get3A_273 = tpu.vector_load %arg9[%get3A_271, %get3A_272] {strides = array<i32>} : memref<32x1024xf32, #tpu.memory_space<vmem>>, vector<1x16xf32>,
      %get3A_274 = vector.shape_cast %get3A_273 : vector<1x16xf32> to vector<16xf32>
      %add3A_275 = arith.addf %get3A_270, %get3A_274 : vector<16xf32>
      %swap3A_276 = arith.index_cast %scan3A_72 : i32 to index
      %swap3A_277 = arith.constant 224 : index
      %swap3A_278 = tpu.vector_load %arg8[%swap3A_276, %swap3A_277] {strides = array<i32>} : memref<32x1024xf32, #tpu.memory_space<vmem>>, vector<1x16xf32>,
      %swap3A_279 = vector.shape_cast %swap3A_278 : vector<1x16xf32> to vector<16xf32>
      %swap3A_280 = vector.shape_cast %add3A_275 : vector<16xf32> to vector<1x16xf32>
      tpu.vector_store %arg8[%swap3A_276, %swap3A_277], %swap3A_280 {strides = array<i32>} : memref<32x1024xf32, #tpu.memory_space<vmem>>, vector<1x16xf32>,
      %get3A_281 = arith.index_cast %scan3A_72 : i32 to index
      %get3A_282 = arith.constant 240 : index
      %get3A_283 = tpu.vector_load %arg8[%get3A_281, %get3A_282] {strides = array<i32>} : memref<32x1024xf32, #tpu.memory_space<vmem>>, vector<1x16xf32>,
      %get3A_284 = vector.shape_cast %get3A_283 : vector<1x16xf32> to vector<16xf32>
      %get3A_285 = arith.index_cast %scan3A_72 : i32 to index
      %get3A_286 = arith.constant 240 : index
      %get3A_287 = tpu.vector_load %arg9[%get3A_285, %get3A_286] {strides = array<i32>} : memref<32x1024xf32, #tpu.memory_space<vmem>>, vector<1x16xf32>,
      %get3A_288 = vector.shape_cast %get3A_287 : vector<1x16xf32> to vector<16xf32>
      %add3A_289 = arith.addf %get3A_284, %get3A_288 : vector<16xf32>
      %swap3A_290 = arith.index_cast %scan3A_72 : i32 to index
      %swap3A_291 = arith.constant 240 : index
      %swap3A_292 = tpu.vector_load %arg8[%swap3A_290, %swap3A_291] {strides = array<i32>} : memref<32x1024xf32, #tpu.memory_space<vmem>>, vector<1x16xf32>,
      %swap3A_293 = vector.shape_cast %swap3A_292 : vector<1x16xf32> to vector<16xf32>
      %swap3A_294 = vector.shape_cast %add3A_289 : vector<16xf32> to vector<1x16xf32>
      tpu.vector_store %arg8[%swap3A_290, %swap3A_291], %swap3A_294 {strides = array<i32>} : memref<32x1024xf32, #tpu.memory_space<vmem>>, vector<1x16xf32>,
      %get3A_295 = arith.index_cast %scan3A_72 : i32 to index
      %get3A_296 = arith.constant 256 : index
      %get3A_297 = tpu.vector_load %arg8[%get3A_295, %get3A_296] {strides = array<i32>} : memref<32x1024xf32, #tpu.memory_space<vmem>>, vector<1x16xf32>,
      %get3A_298 = vector.shape_cast %get3A_297 : vector<1x16xf32> to vector<16xf32>
      %get3A_299 = arith.index_cast %scan3A_72 : i32 to index
      %get3A_300 = arith.constant 256 : index
      %get3A_301 = tpu.vector_load %arg9[%get3A_299, %get3A_300] {strides = array<i32>} : memref<32x1024xf32, #tpu.memory_space<vmem>>, vector<1x16xf32>,
      %get3A_302 = vector.shape_cast %get3A_301 : vector<1x16xf32> to vector<16xf32>
      %add3A_303 = arith.addf %get3A_298, %get3A_302 : vector<16xf32>
      %swap3A_304 = arith.index_cast %scan3A_72 : i32 to index
      %swap3A_305 = arith.constant 256 : index
      %swap3A_306 = tpu.vector_load %arg8[%swap3A_304, %swap3A_305] {strides = array<i32>} : memref<32x1024xf32, #tpu.memory_space<vmem>>, vector<1x16xf32>,
      %swap3A_307 = vector.shape_cast %swap3A_306 : vector<1x16xf32> to vector<16xf32>
      %swap3A_308 = vector.shape_cast %add3A_303 : vector<16xf32> to vector<1x16xf32>
      tpu.vector_store %arg8[%swap3A_304, %swap3A_305], %swap3A_308 {strides = array<i32>} : memref<32x1024xf32, #tpu.memory_space<vmem>>, vector<1x16xf32>,
      %get3A_309 = arith.index_cast %scan3A_72 : i32 to index
      %get3A_310 = arith.constant 272 : index
      %get3A_311 = tpu.vector_load %arg8[%get3A_309, %get3A_310] {strides = array<i32>} : memref<32x1024xf32, #tpu.memory_space<vmem>>, vector<1x16xf32>,
      %get3A_312 = vector.shape_cast %get3A_311 : vector<1x16xf32> to vector<16xf32>
      %get3A_313 = arith.index_cast %scan3A_72 : i32 to index
      %get3A_314 = arith.constant 272 : index
      %get3A_315 = tpu.vector_load %arg9[%get3A_313, %get3A_314] {strides = array<i32>} : memref<32x1024xf32, #tpu.memory_space<vmem>>, vector<1x16xf32>,
      %get3A_316 = vector.shape_cast %get3A_315 : vector<1x16xf32> to vector<16xf32>
      %add3A_317 = arith.addf %get3A_312, %get3A_316 : vector<16xf32>
      %swap3A_318 = arith.index_cast %scan3A_72 : i32 to index
      %swap3A_319 = arith.constant 272 : index
      %swap3A_320 = tpu.vector_load %arg8[%swap3A_318, %swap3A_319] {strides = array<i32>} : memref<32x1024xf32, #tpu.memory_space<vmem>>, vector<1x16xf32>,
      %swap3A_321 = vector.shape_cast %swap3A_320 : vector<1x16xf32> to vector<16xf32>
      %swap3A_322 = vector.shape_cast %add3A_317 : vector<16xf32> to vector<1x16xf32>
      tpu.vector_store %arg8[%swap3A_318, %swap3A_319], %swap3A_322 {strides = array<i32>} : memref<32x1024xf32, #tpu.memory_space<vmem>>, vector<1x16xf32>,
      %get3A_323 = arith.index_cast %scan3A_72 : i32 to index
      %get3A_324 = arith.constant 288 : index
      %get3A_325 = tpu.vector_load %arg8[%get3A_323, %get3A_324] {strides = array<i32>} : memref<32x1024xf32, #tpu.memory_space<vmem>>, vector<1x16xf32>,
      %get3A_326 = vector.shape_cast %get3A_325 : vector<1x16xf32> to vector<16xf32>
      %get3A_327 = arith.index_cast %scan3A_72 : i32 to index
      %get3A_328 = arith.constant 288 : index
      %get3A_329 = tpu.vector_load %arg9[%get3A_327, %get3A_328] {strides = array<i32>} : memref<32x1024xf32, #tpu.memory_space<vmem>>, vector<1x16xf32>,
      %get3A_330 = vector.shape_cast %get3A_329 : vector<1x16xf32> to vector<16xf32>
      %add3A_331 = arith.addf %get3A_326, %get3A_330 : vector<16xf32>
      %swap3A_332 = arith.index_cast %scan3A_72 : i32 to index
      %swap3A_333 = arith.constant 288 : index
      %swap3A_334 = tpu.vector_load %arg8[%swap3A_332, %swap3A_333] {strides = array<i32>} : memref<32x1024xf32, #tpu.memory_space<vmem>>, vector<1x16xf32>,
      %swap3A_335 = vector.shape_cast %swap3A_334 : vector<1x16xf32> to vector<16xf32>
      %swap3A_336 = vector.shape_cast %add3A_331 : vector<16xf32> to vector<1x16xf32>
      tpu.vector_store %arg8[%swap3A_332, %swap3A_333], %swap3A_336 {strides = array<i32>} : memref<32x1024xf32, #tpu.memory_space<vmem>>, vector<1x16xf32>,
      %get3A_337 = arith.index_cast %scan3A_72 : i32 to index
      %get3A_338 = arith.constant 304 : index
      %get3A_339 = tpu.vector_load %arg8[%get3A_337, %get3A_338] {strides = array<i32>} : memref<32x1024xf32, #tpu.memory_space<vmem>>, vector<1x16xf32>,
      %get3A_340 = vector.shape_cast %get3A_339 : vector<1x16xf32> to vector<16xf32>
      %get3A_341 = arith.index_cast %scan3A_72 : i32 to index
      %get3A_342 = arith.constant 304 : index
      %get3A_343 = tpu.vector_load %arg9[%get3A_341, %get3A_342] {strides = array<i32>} : memref<32x1024xf32, #tpu.memory_space<vmem>>, vector<1x16xf32>,
      %get3A_344 = vector.shape_cast %get3A_343 : vector<1x16xf32> to vector<16xf32>
      %add3A_345 = arith.addf %get3A_340, %get3A_344 : vector<16xf32>
      %swap3A_346 = arith.index_cast %scan3A_72 : i32 to index
      %swap3A_347 = arith.constant 304 : index
      %swap3A_348 = tpu.vector_load %arg8[%swap3A_346, %swap3A_347] {strides = array<i32>} : memref<32x1024xf32, #tpu.memory_space<vmem>>, vector<1x16xf32>,
      %swap3A_349 = vector.shape_cast %swap3A_348 : vector<1x16xf32> to vector<16xf32>
      %swap3A_350 = vector.shape_cast %add3A_345 : vector<16xf32> to vector<1x16xf32>
      tpu.vector_store %arg8[%swap3A_346, %swap3A_347], %swap3A_350 {strides = array<i32>} : memref<32x1024xf32, #tpu.memory_space<vmem>>, vector<1x16xf32>,
      %get3A_351 = arith.index_cast %scan3A_72 : i32 to index
      %get3A_352 = arith.constant 320 : index
      %get3A_353 = tpu.vector_load %arg8[%get3A_351, %get3A_352] {strides = array<i32>} : memref<32x1024xf32, #tpu.memory_space<vmem>>, vector<1x16xf32>,
      %get3A_354 = vector.shape_cast %get3A_353 : vector<1x16xf32> to vector<16xf32>
      %get3A_355 = arith.index_cast %scan3A_72 : i32 to index
      %get3A_356 = arith.constant 320 : index
      %get3A_357 = tpu.vector_load %arg9[%get3A_355, %get3A_356] {strides = array<i32>} : memref<32x1024xf32, #tpu.memory_space<vmem>>, vector<1x16xf32>,
      %get3A_358 = vector.shape_cast %get3A_357 : vector<1x16xf32> to vector<16xf32>
      %add3A_359 = arith.addf %get3A_354, %get3A_358 : vector<16xf32>
      %swap3A_360 = arith.index_cast %scan3A_72 : i32 to index
      %swap3A_361 = arith.constant 320 : index
      %swap3A_362 = tpu.vector_load %arg8[%swap3A_360, %swap3A_361] {strides = array<i32>} : memref<32x1024xf32, #tpu.memory_space<vmem>>, vector<1x16xf32>,
      %swap3A_363 = vector.shape_cast %swap3A_362 : vector<1x16xf32> to vector<16xf32>
      %swap3A_364 = vector.shape_cast %add3A_359 : vector<16xf32> to vector<1x16xf32>
      tpu.vector_store %arg8[%swap3A_360, %swap3A_361], %swap3A_364 {strides = array<i32>} : memref<32x1024xf32, #tpu.memory_space<vmem>>, vector<1x16xf32>,
      %get3A_365 = arith.index_cast %scan3A_72 : i32 to index
      %get3A_366 = arith.constant 336 : index
      %get3A_367 = tpu.vector_load %arg8[%get3A_365, %get3A_366] {strides = array<i32>} : memref<32x1024xf32, #tpu.memory_space<vmem>>, vector<1x16xf32>,
      %get3A_368 = vector.shape_cast %get3A_367 : vector<1x16xf32> to vector<16xf32>
      %get3A_369 = arith.index_cast %scan3A_72 : i32 to index
      %get3A_370 = arith.constant 336 : index
      %get3A_371 = tpu.vector_load %arg9[%get3A_369, %get3A_370] {strides = array<i32>} : memref<32x1024xf32, #tpu.memory_space<vmem>>, vector<1x16xf32>,
      %get3A_372 = vector.shape_cast %get3A_371 : vector<1x16xf32> to vector<16xf32>
      %add3A_373 = arith.addf %get3A_368, %get3A_372 : vector<16xf32>
      %swap3A_374 = arith.index_cast %scan3A_72 : i32 to index
      %swap3A_375 = arith.constant 336 : index
      %swap3A_376 = tpu.vector_load %arg8[%swap3A_374, %swap3A_375] {strides = array<i32>} : memref<32x1024xf32, #tpu.memory_space<vmem>>, vector<1x16xf32>,
      %swap3A_377 = vector.shape_cast %swap3A_376 : vector<1x16xf32> to vector<16xf32>
      %swap3A_378 = vector.shape_cast %add3A_373 : vector<16xf32> to vector<1x16xf32>
      tpu.vector_store %arg8[%swap3A_374, %swap3A_375], %swap3A_378 {strides = array<i32>} : memref<32x1024xf32, #tpu.memory_space<vmem>>, vector<1x16xf32>,
      %get3A_379 = arith.index_cast %scan3A_72 : i32 to index
      %get3A_380 = arith.constant 352 : index
      %get3A_381 = tpu.vector_load %arg8[%get3A_379, %get3A_380] {strides = array<i32>} : memref<32x1024xf32, #tpu.memory_space<vmem>>, vector<1x16xf32>,
      %get3A_382 = vector.shape_cast %get3A_381 : vector<1x16xf32> to vector<16xf32>
      %get3A_383 = arith.index_cast %scan3A_72 : i32 to index
      %get3A_384 = arith.constant 352 : index
      %get3A_385 = tpu.vector_load %arg9[%get3A_383, %get3A_384] {strides = array<i32>} : memref<32x1024xf32, #tpu.memory_space<vmem>>, vector<1x16xf32>,
      %get3A_386 = vector.shape_cast %get3A_385 : vector<1x16xf32> to vector<16xf32>
      %add3A_387 = arith.addf %get3A_382, %get3A_386 : vector<16xf32>
      %swap3A_388 = arith.index_cast %scan3A_72 : i32 to index
      %swap3A_389 = arith.constant 352 : index
      %swap3A_390 = tpu.vector_load %arg8[%swap3A_388, %swap3A_389] {strides = array<i32>} : memref<32x1024xf32, #tpu.memory_space<vmem>>, vector<1x16xf32>,
      %swap3A_391 = vector.shape_cast %swap3A_390 : vector<1x16xf32> to vector<16xf32>
      %swap3A_392 = vector.shape_cast %add3A_387 : vector<16xf32> to vector<1x16xf32>
      tpu.vector_store %arg8[%swap3A_388, %swap3A_389], %swap3A_392 {strides = array<i32>} : memref<32x1024xf32, #tpu.memory_space<vmem>>, vector<1x16xf32>,
      %get3A_393 = arith.index_cast %scan3A_72 : i32 to index
      %get3A_394 = arith.constant 368 : index
      %get3A_395 = tpu.vector_load %arg8[%get3A_393, %get3A_394] {strides = array<i32>} : memref<32x1024xf32, #tpu.memory_space<vmem>>, vector<1x16xf32>,
      %get3A_396 = vector.shape_cast %get3A_395 : vector<1x16xf32> to vector<16xf32>
      %get3A_397 = arith.index_cast %scan3A_72 : i32 to index
      %get3A_398 = arith.constant 368 : index
      %get3A_399 = tpu.vector_load %arg9[%get3A_397, %get3A_398] {strides = array<i32>} : memref<32x1024xf32, #tpu.memory_space<vmem>>, vector<1x16xf32>,
      %get3A_400 = vector.shape_cast %get3A_399 : vector<1x16xf32> to vector<16xf32>
      %add3A_401 = arith.addf %get3A_396, %get3A_400 : vector<16xf32>
      %swap3A_402 = arith.index_cast %scan3A_72 : i32 to index
      %swap3A_403 = arith.constant 368 : index
      %swap3A_404 = tpu.vector_load %arg8[%swap3A_402, %swap3A_403] {strides = array<i32>} : memref<32x1024xf32, #tpu.memory_space<vmem>>, vector<1x16xf32>,
      %swap3A_405 = vector.shape_cast %swap3A_404 : vector<1x16xf32> to vector<16xf32>
      %swap3A_406 = vector.shape_cast %add3A_401 : vector<16xf32> to vector<1x16xf32>
      tpu.vector_store %arg8[%swap3A_402, %swap3A_403], %swap3A_406 {strides = array<i32>} : memref<32x1024xf32, #tpu.memory_space<vmem>>, vector<1x16xf32>,
      %get3A_407 = arith.index_cast %scan3A_72 : i32 to index
      %get3A_408 = arith.constant 384 : index
      %get3A_409 = tpu.vector_load %arg8[%get3A_407, %get3A_408] {strides = array<i32>} : memref<32x1024xf32, #tpu.memory_space<vmem>>, vector<1x16xf32>,
      %get3A_410 = vector.shape_cast %get3A_409 : vector<1x16xf32> to vector<16xf32>
      %get3A_411 = arith.index_cast %scan3A_72 : i32 to index
      %get3A_412 = arith.constant 384 : index
      %get3A_413 = tpu.vector_load %arg9[%get3A_411, %get3A_412] {strides = array<i32>} : memref<32x1024xf32, #tpu.memory_space<vmem>>, vector<1x16xf32>,
      %get3A_414 = vector.shape_cast %get3A_413 : vector<1x16xf32> to vector<16xf32>
      %add3A_415 = arith.addf %get3A_410, %get3A_414 : vector<16xf32>
      %swap3A_416 = arith.index_cast %scan3A_72 : i32 to index
      %swap3A_417 = arith.constant 384 : index
      %swap3A_418 = tpu.vector_load %arg8[%swap3A_416, %swap3A_417] {strides = array<i32>} : memref<32x1024xf32, #tpu.memory_space<vmem>>, vector<1x16xf32>,
      %swap3A_419 = vector.shape_cast %swap3A_418 : vector<1x16xf32> to vector<16xf32>
      %swap3A_420 = vector.shape_cast %add3A_415 : vector<16xf32> to vector<1x16xf32>
      tpu.vector_store %arg8[%swap3A_416, %swap3A_417], %swap3A_420 {strides = array<i32>} : memref<32x1024xf32, #tpu.memory_space<vmem>>, vector<1x16xf32>,
      %get3A_421 = arith.index_cast %scan3A_72 : i32 to index
      %get3A_422 = arith.constant 400 : index
      %get3A_423 = tpu.vector_load %arg8[%get3A_421, %get3A_422] {strides = array<i32>} : memref<32x1024xf32, #tpu.memory_space<vmem>>, vector<1x16xf32>,
      %get3A_424 = vector.shape_cast %get3A_423 : vector<1x16xf32> to vector<16xf32>
      %get3A_425 = arith.index_cast %scan3A_72 : i32 to index
      %get3A_426 = arith.constant 400 : index
      %get3A_427 = tpu.vector_load %arg9[%get3A_425, %get3A_426] {strides = array<i32>} : memref<32x1024xf32, #tpu.memory_space<vmem>>, vector<1x16xf32>,
      %get3A_428 = vector.shape_cast %get3A_427 : vector<1x16xf32> to vector<16xf32>
      %add3A_429 = arith.addf %get3A_424, %get3A_428 : vector<16xf32>
      %swap3A_430 = arith.index_cast %scan3A_72 : i32 to index
      %swap3A_431 = arith.constant 400 : index
      %swap3A_432 = tpu.vector_load %arg8[%swap3A_430, %swap3A_431] {strides = array<i32>} : memref<32x1024xf32, #tpu.memory_space<vmem>>, vector<1x16xf32>,
      %swap3A_433 = vector.shape_cast %swap3A_432 : vector<1x16xf32> to vector<16xf32>
      %swap3A_434 = vector.shape_cast %add3A_429 : vector<16xf32> to vector<1x16xf32>
      tpu.vector_store %arg8[%swap3A_430, %swap3A_431], %swap3A_434 {strides = array<i32>} : memref<32x1024xf32, #tpu.memory_space<vmem>>, vector<1x16xf32>,
      %get3A_435 = arith.index_cast %scan3A_72 : i32 to index
      %get3A_436 = arith.constant 416 : index
      %get3A_437 = tpu.vector_load %arg8[%get3A_435, %get3A_436] {strides = array<i32>} : memref<32x1024xf32, #tpu.memory_space<vmem>>, vector<1x16xf32>,
      %get3A_438 = vector.shape_cast %get3A_437 : vector<1x16xf32> to vector<16xf32>
      %get3A_439 = arith.index_cast %scan3A_72 : i32 to index
      %get3A_440 = arith.constant 416 : index
      %get3A_441 = tpu.vector_load %arg9[%get3A_439, %get3A_440] {strides = array<i32>} : memref<32x1024xf32, #tpu.memory_space<vmem>>, vector<1x16xf32>,
      %get3A_442 = vector.shape_cast %get3A_441 : vector<1x16xf32> to vector<16xf32>
      %add3A_443 = arith.addf %get3A_438, %get3A_442 : vector<16xf32>
      %swap3A_444 = arith.index_cast %scan3A_72 : i32 to index
      %swap3A_445 = arith.constant 416 : index
      %swap3A_446 = tpu.vector_load %arg8[%swap3A_444, %swap3A_445] {strides = array<i32>} : memref<32x1024xf32, #tpu.memory_space<vmem>>, vector<1x16xf32>,
      %swap3A_447 = vector.shape_cast %swap3A_446 : vector<1x16xf32> to vector<16xf32>
      %swap3A_448 = vector.shape_cast %add3A_443 : vector<16xf32> to vector<1x16xf32>
      tpu.vector_store %arg8[%swap3A_444, %swap3A_445], %swap3A_448 {strides = array<i32>} : memref<32x1024xf32, #tpu.memory_space<vmem>>, vector<1x16xf32>,
      %get3A_449 = arith.index_cast %scan3A_72 : i32 to index
      %get3A_450 = arith.constant 432 : index
      %get3A_451 = tpu.vector_load %arg8[%get3A_449, %get3A_450] {strides = array<i32>} : memref<32x1024xf32, #tpu.memory_space<vmem>>, vector<1x16xf32>,
      %get3A_452 = vector.shape_cast %get3A_451 : vector<1x16xf32> to vector<16xf32>
      %get3A_453 = arith.index_cast %scan3A_72 : i32 to index
      %get3A_454 = arith.constant 432 : index
      %get3A_455 = tpu.vector_load %arg9[%get3A_453, %get3A_454] {strides = array<i32>} : memref<32x1024xf32, #tpu.memory_space<vmem>>, vector<1x16xf32>,
      %get3A_456 = vector.shape_cast %get3A_455 : vector<1x16xf32> to vector<16xf32>
      %add3A_457 = arith.addf %get3A_452, %get3A_456 : vector<16xf32>
      %swap3A_458 = arith.index_cast %scan3A_72 : i32 to index
      %swap3A_459 = arith.constant 432 : index
      %swap3A_460 = tpu.vector_load %arg8[%swap3A_458, %swap3A_459] {strides = array<i32>} : memref<32x1024xf32, #tpu.memory_space<vmem>>, vector<1x16xf32>,
      %swap3A_461 = vector.shape_cast %swap3A_460 : vector<1x16xf32> to vector<16xf32>
      %swap3A_462 = vector.shape_cast %add3A_457 : vector<16xf32> to vector<1x16xf32>
      tpu.vector_store %arg8[%swap3A_458, %swap3A_459], %swap3A_462 {strides = array<i32>} : memref<32x1024xf32, #tpu.memory_space<vmem>>, vector<1x16xf32>,
      %get3A_463 = arith.index_cast %scan3A_72 : i32 to index
      %get3A_464 = arith.constant 448 : index
      %get3A_465 = tpu.vector_load %arg8[%get3A_463, %get3A_464] {strides = array<i32>} : memref<32x1024xf32, #tpu.memory_space<vmem>>, vector<1x16xf32>,
      %get3A_466 = vector.shape_cast %get3A_465 : vector<1x16xf32> to vector<16xf32>
      %get3A_467 = arith.index_cast %scan3A_72 : i32 to index
      %get3A_468 = arith.constant 448 : index
      %get3A_469 = tpu.vector_load %arg9[%get3A_467, %get3A_468] {strides = array<i32>} : memref<32x1024xf32, #tpu.memory_space<vmem>>, vector<1x16xf32>,
      %get3A_470 = vector.shape_cast %get3A_469 : vector<1x16xf32> to vector<16xf32>
      %add3A_471 = arith.addf %get3A_466, %get3A_470 : vector<16xf32>
      %swap3A_472 = arith.index_cast %scan3A_72 : i32 to index
      %swap3A_473 = arith.constant 448 : index
      %swap3A_474 = tpu.vector_load %arg8[%swap3A_472, %swap3A_473] {strides = array<i32>} : memref<32x1024xf32, #tpu.memory_space<vmem>>, vector<1x16xf32>,
      %swap3A_475 = vector.shape_cast %swap3A_474 : vector<1x16xf32> to vector<16xf32>
      %swap3A_476 = vector.shape_cast %add3A_471 : vector<16xf32> to vector<1x16xf32>
      tpu.vector_store %arg8[%swap3A_472, %swap3A_473], %swap3A_476 {strides = array<i32>} : memref<32x1024xf32, #tpu.memory_space<vmem>>, vector<1x16xf32>,
      %get3A_477 = arith.index_cast %scan3A_72 : i32 to index
      %get3A_478 = arith.constant 464 : index
      %get3A_479 = tpu.vector_load %arg8[%get3A_477, %get3A_478] {strides = array<i32>} : memref<32x1024xf32, #tpu.memory_space<vmem>>, vector<1x16xf32>,
      %get3A_480 = vector.shape_cast %get3A_479 : vector<1x16xf32> to vector<16xf32>
      %get3A_481 = arith.index_cast %scan3A_72 : i32 to index
      %get3A_482 = arith.constant 464 : index
      %get3A_483 = tpu.vector_load %arg9[%get3A_481, %get3A_482] {strides = array<i32>} : memref<32x1024xf32, #tpu.memory_space<vmem>>, vector<1x16xf32>,
      %get3A_484 = vector.shape_cast %get3A_483 : vector<1x16xf32> to vector<16xf32>
      %add3A_485 = arith.addf %get3A_480, %get3A_484 : vector<16xf32>
      %swap3A_486 = arith.index_cast %scan3A_72 : i32 to index
      %swap3A_487 = arith.constant 464 : index
      %swap3A_488 = tpu.vector_load %arg8[%swap3A_486, %swap3A_487] {strides = array<i32>} : memref<32x1024xf32, #tpu.memory_space<vmem>>, vector<1x16xf32>,
      %swap3A_489 = vector.shape_cast %swap3A_488 : vector<1x16xf32> to vector<16xf32>
      %swap3A_490 = vector.shape_cast %add3A_485 : vector<16xf32> to vector<1x16xf32>
      tpu.vector_store %arg8[%swap3A_486, %swap3A_487], %swap3A_490 {strides = array<i32>} : memref<32x1024xf32, #tpu.memory_space<vmem>>, vector<1x16xf32>,
      %get3A_491 = arith.index_cast %scan3A_72 : i32 to index
      %get3A_492 = arith.constant 480 : index
      %get3A_493 = tpu.vector_load %arg8[%get3A_491, %get3A_492] {strides = array<i32>} : memref<32x1024xf32, #tpu.memory_space<vmem>>, vector<1x16xf32>,
      %get3A_494 = vector.shape_cast %get3A_493 : vector<1x16xf32> to vector<16xf32>
      %get3A_495 = arith.index_cast %scan3A_72 : i32 to index
      %get3A_496 = arith.constant 480 : index
      %get3A_497 = tpu.vector_load %arg9[%get3A_495, %get3A_496] {strides = array<i32>} : memref<32x1024xf32, #tpu.memory_space<vmem>>, vector<1x16xf32>,
      %get3A_498 = vector.shape_cast %get3A_497 : vector<1x16xf32> to vector<16xf32>
      %add3A_499 = arith.addf %get3A_494, %get3A_498 : vector<16xf32>
      %swap3A_500 = arith.index_cast %scan3A_72 : i32 to index
      %swap3A_501 = arith.constant 480 : index
      %swap3A_502 = tpu.vector_load %arg8[%swap3A_500, %swap3A_501] {strides = array<i32>} : memref<32x1024xf32, #tpu.memory_space<vmem>>, vector<1x16xf32>,
      %swap3A_503 = vector.shape_cast %swap3A_502 : vector<1x16xf32> to vector<16xf32>
      %swap3A_504 = vector.shape_cast %add3A_499 : vector<16xf32> to vector<1x16xf32>
      tpu.vector_store %arg8[%swap3A_500, %swap3A_501], %swap3A_504 {strides = array<i32>} : memref<32x1024xf32, #tpu.memory_space<vmem>>, vector<1x16xf32>,
      %get3A_505 = arith.index_cast %scan3A_72 : i32 to index
      %get3A_506 = arith.constant 496 : index
      %get3A_507 = tpu.vector_load %arg8[%get3A_505, %get3A_506] {strides = array<i32>} : memref<32x1024xf32, #tpu.memory_space<vmem>>, vector<1x16xf32>,
      %get3A_508 = vector.shape_cast %get3A_507 : vector<1x16xf32> to vector<16xf32>
      %get3A_509 = arith.index_cast %scan3A_72 : i32 to index
      %get3A_510 = arith.constant 496 : index
      %get3A_511 = tpu.vector_load %arg9[%get3A_509, %get3A_510] {strides = array<i32>} : memref<32x1024xf32, #tpu.memory_space<vmem>>, vector<1x16xf32>,
      %get3A_512 = vector.shape_cast %get3A_511 : vector<1x16xf32> to vector<16xf32>
      %add3A_513 = arith.addf %get3A_508, %get3A_512 : vector<16xf32>
      %swap3A_514 = arith.index_cast %scan3A_72 : i32 to index
      %swap3A_515 = arith.constant 496 : index
      %swap3A_516 = tpu.vector_load %arg8[%swap3A_514, %swap3A_515] {strides = array<i32>} : memref<32x1024xf32, #tpu.memory_space<vmem>>, vector<1x16xf32>,
      %swap3A_517 = vector.shape_cast %swap3A_516 : vector<1x16xf32> to vector<16xf32>
      %swap3A_518 = vector.shape_cast %add3A_513 : vector<16xf32> to vector<1x16xf32>
      tpu.vector_store %arg8[%swap3A_514, %swap3A_515], %swap3A_518 {strides = array<i32>} : memref<32x1024xf32, #tpu.memory_space<vmem>>, vector<1x16xf32>,
      %get3A_519 = arith.index_cast %scan3A_72 : i32 to index
      %get3A_520 = arith.constant 512 : index
      %get3A_521 = tpu.vector_load %arg8[%get3A_519, %get3A_520] {strides = array<i32>} : memref<32x1024xf32, #tpu.memory_space<vmem>>, vector<1x16xf32>,
      %get3A_522 = vector.shape_cast %get3A_521 : vector<1x16xf32> to vector<16xf32>
      %get3A_523 = arith.index_cast %scan3A_72 : i32 to index
      %get3A_524 = arith.constant 512 : index
      %get3A_525 = tpu.vector_load %arg9[%get3A_523, %get3A_524] {strides = array<i32>} : memref<32x1024xf32, #tpu.memory_space<vmem>>, vector<1x16xf32>,
      %get3A_526 = vector.shape_cast %get3A_525 : vector<1x16xf32> to vector<16xf32>
      %add3A_527 = arith.addf %get3A_522, %get3A_526 : vector<16xf32>
      %swap3A_528 = arith.index_cast %scan3A_72 : i32 to index
      %swap3A_529 = arith.constant 512 : index
      %swap3A_530 = tpu.vector_load %arg8[%swap3A_528, %swap3A_529] {strides = array<i32>} : memref<32x1024xf32, #tpu.memory_space<vmem>>, vector<1x16xf32>,
      %swap3A_531 = vector.shape_cast %swap3A_530 : vector<1x16xf32> to vector<16xf32>
      %swap3A_532 = vector.shape_cast %add3A_527 : vector<16xf32> to vector<1x16xf32>
      tpu.vector_store %arg8[%swap3A_528, %swap3A_529], %swap3A_532 {strides = array<i32>} : memref<32x1024xf32, #tpu.memory_space<vmem>>, vector<1x16xf32>,
      %get3A_533 = arith.index_cast %scan3A_72 : i32 to index
      %get3A_534 = arith.constant 528 : index
      %get3A_535 = tpu.vector_load %arg8[%get3A_533, %get3A_534] {strides = array<i32>} : memref<32x1024xf32, #tpu.memory_space<vmem>>, vector<1x16xf32>,
      %get3A_536 = vector.shape_cast %get3A_535 : vector<1x16xf32> to vector<16xf32>
      %get3A_537 = arith.index_cast %scan3A_72 : i32 to index
      %get3A_538 = arith.constant 528 : index
      %get3A_539 = tpu.vector_load %arg9[%get3A_537, %get3A_538] {strides = array<i32>} : memref<32x1024xf32, #tpu.memory_space<vmem>>, vector<1x16xf32>,
      %get3A_540 = vector.shape_cast %get3A_539 : vector<1x16xf32> to vector<16xf32>
      %add3A_541 = arith.addf %get3A_536, %get3A_540 : vector<16xf32>
      %swap3A_542 = arith.index_cast %scan3A_72 : i32 to index
      %swap3A_543 = arith.constant 528 : index
      %swap3A_544 = tpu.vector_load %arg8[%swap3A_542, %swap3A_543] {strides = array<i32>} : memref<32x1024xf32, #tpu.memory_space<vmem>>, vector<1x16xf32>,
      %swap3A_545 = vector.shape_cast %swap3A_544 : vector<1x16xf32> to vector<16xf32>
      %swap3A_546 = vector.shape_cast %add3A_541 : vector<16xf32> to vector<1x16xf32>
      tpu.vector_store %arg8[%swap3A_542, %swap3A_543], %swap3A_546 {strides = array<i32>} : memref<32x1024xf32, #tpu.memory_space<vmem>>, vector<1x16xf32>,
      %get3A_547 = arith.index_cast %scan3A_72 : i32 to index
      %get3A_548 = arith.constant 544 : index
      %get3A_549 = tpu.vector_load %arg8[%get3A_547, %get3A_548] {strides = array<i32>} : memref<32x1024xf32, #tpu.memory_space<vmem>>, vector<1x16xf32>,
      %get3A_550 = vector.shape_cast %get3A_549 : vector<1x16xf32> to vector<16xf32>
      %get3A_551 = arith.index_cast %scan3A_72 : i32 to index
      %get3A_552 = arith.constant 544 : index
      %get3A_553 = tpu.vector_load %arg9[%get3A_551, %get3A_552] {strides = array<i32>} : memref<32x1024xf32, #tpu.memory_space<vmem>>, vector<1x16xf32>,
      %get3A_554 = vector.shape_cast %get3A_553 : vector<1x16xf32> to vector<16xf32>
      %add3A_555 = arith.addf %get3A_550, %get3A_554 : vector<16xf32>
      %swap3A_556 = arith.index_cast %scan3A_72 : i32 to index
      %swap3A_557 = arith.constant 544 : index
      %swap3A_558 = tpu.vector_load %arg8[%swap3A_556, %swap3A_557] {strides = array<i32>} : memref<32x1024xf32, #tpu.memory_space<vmem>>, vector<1x16xf32>,
      %swap3A_559 = vector.shape_cast %swap3A_558 : vector<1x16xf32> to vector<16xf32>
      %swap3A_560 = vector.shape_cast %add3A_555 : vector<16xf32> to vector<1x16xf32>
      tpu.vector_store %arg8[%swap3A_556, %swap3A_557], %swap3A_560 {strides = array<i32>} : memref<32x1024xf32, #tpu.memory_space<vmem>>, vector<1x16xf32>,
      %get3A_561 = arith.index_cast %scan3A_72 : i32 to index
      %get3A_562 = arith.constant 560 : index
      %get3A_563 = tpu.vector_load %arg8[%get3A_561, %get3A_562] {strides = array<i32>} : memref<32x1024xf32, #tpu.memory_space<vmem>>, vector<1x16xf32>,
      %get3A_564 = vector.shape_cast %get3A_563 : vector<1x16xf32> to vector<16xf32>
      %get3A_565 = arith.index_cast %scan3A_72 : i32 to index
      %get3A_566 = arith.constant 560 : index
      %get3A_567 = tpu.vector_load %arg9[%get3A_565, %get3A_566] {strides = array<i32>} : memref<32x1024xf32, #tpu.memory_space<vmem>>, vector<1x16xf32>,
      %get3A_568 = vector.shape_cast %get3A_567 : vector<1x16xf32> to vector<16xf32>
      %add3A_569 = arith.addf %get3A_564, %get3A_568 : vector<16xf32>
      %swap3A_570 = arith.index_cast %scan3A_72 : i32 to index
      %swap3A_571 = arith.constant 560 : index
      %swap3A_572 = tpu.vector_load %arg8[%swap3A_570, %swap3A_571] {strides = array<i32>} : memref<32x1024xf32, #tpu.memory_space<vmem>>, vector<1x16xf32>,
      %swap3A_573 = vector.shape_cast %swap3A_572 : vector<1x16xf32> to vector<16xf32>
      %swap3A_574 = vector.shape_cast %add3A_569 : vector<16xf32> to vector<1x16xf32>
      tpu.vector_store %arg8[%swap3A_570, %swap3A_571], %swap3A_574 {strides = array<i32>} : memref<32x1024xf32, #tpu.memory_space<vmem>>, vector<1x16xf32>,
      %get3A_575 = arith.index_cast %scan3A_72 : i32 to index
      %get3A_576 = arith.constant 576 : index
      %get3A_577 = tpu.vector_load %arg8[%get3A_575, %get3A_576] {strides = array<i32>} : memref<32x1024xf32, #tpu.memory_space<vmem>>, vector<1x16xf32>,
      %get3A_578 = vector.shape_cast %get3A_577 : vector<1x16xf32> to vector<16xf32>
      %get3A_579 = arith.index_cast %scan3A_72 : i32 to index
      %get3A_580 = arith.constant 576 : index
      %get3A_581 = tpu.vector_load %arg9[%get3A_579, %get3A_580] {strides = array<i32>} : memref<32x1024xf32, #tpu.memory_space<vmem>>, vector<1x16xf32>,
      %get3A_582 = vector.shape_cast %get3A_581 : vector<1x16xf32> to vector<16xf32>
      %add3A_583 = arith.addf %get3A_578, %get3A_582 : vector<16xf32>
      %swap3A_584 = arith.index_cast %scan3A_72 : i32 to index
      %swap3A_585 = arith.constant 576 : index
      %swap3A_586 = tpu.vector_load %arg8[%swap3A_584, %swap3A_585] {strides = array<i32>} : memref<32x1024xf32, #tpu.memory_space<vmem>>, vector<1x16xf32>,
      %swap3A_587 = vector.shape_cast %swap3A_586 : vector<1x16xf32> to vector<16xf32>
      %swap3A_588 = vector.shape_cast %add3A_583 : vector<16xf32> to vector<1x16xf32>
      tpu.vector_store %arg8[%swap3A_584, %swap3A_585], %swap3A_588 {strides = array<i32>} : memref<32x1024xf32, #tpu.memory_space<vmem>>, vector<1x16xf32>,
      %get3A_589 = arith.index_cast %scan3A_72 : i32 to index
      %get3A_590 = arith.constant 592 : index
      %get3A_591 = tpu.vector_load %arg8[%get3A_589, %get3A_590] {strides = array<i32>} : memref<32x1024xf32, #tpu.memory_space<vmem>>, vector<1x16xf32>,
      %get3A_592 = vector.shape_cast %get3A_591 : vector<1x16xf32> to vector<16xf32>
      %get3A_593 = arith.index_cast %scan3A_72 : i32 to index
      %get3A_594 = arith.constant 592 : index
      %get3A_595 = tpu.vector_load %arg9[%get3A_593, %get3A_594] {strides = array<i32>} : memref<32x1024xf32, #tpu.memory_space<vmem>>, vector<1x16xf32>,
      %get3A_596 = vector.shape_cast %get3A_595 : vector<1x16xf32> to vector<16xf32>
      %add3A_597 = arith.addf %get3A_592, %get3A_596 : vector<16xf32>
      %swap3A_598 = arith.index_cast %scan3A_72 : i32 to index
      %swap3A_599 = arith.constant 592 : index
      %swap3A_600 = tpu.vector_load %arg8[%swap3A_598, %swap3A_599] {strides = array<i32>} : memref<32x1024xf32, #tpu.memory_space<vmem>>, vector<1x16xf32>,
      %swap3A_601 = vector.shape_cast %swap3A_600 : vector<1x16xf32> to vector<16xf32>
      %swap3A_602 = vector.shape_cast %add3A_597 : vector<16xf32> to vector<1x16xf32>
      tpu.vector_store %arg8[%swap3A_598, %swap3A_599], %swap3A_602 {strides = array<i32>} : memref<32x1024xf32, #tpu.memory_space<vmem>>, vector<1x16xf32>,
      %get3A_603 = arith.index_cast %scan3A_72 : i32 to index
      %get3A_604 = arith.constant 608 : index
      %get3A_605 = tpu.vector_load %arg8[%get3A_603, %get3A_604] {strides = array<i32>} : memref<32x1024xf32, #tpu.memory_space<vmem>>, vector<1x16xf32>,
      %get3A_606 = vector.shape_cast %get3A_605 : vector<1x16xf32> to vector<16xf32>
      %get3A_607 = arith.index_cast %scan3A_72 : i32 to index
      %get3A_608 = arith.constant 608 : index
      %get3A_609 = tpu.vector_load %arg9[%get3A_607, %get3A_608] {strides = array<i32>} : memref<32x1024xf32, #tpu.memory_space<vmem>>, vector<1x16xf32>,
      %get3A_610 = vector.shape_cast %get3A_609 : vector<1x16xf32> to vector<16xf32>
      %add3A_611 = arith.addf %get3A_606, %get3A_610 : vector<16xf32>
      %swap3A_612 = arith.index_cast %scan3A_72 : i32 to index
      %swap3A_613 = arith.constant 608 : index
      %swap3A_614 = tpu.vector_load %arg8[%swap3A_612, %swap3A_613] {strides = array<i32>} : memref<32x1024xf32, #tpu.memory_space<vmem>>, vector<1x16xf32>,
      %swap3A_615 = vector.shape_cast %swap3A_614 : vector<1x16xf32> to vector<16xf32>
      %swap3A_616 = vector.shape_cast %add3A_611 : vector<16xf32> to vector<1x16xf32>
      tpu.vector_store %arg8[%swap3A_612, %swap3A_613], %swap3A_616 {strides = array<i32>} : memref<32x1024xf32, #tpu.memory_space<vmem>>, vector<1x16xf32>,
      %get3A_617 = arith.index_cast %scan3A_72 : i32 to index
      %get3A_618 = arith.constant 624 : index
      %get3A_619 = tpu.vector_load %arg8[%get3A_617, %get3A_618] {strides = array<i32>} : memref<32x1024xf32, #tpu.memory_space<vmem>>, vector<1x16xf32>,
      %get3A_620 = vector.shape_cast %get3A_619 : vector<1x16xf32> to vector<16xf32>
      %get3A_621 = arith.index_cast %scan3A_72 : i32 to index
      %get3A_622 = arith.constant 624 : index
      %get3A_623 = tpu.vector_load %arg9[%get3A_621, %get3A_622] {strides = array<i32>} : memref<32x1024xf32, #tpu.memory_space<vmem>>, vector<1x16xf32>,
      %get3A_624 = vector.shape_cast %get3A_623 : vector<1x16xf32> to vector<16xf32>
      %add3A_625 = arith.addf %get3A_620, %get3A_624 : vector<16xf32>
      %swap3A_626 = arith.index_cast %scan3A_72 : i32 to index
      %swap3A_627 = arith.constant 624 : index
      %swap3A_628 = tpu.vector_load %arg8[%swap3A_626, %swap3A_627] {strides = array<i32>} : memref<32x1024xf32, #tpu.memory_space<vmem>>, vector<1x16xf32>,
      %swap3A_629 = vector.shape_cast %swap3A_628 : vector<1x16xf32> to vector<16xf32>
      %swap3A_630 = vector.shape_cast %add3A_625 : vector<16xf32> to vector<1x16xf32>
      tpu.vector_store %arg8[%swap3A_626, %swap3A_627], %swap3A_630 {strides = array<i32>} : memref<32x1024xf32, #tpu.memory_space<vmem>>, vector<1x16xf32>,
      %get3A_631 = arith.index_cast %scan3A_72 : i32 to index
      %get3A_632 = arith.constant 640 : index
      %get3A_633 = tpu.vector_load %arg8[%get3A_631, %get3A_632] {strides = array<i32>} : memref<32x1024xf32, #tpu.memory_space<vmem>>, vector<1x16xf32>,
      %get3A_634 = vector.shape_cast %get3A_633 : vector<1x16xf32> to vector<16xf32>
      %get3A_635 = arith.index_cast %scan3A_72 : i32 to index
      %get3A_636 = arith.constant 640 : index
      %get3A_637 = tpu.vector_load %arg9[%get3A_635, %get3A_636] {strides = array<i32>} : memref<32x1024xf32, #tpu.memory_space<vmem>>, vector<1x16xf32>,
      %get3A_638 = vector.shape_cast %get3A_637 : vector<1x16xf32> to vector<16xf32>
      %add3A_639 = arith.addf %get3A_634, %get3A_638 : vector<16xf32>
      %swap3A_640 = arith.index_cast %scan3A_72 : i32 to index
      %swap3A_641 = arith.constant 640 : index
      %swap3A_642 = tpu.vector_load %arg8[%swap3A_640, %swap3A_641] {strides = array<i32>} : memref<32x1024xf32, #tpu.memory_space<vmem>>, vector<1x16xf32>,
      %swap3A_643 = vector.shape_cast %swap3A_642 : vector<1x16xf32> to vector<16xf32>
      %swap3A_644 = vector.shape_cast %add3A_639 : vector<16xf32> to vector<1x16xf32>
      tpu.vector_store %arg8[%swap3A_640, %swap3A_641], %swap3A_644 {strides = array<i32>} : memref<32x1024xf32, #tpu.memory_space<vmem>>, vector<1x16xf32>,
      %get3A_645 = arith.index_cast %scan3A_72 : i32 to index
      %get3A_646 = arith.constant 656 : index
      %get3A_647 = tpu.vector_load %arg8[%get3A_645, %get3A_646] {strides = array<i32>} : memref<32x1024xf32, #tpu.memory_space<vmem>>, vector<1x16xf32>,
      %get3A_648 = vector.shape_cast %get3A_647 : vector<1x16xf32> to vector<16xf32>
      %get3A_649 = arith.index_cast %scan3A_72 : i32 to index
      %get3A_650 = arith.constant 656 : index
      %get3A_651 = tpu.vector_load %arg9[%get3A_649, %get3A_650] {strides = array<i32>} : memref<32x1024xf32, #tpu.memory_space<vmem>>, vector<1x16xf32>,
      %get3A_652 = vector.shape_cast %get3A_651 : vector<1x16xf32> to vector<16xf32>
      %add3A_653 = arith.addf %get3A_648, %get3A_652 : vector<16xf32>
      %swap3A_654 = arith.index_cast %scan3A_72 : i32 to index
      %swap3A_655 = arith.constant 656 : index
      %swap3A_656 = tpu.vector_load %arg8[%swap3A_654, %swap3A_655] {strides = array<i32>} : memref<32x1024xf32, #tpu.memory_space<vmem>>, vector<1x16xf32>,
      %swap3A_657 = vector.shape_cast %swap3A_656 : vector<1x16xf32> to vector<16xf32>
      %swap3A_658 = vector.shape_cast %add3A_653 : vector<16xf32> to vector<1x16xf32>
      tpu.vector_store %arg8[%swap3A_654, %swap3A_655], %swap3A_658 {strides = array<i32>} : memref<32x1024xf32, #tpu.memory_space<vmem>>, vector<1x16xf32>,
      %get3A_659 = arith.index_cast %scan3A_72 : i32 to index
      %get3A_660 = arith.constant 672 : index
      %get3A_661 = tpu.vector_load %arg8[%get3A_659, %get3A_660] {strides = array<i32>} : memref<32x1024xf32, #tpu.memory_space<vmem>>, vector<1x16xf32>,
      %get3A_662 = vector.shape_cast %get3A_661 : vector<1x16xf32> to vector<16xf32>
      %get3A_663 = arith.index_cast %scan3A_72 : i32 to index
      %get3A_664 = arith.constant 672 : index
      %get3A_665 = tpu.vector_load %arg9[%get3A_663, %get3A_664] {strides = array<i32>} : memref<32x1024xf32, #tpu.memory_space<vmem>>, vector<1x16xf32>,
      %get3A_666 = vector.shape_cast %get3A_665 : vector<1x16xf32> to vector<16xf32>
      %add3A_667 = arith.addf %get3A_662, %get3A_666 : vector<16xf32>
      %swap3A_668 = arith.index_cast %scan3A_72 : i32 to index
      %swap3A_669 = arith.constant 672 : index
      %swap3A_670 = tpu.vector_load %arg8[%swap3A_668, %swap3A_669] {strides = array<i32>} : memref<32x1024xf32, #tpu.memory_space<vmem>>, vector<1x16xf32>,
      %swap3A_671 = vector.shape_cast %swap3A_670 : vector<1x16xf32> to vector<16xf32>
      %swap3A_672 = vector.shape_cast %add3A_667 : vector<16xf32> to vector<1x16xf32>
      tpu.vector_store %arg8[%swap3A_668, %swap3A_669], %swap3A_672 {strides = array<i32>} : memref<32x1024xf32, #tpu.memory_space<vmem>>, vector<1x16xf32>,
      %get3A_673 = arith.index_cast %scan3A_72 : i32 to index
      %get3A_674 = arith.constant 688 : index
      %get3A_675 = tpu.vector_load %arg8[%get3A_673, %get3A_674] {strides = array<i32>} : memref<32x1024xf32, #tpu.memory_space<vmem>>, vector<1x16xf32>,
      %get3A_676 = vector.shape_cast %get3A_675 : vector<1x16xf32> to vector<16xf32>
      %get3A_677 = arith.index_cast %scan3A_72 : i32 to index
      %get3A_678 = arith.constant 688 : index
      %get3A_679 = tpu.vector_load %arg9[%get3A_677, %get3A_678] {strides = array<i32>} : memref<32x1024xf32, #tpu.memory_space<vmem>>, vector<1x16xf32>,
      %get3A_680 = vector.shape_cast %get3A_679 : vector<1x16xf32> to vector<16xf32>
      %add3A_681 = arith.addf %get3A_676, %get3A_680 : vector<16xf32>
      %swap3A_682 = arith.index_cast %scan3A_72 : i32 to index
      %swap3A_683 = arith.constant 688 : index
      %swap3A_684 = tpu.vector_load %arg8[%swap3A_682, %swap3A_683] {strides = array<i32>} : memref<32x1024xf32, #tpu.memory_space<vmem>>, vector<1x16xf32>,
      %swap3A_685 = vector.shape_cast %swap3A_684 : vector<1x16xf32> to vector<16xf32>
      %swap3A_686 = vector.shape_cast %add3A_681 : vector<16xf32> to vector<1x16xf32>
      tpu.vector_store %arg8[%swap3A_682, %swap3A_683], %swap3A_686 {strides = array<i32>} : memref<32x1024xf32, #tpu.memory_space<vmem>>, vector<1x16xf32>,
      %get3A_687 = arith.index_cast %scan3A_72 : i32 to index
      %get3A_688 = arith.constant 704 : index
      %get3A_689 = tpu.vector_load %arg8[%get3A_687, %get3A_688] {strides = array<i32>} : memref<32x1024xf32, #tpu.memory_space<vmem>>, vector<1x16xf32>,
      %get3A_690 = vector.shape_cast %get3A_689 : vector<1x16xf32> to vector<16xf32>
      %get3A_691 = arith.index_cast %scan3A_72 : i32 to index
      %get3A_692 = arith.constant 704 : index
      %get3A_693 = tpu.vector_load %arg9[%get3A_691, %get3A_692] {strides = array<i32>} : memref<32x1024xf32, #tpu.memory_space<vmem>>, vector<1x16xf32>,
      %get3A_694 = vector.shape_cast %get3A_693 : vector<1x16xf32> to vector<16xf32>
      %add3A_695 = arith.addf %get3A_690, %get3A_694 : vector<16xf32>
      %swap3A_696 = arith.index_cast %scan3A_72 : i32 to index
      %swap3A_697 = arith.constant 704 : index
      %swap3A_698 = tpu.vector_load %arg8[%swap3A_696, %swap3A_697] {strides = array<i32>} : memref<32x1024xf32, #tpu.memory_space<vmem>>, vector<1x16xf32>,
      %swap3A_699 = vector.shape_cast %swap3A_698 : vector<1x16xf32> to vector<16xf32>
      %swap3A_700 = vector.shape_cast %add3A_695 : vector<16xf32> to vector<1x16xf32>
      tpu.vector_store %arg8[%swap3A_696, %swap3A_697], %swap3A_700 {strides = array<i32>} : memref<32x1024xf32, #tpu.memory_space<vmem>>, vector<1x16xf32>,
      %get3A_701 = arith.index_cast %scan3A_72 : i32 to index
      %get3A_702 = arith.constant 720 : index
      %get3A_703 = tpu.vector_load %arg8[%get3A_701, %get3A_702] {strides = array<i32>} : memref<32x1024xf32, #tpu.memory_space<vmem>>, vector<1x16xf32>,
      %get3A_704 = vector.shape_cast %get3A_703 : vector<1x16xf32> to vector<16xf32>
      %get3A_705 = arith.index_cast %scan3A_72 : i32 to index
      %get3A_706 = arith.constant 720 : index
      %get3A_707 = tpu.vector_load %arg9[%get3A_705, %get3A_706] {strides = array<i32>} : memref<32x1024xf32, #tpu.memory_space<vmem>>, vector<1x16xf32>,
      %get3A_708 = vector.shape_cast %get3A_707 : vector<1x16xf32> to vector<16xf32>
      %add3A_709 = arith.addf %get3A_704, %get3A_708 : vector<16xf32>
      %swap3A_710 = arith.index_cast %scan3A_72 : i32 to index
      %swap3A_711 = arith.constant 720 : index
      %swap3A_712 = tpu.vector_load %arg8[%swap3A_710, %swap3A_711] {strides = array<i32>} : memref<32x1024xf32, #tpu.memory_space<vmem>>, vector<1x16xf32>,
      %swap3A_713 = vector.shape_cast %swap3A_712 : vector<1x16xf32> to vector<16xf32>
      %swap3A_714 = vector.shape_cast %add3A_709 : vector<16xf32> to vector<1x16xf32>
      tpu.vector_store %arg8[%swap3A_710, %swap3A_711], %swap3A_714 {strides = array<i32>} : memref<32x1024xf32, #tpu.memory_space<vmem>>, vector<1x16xf32>,
      %get3A_715 = arith.index_cast %scan3A_72 : i32 to index
      %get3A_716 = arith.constant 736 : index
      %get3A_717 = tpu.vector_load %arg8[%get3A_715, %get3A_716] {strides = array<i32>} : memref<32x1024xf32, #tpu.memory_space<vmem>>, vector<1x16xf32>,
      %get3A_718 = vector.shape_cast %get3A_717 : vector<1x16xf32> to vector<16xf32>
      %get3A_719 = arith.index_cast %scan3A_72 : i32 to index
      %get3A_720 = arith.constant 736 : index
      %get3A_721 = tpu.vector_load %arg9[%get3A_719, %get3A_720] {strides = array<i32>} : memref<32x1024xf32, #tpu.memory_space<vmem>>, vector<1x16xf32>,
      %get3A_722 = vector.shape_cast %get3A_721 : vector<1x16xf32> to vector<16xf32>
      %add3A_723 = arith.addf %get3A_718, %get3A_722 : vector<16xf32>
      %swap3A_724 = arith.index_cast %scan3A_72 : i32 to index
      %swap3A_725 = arith.constant 736 : index
      %swap3A_726 = tpu.vector_load %arg8[%swap3A_724, %swap3A_725] {strides = array<i32>} : memref<32x1024xf32, #tpu.memory_space<vmem>>, vector<1x16xf32>,
      %swap3A_727 = vector.shape_cast %swap3A_726 : vector<1x16xf32> to vector<16xf32>
      %swap3A_728 = vector.shape_cast %add3A_723 : vector<16xf32> to vector<1x16xf32>
      tpu.vector_store %arg8[%swap3A_724, %swap3A_725], %swap3A_728 {strides = array<i32>} : memref<32x1024xf32, #tpu.memory_space<vmem>>, vector<1x16xf32>,
      %get3A_729 = arith.index_cast %scan3A_72 : i32 to index
      %get3A_730 = arith.constant 752 : index
      %get3A_731 = tpu.vector_load %arg8[%get3A_729, %get3A_730] {strides = array<i32>} : memref<32x1024xf32, #tpu.memory_space<vmem>>, vector<1x16xf32>,
      %get3A_732 = vector.shape_cast %get3A_731 : vector<1x16xf32> to vector<16xf32>
      %get3A_733 = arith.index_cast %scan3A_72 : i32 to index
      %get3A_734 = arith.constant 752 : index
      %get3A_735 = tpu.vector_load %arg9[%get3A_733, %get3A_734] {strides = array<i32>} : memref<32x1024xf32, #tpu.memory_space<vmem>>, vector<1x16xf32>,
      %get3A_736 = vector.shape_cast %get3A_735 : vector<1x16xf32> to vector<16xf32>
      %add3A_737 = arith.addf %get3A_732, %get3A_736 : vector<16xf32>
      %swap3A_738 = arith.index_cast %scan3A_72 : i32 to index
      %swap3A_739 = arith.constant 752 : index
      %swap3A_740 = tpu.vector_load %arg8[%swap3A_738, %swap3A_739] {strides = array<i32>} : memref<32x1024xf32, #tpu.memory_space<vmem>>, vector<1x16xf32>,
      %swap3A_741 = vector.shape_cast %swap3A_740 : vector<1x16xf32> to vector<16xf32>
      %swap3A_742 = vector.shape_cast %add3A_737 : vector<16xf32> to vector<1x16xf32>
      tpu.vector_store %arg8[%swap3A_738, %swap3A_739], %swap3A_742 {strides = array<i32>} : memref<32x1024xf32, #tpu.memory_space<vmem>>, vector<1x16xf32>,
      %get3A_743 = arith.index_cast %scan3A_72 : i32 to index
      %get3A_744 = arith.constant 768 : index
      %get3A_745 = tpu.vector_load %arg8[%get3A_743, %get3A_744] {strides = array<i32>} : memref<32x1024xf32, #tpu.memory_space<vmem>>, vector<1x16xf32>,
      %get3A_746 = vector.shape_cast %get3A_745 : vector<1x16xf32> to vector<16xf32>
      %get3A_747 = arith.index_cast %scan3A_72 : i32 to index
      %get3A_748 = arith.constant 768 : index
      %get3A_749 = tpu.vector_load %arg9[%get3A_747, %get3A_748] {strides = array<i32>} : memref<32x1024xf32, #tpu.memory_space<vmem>>, vector<1x16xf32>,
      %get3A_750 = vector.shape_cast %get3A_749 : vector<1x16xf32> to vector<16xf32>
      %add3A_751 = arith.addf %get3A_746, %get3A_750 : vector<16xf32>
      %swap3A_752 = arith.index_cast %scan3A_72 : i32 to index
      %swap3A_753 = arith.constant 768 : index
      %swap3A_754 = tpu.vector_load %arg8[%swap3A_752, %swap3A_753] {strides = array<i32>} : memref<32x1024xf32, #tpu.memory_space<vmem>>, vector<1x16xf32>,
      %swap3A_755 = vector.shape_cast %swap3A_754 : vector<1x16xf32> to vector<16xf32>
      %swap3A_756 = vector.shape_cast %add3A_751 : vector<16xf32> to vector<1x16xf32>
      tpu.vector_store %arg8[%swap3A_752, %swap3A_753], %swap3A_756 {strides = array<i32>} : memref<32x1024xf32, #tpu.memory_space<vmem>>, vector<1x16xf32>,
      %get3A_757 = arith.index_cast %scan3A_72 : i32 to index
      %get3A_758 = arith.constant 784 : index
      %get3A_759 = tpu.vector_load %arg8[%get3A_757, %get3A_758] {strides = array<i32>} : memref<32x1024xf32, #tpu.memory_space<vmem>>, vector<1x16xf32>,
      %get3A_760 = vector.shape_cast %get3A_759 : vector<1x16xf32> to vector<16xf32>
      %get3A_761 = arith.index_cast %scan3A_72 : i32 to index
      %get3A_762 = arith.constant 784 : index
      %get3A_763 = tpu.vector_load %arg9[%get3A_761, %get3A_762] {strides = array<i32>} : memref<32x1024xf32, #tpu.memory_space<vmem>>, vector<1x16xf32>,
      %get3A_764 = vector.shape_cast %get3A_763 : vector<1x16xf32> to vector<16xf32>
      %add3A_765 = arith.addf %get3A_760, %get3A_764 : vector<16xf32>
      %swap3A_766 = arith.index_cast %scan3A_72 : i32 to index
      %swap3A_767 = arith.constant 784 : index
      %swap3A_768 = tpu.vector_load %arg8[%swap3A_766, %swap3A_767] {strides = array<i32>} : memref<32x1024xf32, #tpu.memory_space<vmem>>, vector<1x16xf32>,
      %swap3A_769 = vector.shape_cast %swap3A_768 : vector<1x16xf32> to vector<16xf32>
      %swap3A_770 = vector.shape_cast %add3A_765 : vector<16xf32> to vector<1x16xf32>
      tpu.vector_store %arg8[%swap3A_766, %swap3A_767], %swap3A_770 {strides = array<i32>} : memref<32x1024xf32, #tpu.memory_space<vmem>>, vector<1x16xf32>,
      %get3A_771 = arith.index_cast %scan3A_72 : i32 to index
      %get3A_772 = arith.constant 800 : index
      %get3A_773 = tpu.vector_load %arg8[%get3A_771, %get3A_772] {strides = array<i32>} : memref<32x1024xf32, #tpu.memory_space<vmem>>, vector<1x16xf32>,
      %get3A_774 = vector.shape_cast %get3A_773 : vector<1x16xf32> to vector<16xf32>
      %get3A_775 = arith.index_cast %scan3A_72 : i32 to index
      %get3A_776 = arith.constant 800 : index
      %get3A_777 = tpu.vector_load %arg9[%get3A_775, %get3A_776] {strides = array<i32>} : memref<32x1024xf32, #tpu.memory_space<vmem>>, vector<1x16xf32>,
      %get3A_778 = vector.shape_cast %get3A_777 : vector<1x16xf32> to vector<16xf32>
      %add3A_779 = arith.addf %get3A_774, %get3A_778 : vector<16xf32>
      %swap3A_780 = arith.index_cast %scan3A_72 : i32 to index
      %swap3A_781 = arith.constant 800 : index
      %swap3A_782 = tpu.vector_load %arg8[%swap3A_780, %swap3A_781] {strides = array<i32>} : memref<32x1024xf32, #tpu.memory_space<vmem>>, vector<1x16xf32>,
      %swap3A_783 = vector.shape_cast %swap3A_782 : vector<1x16xf32> to vector<16xf32>
      %swap3A_784 = vector.shape_cast %add3A_779 : vector<16xf32> to vector<1x16xf32>
      tpu.vector_store %arg8[%swap3A_780, %swap3A_781], %swap3A_784 {strides = array<i32>} : memref<32x1024xf32, #tpu.memory_space<vmem>>, vector<1x16xf32>,
      %get3A_785 = arith.index_cast %scan3A_72 : i32 to index
      %get3A_786 = arith.constant 816 : index
      %get3A_787 = tpu.vector_load %arg8[%get3A_785, %get3A_786] {strides = array<i32>} : memref<32x1024xf32, #tpu.memory_space<vmem>>, vector<1x16xf32>,
      %get3A_788 = vector.shape_cast %get3A_787 : vector<1x16xf32> to vector<16xf32>
      %get3A_789 = arith.index_cast %scan3A_72 : i32 to index
      %get3A_790 = arith.constant 816 : index
      %get3A_791 = tpu.vector_load %arg9[%get3A_789, %get3A_790] {strides = array<i32>} : memref<32x1024xf32, #tpu.memory_space<vmem>>, vector<1x16xf32>,
      %get3A_792 = vector.shape_cast %get3A_791 : vector<1x16xf32> to vector<16xf32>
      %add3A_793 = arith.addf %get3A_788, %get3A_792 : vector<16xf32>
      %swap3A_794 = arith.index_cast %scan3A_72 : i32 to index
      %swap3A_795 = arith.constant 816 : index
      %swap3A_796 = tpu.vector_load %arg8[%swap3A_794, %swap3A_795] {strides = array<i32>} : memref<32x1024xf32, #tpu.memory_space<vmem>>, vector<1x16xf32>,
      %swap3A_797 = vector.shape_cast %swap3A_796 : vector<1x16xf32> to vector<16xf32>
      %swap3A_798 = vector.shape_cast %add3A_793 : vector<16xf32> to vector<1x16xf32>
      tpu.vector_store %arg8[%swap3A_794, %swap3A_795], %swap3A_798 {strides = array<i32>} : memref<32x1024xf32, #tpu.memory_space<vmem>>, vector<1x16xf32>,
      %get3A_799 = arith.index_cast %scan3A_72 : i32 to index
      %get3A_800 = arith.constant 832 : index
      %get3A_801 = tpu.vector_load %arg8[%get3A_799, %get3A_800] {strides = array<i32>} : memref<32x1024xf32, #tpu.memory_space<vmem>>, vector<1x16xf32>,
      %get3A_802 = vector.shape_cast %get3A_801 : vector<1x16xf32> to vector<16xf32>
      %get3A_803 = arith.index_cast %scan3A_72 : i32 to index
      %get3A_804 = arith.constant 832 : index
      %get3A_805 = tpu.vector_load %arg9[%get3A_803, %get3A_804] {strides = array<i32>} : memref<32x1024xf32, #tpu.memory_space<vmem>>, vector<1x16xf32>,
      %get3A_806 = vector.shape_cast %get3A_805 : vector<1x16xf32> to vector<16xf32>
      %add3A_807 = arith.addf %get3A_802, %get3A_806 : vector<16xf32>
      %swap3A_808 = arith.index_cast %scan3A_72 : i32 to index
      %swap3A_809 = arith.constant 832 : index
      %swap3A_810 = tpu.vector_load %arg8[%swap3A_808, %swap3A_809] {strides = array<i32>} : memref<32x1024xf32, #tpu.memory_space<vmem>>, vector<1x16xf32>,
      %swap3A_811 = vector.shape_cast %swap3A_810 : vector<1x16xf32> to vector<16xf32>
      %swap3A_812 = vector.shape_cast %add3A_807 : vector<16xf32> to vector<1x16xf32>
      tpu.vector_store %arg8[%swap3A_808, %swap3A_809], %swap3A_812 {strides = array<i32>} : memref<32x1024xf32, #tpu.memory_space<vmem>>, vector<1x16xf32>,
      %get3A_813 = arith.index_cast %scan3A_72 : i32 to index
      %get3A_814 = arith.constant 848 : index
      %get3A_815 = tpu.vector_load %arg8[%get3A_813, %get3A_814] {strides = array<i32>} : memref<32x1024xf32, #tpu.memory_space<vmem>>, vector<1x16xf32>,
      %get3A_816 = vector.shape_cast %get3A_815 : vector<1x16xf32> to vector<16xf32>
      %get3A_817 = arith.index_cast %scan3A_72 : i32 to index
      %get3A_818 = arith.constant 848 : index
      %get3A_819 = tpu.vector_load %arg9[%get3A_817, %get3A_818] {strides = array<i32>} : memref<32x1024xf32, #tpu.memory_space<vmem>>, vector<1x16xf32>,
      %get3A_820 = vector.shape_cast %get3A_819 : vector<1x16xf32> to vector<16xf32>
      %add3A_821 = arith.addf %get3A_816, %get3A_820 : vector<16xf32>
      %swap3A_822 = arith.index_cast %scan3A_72 : i32 to index
      %swap3A_823 = arith.constant 848 : index
      %swap3A_824 = tpu.vector_load %arg8[%swap3A_822, %swap3A_823] {strides = array<i32>} : memref<32x1024xf32, #tpu.memory_space<vmem>>, vector<1x16xf32>,
      %swap3A_825 = vector.shape_cast %swap3A_824 : vector<1x16xf32> to vector<16xf32>
      %swap3A_826 = vector.shape_cast %add3A_821 : vector<16xf32> to vector<1x16xf32>
      tpu.vector_store %arg8[%swap3A_822, %swap3A_823], %swap3A_826 {strides = array<i32>} : memref<32x1024xf32, #tpu.memory_space<vmem>>, vector<1x16xf32>,
      %get3A_827 = arith.index_cast %scan3A_72 : i32 to index
      %get3A_828 = arith.constant 864 : index
      %get3A_829 = tpu.vector_load %arg8[%get3A_827, %get3A_828] {strides = array<i32>} : memref<32x1024xf32, #tpu.memory_space<vmem>>, vector<1x16xf32>,
      %get3A_830 = vector.shape_cast %get3A_829 : vector<1x16xf32> to vector<16xf32>
      %get3A_831 = arith.index_cast %scan3A_72 : i32 to index
      %get3A_832 = arith.constant 864 : index
      %get3A_833 = tpu.vector_load %arg9[%get3A_831, %get3A_832] {strides = array<i32>} : memref<32x1024xf32, #tpu.memory_space<vmem>>, vector<1x16xf32>,
      %get3A_834 = vector.shape_cast %get3A_833 : vector<1x16xf32> to vector<16xf32>
      %add3A_835 = arith.addf %get3A_830, %get3A_834 : vector<16xf32>
      %swap3A_836 = arith.index_cast %scan3A_72 : i32 to index
      %swap3A_837 = arith.constant 864 : index
      %swap3A_838 = tpu.vector_load %arg8[%swap3A_836, %swap3A_837] {strides = array<i32>} : memref<32x1024xf32, #tpu.memory_space<vmem>>, vector<1x16xf32>,
      %swap3A_839 = vector.shape_cast %swap3A_838 : vector<1x16xf32> to vector<16xf32>
      %swap3A_840 = vector.shape_cast %add3A_835 : vector<16xf32> to vector<1x16xf32>
      tpu.vector_store %arg8[%swap3A_836, %swap3A_837], %swap3A_840 {strides = array<i32>} : memref<32x1024xf32, #tpu.memory_space<vmem>>, vector<1x16xf32>,
      %get3A_841 = arith.index_cast %scan3A_72 : i32 to index
      %get3A_842 = arith.constant 880 : index
      %get3A_843 = tpu.vector_load %arg8[%get3A_841, %get3A_842] {strides = array<i32>} : memref<32x1024xf32, #tpu.memory_space<vmem>>, vector<1x16xf32>,
      %get3A_844 = vector.shape_cast %get3A_843 : vector<1x16xf32> to vector<16xf32>
      %get3A_845 = arith.index_cast %scan3A_72 : i32 to index
      %get3A_846 = arith.constant 880 : index
      %get3A_847 = tpu.vector_load %arg9[%get3A_845, %get3A_846] {strides = array<i32>} : memref<32x1024xf32, #tpu.memory_space<vmem>>, vector<1x16xf32>,
      %get3A_848 = vector.shape_cast %get3A_847 : vector<1x16xf32> to vector<16xf32>
      %add3A_849 = arith.addf %get3A_844, %get3A_848 : vector<16xf32>
      %swap3A_850 = arith.index_cast %scan3A_72 : i32 to index
      %swap3A_851 = arith.constant 880 : index
      %swap3A_852 = tpu.vector_load %arg8[%swap3A_850, %swap3A_851] {strides = array<i32>} : memref<32x1024xf32, #tpu.memory_space<vmem>>, vector<1x16xf32>,
      %swap3A_853 = vector.shape_cast %swap3A_852 : vector<1x16xf32> to vector<16xf32>
      %swap3A_854 = vector.shape_cast %add3A_849 : vector<16xf32> to vector<1x16xf32>
      tpu.vector_store %arg8[%swap3A_850, %swap3A_851], %swap3A_854 {strides = array<i32>} : memref<32x1024xf32, #tpu.memory_space<vmem>>, vector<1x16xf32>,
      %get3A_855 = arith.index_cast %scan3A_72 : i32 to index
      %get3A_856 = arith.constant 896 : index
      %get3A_857 = tpu.vector_load %arg8[%get3A_855, %get3A_856] {strides = array<i32>} : memref<32x1024xf32, #tpu.memory_space<vmem>>, vector<1x16xf32>,
      %get3A_858 = vector.shape_cast %get3A_857 : vector<1x16xf32> to vector<16xf32>
      %get3A_859 = arith.index_cast %scan3A_72 : i32 to index
      %get3A_860 = arith.constant 896 : index
      %get3A_861 = tpu.vector_load %arg9[%get3A_859, %get3A_860] {strides = array<i32>} : memref<32x1024xf32, #tpu.memory_space<vmem>>, vector<1x16xf32>,
      %get3A_862 = vector.shape_cast %get3A_861 : vector<1x16xf32> to vector<16xf32>
      %add3A_863 = arith.addf %get3A_858, %get3A_862 : vector<16xf32>
      %swap3A_864 = arith.index_cast %scan3A_72 : i32 to index
      %swap3A_865 = arith.constant 896 : index
      %swap3A_866 = tpu.vector_load %arg8[%swap3A_864, %swap3A_865] {strides = array<i32>} : memref<32x1024xf32, #tpu.memory_space<vmem>>, vector<1x16xf32>,
      %swap3A_867 = vector.shape_cast %swap3A_866 : vector<1x16xf32> to vector<16xf32>
      %swap3A_868 = vector.shape_cast %add3A_863 : vector<16xf32> to vector<1x16xf32>
      tpu.vector_store %arg8[%swap3A_864, %swap3A_865], %swap3A_868 {strides = array<i32>} : memref<32x1024xf32, #tpu.memory_space<vmem>>, vector<1x16xf32>,
      %get3A_869 = arith.index_cast %scan3A_72 : i32 to index
      %get3A_870 = arith.constant 912 : index
      %get3A_871 = tpu.vector_load %arg8[%get3A_869, %get3A_870] {strides = array<i32>} : memref<32x1024xf32, #tpu.memory_space<vmem>>, vector<1x16xf32>,
      %get3A_872 = vector.shape_cast %get3A_871 : vector<1x16xf32> to vector<16xf32>
      %get3A_873 = arith.index_cast %scan3A_72 : i32 to index
      %get3A_874 = arith.constant 912 : index
      %get3A_875 = tpu.vector_load %arg9[%get3A_873, %get3A_874] {strides = array<i32>} : memref<32x1024xf32, #tpu.memory_space<vmem>>, vector<1x16xf32>,
      %get3A_876 = vector.shape_cast %get3A_875 : vector<1x16xf32> to vector<16xf32>
      %add3A_877 = arith.addf %get3A_872, %get3A_876 : vector<16xf32>
      %swap3A_878 = arith.index_cast %scan3A_72 : i32 to index
      %swap3A_879 = arith.constant 912 : index
      %swap3A_880 = tpu.vector_load %arg8[%swap3A_878, %swap3A_879] {strides = array<i32>} : memref<32x1024xf32, #tpu.memory_space<vmem>>, vector<1x16xf32>,
      %swap3A_881 = vector.shape_cast %swap3A_880 : vector<1x16xf32> to vector<16xf32>
      %swap3A_882 = vector.shape_cast %add3A_877 : vector<16xf32> to vector<1x16xf32>
      tpu.vector_store %arg8[%swap3A_878, %swap3A_879], %swap3A_882 {strides = array<i32>} : memref<32x1024xf32, #tpu.memory_space<vmem>>, vector<1x16xf32>,
      %get3A_883 = arith.index_cast %scan3A_72 : i32 to index
      %get3A_884 = arith.constant 928 : index
      %get3A_885 = tpu.vector_load %arg8[%get3A_883, %get3A_884] {strides = array<i32>} : memref<32x1024xf32, #tpu.memory_space<vmem>>, vector<1x16xf32>,
      %get3A_886 = vector.shape_cast %get3A_885 : vector<1x16xf32> to vector<16xf32>
      %get3A_887 = arith.index_cast %scan3A_72 : i32 to index
      %get3A_888 = arith.constant 928 : index
      %get3A_889 = tpu.vector_load %arg9[%get3A_887, %get3A_888] {strides = array<i32>} : memref<32x1024xf32, #tpu.memory_space<vmem>>, vector<1x16xf32>,
      %get3A_890 = vector.shape_cast %get3A_889 : vector<1x16xf32> to vector<16xf32>
      %add3A_891 = arith.addf %get3A_886, %get3A_890 : vector<16xf32>
      %swap3A_892 = arith.index_cast %scan3A_72 : i32 to index
      %swap3A_893 = arith.constant 928 : index
      %swap3A_894 = tpu.vector_load %arg8[%swap3A_892, %swap3A_893] {strides = array<i32>} : memref<32x1024xf32, #tpu.memory_space<vmem>>, vector<1x16xf32>,
      %swap3A_895 = vector.shape_cast %swap3A_894 : vector<1x16xf32> to vector<16xf32>
      %swap3A_896 = vector.shape_cast %add3A_891 : vector<16xf32> to vector<1x16xf32>
      tpu.vector_store %arg8[%swap3A_892, %swap3A_893], %swap3A_896 {strides = array<i32>} : memref<32x1024xf32, #tpu.memory_space<vmem>>, vector<1x16xf32>,
      %get3A_897 = arith.index_cast %scan3A_72 : i32 to index
      %get3A_898 = arith.constant 944 : index
      %get3A_899 = tpu.vector_load %arg8[%get3A_897, %get3A_898] {strides = array<i32>} : memref<32x1024xf32, #tpu.memory_space<vmem>>, vector<1x16xf32>,
      %get3A_900 = vector.shape_cast %get3A_899 : vector<1x16xf32> to vector<16xf32>
      %get3A_901 = arith.index_cast %scan3A_72 : i32 to index
      %get3A_902 = arith.constant 944 : index
      %get3A_903 = tpu.vector_load %arg9[%get3A_901, %get3A_902] {strides = array<i32>} : memref<32x1024xf32, #tpu.memory_space<vmem>>, vector<1x16xf32>,
      %get3A_904 = vector.shape_cast %get3A_903 : vector<1x16xf32> to vector<16xf32>
      %add3A_905 = arith.addf %get3A_900, %get3A_904 : vector<16xf32>
      %swap3A_906 = arith.index_cast %scan3A_72 : i32 to index
      %swap3A_907 = arith.constant 944 : index
      %swap3A_908 = tpu.vector_load %arg8[%swap3A_906, %swap3A_907] {strides = array<i32>} : memref<32x1024xf32, #tpu.memory_space<vmem>>, vector<1x16xf32>,
      %swap3A_909 = vector.shape_cast %swap3A_908 : vector<1x16xf32> to vector<16xf32>
      %swap3A_910 = vector.shape_cast %add3A_905 : vector<16xf32> to vector<1x16xf32>
      tpu.vector_store %arg8[%swap3A_906, %swap3A_907], %swap3A_910 {strides = array<i32>} : memref<32x1024xf32, #tpu.memory_space<vmem>>, vector<1x16xf32>,
      %get3A_911 = arith.index_cast %scan3A_72 : i32 to index
      %get3A_912 = arith.constant 960 : index
      %get3A_913 = tpu.vector_load %arg8[%get3A_911, %get3A_912] {strides = array<i32>} : memref<32x1024xf32, #tpu.memory_space<vmem>>, vector<1x16xf32>,
      %get3A_914 = vector.shape_cast %get3A_913 : vector<1x16xf32> to vector<16xf32>
      %get3A_915 = arith.index_cast %scan3A_72 : i32 to index
      %get3A_916 = arith.constant 960 : index
      %get3A_917 = tpu.vector_load %arg9[%get3A_915, %get3A_916] {strides = array<i32>} : memref<32x1024xf32, #tpu.memory_space<vmem>>, vector<1x16xf32>,
      %get3A_918 = vector.shape_cast %get3A_917 : vector<1x16xf32> to vector<16xf32>
      %add3A_919 = arith.addf %get3A_914, %get3A_918 : vector<16xf32>
      %swap3A_920 = arith.index_cast %scan3A_72 : i32 to index
      %swap3A_921 = arith.constant 960 : index
      %swap3A_922 = tpu.vector_load %arg8[%swap3A_920, %swap3A_921] {strides = array<i32>} : memref<32x1024xf32, #tpu.memory_space<vmem>>, vector<1x16xf32>,
      %swap3A_923 = vector.shape_cast %swap3A_922 : vector<1x16xf32> to vector<16xf32>
      %swap3A_924 = vector.shape_cast %add3A_919 : vector<16xf32> to vector<1x16xf32>
      tpu.vector_store %arg8[%swap3A_920, %swap3A_921], %swap3A_924 {strides = array<i32>} : memref<32x1024xf32, #tpu.memory_space<vmem>>, vector<1x16xf32>,
      %get3A_925 = arith.index_cast %scan3A_72 : i32 to index
      %get3A_926 = arith.constant 976 : index
      %get3A_927 = tpu.vector_load %arg8[%get3A_925, %get3A_926] {strides = array<i32>} : memref<32x1024xf32, #tpu.memory_space<vmem>>, vector<1x16xf32>,
      %get3A_928 = vector.shape_cast %get3A_927 : vector<1x16xf32> to vector<16xf32>
      %get3A_929 = arith.index_cast %scan3A_72 : i32 to index
      %get3A_930 = arith.constant 976 : index
      %get3A_931 = tpu.vector_load %arg9[%get3A_929, %get3A_930] {strides = array<i32>} : memref<32x1024xf32, #tpu.memory_space<vmem>>, vector<1x16xf32>,
      %get3A_932 = vector.shape_cast %get3A_931 : vector<1x16xf32> to vector<16xf32>
      %add3A_933 = arith.addf %get3A_928, %get3A_932 : vector<16xf32>
      %swap3A_934 = arith.index_cast %scan3A_72 : i32 to index
      %swap3A_935 = arith.constant 976 : index
      %swap3A_936 = tpu.vector_load %arg8[%swap3A_934, %swap3A_935] {strides = array<i32>} : memref<32x1024xf32, #tpu.memory_space<vmem>>, vector<1x16xf32>,
      %swap3A_937 = vector.shape_cast %swap3A_936 : vector<1x16xf32> to vector<16xf32>
      %swap3A_938 = vector.shape_cast %add3A_933 : vector<16xf32> to vector<1x16xf32>
      tpu.vector_store %arg8[%swap3A_934, %swap3A_935], %swap3A_938 {strides = array<i32>} : memref<32x1024xf32, #tpu.memory_space<vmem>>, vector<1x16xf32>,
      %get3A_939 = arith.index_cast %scan3A_72 : i32 to index
      %get3A_940 = arith.constant 992 : index
      %get3A_941 = tpu.vector_load %arg8[%get3A_939, %get3A_940] {strides = array<i32>} : memref<32x1024xf32, #tpu.memory_space<vmem>>, vector<1x16xf32>,
      %get3A_942 = vector.shape_cast %get3A_941 : vector<1x16xf32> to vector<16xf32>
      %get3A_943 = arith.index_cast %scan3A_72 : i32 to index
      %get3A_944 = arith.constant 992 : index
      %get3A_945 = tpu.vector_load %arg9[%get3A_943, %get3A_944] {strides = array<i32>} : memref<32x1024xf32, #tpu.memory_space<vmem>>, vector<1x16xf32>,
      %get3A_946 = vector.shape_cast %get3A_945 : vector<1x16xf32> to vector<16xf32>
      %add3A_947 = arith.addf %get3A_942, %get3A_946 : vector<16xf32>
      %swap3A_948 = arith.index_cast %scan3A_72 : i32 to index
      %swap3A_949 = arith.constant 992 : index
      %swap3A_950 = tpu.vector_load %arg8[%swap3A_948, %swap3A_949] {strides = array<i32>} : memref<32x1024xf32, #tpu.memory_space<vmem>>, vector<1x16xf32>,
      %swap3A_951 = vector.shape_cast %swap3A_950 : vector<1x16xf32> to vector<16xf32>
      %swap3A_952 = vector.shape_cast %add3A_947 : vector<16xf32> to vector<1x16xf32>
      tpu.vector_store %arg8[%swap3A_948, %swap3A_949], %swap3A_952 {strides = array<i32>} : memref<32x1024xf32, #tpu.memory_space<vmem>>, vector<1x16xf32>,
      %get3A_953 = arith.index_cast %scan3A_72 : i32 to index
      %get3A_954 = arith.constant 1008 : index
      %get3A_955 = tpu.vector_load %arg8[%get3A_953, %get3A_954] {strides = array<i32>} : memref<32x1024xf32, #tpu.memory_space<vmem>>, vector<1x16xf32>,
      %get3A_956 = vector.shape_cast %get3A_955 : vector<1x16xf32> to vector<16xf32>
      %get3A_957 = arith.index_cast %scan3A_72 : i32 to index
      %get3A_958 = arith.constant 1008 : index
      %get3A_959 = tpu.vector_load %arg9[%get3A_957, %get3A_958] {strides = array<i32>} : memref<32x1024xf32, #tpu.memory_space<vmem>>, vector<1x16xf32>,
      %get3A_960 = vector.shape_cast %get3A_959 : vector<1x16xf32> to vector<16xf32>
      %add3A_961 = arith.addf %get3A_956, %get3A_960 : vector<16xf32>
      %swap3A_962 = arith.index_cast %scan3A_72 : i32 to index
      %swap3A_963 = arith.constant 1008 : index
      %swap3A_964 = tpu.vector_load %arg8[%swap3A_962, %swap3A_963] {strides = array<i32>} : memref<32x1024xf32, #tpu.memory_space<vmem>>, vector<1x16xf32>,
      %swap3A_965 = vector.shape_cast %swap3A_964 : vector<1x16xf32> to vector<16xf32>
      %swap3A_966 = vector.shape_cast %add3A_961 : vector<16xf32> to vector<1x16xf32>
      tpu.vector_store %arg8[%swap3A_962, %swap3A_963], %swap3A_966 {strides = array<i32>} : memref<32x1024xf32, #tpu.memory_space<vmem>>, vector<1x16xf32>,
    }
    %scan3A_27 = arith.constant 32 : i32
    %dma_start3A_28 = arith.constant 0 : i32
    %dma_start3A_29 = tpu.memref_slice %arg5[%add3A_4, %dma_start3A_28] : memref<2048x1024xf32, #tpu.memory_space<hbm>> -> memref<32x1024xf32, #tpu.memory_space<hbm>>
    %dma_start3A_30 = arith.constant 0 : i32
    %dma_start3A_31 = tpu.memref_slice %arg5[%add3A_4, %dma_start3A_30] : memref<2048x1024xf32, #tpu.memory_space<hbm>> -> memref<32x1024xf32, #tpu.memory_space<hbm>>
    tpu.enqueue_dma source(%arg8 : memref<32x1024xf32, #tpu.memory_space<vmem>>) target(%dma_start3A_31 : memref<32x1024xf32, #tpu.memory_space<hbm>>) target_semaphore(%arg12 : memref<!tpu.dma_semaphore, #tpu.memory_space<semaphore_mem>>)
    %add3A_32 = arith.constant 32 : i32
    %add3A_33 = arith.addi %mul3A_2, %add3A_32 : i32
    %dma_wait3A_34 = arith.constant 0 : i32
    %dma_wait3A_35 = tpu.memref_slice %arg5[%add3A_4, %dma_wait3A_34] : memref<2048x1024xf32, #tpu.memory_space<hbm>> -> memref<32x1024xf32, #tpu.memory_space<hbm>>
    %dma_wait3A_36 = arith.constant 0 : i32
    %dma_wait3A_37 = tpu.memref_slice %arg5[%add3A_4, %dma_wait3A_36] : memref<2048x1024xf32, #tpu.memory_space<hbm>> -> memref<32x1024xf32, #tpu.memory_space<hbm>>
    tpu.wait_dma2 semaphore(%arg12 : memref<!tpu.dma_semaphore, #tpu.memory_space<semaphore_mem>>) src(%arg8 : memref<32x1024xf32, #tpu.memory_space<vmem>>) dst(%dma_wait3A_37 : memref<32x1024xf32, #tpu.memory_space<hbm>>)
    %dma_start3A_38 = arith.constant 32 : i32
    %dma_start3A_39 = tpu.memref_slice %arg6[%dma_start3A_38] : memref<64xi32, #tpu.memory_space<vmem>> -> memref<32xi32, #tpu.memory_space<vmem>>
    %dma_start3A_40 = arith.constant 0 : i32
    %dma_start3A_41 = arith.constant 0 : i32
    %dma_start3A_42 = tpu.memref_slice %arg2[%dma_start3A_40, %dma_start3A_41] : memref<6144x1024xf32, #tpu.memory_space<hbm>> -> memref<6144x1024xf32, #tpu.memory_space<hbm>>
    tpu.enqueue_indirect_dma source(%dma_start3A_42 : memref<6144x1024xf32, #tpu.memory_space<hbm>>) target(%arg8 : memref<32x1024xf32, #tpu.memory_space<vmem>>) offsets(%dma_start3A_39 : memref<32xi32, #tpu.memory_space<vmem>>) semaphore(%arg10 : memref<!tpu.dma_semaphore, #tpu.memory_space<semaphore_mem>>)
    %dma_start3A_43 = arith.constant 32 : i32
    %dma_start3A_44 = tpu.memref_slice %arg7[%dma_start3A_43] : memref<64xi32, #tpu.memory_space<vmem>> -> memref<32xi32, #tpu.memory_space<vmem>>
    %dma_start3A_45 = arith.constant 0 : i32
    %dma_start3A_46 = arith.constant 0 : i32
    %dma_start3A_47 = tpu.memref_slice %arg2[%dma_start3A_45, %dma_start3A_46] : memref<6144x1024xf32, #tpu.memory_space<hbm>> -> memref<6144x1024xf32, #tpu.memory_space<hbm>>
    tpu.enqueue_indirect_dma source(%dma_start3A_47 : memref<6144x1024xf32, #tpu.memory_space<hbm>>) target(%arg9 : memref<32x1024xf32, #tpu.memory_space<vmem>>) offsets(%dma_start3A_44 : memref<32xi32, #tpu.memory_space<vmem>>) semaphore(%arg11 : memref<!tpu.dma_semaphore, #tpu.memory_space<semaphore_mem>>)
    %dma_wait3A_48 = arith.constant 32 : i32
    %dma_wait3A_49 = tpu.memref_slice %arg6[%dma_wait3A_48] : memref<64xi32, #tpu.memory_space<vmem>> -> memref<32xi32, #tpu.memory_space<vmem>>
    %dma_wait3A_50 = arith.constant 0 : i32
    %dma_wait3A_51 = arith.constant 0 : i32
    %dma_wait3A_52 = tpu.memref_slice %arg2[%dma_wait3A_50, %dma_wait3A_51] : memref<6144x1024xf32, #tpu.memory_space<hbm>> -> memref<6144x1024xf32, #tpu.memory_space<hbm>>
    tpu.wait_indirect_dma semaphore(%arg10 : memref<!tpu.dma_semaphore, #tpu.memory_space<semaphore_mem>>) src(%dma_wait3A_52 : memref<6144x1024xf32, #tpu.memory_space<hbm>>) dst(%arg8 : memref<32x1024xf32, #tpu.memory_space<vmem>>)
    %dma_wait3A_53 = arith.constant 32 : i32
    %dma_wait3A_54 = tpu.memref_slice %arg7[%dma_wait3A_53] : memref<64xi32, #tpu.memory_space<vmem>> -> memref<32xi32, #tpu.memory_space<vmem>>
    %dma_wait3A_55 = arith.constant 0 : i32
    %dma_wait3A_56 = arith.constant 0 : i32
    %dma_wait3A_57 = tpu.memref_slice %arg2[%dma_wait3A_55, %dma_wait3A_56] : memref<6144x1024xf32, #tpu.memory_space<hbm>> -> memref<6144x1024xf32, #tpu.memory_space<hbm>>
    tpu.wait_indirect_dma semaphore(%arg11 : memref<!tpu.dma_semaphore, #tpu.memory_space<semaphore_mem>>) src(%dma_wait3A_57 : memref<6144x1024xf32, #tpu.memory_space<hbm>>) dst(%arg9 : memref<32x1024xf32, #tpu.memory_space<vmem>>)
    %scan3A_58 = arith.constant 0 : i32
    %scan3A_59 = arith.constant 0 : i32
    %scan3A_60 = arith.constant 32 : i32
    %scan3A_61 = arith.addi %scan3A_59, %scan3A_60 : i32
    %scan3A_62 = arith.constant 1 : i32
    scf.for %scan3A_72 = %scan3A_59 to %scan3A_61 step %scan3A_62  : i32 {
      %get3A = arith.index_cast %scan3A_72 : i32 to index
      %get3A_73 = arith.constant 0 : index
      %get3A_74 = tpu.vector_load %arg8[%get3A, %get3A_73] {strides = array<i32>} : memref<32x1024xf32, #tpu.memory_space<vmem>>, vector<1x16xf32>,
      %get3A_75 = vector.shape_cast %get3A_74 : vector<1x16xf32> to vector<16xf32>
      %get3A_76 = arith.index_cast %scan3A_72 : i32 to index
      %get3A_77 = arith.constant 0 : index
      %get3A_78 = tpu.vector_load %arg9[%get3A_76, %get3A_77] {strides = array<i32>} : memref<32x1024xf32, #tpu.memory_space<vmem>>, vector<1x16xf32>,
      %get3A_79 = vector.shape_cast %get3A_78 : vector<1x16xf32> to vector<16xf32>
      %add3A_80 = arith.addf %get3A_75, %get3A_79 : vector<16xf32>
      %swap3A = arith.index_cast %scan3A_72 : i32 to index
      %swap3A_81 = arith.constant 0 : index
      %swap3A_82 = tpu.vector_load %arg8[%swap3A, %swap3A_81] {strides = array<i32>} : memref<32x1024xf32, #tpu.memory_space<vmem>>, vector<1x16xf32>,
      %swap3A_83 = vector.shape_cast %swap3A_82 : vector<1x16xf32> to vector<16xf32>
      %swap3A_84 = vector.shape_cast %add3A_80 : vector<16xf32> to vector<1x16xf32>
      tpu.vector_store %arg8[%swap3A, %swap3A_81], %swap3A_84 {strides = array<i32>} : memref<32x1024xf32, #tpu.memory_space<vmem>>, vector<1x16xf32>,
      %get3A_85 = arith.index_cast %scan3A_72 : i32 to index
      %get3A_86 = arith.constant 16 : index
      %get3A_87 = tpu.vector_load %arg8[%get3A_85, %get3A_86] {strides = array<i32>} : memref<32x1024xf32, #tpu.memory_space<vmem>>, vector<1x16xf32>,
      %get3A_88 = vector.shape_cast %get3A_87 : vector<1x16xf32> to vector<16xf32>
      %get3A_89 = arith.index_cast %scan3A_72 : i32 to index
      %get3A_90 = arith.constant 16 : index
      %get3A_91 = tpu.vector_load %arg9[%get3A_89, %get3A_90] {strides = array<i32>} : memref<32x1024xf32, #tpu.memory_space<vmem>>, vector<1x16xf32>,
      %get3A_92 = vector.shape_cast %get3A_91 : vector<1x16xf32> to vector<16xf32>
      %add3A_93 = arith.addf %get3A_88, %get3A_92 : vector<16xf32>
      %swap3A_94 = arith.index_cast %scan3A_72 : i32 to index
      %swap3A_95 = arith.constant 16 : index
      %swap3A_96 = tpu.vector_load %arg8[%swap3A_94, %swap3A_95] {strides = array<i32>} : memref<32x1024xf32, #tpu.memory_space<vmem>>, vector<1x16xf32>,
      %swap3A_97 = vector.shape_cast %swap3A_96 : vector<1x16xf32> to vector<16xf32>
      %swap3A_98 = vector.shape_cast %add3A_93 : vector<16xf32> to vector<1x16xf32>
      tpu.vector_store %arg8[%swap3A_94, %swap3A_95], %swap3A_98 {strides = array<i32>} : memref<32x1024xf32, #tpu.memory_space<vmem>>, vector<1x16xf32>,
      %get3A_99 = arith.index_cast %scan3A_72 : i32 to index
      %get3A_100 = arith.constant 32 : index
      %get3A_101 = tpu.vector_load %arg8[%get3A_99, %get3A_100] {strides = array<i32>} : memref<32x1024xf32, #tpu.memory_space<vmem>>, vector<1x16xf32>,
      %get3A_102 = vector.shape_cast %get3A_101 : vector<1x16xf32> to vector<16xf32>
      %get3A_103 = arith.index_cast %scan3A_72 : i32 to index
      %get3A_104 = arith.constant 32 : index
      %get3A_105 = tpu.vector_load %arg9[%get3A_103, %get3A_104] {strides = array<i32>} : memref<32x1024xf32, #tpu.memory_space<vmem>>, vector<1x16xf32>,
      %get3A_106 = vector.shape_cast %get3A_105 : vector<1x16xf32> to vector<16xf32>
      %add3A_107 = arith.addf %get3A_102, %get3A_106 : vector<16xf32>
      %swap3A_108 = arith.index_cast %scan3A_72 : i32 to index
      %swap3A_109 = arith.constant 32 : index
      %swap3A_110 = tpu.vector_load %arg8[%swap3A_108, %swap3A_109] {strides = array<i32>} : memref<32x1024xf32, #tpu.memory_space<vmem>>, vector<1x16xf32>,
      %swap3A_111 = vector.shape_cast %swap3A_110 : vector<1x16xf32> to vector<16xf32>
      %swap3A_112 = vector.shape_cast %add3A_107 : vector<16xf32> to vector<1x16xf32>
      tpu.vector_store %arg8[%swap3A_108, %swap3A_109], %swap3A_112 {strides = array<i32>} : memref<32x1024xf32, #tpu.memory_space<vmem>>, vector<1x16xf32>,
      %get3A_113 = arith.index_cast %scan3A_72 : i32 to index
      %get3A_114 = arith.constant 48 : index
      %get3A_115 = tpu.vector_load %arg8[%get3A_113, %get3A_114] {strides = array<i32>} : memref<32x1024xf32, #tpu.memory_space<vmem>>, vector<1x16xf32>,
      %get3A_116 = vector.shape_cast %get3A_115 : vector<1x16xf32> to vector<16xf32>
      %get3A_117 = arith.index_cast %scan3A_72 : i32 to index
      %get3A_118 = arith.constant 48 : index
      %get3A_119 = tpu.vector_load %arg9[%get3A_117, %get3A_118] {strides = array<i32>} : memref<32x1024xf32, #tpu.memory_space<vmem>>, vector<1x16xf32>,
      %get3A_120 = vector.shape_cast %get3A_119 : vector<1x16xf32> to vector<16xf32>
      %add3A_121 = arith.addf %get3A_116, %get3A_120 : vector<16xf32>
      %swap3A_122 = arith.index_cast %scan3A_72 : i32 to index
      %swap3A_123 = arith.constant 48 : index
      %swap3A_124 = tpu.vector_load %arg8[%swap3A_122, %swap3A_123] {strides = array<i32>} : memref<32x1024xf32, #tpu.memory_space<vmem>>, vector<1x16xf32>,
      %swap3A_125 = vector.shape_cast %swap3A_124 : vector<1x16xf32> to vector<16xf32>
      %swap3A_126 = vector.shape_cast %add3A_121 : vector<16xf32> to vector<1x16xf32>
      tpu.vector_store %arg8[%swap3A_122, %swap3A_123], %swap3A_126 {strides = array<i32>} : memref<32x1024xf32, #tpu.memory_space<vmem>>, vector<1x16xf32>,
      %get3A_127 = arith.index_cast %scan3A_72 : i32 to index
      %get3A_128 = arith.constant 64 : index
      %get3A_129 = tpu.vector_load %arg8[%get3A_127, %get3A_128] {strides = array<i32>} : memref<32x1024xf32, #tpu.memory_space<vmem>>, vector<1x16xf32>,
      %get3A_130 = vector.shape_cast %get3A_129 : vector<1x16xf32> to vector<16xf32>
      %get3A_131 = arith.index_cast %scan3A_72 : i32 to index
      %get3A_132 = arith.constant 64 : index
      %get3A_133 = tpu.vector_load %arg9[%get3A_131, %get3A_132] {strides = array<i32>} : memref<32x1024xf32, #tpu.memory_space<vmem>>, vector<1x16xf32>,
      %get3A_134 = vector.shape_cast %get3A_133 : vector<1x16xf32> to vector<16xf32>
      %add3A_135 = arith.addf %get3A_130, %get3A_134 : vector<16xf32>
      %swap3A_136 = arith.index_cast %scan3A_72 : i32 to index
      %swap3A_137 = arith.constant 64 : index
      %swap3A_138 = tpu.vector_load %arg8[%swap3A_136, %swap3A_137] {strides = array<i32>} : memref<32x1024xf32, #tpu.memory_space<vmem>>, vector<1x16xf32>,
      %swap3A_139 = vector.shape_cast %swap3A_138 : vector<1x16xf32> to vector<16xf32>
      %swap3A_140 = vector.shape_cast %add3A_135 : vector<16xf32> to vector<1x16xf32>
      tpu.vector_store %arg8[%swap3A_136, %swap3A_137], %swap3A_140 {strides = array<i32>} : memref<32x1024xf32, #tpu.memory_space<vmem>>, vector<1x16xf32>,
      %get3A_141 = arith.index_cast %scan3A_72 : i32 to index
      %get3A_142 = arith.constant 80 : index
      %get3A_143 = tpu.vector_load %arg8[%get3A_141, %get3A_142] {strides = array<i32>} : memref<32x1024xf32, #tpu.memory_space<vmem>>, vector<1x16xf32>,
      %get3A_144 = vector.shape_cast %get3A_143 : vector<1x16xf32> to vector<16xf32>
      %get3A_145 = arith.index_cast %scan3A_72 : i32 to index
      %get3A_146 = arith.constant 80 : index
      %get3A_147 = tpu.vector_load %arg9[%get3A_145, %get3A_146] {strides = array<i32>} : memref<32x1024xf32, #tpu.memory_space<vmem>>, vector<1x16xf32>,
      %get3A_148 = vector.shape_cast %get3A_147 : vector<1x16xf32> to vector<16xf32>
      %add3A_149 = arith.addf %get3A_144, %get3A_148 : vector<16xf32>
      %swap3A_150 = arith.index_cast %scan3A_72 : i32 to index
      %swap3A_151 = arith.constant 80 : index
      %swap3A_152 = tpu.vector_load %arg8[%swap3A_150, %swap3A_151] {strides = array<i32>} : memref<32x1024xf32, #tpu.memory_space<vmem>>, vector<1x16xf32>,
      %swap3A_153 = vector.shape_cast %swap3A_152 : vector<1x16xf32> to vector<16xf32>
      %swap3A_154 = vector.shape_cast %add3A_149 : vector<16xf32> to vector<1x16xf32>
      tpu.vector_store %arg8[%swap3A_150, %swap3A_151], %swap3A_154 {strides = array<i32>} : memref<32x1024xf32, #tpu.memory_space<vmem>>, vector<1x16xf32>,
      %get3A_155 = arith.index_cast %scan3A_72 : i32 to index
      %get3A_156 = arith.constant 96 : index
      %get3A_157 = tpu.vector_load %arg8[%get3A_155, %get3A_156] {strides = array<i32>} : memref<32x1024xf32, #tpu.memory_space<vmem>>, vector<1x16xf32>,
      %get3A_158 = vector.shape_cast %get3A_157 : vector<1x16xf32> to vector<16xf32>
      %get3A_159 = arith.index_cast %scan3A_72 : i32 to index
      %get3A_160 = arith.constant 96 : index
      %get3A_161 = tpu.vector_load %arg9[%get3A_159, %get3A_160] {strides = array<i32>} : memref<32x1024xf32, #tpu.memory_space<vmem>>, vector<1x16xf32>,
      %get3A_162 = vector.shape_cast %get3A_161 : vector<1x16xf32> to vector<16xf32>
      %add3A_163 = arith.addf %get3A_158, %get3A_162 : vector<16xf32>
      %swap3A_164 = arith.index_cast %scan3A_72 : i32 to index
      %swap3A_165 = arith.constant 96 : index
      %swap3A_166 = tpu.vector_load %arg8[%swap3A_164, %swap3A_165] {strides = array<i32>} : memref<32x1024xf32, #tpu.memory_space<vmem>>, vector<1x16xf32>,
      %swap3A_167 = vector.shape_cast %swap3A_166 : vector<1x16xf32> to vector<16xf32>
      %swap3A_168 = vector.shape_cast %add3A_163 : vector<16xf32> to vector<1x16xf32>
      tpu.vector_store %arg8[%swap3A_164, %swap3A_165], %swap3A_168 {strides = array<i32>} : memref<32x1024xf32, #tpu.memory_space<vmem>>, vector<1x16xf32>,
      %get3A_169 = arith.index_cast %scan3A_72 : i32 to index
      %get3A_170 = arith.constant 112 : index
      %get3A_171 = tpu.vector_load %arg8[%get3A_169, %get3A_170] {strides = array<i32>} : memref<32x1024xf32, #tpu.memory_space<vmem>>, vector<1x16xf32>,
      %get3A_172 = vector.shape_cast %get3A_171 : vector<1x16xf32> to vector<16xf32>
      %get3A_173 = arith.index_cast %scan3A_72 : i32 to index
      %get3A_174 = arith.constant 112 : index
      %get3A_175 = tpu.vector_load %arg9[%get3A_173, %get3A_174] {strides = array<i32>} : memref<32x1024xf32, #tpu.memory_space<vmem>>, vector<1x16xf32>,
      %get3A_176 = vector.shape_cast %get3A_175 : vector<1x16xf32> to vector<16xf32>
      %add3A_177 = arith.addf %get3A_172, %get3A_176 : vector<16xf32>
      %swap3A_178 = arith.index_cast %scan3A_72 : i32 to index
      %swap3A_179 = arith.constant 112 : index
      %swap3A_180 = tpu.vector_load %arg8[%swap3A_178, %swap3A_179] {strides = array<i32>} : memref<32x1024xf32, #tpu.memory_space<vmem>>, vector<1x16xf32>,
      %swap3A_181 = vector.shape_cast %swap3A_180 : vector<1x16xf32> to vector<16xf32>
      %swap3A_182 = vector.shape_cast %add3A_177 : vector<16xf32> to vector<1x16xf32>
      tpu.vector_store %arg8[%swap3A_178, %swap3A_179], %swap3A_182 {strides = array<i32>} : memref<32x1024xf32, #tpu.memory_space<vmem>>, vector<1x16xf32>,
      %get3A_183 = arith.index_cast %scan3A_72 : i32 to index
      %get3A_184 = arith.constant 128 : index
      %get3A_185 = tpu.vector_load %arg8[%get3A_183, %get3A_184] {strides = array<i32>} : memref<32x1024xf32, #tpu.memory_space<vmem>>, vector<1x16xf32>,
      %get3A_186 = vector.shape_cast %get3A_185 : vector<1x16xf32> to vector<16xf32>
      %get3A_187 = arith.index_cast %scan3A_72 : i32 to index
      %get3A_188 = arith.constant 128 : index
      %get3A_189 = tpu.vector_load %arg9[%get3A_187, %get3A_188] {strides = array<i32>} : memref<32x1024xf32, #tpu.memory_space<vmem>>, vector<1x16xf32>,
      %get3A_190 = vector.shape_cast %get3A_189 : vector<1x16xf32> to vector<16xf32>
      %add3A_191 = arith.addf %get3A_186, %get3A_190 : vector<16xf32>
      %swap3A_192 = arith.index_cast %scan3A_72 : i32 to index
      %swap3A_193 = arith.constant 128 : index
      %swap3A_194 = tpu.vector_load %arg8[%swap3A_192, %swap3A_193] {strides = array<i32>} : memref<32x1024xf32, #tpu.memory_space<vmem>>, vector<1x16xf32>,
      %swap3A_195 = vector.shape_cast %swap3A_194 : vector<1x16xf32> to vector<16xf32>
      %swap3A_196 = vector.shape_cast %add3A_191 : vector<16xf32> to vector<1x16xf32>
      tpu.vector_store %arg8[%swap3A_192, %swap3A_193], %swap3A_196 {strides = array<i32>} : memref<32x1024xf32, #tpu.memory_space<vmem>>, vector<1x16xf32>,
      %get3A_197 = arith.index_cast %scan3A_72 : i32 to index
      %get3A_198 = arith.constant 144 : index
      %get3A_199 = tpu.vector_load %arg8[%get3A_197, %get3A_198] {strides = array<i32>} : memref<32x1024xf32, #tpu.memory_space<vmem>>, vector<1x16xf32>,
      %get3A_200 = vector.shape_cast %get3A_199 : vector<1x16xf32> to vector<16xf32>
      %get3A_201 = arith.index_cast %scan3A_72 : i32 to index
      %get3A_202 = arith.constant 144 : index
      %get3A_203 = tpu.vector_load %arg9[%get3A_201, %get3A_202] {strides = array<i32>} : memref<32x1024xf32, #tpu.memory_space<vmem>>, vector<1x16xf32>,
      %get3A_204 = vector.shape_cast %get3A_203 : vector<1x16xf32> to vector<16xf32>
      %add3A_205 = arith.addf %get3A_200, %get3A_204 : vector<16xf32>
      %swap3A_206 = arith.index_cast %scan3A_72 : i32 to index
      %swap3A_207 = arith.constant 144 : index
      %swap3A_208 = tpu.vector_load %arg8[%swap3A_206, %swap3A_207] {strides = array<i32>} : memref<32x1024xf32, #tpu.memory_space<vmem>>, vector<1x16xf32>,
      %swap3A_209 = vector.shape_cast %swap3A_208 : vector<1x16xf32> to vector<16xf32>
      %swap3A_210 = vector.shape_cast %add3A_205 : vector<16xf32> to vector<1x16xf32>
      tpu.vector_store %arg8[%swap3A_206, %swap3A_207], %swap3A_210 {strides = array<i32>} : memref<32x1024xf32, #tpu.memory_space<vmem>>, vector<1x16xf32>,
      %get3A_211 = arith.index_cast %scan3A_72 : i32 to index
      %get3A_212 = arith.constant 160 : index
      %get3A_213 = tpu.vector_load %arg8[%get3A_211, %get3A_212] {strides = array<i32>} : memref<32x1024xf32, #tpu.memory_space<vmem>>, vector<1x16xf32>,
      %get3A_214 = vector.shape_cast %get3A_213 : vector<1x16xf32> to vector<16xf32>
      %get3A_215 = arith.index_cast %scan3A_72 : i32 to index
      %get3A_216 = arith.constant 160 : index
      %get3A_217 = tpu.vector_load %arg9[%get3A_215, %get3A_216] {strides = array<i32>} : memref<32x1024xf32, #tpu.memory_space<vmem>>, vector<1x16xf32>,
      %get3A_218 = vector.shape_cast %get3A_217 : vector<1x16xf32> to vector<16xf32>
      %add3A_219 = arith.addf %get3A_214, %get3A_218 : vector<16xf32>
      %swap3A_220 = arith.index_cast %scan3A_72 : i32 to index
      %swap3A_221 = arith.constant 160 : index
      %swap3A_222 = tpu.vector_load %arg8[%swap3A_220, %swap3A_221] {strides = array<i32>} : memref<32x1024xf32, #tpu.memory_space<vmem>>, vector<1x16xf32>,
      %swap3A_223 = vector.shape_cast %swap3A_222 : vector<1x16xf32> to vector<16xf32>
      %swap3A_224 = vector.shape_cast %add3A_219 : vector<16xf32> to vector<1x16xf32>
      tpu.vector_store %arg8[%swap3A_220, %swap3A_221], %swap3A_224 {strides = array<i32>} : memref<32x1024xf32, #tpu.memory_space<vmem>>, vector<1x16xf32>,
      %get3A_225 = arith.index_cast %scan3A_72 : i32 to index
      %get3A_226 = arith.constant 176 : index
      %get3A_227 = tpu.vector_load %arg8[%get3A_225, %get3A_226] {strides = array<i32>} : memref<32x1024xf32, #tpu.memory_space<vmem>>, vector<1x16xf32>,
      %get3A_228 = vector.shape_cast %get3A_227 : vector<1x16xf32> to vector<16xf32>
      %get3A_229 = arith.index_cast %scan3A_72 : i32 to index
      %get3A_230 = arith.constant 176 : index
      %get3A_231 = tpu.vector_load %arg9[%get3A_229, %get3A_230] {strides = array<i32>} : memref<32x1024xf32, #tpu.memory_space<vmem>>, vector<1x16xf32>,
      %get3A_232 = vector.shape_cast %get3A_231 : vector<1x16xf32> to vector<16xf32>
      %add3A_233 = arith.addf %get3A_228, %get3A_232 : vector<16xf32>
      %swap3A_234 = arith.index_cast %scan3A_72 : i32 to index
      %swap3A_235 = arith.constant 176 : index
      %swap3A_236 = tpu.vector_load %arg8[%swap3A_234, %swap3A_235] {strides = array<i32>} : memref<32x1024xf32, #tpu.memory_space<vmem>>, vector<1x16xf32>,
      %swap3A_237 = vector.shape_cast %swap3A_236 : vector<1x16xf32> to vector<16xf32>
      %swap3A_238 = vector.shape_cast %add3A_233 : vector<16xf32> to vector<1x16xf32>
      tpu.vector_store %arg8[%swap3A_234, %swap3A_235], %swap3A_238 {strides = array<i32>} : memref<32x1024xf32, #tpu.memory_space<vmem>>, vector<1x16xf32>,
      %get3A_239 = arith.index_cast %scan3A_72 : i32 to index
      %get3A_240 = arith.constant 192 : index
      %get3A_241 = tpu.vector_load %arg8[%get3A_239, %get3A_240] {strides = array<i32>} : memref<32x1024xf32, #tpu.memory_space<vmem>>, vector<1x16xf32>,
      %get3A_242 = vector.shape_cast %get3A_241 : vector<1x16xf32> to vector<16xf32>
      %get3A_243 = arith.index_cast %scan3A_72 : i32 to index
      %get3A_244 = arith.constant 192 : index
      %get3A_245 = tpu.vector_load %arg9[%get3A_243, %get3A_244] {strides = array<i32>} : memref<32x1024xf32, #tpu.memory_space<vmem>>, vector<1x16xf32>,
      %get3A_246 = vector.shape_cast %get3A_245 : vector<1x16xf32> to vector<16xf32>
      %add3A_247 = arith.addf %get3A_242, %get3A_246 : vector<16xf32>
      %swap3A_248 = arith.index_cast %scan3A_72 : i32 to index
      %swap3A_249 = arith.constant 192 : index
      %swap3A_250 = tpu.vector_load %arg8[%swap3A_248, %swap3A_249] {strides = array<i32>} : memref<32x1024xf32, #tpu.memory_space<vmem>>, vector<1x16xf32>,
      %swap3A_251 = vector.shape_cast %swap3A_250 : vector<1x16xf32> to vector<16xf32>
      %swap3A_252 = vector.shape_cast %add3A_247 : vector<16xf32> to vector<1x16xf32>
      tpu.vector_store %arg8[%swap3A_248, %swap3A_249], %swap3A_252 {strides = array<i32>} : memref<32x1024xf32, #tpu.memory_space<vmem>>, vector<1x16xf32>,
      %get3A_253 = arith.index_cast %scan3A_72 : i32 to index
      %get3A_254 = arith.constant 208 : index
      %get3A_255 = tpu.vector_load %arg8[%get3A_253, %get3A_254] {strides = array<i32>} : memref<32x1024xf32, #tpu.memory_space<vmem>>, vector<1x16xf32>,
      %get3A_256 = vector.shape_cast %get3A_255 : vector<1x16xf32> to vector<16xf32>
      %get3A_257 = arith.index_cast %scan3A_72 : i32 to index
      %get3A_258 = arith.constant 208 : index
      %get3A_259 = tpu.vector_load %arg9[%get3A_257, %get3A_258] {strides = array<i32>} : memref<32x1024xf32, #tpu.memory_space<vmem>>, vector<1x16xf32>,
      %get3A_260 = vector.shape_cast %get3A_259 : vector<1x16xf32> to vector<16xf32>
      %add3A_261 = arith.addf %get3A_256, %get3A_260 : vector<16xf32>
      %swap3A_262 = arith.index_cast %scan3A_72 : i32 to index
      %swap3A_263 = arith.constant 208 : index
      %swap3A_264 = tpu.vector_load %arg8[%swap3A_262, %swap3A_263] {strides = array<i32>} : memref<32x1024xf32, #tpu.memory_space<vmem>>, vector<1x16xf32>,
      %swap3A_265 = vector.shape_cast %swap3A_264 : vector<1x16xf32> to vector<16xf32>
      %swap3A_266 = vector.shape_cast %add3A_261 : vector<16xf32> to vector<1x16xf32>
      tpu.vector_store %arg8[%swap3A_262, %swap3A_263], %swap3A_266 {strides = array<i32>} : memref<32x1024xf32, #tpu.memory_space<vmem>>, vector<1x16xf32>,
      %get3A_267 = arith.index_cast %scan3A_72 : i32 to index
      %get3A_268 = arith.constant 224 : index
      %get3A_269 = tpu.vector_load %arg8[%get3A_267, %get3A_268] {strides = array<i32>} : memref<32x1024xf32, #tpu.memory_space<vmem>>, vector<1x16xf32>,
      %get3A_270 = vector.shape_cast %get3A_269 : vector<1x16xf32> to vector<16xf32>
      %get3A_271 = arith.index_cast %scan3A_72 : i32 to index
      %get3A_272 = arith.constant 224 : index
      %get3A_273 = tpu.vector_load %arg9[%get3A_271, %get3A_272] {strides = array<i32>} : memref<32x1024xf32, #tpu.memory_space<vmem>>, vector<1x16xf32>,
      %get3A_274 = vector.shape_cast %get3A_273 : vector<1x16xf32> to vector<16xf32>
      %add3A_275 = arith.addf %get3A_270, %get3A_274 : vector<16xf32>
      %swap3A_276 = arith.index_cast %scan3A_72 : i32 to index
      %swap3A_277 = arith.constant 224 : index
      %swap3A_278 = tpu.vector_load %arg8[%swap3A_276, %swap3A_277] {strides = array<i32>} : memref<32x1024xf32, #tpu.memory_space<vmem>>, vector<1x16xf32>,
      %swap3A_279 = vector.shape_cast %swap3A_278 : vector<1x16xf32> to vector<16xf32>
      %swap3A_280 = vector.shape_cast %add3A_275 : vector<16xf32> to vector<1x16xf32>
      tpu.vector_store %arg8[%swap3A_276, %swap3A_277], %swap3A_280 {strides = array<i32>} : memref<32x1024xf32, #tpu.memory_space<vmem>>, vector<1x16xf32>,
      %get3A_281 = arith.index_cast %scan3A_72 : i32 to index
      %get3A_282 = arith.constant 240 : index
      %get3A_283 = tpu.vector_load %arg8[%get3A_281, %get3A_282] {strides = array<i32>} : memref<32x1024xf32, #tpu.memory_space<vmem>>, vector<1x16xf32>,
      %get3A_284 = vector.shape_cast %get3A_283 : vector<1x16xf32> to vector<16xf32>
      %get3A_285 = arith.index_cast %scan3A_72 : i32 to index
      %get3A_286 = arith.constant 240 : index
      %get3A_287 = tpu.vector_load %arg9[%get3A_285, %get3A_286] {strides = array<i32>} : memref<32x1024xf32, #tpu.memory_space<vmem>>, vector<1x16xf32>,
      %get3A_288 = vector.shape_cast %get3A_287 : vector<1x16xf32> to vector<16xf32>
      %add3A_289 = arith.addf %get3A_284, %get3A_288 : vector<16xf32>
      %swap3A_290 = arith.index_cast %scan3A_72 : i32 to index
      %swap3A_291 = arith.constant 240 : index
      %swap3A_292 = tpu.vector_load %arg8[%swap3A_290, %swap3A_291] {strides = array<i32>} : memref<32x1024xf32, #tpu.memory_space<vmem>>, vector<1x16xf32>,
      %swap3A_293 = vector.shape_cast %swap3A_292 : vector<1x16xf32> to vector<16xf32>
      %swap3A_294 = vector.shape_cast %add3A_289 : vector<16xf32> to vector<1x16xf32>
      tpu.vector_store %arg8[%swap3A_290, %swap3A_291], %swap3A_294 {strides = array<i32>} : memref<32x1024xf32, #tpu.memory_space<vmem>>, vector<1x16xf32>,
      %get3A_295 = arith.index_cast %scan3A_72 : i32 to index
      %get3A_296 = arith.constant 256 : index
      %get3A_297 = tpu.vector_load %arg8[%get3A_295, %get3A_296] {strides = array<i32>} : memref<32x1024xf32, #tpu.memory_space<vmem>>, vector<1x16xf32>,
      %get3A_298 = vector.shape_cast %get3A_297 : vector<1x16xf32> to vector<16xf32>
      %get3A_299 = arith.index_cast %scan3A_72 : i32 to index
      %get3A_300 = arith.constant 256 : index
      %get3A_301 = tpu.vector_load %arg9[%get3A_299, %get3A_300] {strides = array<i32>} : memref<32x1024xf32, #tpu.memory_space<vmem>>, vector<1x16xf32>,
      %get3A_302 = vector.shape_cast %get3A_301 : vector<1x16xf32> to vector<16xf32>
      %add3A_303 = arith.addf %get3A_298, %get3A_302 : vector<16xf32>
      %swap3A_304 = arith.index_cast %scan3A_72 : i32 to index
      %swap3A_305 = arith.constant 256 : index
      %swap3A_306 = tpu.vector_load %arg8[%swap3A_304, %swap3A_305] {strides = array<i32>} : memref<32x1024xf32, #tpu.memory_space<vmem>>, vector<1x16xf32>,
      %swap3A_307 = vector.shape_cast %swap3A_306 : vector<1x16xf32> to vector<16xf32>
      %swap3A_308 = vector.shape_cast %add3A_303 : vector<16xf32> to vector<1x16xf32>
      tpu.vector_store %arg8[%swap3A_304, %swap3A_305], %swap3A_308 {strides = array<i32>} : memref<32x1024xf32, #tpu.memory_space<vmem>>, vector<1x16xf32>,
      %get3A_309 = arith.index_cast %scan3A_72 : i32 to index
      %get3A_310 = arith.constant 272 : index
      %get3A_311 = tpu.vector_load %arg8[%get3A_309, %get3A_310] {strides = array<i32>} : memref<32x1024xf32, #tpu.memory_space<vmem>>, vector<1x16xf32>,
      %get3A_312 = vector.shape_cast %get3A_311 : vector<1x16xf32> to vector<16xf32>
      %get3A_313 = arith.index_cast %scan3A_72 : i32 to index
      %get3A_314 = arith.constant 272 : index
      %get3A_315 = tpu.vector_load %arg9[%get3A_313, %get3A_314] {strides = array<i32>} : memref<32x1024xf32, #tpu.memory_space<vmem>>, vector<1x16xf32>,
      %get3A_316 = vector.shape_cast %get3A_315 : vector<1x16xf32> to vector<16xf32>
      %add3A_317 = arith.addf %get3A_312, %get3A_316 : vector<16xf32>
      %swap3A_318 = arith.index_cast %scan3A_72 : i32 to index
      %swap3A_319 = arith.constant 272 : index
      %swap3A_320 = tpu.vector_load %arg8[%swap3A_318, %swap3A_319] {strides = array<i32>} : memref<32x1024xf32, #tpu.memory_space<vmem>>, vector<1x16xf32>,
      %swap3A_321 = vector.shape_cast %swap3A_320 : vector<1x16xf32> to vector<16xf32>
      %swap3A_322 = vector.shape_cast %add3A_317 : vector<16xf32> to vector<1x16xf32>
      tpu.vector_store %arg8[%swap3A_318, %swap3A_319], %swap3A_322 {strides = array<i32>} : memref<32x1024xf32, #tpu.memory_space<vmem>>, vector<1x16xf32>,
      %get3A_323 = arith.index_cast %scan3A_72 : i32 to index
      %get3A_324 = arith.constant 288 : index
      %get3A_325 = tpu.vector_load %arg8[%get3A_323, %get3A_324] {strides = array<i32>} : memref<32x1024xf32, #tpu.memory_space<vmem>>, vector<1x16xf32>,
      %get3A_326 = vector.shape_cast %get3A_325 : vector<1x16xf32> to vector<16xf32>
      %get3A_327 = arith.index_cast %scan3A_72 : i32 to index
      %get3A_328 = arith.constant 288 : index
      %get3A_329 = tpu.vector_load %arg9[%get3A_327, %get3A_328] {strides = array<i32>} : memref<32x1024xf32, #tpu.memory_space<vmem>>, vector<1x16xf32>,
      %get3A_330 = vector.shape_cast %get3A_329 : vector<1x16xf32> to vector<16xf32>
      %add3A_331 = arith.addf %get3A_326, %get3A_330 : vector<16xf32>
      %swap3A_332 = arith.index_cast %scan3A_72 : i32 to index
      %swap3A_333 = arith.constant 288 : index
      %swap3A_334 = tpu.vector_load %arg8[%swap3A_332, %swap3A_333] {strides = array<i32>} : memref<32x1024xf32, #tpu.memory_space<vmem>>, vector<1x16xf32>,
      %swap3A_335 = vector.shape_cast %swap3A_334 : vector<1x16xf32> to vector<16xf32>
      %swap3A_336 = vector.shape_cast %add3A_331 : vector<16xf32> to vector<1x16xf32>
      tpu.vector_store %arg8[%swap3A_332, %swap3A_333], %swap3A_336 {strides = array<i32>} : memref<32x1024xf32, #tpu.memory_space<vmem>>, vector<1x16xf32>,
      %get3A_337 = arith.index_cast %scan3A_72 : i32 to index
      %get3A_338 = arith.constant 304 : index
      %get3A_339 = tpu.vector_load %arg8[%get3A_337, %get3A_338] {strides = array<i32>} : memref<32x1024xf32, #tpu.memory_space<vmem>>, vector<1x16xf32>,
      %get3A_340 = vector.shape_cast %get3A_339 : vector<1x16xf32> to vector<16xf32>
      %get3A_341 = arith.index_cast %scan3A_72 : i32 to index
      %get3A_342 = arith.constant 304 : index
      %get3A_343 = tpu.vector_load %arg9[%get3A_341, %get3A_342] {strides = array<i32>} : memref<32x1024xf32, #tpu.memory_space<vmem>>, vector<1x16xf32>,
      %get3A_344 = vector.shape_cast %get3A_343 : vector<1x16xf32> to vector<16xf32>
      %add3A_345 = arith.addf %get3A_340, %get3A_344 : vector<16xf32>
      %swap3A_346 = arith.index_cast %scan3A_72 : i32 to index
      %swap3A_347 = arith.constant 304 : index
      %swap3A_348 = tpu.vector_load %arg8[%swap3A_346, %swap3A_347] {strides = array<i32>} : memref<32x1024xf32, #tpu.memory_space<vmem>>, vector<1x16xf32>,
      %swap3A_349 = vector.shape_cast %swap3A_348 : vector<1x16xf32> to vector<16xf32>
      %swap3A_350 = vector.shape_cast %add3A_345 : vector<16xf32> to vector<1x16xf32>
      tpu.vector_store %arg8[%swap3A_346, %swap3A_347], %swap3A_350 {strides = array<i32>} : memref<32x1024xf32, #tpu.memory_space<vmem>>, vector<1x16xf32>,
      %get3A_351 = arith.index_cast %scan3A_72 : i32 to index
      %get3A_352 = arith.constant 320 : index
      %get3A_353 = tpu.vector_load %arg8[%get3A_351, %get3A_352] {strides = array<i32>} : memref<32x1024xf32, #tpu.memory_space<vmem>>, vector<1x16xf32>,
      %get3A_354 = vector.shape_cast %get3A_353 : vector<1x16xf32> to vector<16xf32>
      %get3A_355 = arith.index_cast %scan3A_72 : i32 to index
      %get3A_356 = arith.constant 320 : index
      %get3A_357 = tpu.vector_load %arg9[%get3A_355, %get3A_356] {strides = array<i32>} : memref<32x1024xf32, #tpu.memory_space<vmem>>, vector<1x16xf32>,
      %get3A_358 = vector.shape_cast %get3A_357 : vector<1x16xf32> to vector<16xf32>
      %add3A_359 = arith.addf %get3A_354, %get3A_358 : vector<16xf32>
      %swap3A_360 = arith.index_cast %scan3A_72 : i32 to index
      %swap3A_361 = arith.constant 320 : index
      %swap3A_362 = tpu.vector_load %arg8[%swap3A_360, %swap3A_361] {strides = array<i32>} : memref<32x1024xf32, #tpu.memory_space<vmem>>, vector<1x16xf32>,
      %swap3A_363 = vector.shape_cast %swap3A_362 : vector<1x16xf32> to vector<16xf32>
      %swap3A_364 = vector.shape_cast %add3A_359 : vector<16xf32> to vector<1x16xf32>
      tpu.vector_store %arg8[%swap3A_360, %swap3A_361], %swap3A_364 {strides = array<i32>} : memref<32x1024xf32, #tpu.memory_space<vmem>>, vector<1x16xf32>,
      %get3A_365 = arith.index_cast %scan3A_72 : i32 to index
      %get3A_366 = arith.constant 336 : index
      %get3A_367 = tpu.vector_load %arg8[%get3A_365, %get3A_366] {strides = array<i32>} : memref<32x1024xf32, #tpu.memory_space<vmem>>, vector<1x16xf32>,
      %get3A_368 = vector.shape_cast %get3A_367 : vector<1x16xf32> to vector<16xf32>
      %get3A_369 = arith.index_cast %scan3A_72 : i32 to index
      %get3A_370 = arith.constant 336 : index
      %get3A_371 = tpu.vector_load %arg9[%get3A_369, %get3A_370] {strides = array<i32>} : memref<32x1024xf32, #tpu.memory_space<vmem>>, vector<1x16xf32>,
      %get3A_372 = vector.shape_cast %get3A_371 : vector<1x16xf32> to vector<16xf32>
      %add3A_373 = arith.addf %get3A_368, %get3A_372 : vector<16xf32>
      %swap3A_374 = arith.index_cast %scan3A_72 : i32 to index
      %swap3A_375 = arith.constant 336 : index
      %swap3A_376 = tpu.vector_load %arg8[%swap3A_374, %swap3A_375] {strides = array<i32>} : memref<32x1024xf32, #tpu.memory_space<vmem>>, vector<1x16xf32>,
      %swap3A_377 = vector.shape_cast %swap3A_376 : vector<1x16xf32> to vector<16xf32>
      %swap3A_378 = vector.shape_cast %add3A_373 : vector<16xf32> to vector<1x16xf32>
      tpu.vector_store %arg8[%swap3A_374, %swap3A_375], %swap3A_378 {strides = array<i32>} : memref<32x1024xf32, #tpu.memory_space<vmem>>, vector<1x16xf32>,
      %get3A_379 = arith.index_cast %scan3A_72 : i32 to index
      %get3A_380 = arith.constant 352 : index
      %get3A_381 = tpu.vector_load %arg8[%get3A_379, %get3A_380] {strides = array<i32>} : memref<32x1024xf32, #tpu.memory_space<vmem>>, vector<1x16xf32>,
      %get3A_382 = vector.shape_cast %get3A_381 : vector<1x16xf32> to vector<16xf32>
      %get3A_383 = arith.index_cast %scan3A_72 : i32 to index
      %get3A_384 = arith.constant 352 : index
      %get3A_385 = tpu.vector_load %arg9[%get3A_383, %get3A_384] {strides = array<i32>} : memref<32x1024xf32, #tpu.memory_space<vmem>>, vector<1x16xf32>,
      %get3A_386 = vector.shape_cast %get3A_385 : vector<1x16xf32> to vector<16xf32>
      %add3A_387 = arith.addf %get3A_382, %get3A_386 : vector<16xf32>
      %swap3A_388 = arith.index_cast %scan3A_72 : i32 to index
      %swap3A_389 = arith.constant 352 : index
      %swap3A_390 = tpu.vector_load %arg8[%swap3A_388, %swap3A_389] {strides = array<i32>} : memref<32x1024xf32, #tpu.memory_space<vmem>>, vector<1x16xf32>,
      %swap3A_391 = vector.shape_cast %swap3A_390 : vector<1x16xf32> to vector<16xf32>
      %swap3A_392 = vector.shape_cast %add3A_387 : vector<16xf32> to vector<1x16xf32>
      tpu.vector_store %arg8[%swap3A_388, %swap3A_389], %swap3A_392 {strides = array<i32>} : memref<32x1024xf32, #tpu.memory_space<vmem>>, vector<1x16xf32>,
      %get3A_393 = arith.index_cast %scan3A_72 : i32 to index
      %get3A_394 = arith.constant 368 : index
      %get3A_395 = tpu.vector_load %arg8[%get3A_393, %get3A_394] {strides = array<i32>} : memref<32x1024xf32, #tpu.memory_space<vmem>>, vector<1x16xf32>,
      %get3A_396 = vector.shape_cast %get3A_395 : vector<1x16xf32> to vector<16xf32>
      %get3A_397 = arith.index_cast %scan3A_72 : i32 to index
      %get3A_398 = arith.constant 368 : index
      %get3A_399 = tpu.vector_load %arg9[%get3A_397, %get3A_398] {strides = array<i32>} : memref<32x1024xf32, #tpu.memory_space<vmem>>, vector<1x16xf32>,
      %get3A_400 = vector.shape_cast %get3A_399 : vector<1x16xf32> to vector<16xf32>
      %add3A_401 = arith.addf %get3A_396, %get3A_400 : vector<16xf32>
      %swap3A_402 = arith.index_cast %scan3A_72 : i32 to index
      %swap3A_403 = arith.constant 368 : index
      %swap3A_404 = tpu.vector_load %arg8[%swap3A_402, %swap3A_403] {strides = array<i32>} : memref<32x1024xf32, #tpu.memory_space<vmem>>, vector<1x16xf32>,
      %swap3A_405 = vector.shape_cast %swap3A_404 : vector<1x16xf32> to vector<16xf32>
      %swap3A_406 = vector.shape_cast %add3A_401 : vector<16xf32> to vector<1x16xf32>
      tpu.vector_store %arg8[%swap3A_402, %swap3A_403], %swap3A_406 {strides = array<i32>} : memref<32x1024xf32, #tpu.memory_space<vmem>>, vector<1x16xf32>,
      %get3A_407 = arith.index_cast %scan3A_72 : i32 to index
      %get3A_408 = arith.constant 384 : index
      %get3A_409 = tpu.vector_load %arg8[%get3A_407, %get3A_408] {strides = array<i32>} : memref<32x1024xf32, #tpu.memory_space<vmem>>, vector<1x16xf32>,
      %get3A_410 = vector.shape_cast %get3A_409 : vector<1x16xf32> to vector<16xf32>
      %get3A_411 = arith.index_cast %scan3A_72 : i32 to index
      %get3A_412 = arith.constant 384 : index
      %get3A_413 = tpu.vector_load %arg9[%get3A_411, %get3A_412] {strides = array<i32>} : memref<32x1024xf32, #tpu.memory_space<vmem>>, vector<1x16xf32>,
      %get3A_414 = vector.shape_cast %get3A_413 : vector<1x16xf32> to vector<16xf32>
      %add3A_415 = arith.addf %get3A_410, %get3A_414 : vector<16xf32>
      %swap3A_416 = arith.index_cast %scan3A_72 : i32 to index
      %swap3A_417 = arith.constant 384 : index
      %swap3A_418 = tpu.vector_load %arg8[%swap3A_416, %swap3A_417] {strides = array<i32>} : memref<32x1024xf32, #tpu.memory_space<vmem>>, vector<1x16xf32>,
      %swap3A_419 = vector.shape_cast %swap3A_418 : vector<1x16xf32> to vector<16xf32>
      %swap3A_420 = vector.shape_cast %add3A_415 : vector<16xf32> to vector<1x16xf32>
      tpu.vector_store %arg8[%swap3A_416, %swap3A_417], %swap3A_420 {strides = array<i32>} : memref<32x1024xf32, #tpu.memory_space<vmem>>, vector<1x16xf32>,
      %get3A_421 = arith.index_cast %scan3A_72 : i32 to index
      %get3A_422 = arith.constant 400 : index
      %get3A_423 = tpu.vector_load %arg8[%get3A_421, %get3A_422] {strides = array<i32>} : memref<32x1024xf32, #tpu.memory_space<vmem>>, vector<1x16xf32>,
      %get3A_424 = vector.shape_cast %get3A_423 : vector<1x16xf32> to vector<16xf32>
      %get3A_425 = arith.index_cast %scan3A_72 : i32 to index
      %get3A_426 = arith.constant 400 : index
      %get3A_427 = tpu.vector_load %arg9[%get3A_425, %get3A_426] {strides = array<i32>} : memref<32x1024xf32, #tpu.memory_space<vmem>>, vector<1x16xf32>,
      %get3A_428 = vector.shape_cast %get3A_427 : vector<1x16xf32> to vector<16xf32>
      %add3A_429 = arith.addf %get3A_424, %get3A_428 : vector<16xf32>
      %swap3A_430 = arith.index_cast %scan3A_72 : i32 to index
      %swap3A_431 = arith.constant 400 : index
      %swap3A_432 = tpu.vector_load %arg8[%swap3A_430, %swap3A_431] {strides = array<i32>} : memref<32x1024xf32, #tpu.memory_space<vmem>>, vector<1x16xf32>,
      %swap3A_433 = vector.shape_cast %swap3A_432 : vector<1x16xf32> to vector<16xf32>
      %swap3A_434 = vector.shape_cast %add3A_429 : vector<16xf32> to vector<1x16xf32>
      tpu.vector_store %arg8[%swap3A_430, %swap3A_431], %swap3A_434 {strides = array<i32>} : memref<32x1024xf32, #tpu.memory_space<vmem>>, vector<1x16xf32>,
      %get3A_435 = arith.index_cast %scan3A_72 : i32 to index
      %get3A_436 = arith.constant 416 : index
      %get3A_437 = tpu.vector_load %arg8[%get3A_435, %get3A_436] {strides = array<i32>} : memref<32x1024xf32, #tpu.memory_space<vmem>>, vector<1x16xf32>,
      %get3A_438 = vector.shape_cast %get3A_437 : vector<1x16xf32> to vector<16xf32>
      %get3A_439 = arith.index_cast %scan3A_72 : i32 to index
      %get3A_440 = arith.constant 416 : index
      %get3A_441 = tpu.vector_load %arg9[%get3A_439, %get3A_440] {strides = array<i32>} : memref<32x1024xf32, #tpu.memory_space<vmem>>, vector<1x16xf32>,
      %get3A_442 = vector.shape_cast %get3A_441 : vector<1x16xf32> to vector<16xf32>
      %add3A_443 = arith.addf %get3A_438, %get3A_442 : vector<16xf32>
      %swap3A_444 = arith.index_cast %scan3A_72 : i32 to index
      %swap3A_445 = arith.constant 416 : index
      %swap3A_446 = tpu.vector_load %arg8[%swap3A_444, %swap3A_445] {strides = array<i32>} : memref<32x1024xf32, #tpu.memory_space<vmem>>, vector<1x16xf32>,
      %swap3A_447 = vector.shape_cast %swap3A_446 : vector<1x16xf32> to vector<16xf32>
      %swap3A_448 = vector.shape_cast %add3A_443 : vector<16xf32> to vector<1x16xf32>
      tpu.vector_store %arg8[%swap3A_444, %swap3A_445], %swap3A_448 {strides = array<i32>} : memref<32x1024xf32, #tpu.memory_space<vmem>>, vector<1x16xf32>,
      %get3A_449 = arith.index_cast %scan3A_72 : i32 to index
      %get3A_450 = arith.constant 432 : index
      %get3A_451 = tpu.vector_load %arg8[%get3A_449, %get3A_450] {strides = array<i32>} : memref<32x1024xf32, #tpu.memory_space<vmem>>, vector<1x16xf32>,
      %get3A_452 = vector.shape_cast %get3A_451 : vector<1x16xf32> to vector<16xf32>
      %get3A_453 = arith.index_cast %scan3A_72 : i32 to index
      %get3A_454 = arith.constant 432 : index
      %get3A_455 = tpu.vector_load %arg9[%get3A_453, %get3A_454] {strides = array<i32>} : memref<32x1024xf32, #tpu.memory_space<vmem>>, vector<1x16xf32>,
      %get3A_456 = vector.shape_cast %get3A_455 : vector<1x16xf32> to vector<16xf32>
      %add3A_457 = arith.addf %get3A_452, %get3A_456 : vector<16xf32>
      %swap3A_458 = arith.index_cast %scan3A_72 : i32 to index
      %swap3A_459 = arith.constant 432 : index
      %swap3A_460 = tpu.vector_load %arg8[%swap3A_458, %swap3A_459] {strides = array<i32>} : memref<32x1024xf32, #tpu.memory_space<vmem>>, vector<1x16xf32>,
      %swap3A_461 = vector.shape_cast %swap3A_460 : vector<1x16xf32> to vector<16xf32>
      %swap3A_462 = vector.shape_cast %add3A_457 : vector<16xf32> to vector<1x16xf32>
      tpu.vector_store %arg8[%swap3A_458, %swap3A_459], %swap3A_462 {strides = array<i32>} : memref<32x1024xf32, #tpu.memory_space<vmem>>, vector<1x16xf32>,
      %get3A_463 = arith.index_cast %scan3A_72 : i32 to index
      %get3A_464 = arith.constant 448 : index
      %get3A_465 = tpu.vector_load %arg8[%get3A_463, %get3A_464] {strides = array<i32>} : memref<32x1024xf32, #tpu.memory_space<vmem>>, vector<1x16xf32>,
      %get3A_466 = vector.shape_cast %get3A_465 : vector<1x16xf32> to vector<16xf32>
      %get3A_467 = arith.index_cast %scan3A_72 : i32 to index
      %get3A_468 = arith.constant 448 : index
      %get3A_469 = tpu.vector_load %arg9[%get3A_467, %get3A_468] {strides = array<i32>} : memref<32x1024xf32, #tpu.memory_space<vmem>>, vector<1x16xf32>,
      %get3A_470 = vector.shape_cast %get3A_469 : vector<1x16xf32> to vector<16xf32>
      %add3A_471 = arith.addf %get3A_466, %get3A_470 : vector<16xf32>
      %swap3A_472 = arith.index_cast %scan3A_72 : i32 to index
      %swap3A_473 = arith.constant 448 : index
      %swap3A_474 = tpu.vector_load %arg8[%swap3A_472, %swap3A_473] {strides = array<i32>} : memref<32x1024xf32, #tpu.memory_space<vmem>>, vector<1x16xf32>,
      %swap3A_475 = vector.shape_cast %swap3A_474 : vector<1x16xf32> to vector<16xf32>
      %swap3A_476 = vector.shape_cast %add3A_471 : vector<16xf32> to vector<1x16xf32>
      tpu.vector_store %arg8[%swap3A_472, %swap3A_473], %swap3A_476 {strides = array<i32>} : memref<32x1024xf32, #tpu.memory_space<vmem>>, vector<1x16xf32>,
      %get3A_477 = arith.index_cast %scan3A_72 : i32 to index
      %get3A_478 = arith.constant 464 : index
      %get3A_479 = tpu.vector_load %arg8[%get3A_477, %get3A_478] {strides = array<i32>} : memref<32x1024xf32, #tpu.memory_space<vmem>>, vector<1x16xf32>,
      %get3A_480 = vector.shape_cast %get3A_479 : vector<1x16xf32> to vector<16xf32>
      %get3A_481 = arith.index_cast %scan3A_72 : i32 to index
      %get3A_482 = arith.constant 464 : index
      %get3A_483 = tpu.vector_load %arg9[%get3A_481, %get3A_482] {strides = array<i32>} : memref<32x1024xf32, #tpu.memory_space<vmem>>, vector<1x16xf32>,
      %get3A_484 = vector.shape_cast %get3A_483 : vector<1x16xf32> to vector<16xf32>
      %add3A_485 = arith.addf %get3A_480, %get3A_484 : vector<16xf32>
      %swap3A_486 = arith.index_cast %scan3A_72 : i32 to index
      %swap3A_487 = arith.constant 464 : index
      %swap3A_488 = tpu.vector_load %arg8[%swap3A_486, %swap3A_487] {strides = array<i32>} : memref<32x1024xf32, #tpu.memory_space<vmem>>, vector<1x16xf32>,
      %swap3A_489 = vector.shape_cast %swap3A_488 : vector<1x16xf32> to vector<16xf32>
      %swap3A_490 = vector.shape_cast %add3A_485 : vector<16xf32> to vector<1x16xf32>
      tpu.vector_store %arg8[%swap3A_486, %swap3A_487], %swap3A_490 {strides = array<i32>} : memref<32x1024xf32, #tpu.memory_space<vmem>>, vector<1x16xf32>,
      %get3A_491 = arith.index_cast %scan3A_72 : i32 to index
      %get3A_492 = arith.constant 480 : index
      %get3A_493 = tpu.vector_load %arg8[%get3A_491, %get3A_492] {strides = array<i32>} : memref<32x1024xf32, #tpu.memory_space<vmem>>, vector<1x16xf32>,
      %get3A_494 = vector.shape_cast %get3A_493 : vector<1x16xf32> to vector<16xf32>
      %get3A_495 = arith.index_cast %scan3A_72 : i32 to index
      %get3A_496 = arith.constant 480 : index
      %get3A_497 = tpu.vector_load %arg9[%get3A_495, %get3A_496] {strides = array<i32>} : memref<32x1024xf32, #tpu.memory_space<vmem>>, vector<1x16xf32>,
      %get3A_498 = vector.shape_cast %get3A_497 : vector<1x16xf32> to vector<16xf32>
      %add3A_499 = arith.addf %get3A_494, %get3A_498 : vector<16xf32>
      %swap3A_500 = arith.index_cast %scan3A_72 : i32 to index
      %swap3A_501 = arith.constant 480 : index
      %swap3A_502 = tpu.vector_load %arg8[%swap3A_500, %swap3A_501] {strides = array<i32>} : memref<32x1024xf32, #tpu.memory_space<vmem>>, vector<1x16xf32>,
      %swap3A_503 = vector.shape_cast %swap3A_502 : vector<1x16xf32> to vector<16xf32>
      %swap3A_504 = vector.shape_cast %add3A_499 : vector<16xf32> to vector<1x16xf32>
      tpu.vector_store %arg8[%swap3A_500, %swap3A_501], %swap3A_504 {strides = array<i32>} : memref<32x1024xf32, #tpu.memory_space<vmem>>, vector<1x16xf32>,
      %get3A_505 = arith.index_cast %scan3A_72 : i32 to index
      %get3A_506 = arith.constant 496 : index
      %get3A_507 = tpu.vector_load %arg8[%get3A_505, %get3A_506] {strides = array<i32>} : memref<32x1024xf32, #tpu.memory_space<vmem>>, vector<1x16xf32>,
      %get3A_508 = vector.shape_cast %get3A_507 : vector<1x16xf32> to vector<16xf32>
      %get3A_509 = arith.index_cast %scan3A_72 : i32 to index
      %get3A_510 = arith.constant 496 : index
      %get3A_511 = tpu.vector_load %arg9[%get3A_509, %get3A_510] {strides = array<i32>} : memref<32x1024xf32, #tpu.memory_space<vmem>>, vector<1x16xf32>,
      %get3A_512 = vector.shape_cast %get3A_511 : vector<1x16xf32> to vector<16xf32>
      %add3A_513 = arith.addf %get3A_508, %get3A_512 : vector<16xf32>
      %swap3A_514 = arith.index_cast %scan3A_72 : i32 to index
      %swap3A_515 = arith.constant 496 : index
      %swap3A_516 = tpu.vector_load %arg8[%swap3A_514, %swap3A_515] {strides = array<i32>} : memref<32x1024xf32, #tpu.memory_space<vmem>>, vector<1x16xf32>,
      %swap3A_517 = vector.shape_cast %swap3A_516 : vector<1x16xf32> to vector<16xf32>
      %swap3A_518 = vector.shape_cast %add3A_513 : vector<16xf32> to vector<1x16xf32>
      tpu.vector_store %arg8[%swap3A_514, %swap3A_515], %swap3A_518 {strides = array<i32>} : memref<32x1024xf32, #tpu.memory_space<vmem>>, vector<1x16xf32>,
      %get3A_519 = arith.index_cast %scan3A_72 : i32 to index
      %get3A_520 = arith.constant 512 : index
      %get3A_521 = tpu.vector_load %arg8[%get3A_519, %get3A_520] {strides = array<i32>} : memref<32x1024xf32, #tpu.memory_space<vmem>>, vector<1x16xf32>,
      %get3A_522 = vector.shape_cast %get3A_521 : vector<1x16xf32> to vector<16xf32>
      %get3A_523 = arith.index_cast %scan3A_72 : i32 to index
      %get3A_524 = arith.constant 512 : index
      %get3A_525 = tpu.vector_load %arg9[%get3A_523, %get3A_524] {strides = array<i32>} : memref<32x1024xf32, #tpu.memory_space<vmem>>, vector<1x16xf32>,
      %get3A_526 = vector.shape_cast %get3A_525 : vector<1x16xf32> to vector<16xf32>
      %add3A_527 = arith.addf %get3A_522, %get3A_526 : vector<16xf32>
      %swap3A_528 = arith.index_cast %scan3A_72 : i32 to index
      %swap3A_529 = arith.constant 512 : index
      %swap3A_530 = tpu.vector_load %arg8[%swap3A_528, %swap3A_529] {strides = array<i32>} : memref<32x1024xf32, #tpu.memory_space<vmem>>, vector<1x16xf32>,
      %swap3A_531 = vector.shape_cast %swap3A_530 : vector<1x16xf32> to vector<16xf32>
      %swap3A_532 = vector.shape_cast %add3A_527 : vector<16xf32> to vector<1x16xf32>
      tpu.vector_store %arg8[%swap3A_528, %swap3A_529], %swap3A_532 {strides = array<i32>} : memref<32x1024xf32, #tpu.memory_space<vmem>>, vector<1x16xf32>,
      %get3A_533 = arith.index_cast %scan3A_72 : i32 to index
      %get3A_534 = arith.constant 528 : index
      %get3A_535 = tpu.vector_load %arg8[%get3A_533, %get3A_534] {strides = array<i32>} : memref<32x1024xf32, #tpu.memory_space<vmem>>, vector<1x16xf32>,
      %get3A_536 = vector.shape_cast %get3A_535 : vector<1x16xf32> to vector<16xf32>
      %get3A_537 = arith.index_cast %scan3A_72 : i32 to index
      %get3A_538 = arith.constant 528 : index
      %get3A_539 = tpu.vector_load %arg9[%get3A_537, %get3A_538] {strides = array<i32>} : memref<32x1024xf32, #tpu.memory_space<vmem>>, vector<1x16xf32>,
      %get3A_540 = vector.shape_cast %get3A_539 : vector<1x16xf32> to vector<16xf32>
      %add3A_541 = arith.addf %get3A_536, %get3A_540 : vector<16xf32>
      %swap3A_542 = arith.index_cast %scan3A_72 : i32 to index
      %swap3A_543 = arith.constant 528 : index
      %swap3A_544 = tpu.vector_load %arg8[%swap3A_542, %swap3A_543] {strides = array<i32>} : memref<32x1024xf32, #tpu.memory_space<vmem>>, vector<1x16xf32>,
      %swap3A_545 = vector.shape_cast %swap3A_544 : vector<1x16xf32> to vector<16xf32>
      %swap3A_546 = vector.shape_cast %add3A_541 : vector<16xf32> to vector<1x16xf32>
      tpu.vector_store %arg8[%swap3A_542, %swap3A_543], %swap3A_546 {strides = array<i32>} : memref<32x1024xf32, #tpu.memory_space<vmem>>, vector<1x16xf32>,
      %get3A_547 = arith.index_cast %scan3A_72 : i32 to index
      %get3A_548 = arith.constant 544 : index
      %get3A_549 = tpu.vector_load %arg8[%get3A_547, %get3A_548] {strides = array<i32>} : memref<32x1024xf32, #tpu.memory_space<vmem>>, vector<1x16xf32>,
      %get3A_550 = vector.shape_cast %get3A_549 : vector<1x16xf32> to vector<16xf32>
      %get3A_551 = arith.index_cast %scan3A_72 : i32 to index
      %get3A_552 = arith.constant 544 : index
      %get3A_553 = tpu.vector_load %arg9[%get3A_551, %get3A_552] {strides = array<i32>} : memref<32x1024xf32, #tpu.memory_space<vmem>>, vector<1x16xf32>,
      %get3A_554 = vector.shape_cast %get3A_553 : vector<1x16xf32> to vector<16xf32>
      %add3A_555 = arith.addf %get3A_550, %get3A_554 : vector<16xf32>
      %swap3A_556 = arith.index_cast %scan3A_72 : i32 to index
      %swap3A_557 = arith.constant 544 : index
      %swap3A_558 = tpu.vector_load %arg8[%swap3A_556, %swap3A_557] {strides = array<i32>} : memref<32x1024xf32, #tpu.memory_space<vmem>>, vector<1x16xf32>,
      %swap3A_559 = vector.shape_cast %swap3A_558 : vector<1x16xf32> to vector<16xf32>
      %swap3A_560 = vector.shape_cast %add3A_555 : vector<16xf32> to vector<1x16xf32>
      tpu.vector_store %arg8[%swap3A_556, %swap3A_557], %swap3A_560 {strides = array<i32>} : memref<32x1024xf32, #tpu.memory_space<vmem>>, vector<1x16xf32>,
      %get3A_561 = arith.index_cast %scan3A_72 : i32 to index
      %get3A_562 = arith.constant 560 : index
      %get3A_563 = tpu.vector_load %arg8[%get3A_561, %get3A_562] {strides = array<i32>} : memref<32x1024xf32, #tpu.memory_space<vmem>>, vector<1x16xf32>,
      %get3A_564 = vector.shape_cast %get3A_563 : vector<1x16xf32> to vector<16xf32>
      %get3A_565 = arith.index_cast %scan3A_72 : i32 to index
      %get3A_566 = arith.constant 560 : index
      %get3A_567 = tpu.vector_load %arg9[%get3A_565, %get3A_566] {strides = array<i32>} : memref<32x1024xf32, #tpu.memory_space<vmem>>, vector<1x16xf32>,
      %get3A_568 = vector.shape_cast %get3A_567 : vector<1x16xf32> to vector<16xf32>
      %add3A_569 = arith.addf %get3A_564, %get3A_568 : vector<16xf32>
      %swap3A_570 = arith.index_cast %scan3A_72 : i32 to index
      %swap3A_571 = arith.constant 560 : index
      %swap3A_572 = tpu.vector_load %arg8[%swap3A_570, %swap3A_571] {strides = array<i32>} : memref<32x1024xf32, #tpu.memory_space<vmem>>, vector<1x16xf32>,
      %swap3A_573 = vector.shape_cast %swap3A_572 : vector<1x16xf32> to vector<16xf32>
      %swap3A_574 = vector.shape_cast %add3A_569 : vector<16xf32> to vector<1x16xf32>
      tpu.vector_store %arg8[%swap3A_570, %swap3A_571], %swap3A_574 {strides = array<i32>} : memref<32x1024xf32, #tpu.memory_space<vmem>>, vector<1x16xf32>,
      %get3A_575 = arith.index_cast %scan3A_72 : i32 to index
      %get3A_576 = arith.constant 576 : index
      %get3A_577 = tpu.vector_load %arg8[%get3A_575, %get3A_576] {strides = array<i32>} : memref<32x1024xf32, #tpu.memory_space<vmem>>, vector<1x16xf32>,
      %get3A_578 = vector.shape_cast %get3A_577 : vector<1x16xf32> to vector<16xf32>
      %get3A_579 = arith.index_cast %scan3A_72 : i32 to index
      %get3A_580 = arith.constant 576 : index
      %get3A_581 = tpu.vector_load %arg9[%get3A_579, %get3A_580] {strides = array<i32>} : memref<32x1024xf32, #tpu.memory_space<vmem>>, vector<1x16xf32>,
      %get3A_582 = vector.shape_cast %get3A_581 : vector<1x16xf32> to vector<16xf32>
      %add3A_583 = arith.addf %get3A_578, %get3A_582 : vector<16xf32>
      %swap3A_584 = arith.index_cast %scan3A_72 : i32 to index
      %swap3A_585 = arith.constant 576 : index
      %swap3A_586 = tpu.vector_load %arg8[%swap3A_584, %swap3A_585] {strides = array<i32>} : memref<32x1024xf32, #tpu.memory_space<vmem>>, vector<1x16xf32>,
      %swap3A_587 = vector.shape_cast %swap3A_586 : vector<1x16xf32> to vector<16xf32>
      %swap3A_588 = vector.shape_cast %add3A_583 : vector<16xf32> to vector<1x16xf32>
      tpu.vector_store %arg8[%swap3A_584, %swap3A_585], %swap3A_588 {strides = array<i32>} : memref<32x1024xf32, #tpu.memory_space<vmem>>, vector<1x16xf32>,
      %get3A_589 = arith.index_cast %scan3A_72 : i32 to index
      %get3A_590 = arith.constant 592 : index
      %get3A_591 = tpu.vector_load %arg8[%get3A_589, %get3A_590] {strides = array<i32>} : memref<32x1024xf32, #tpu.memory_space<vmem>>, vector<1x16xf32>,
      %get3A_592 = vector.shape_cast %get3A_591 : vector<1x16xf32> to vector<16xf32>
      %get3A_593 = arith.index_cast %scan3A_72 : i32 to index
      %get3A_594 = arith.constant 592 : index
      %get3A_595 = tpu.vector_load %arg9[%get3A_593, %get3A_594] {strides = array<i32>} : memref<32x1024xf32, #tpu.memory_space<vmem>>, vector<1x16xf32>,
      %get3A_596 = vector.shape_cast %get3A_595 : vector<1x16xf32> to vector<16xf32>
      %add3A_597 = arith.addf %get3A_592, %get3A_596 : vector<16xf32>
      %swap3A_598 = arith.index_cast %scan3A_72 : i32 to index
      %swap3A_599 = arith.constant 592 : index
      %swap3A_600 = tpu.vector_load %arg8[%swap3A_598, %swap3A_599] {strides = array<i32>} : memref<32x1024xf32, #tpu.memory_space<vmem>>, vector<1x16xf32>,
      %swap3A_601 = vector.shape_cast %swap3A_600 : vector<1x16xf32> to vector<16xf32>
      %swap3A_602 = vector.shape_cast %add3A_597 : vector<16xf32> to vector<1x16xf32>
      tpu.vector_store %arg8[%swap3A_598, %swap3A_599], %swap3A_602 {strides = array<i32>} : memref<32x1024xf32, #tpu.memory_space<vmem>>, vector<1x16xf32>,
      %get3A_603 = arith.index_cast %scan3A_72 : i32 to index
      %get3A_604 = arith.constant 608 : index
      %get3A_605 = tpu.vector_load %arg8[%get3A_603, %get3A_604] {strides = array<i32>} : memref<32x1024xf32, #tpu.memory_space<vmem>>, vector<1x16xf32>,
      %get3A_606 = vector.shape_cast %get3A_605 : vector<1x16xf32> to vector<16xf32>
      %get3A_607 = arith.index_cast %scan3A_72 : i32 to index
      %get3A_608 = arith.constant 608 : index
      %get3A_609 = tpu.vector_load %arg9[%get3A_607, %get3A_608] {strides = array<i32>} : memref<32x1024xf32, #tpu.memory_space<vmem>>, vector<1x16xf32>,
      %get3A_610 = vector.shape_cast %get3A_609 : vector<1x16xf32> to vector<16xf32>
      %add3A_611 = arith.addf %get3A_606, %get3A_610 : vector<16xf32>
      %swap3A_612 = arith.index_cast %scan3A_72 : i32 to index
      %swap3A_613 = arith.constant 608 : index
      %swap3A_614 = tpu.vector_load %arg8[%swap3A_612, %swap3A_613] {strides = array<i32>} : memref<32x1024xf32, #tpu.memory_space<vmem>>, vector<1x16xf32>,
      %swap3A_615 = vector.shape_cast %swap3A_614 : vector<1x16xf32> to vector<16xf32>
      %swap3A_616 = vector.shape_cast %add3A_611 : vector<16xf32> to vector<1x16xf32>
      tpu.vector_store %arg8[%swap3A_612, %swap3A_613], %swap3A_616 {strides = array<i32>} : memref<32x1024xf32, #tpu.memory_space<vmem>>, vector<1x16xf32>,
      %get3A_617 = arith.index_cast %scan3A_72 : i32 to index
      %get3A_618 = arith.constant 624 : index
      %get3A_619 = tpu.vector_load %arg8[%get3A_617, %get3A_618] {strides = array<i32>} : memref<32x1024xf32, #tpu.memory_space<vmem>>, vector<1x16xf32>,
      %get3A_620 = vector.shape_cast %get3A_619 : vector<1x16xf32> to vector<16xf32>
      %get3A_621 = arith.index_cast %scan3A_72 : i32 to index
      %get3A_622 = arith.constant 624 : index
      %get3A_623 = tpu.vector_load %arg9[%get3A_621, %get3A_622] {strides = array<i32>} : memref<32x1024xf32, #tpu.memory_space<vmem>>, vector<1x16xf32>,
      %get3A_624 = vector.shape_cast %get3A_623 : vector<1x16xf32> to vector<16xf32>
      %add3A_625 = arith.addf %get3A_620, %get3A_624 : vector<16xf32>
      %swap3A_626 = arith.index_cast %scan3A_72 : i32 to index
      %swap3A_627 = arith.constant 624 : index
      %swap3A_628 = tpu.vector_load %arg8[%swap3A_626, %swap3A_627] {strides = array<i32>} : memref<32x1024xf32, #tpu.memory_space<vmem>>, vector<1x16xf32>,
      %swap3A_629 = vector.shape_cast %swap3A_628 : vector<1x16xf32> to vector<16xf32>
      %swap3A_630 = vector.shape_cast %add3A_625 : vector<16xf32> to vector<1x16xf32>
      tpu.vector_store %arg8[%swap3A_626, %swap3A_627], %swap3A_630 {strides = array<i32>} : memref<32x1024xf32, #tpu.memory_space<vmem>>, vector<1x16xf32>,
      %get3A_631 = arith.index_cast %scan3A_72 : i32 to index
      %get3A_632 = arith.constant 640 : index
      %get3A_633 = tpu.vector_load %arg8[%get3A_631, %get3A_632] {strides = array<i32>} : memref<32x1024xf32, #tpu.memory_space<vmem>>, vector<1x16xf32>,
      %get3A_634 = vector.shape_cast %get3A_633 : vector<1x16xf32> to vector<16xf32>
      %get3A_635 = arith.index_cast %scan3A_72 : i32 to index
      %get3A_636 = arith.constant 640 : index
      %get3A_637 = tpu.vector_load %arg9[%get3A_635, %get3A_636] {strides = array<i32>} : memref<32x1024xf32, #tpu.memory_space<vmem>>, vector<1x16xf32>,
      %get3A_638 = vector.shape_cast %get3A_637 : vector<1x16xf32> to vector<16xf32>
      %add3A_639 = arith.addf %get3A_634, %get3A_638 : vector<16xf32>
      %swap3A_640 = arith.index_cast %scan3A_72 : i32 to index
      %swap3A_641 = arith.constant 640 : index
      %swap3A_642 = tpu.vector_load %arg8[%swap3A_640, %swap3A_641] {strides = array<i32>} : memref<32x1024xf32, #tpu.memory_space<vmem>>, vector<1x16xf32>,
      %swap3A_643 = vector.shape_cast %swap3A_642 : vector<1x16xf32> to vector<16xf32>
      %swap3A_644 = vector.shape_cast %add3A_639 : vector<16xf32> to vector<1x16xf32>
      tpu.vector_store %arg8[%swap3A_640, %swap3A_641], %swap3A_644 {strides = array<i32>} : memref<32x1024xf32, #tpu.memory_space<vmem>>, vector<1x16xf32>,
      %get3A_645 = arith.index_cast %scan3A_72 : i32 to index
      %get3A_646 = arith.constant 656 : index
      %get3A_647 = tpu.vector_load %arg8[%get3A_645, %get3A_646] {strides = array<i32>} : memref<32x1024xf32, #tpu.memory_space<vmem>>, vector<1x16xf32>,
      %get3A_648 = vector.shape_cast %get3A_647 : vector<1x16xf32> to vector<16xf32>
      %get3A_649 = arith.index_cast %scan3A_72 : i32 to index
      %get3A_650 = arith.constant 656 : index
      %get3A_651 = tpu.vector_load %arg9[%get3A_649, %get3A_650] {strides = array<i32>} : memref<32x1024xf32, #tpu.memory_space<vmem>>, vector<1x16xf32>,
      %get3A_652 = vector.shape_cast %get3A_651 : vector<1x16xf32> to vector<16xf32>
      %add3A_653 = arith.addf %get3A_648, %get3A_652 : vector<16xf32>
      %swap3A_654 = arith.index_cast %scan3A_72 : i32 to index
      %swap3A_655 = arith.constant 656 : index
      %swap3A_656 = tpu.vector_load %arg8[%swap3A_654, %swap3A_655] {strides = array<i32>} : memref<32x1024xf32, #tpu.memory_space<vmem>>, vector<1x16xf32>,
      %swap3A_657 = vector.shape_cast %swap3A_656 : vector<1x16xf32> to vector<16xf32>
      %swap3A_658 = vector.shape_cast %add3A_653 : vector<16xf32> to vector<1x16xf32>
      tpu.vector_store %arg8[%swap3A_654, %swap3A_655], %swap3A_658 {strides = array<i32>} : memref<32x1024xf32, #tpu.memory_space<vmem>>, vector<1x16xf32>,
      %get3A_659 = arith.index_cast %scan3A_72 : i32 to index
      %get3A_660 = arith.constant 672 : index
      %get3A_661 = tpu.vector_load %arg8[%get3A_659, %get3A_660] {strides = array<i32>} : memref<32x1024xf32, #tpu.memory_space<vmem>>, vector<1x16xf32>,
      %get3A_662 = vector.shape_cast %get3A_661 : vector<1x16xf32> to vector<16xf32>
      %get3A_663 = arith.index_cast %scan3A_72 : i32 to index
      %get3A_664 = arith.constant 672 : index
      %get3A_665 = tpu.vector_load %arg9[%get3A_663, %get3A_664] {strides = array<i32>} : memref<32x1024xf32, #tpu.memory_space<vmem>>, vector<1x16xf32>,
      %get3A_666 = vector.shape_cast %get3A_665 : vector<1x16xf32> to vector<16xf32>
      %add3A_667 = arith.addf %get3A_662, %get3A_666 : vector<16xf32>
      %swap3A_668 = arith.index_cast %scan3A_72 : i32 to index
      %swap3A_669 = arith.constant 672 : index
      %swap3A_670 = tpu.vector_load %arg8[%swap3A_668, %swap3A_669] {strides = array<i32>} : memref<32x1024xf32, #tpu.memory_space<vmem>>, vector<1x16xf32>,
      %swap3A_671 = vector.shape_cast %swap3A_670 : vector<1x16xf32> to vector<16xf32>
      %swap3A_672 = vector.shape_cast %add3A_667 : vector<16xf32> to vector<1x16xf32>
      tpu.vector_store %arg8[%swap3A_668, %swap3A_669], %swap3A_672 {strides = array<i32>} : memref<32x1024xf32, #tpu.memory_space<vmem>>, vector<1x16xf32>,
      %get3A_673 = arith.index_cast %scan3A_72 : i32 to index
      %get3A_674 = arith.constant 688 : index
      %get3A_675 = tpu.vector_load %arg8[%get3A_673, %get3A_674] {strides = array<i32>} : memref<32x1024xf32, #tpu.memory_space<vmem>>, vector<1x16xf32>,
      %get3A_676 = vector.shape_cast %get3A_675 : vector<1x16xf32> to vector<16xf32>
      %get3A_677 = arith.index_cast %scan3A_72 : i32 to index
      %get3A_678 = arith.constant 688 : index
      %get3A_679 = tpu.vector_load %arg9[%get3A_677, %get3A_678] {strides = array<i32>} : memref<32x1024xf32, #tpu.memory_space<vmem>>, vector<1x16xf32>,
      %get3A_680 = vector.shape_cast %get3A_679 : vector<1x16xf32> to vector<16xf32>
      %add3A_681 = arith.addf %get3A_676, %get3A_680 : vector<16xf32>
      %swap3A_682 = arith.index_cast %scan3A_72 : i32 to index
      %swap3A_683 = arith.constant 688 : index
      %swap3A_684 = tpu.vector_load %arg8[%swap3A_682, %swap3A_683] {strides = array<i32>} : memref<32x1024xf32, #tpu.memory_space<vmem>>, vector<1x16xf32>,
      %swap3A_685 = vector.shape_cast %swap3A_684 : vector<1x16xf32> to vector<16xf32>
      %swap3A_686 = vector.shape_cast %add3A_681 : vector<16xf32> to vector<1x16xf32>
      tpu.vector_store %arg8[%swap3A_682, %swap3A_683], %swap3A_686 {strides = array<i32>} : memref<32x1024xf32, #tpu.memory_space<vmem>>, vector<1x16xf32>,
      %get3A_687 = arith.index_cast %scan3A_72 : i32 to index
      %get3A_688 = arith.constant 704 : index
      %get3A_689 = tpu.vector_load %arg8[%get3A_687, %get3A_688] {strides = array<i32>} : memref<32x1024xf32, #tpu.memory_space<vmem>>, vector<1x16xf32>,
      %get3A_690 = vector.shape_cast %get3A_689 : vector<1x16xf32> to vector<16xf32>
      %get3A_691 = arith.index_cast %scan3A_72 : i32 to index
      %get3A_692 = arith.constant 704 : index
      %get3A_693 = tpu.vector_load %arg9[%get3A_691, %get3A_692] {strides = array<i32>} : memref<32x1024xf32, #tpu.memory_space<vmem>>, vector<1x16xf32>,
      %get3A_694 = vector.shape_cast %get3A_693 : vector<1x16xf32> to vector<16xf32>
      %add3A_695 = arith.addf %get3A_690, %get3A_694 : vector<16xf32>
      %swap3A_696 = arith.index_cast %scan3A_72 : i32 to index
      %swap3A_697 = arith.constant 704 : index
      %swap3A_698 = tpu.vector_load %arg8[%swap3A_696, %swap3A_697] {strides = array<i32>} : memref<32x1024xf32, #tpu.memory_space<vmem>>, vector<1x16xf32>,
      %swap3A_699 = vector.shape_cast %swap3A_698 : vector<1x16xf32> to vector<16xf32>
      %swap3A_700 = vector.shape_cast %add3A_695 : vector<16xf32> to vector<1x16xf32>
      tpu.vector_store %arg8[%swap3A_696, %swap3A_697], %swap3A_700 {strides = array<i32>} : memref<32x1024xf32, #tpu.memory_space<vmem>>, vector<1x16xf32>,
      %get3A_701 = arith.index_cast %scan3A_72 : i32 to index
      %get3A_702 = arith.constant 720 : index
      %get3A_703 = tpu.vector_load %arg8[%get3A_701, %get3A_702] {strides = array<i32>} : memref<32x1024xf32, #tpu.memory_space<vmem>>, vector<1x16xf32>,
      %get3A_704 = vector.shape_cast %get3A_703 : vector<1x16xf32> to vector<16xf32>
      %get3A_705 = arith.index_cast %scan3A_72 : i32 to index
      %get3A_706 = arith.constant 720 : index
      %get3A_707 = tpu.vector_load %arg9[%get3A_705, %get3A_706] {strides = array<i32>} : memref<32x1024xf32, #tpu.memory_space<vmem>>, vector<1x16xf32>,
      %get3A_708 = vector.shape_cast %get3A_707 : vector<1x16xf32> to vector<16xf32>
      %add3A_709 = arith.addf %get3A_704, %get3A_708 : vector<16xf32>
      %swap3A_710 = arith.index_cast %scan3A_72 : i32 to index
      %swap3A_711 = arith.constant 720 : index
      %swap3A_712 = tpu.vector_load %arg8[%swap3A_710, %swap3A_711] {strides = array<i32>} : memref<32x1024xf32, #tpu.memory_space<vmem>>, vector<1x16xf32>,
      %swap3A_713 = vector.shape_cast %swap3A_712 : vector<1x16xf32> to vector<16xf32>
      %swap3A_714 = vector.shape_cast %add3A_709 : vector<16xf32> to vector<1x16xf32>
      tpu.vector_store %arg8[%swap3A_710, %swap3A_711], %swap3A_714 {strides = array<i32>} : memref<32x1024xf32, #tpu.memory_space<vmem>>, vector<1x16xf32>,
      %get3A_715 = arith.index_cast %scan3A_72 : i32 to index
      %get3A_716 = arith.constant 736 : index
      %get3A_717 = tpu.vector_load %arg8[%get3A_715, %get3A_716] {strides = array<i32>} : memref<32x1024xf32, #tpu.memory_space<vmem>>, vector<1x16xf32>,
      %get3A_718 = vector.shape_cast %get3A_717 : vector<1x16xf32> to vector<16xf32>
      %get3A_719 = arith.index_cast %scan3A_72 : i32 to index
      %get3A_720 = arith.constant 736 : index
      %get3A_721 = tpu.vector_load %arg9[%get3A_719, %get3A_720] {strides = array<i32>} : memref<32x1024xf32, #tpu.memory_space<vmem>>, vector<1x16xf32>,
      %get3A_722 = vector.shape_cast %get3A_721 : vector<1x16xf32> to vector<16xf32>
      %add3A_723 = arith.addf %get3A_718, %get3A_722 : vector<16xf32>
      %swap3A_724 = arith.index_cast %scan3A_72 : i32 to index
      %swap3A_725 = arith.constant 736 : index
      %swap3A_726 = tpu.vector_load %arg8[%swap3A_724, %swap3A_725] {strides = array<i32>} : memref<32x1024xf32, #tpu.memory_space<vmem>>, vector<1x16xf32>,
      %swap3A_727 = vector.shape_cast %swap3A_726 : vector<1x16xf32> to vector<16xf32>
      %swap3A_728 = vector.shape_cast %add3A_723 : vector<16xf32> to vector<1x16xf32>
      tpu.vector_store %arg8[%swap3A_724, %swap3A_725], %swap3A_728 {strides = array<i32>} : memref<32x1024xf32, #tpu.memory_space<vmem>>, vector<1x16xf32>,
      %get3A_729 = arith.index_cast %scan3A_72 : i32 to index
      %get3A_730 = arith.constant 752 : index
      %get3A_731 = tpu.vector_load %arg8[%get3A_729, %get3A_730] {strides = array<i32>} : memref<32x1024xf32, #tpu.memory_space<vmem>>, vector<1x16xf32>,
      %get3A_732 = vector.shape_cast %get3A_731 : vector<1x16xf32> to vector<16xf32>
      %get3A_733 = arith.index_cast %scan3A_72 : i32 to index
      %get3A_734 = arith.constant 752 : index
      %get3A_735 = tpu.vector_load %arg9[%get3A_733, %get3A_734] {strides = array<i32>} : memref<32x1024xf32, #tpu.memory_space<vmem>>, vector<1x16xf32>,
      %get3A_736 = vector.shape_cast %get3A_735 : vector<1x16xf32> to vector<16xf32>
      %add3A_737 = arith.addf %get3A_732, %get3A_736 : vector<16xf32>
      %swap3A_738 = arith.index_cast %scan3A_72 : i32 to index
      %swap3A_739 = arith.constant 752 : index
      %swap3A_740 = tpu.vector_load %arg8[%swap3A_738, %swap3A_739] {strides = array<i32>} : memref<32x1024xf32, #tpu.memory_space<vmem>>, vector<1x16xf32>,
      %swap3A_741 = vector.shape_cast %swap3A_740 : vector<1x16xf32> to vector<16xf32>
      %swap3A_742 = vector.shape_cast %add3A_737 : vector<16xf32> to vector<1x16xf32>
      tpu.vector_store %arg8[%swap3A_738, %swap3A_739], %swap3A_742 {strides = array<i32>} : memref<32x1024xf32, #tpu.memory_space<vmem>>, vector<1x16xf32>,
      %get3A_743 = arith.index_cast %scan3A_72 : i32 to index
      %get3A_744 = arith.constant 768 : index
      %get3A_745 = tpu.vector_load %arg8[%get3A_743, %get3A_744] {strides = array<i32>} : memref<32x1024xf32, #tpu.memory_space<vmem>>, vector<1x16xf32>,
      %get3A_746 = vector.shape_cast %get3A_745 : vector<1x16xf32> to vector<16xf32>
      %get3A_747 = arith.index_cast %scan3A_72 : i32 to index
      %get3A_748 = arith.constant 768 : index
      %get3A_749 = tpu.vector_load %arg9[%get3A_747, %get3A_748] {strides = array<i32>} : memref<32x1024xf32, #tpu.memory_space<vmem>>, vector<1x16xf32>,
      %get3A_750 = vector.shape_cast %get3A_749 : vector<1x16xf32> to vector<16xf32>
      %add3A_751 = arith.addf %get3A_746, %get3A_750 : vector<16xf32>
      %swap3A_752 = arith.index_cast %scan3A_72 : i32 to index
      %swap3A_753 = arith.constant 768 : index
      %swap3A_754 = tpu.vector_load %arg8[%swap3A_752, %swap3A_753] {strides = array<i32>} : memref<32x1024xf32, #tpu.memory_space<vmem>>, vector<1x16xf32>,
      %swap3A_755 = vector.shape_cast %swap3A_754 : vector<1x16xf32> to vector<16xf32>
      %swap3A_756 = vector.shape_cast %add3A_751 : vector<16xf32> to vector<1x16xf32>
      tpu.vector_store %arg8[%swap3A_752, %swap3A_753], %swap3A_756 {strides = array<i32>} : memref<32x1024xf32, #tpu.memory_space<vmem>>, vector<1x16xf32>,
      %get3A_757 = arith.index_cast %scan3A_72 : i32 to index
      %get3A_758 = arith.constant 784 : index
      %get3A_759 = tpu.vector_load %arg8[%get3A_757, %get3A_758] {strides = array<i32>} : memref<32x1024xf32, #tpu.memory_space<vmem>>, vector<1x16xf32>,
      %get3A_760 = vector.shape_cast %get3A_759 : vector<1x16xf32> to vector<16xf32>
      %get3A_761 = arith.index_cast %scan3A_72 : i32 to index
      %get3A_762 = arith.constant 784 : index
      %get3A_763 = tpu.vector_load %arg9[%get3A_761, %get3A_762] {strides = array<i32>} : memref<32x1024xf32, #tpu.memory_space<vmem>>, vector<1x16xf32>,
      %get3A_764 = vector.shape_cast %get3A_763 : vector<1x16xf32> to vector<16xf32>
      %add3A_765 = arith.addf %get3A_760, %get3A_764 : vector<16xf32>
      %swap3A_766 = arith.index_cast %scan3A_72 : i32 to index
      %swap3A_767 = arith.constant 784 : index
      %swap3A_768 = tpu.vector_load %arg8[%swap3A_766, %swap3A_767] {strides = array<i32>} : memref<32x1024xf32, #tpu.memory_space<vmem>>, vector<1x16xf32>,
      %swap3A_769 = vector.shape_cast %swap3A_768 : vector<1x16xf32> to vector<16xf32>
      %swap3A_770 = vector.shape_cast %add3A_765 : vector<16xf32> to vector<1x16xf32>
      tpu.vector_store %arg8[%swap3A_766, %swap3A_767], %swap3A_770 {strides = array<i32>} : memref<32x1024xf32, #tpu.memory_space<vmem>>, vector<1x16xf32>,
      %get3A_771 = arith.index_cast %scan3A_72 : i32 to index
      %get3A_772 = arith.constant 800 : index
      %get3A_773 = tpu.vector_load %arg8[%get3A_771, %get3A_772] {strides = array<i32>} : memref<32x1024xf32, #tpu.memory_space<vmem>>, vector<1x16xf32>,
      %get3A_774 = vector.shape_cast %get3A_773 : vector<1x16xf32> to vector<16xf32>
      %get3A_775 = arith.index_cast %scan3A_72 : i32 to index
      %get3A_776 = arith.constant 800 : index
      %get3A_777 = tpu.vector_load %arg9[%get3A_775, %get3A_776] {strides = array<i32>} : memref<32x1024xf32, #tpu.memory_space<vmem>>, vector<1x16xf32>,
      %get3A_778 = vector.shape_cast %get3A_777 : vector<1x16xf32> to vector<16xf32>
      %add3A_779 = arith.addf %get3A_774, %get3A_778 : vector<16xf32>
      %swap3A_780 = arith.index_cast %scan3A_72 : i32 to index
      %swap3A_781 = arith.constant 800 : index
      %swap3A_782 = tpu.vector_load %arg8[%swap3A_780, %swap3A_781] {strides = array<i32>} : memref<32x1024xf32, #tpu.memory_space<vmem>>, vector<1x16xf32>,
      %swap3A_783 = vector.shape_cast %swap3A_782 : vector<1x16xf32> to vector<16xf32>
      %swap3A_784 = vector.shape_cast %add3A_779 : vector<16xf32> to vector<1x16xf32>
      tpu.vector_store %arg8[%swap3A_780, %swap3A_781], %swap3A_784 {strides = array<i32>} : memref<32x1024xf32, #tpu.memory_space<vmem>>, vector<1x16xf32>,
      %get3A_785 = arith.index_cast %scan3A_72 : i32 to index
      %get3A_786 = arith.constant 816 : index
      %get3A_787 = tpu.vector_load %arg8[%get3A_785, %get3A_786] {strides = array<i32>} : memref<32x1024xf32, #tpu.memory_space<vmem>>, vector<1x16xf32>,
      %get3A_788 = vector.shape_cast %get3A_787 : vector<1x16xf32> to vector<16xf32>
      %get3A_789 = arith.index_cast %scan3A_72 : i32 to index
      %get3A_790 = arith.constant 816 : index
      %get3A_791 = tpu.vector_load %arg9[%get3A_789, %get3A_790] {strides = array<i32>} : memref<32x1024xf32, #tpu.memory_space<vmem>>, vector<1x16xf32>,
      %get3A_792 = vector.shape_cast %get3A_791 : vector<1x16xf32> to vector<16xf32>
      %add3A_793 = arith.addf %get3A_788, %get3A_792 : vector<16xf32>
      %swap3A_794 = arith.index_cast %scan3A_72 : i32 to index
      %swap3A_795 = arith.constant 816 : index
      %swap3A_796 = tpu.vector_load %arg8[%swap3A_794, %swap3A_795] {strides = array<i32>} : memref<32x1024xf32, #tpu.memory_space<vmem>>, vector<1x16xf32>,
      %swap3A_797 = vector.shape_cast %swap3A_796 : vector<1x16xf32> to vector<16xf32>
      %swap3A_798 = vector.shape_cast %add3A_793 : vector<16xf32> to vector<1x16xf32>
      tpu.vector_store %arg8[%swap3A_794, %swap3A_795], %swap3A_798 {strides = array<i32>} : memref<32x1024xf32, #tpu.memory_space<vmem>>, vector<1x16xf32>,
      %get3A_799 = arith.index_cast %scan3A_72 : i32 to index
      %get3A_800 = arith.constant 832 : index
      %get3A_801 = tpu.vector_load %arg8[%get3A_799, %get3A_800] {strides = array<i32>} : memref<32x1024xf32, #tpu.memory_space<vmem>>, vector<1x16xf32>,
      %get3A_802 = vector.shape_cast %get3A_801 : vector<1x16xf32> to vector<16xf32>
      %get3A_803 = arith.index_cast %scan3A_72 : i32 to index
      %get3A_804 = arith.constant 832 : index
      %get3A_805 = tpu.vector_load %arg9[%get3A_803, %get3A_804] {strides = array<i32>} : memref<32x1024xf32, #tpu.memory_space<vmem>>, vector<1x16xf32>,
      %get3A_806 = vector.shape_cast %get3A_805 : vector<1x16xf32> to vector<16xf32>
      %add3A_807 = arith.addf %get3A_802, %get3A_806 : vector<16xf32>
      %swap3A_808 = arith.index_cast %scan3A_72 : i32 to index
      %swap3A_809 = arith.constant 832 : index
      %swap3A_810 = tpu.vector_load %arg8[%swap3A_808, %swap3A_809] {strides = array<i32>} : memref<32x1024xf32, #tpu.memory_space<vmem>>, vector<1x16xf32>,
      %swap3A_811 = vector.shape_cast %swap3A_810 : vector<1x16xf32> to vector<16xf32>
      %swap3A_812 = vector.shape_cast %add3A_807 : vector<16xf32> to vector<1x16xf32>
      tpu.vector_store %arg8[%swap3A_808, %swap3A_809], %swap3A_812 {strides = array<i32>} : memref<32x1024xf32, #tpu.memory_space<vmem>>, vector<1x16xf32>,
      %get3A_813 = arith.index_cast %scan3A_72 : i32 to index
      %get3A_814 = arith.constant 848 : index
      %get3A_815 = tpu.vector_load %arg8[%get3A_813, %get3A_814] {strides = array<i32>} : memref<32x1024xf32, #tpu.memory_space<vmem>>, vector<1x16xf32>,
      %get3A_816 = vector.shape_cast %get3A_815 : vector<1x16xf32> to vector<16xf32>
      %get3A_817 = arith.index_cast %scan3A_72 : i32 to index
      %get3A_818 = arith.constant 848 : index
      %get3A_819 = tpu.vector_load %arg9[%get3A_817, %get3A_818] {strides = array<i32>} : memref<32x1024xf32, #tpu.memory_space<vmem>>, vector<1x16xf32>,
      %get3A_820 = vector.shape_cast %get3A_819 : vector<1x16xf32> to vector<16xf32>
      %add3A_821 = arith.addf %get3A_816, %get3A_820 : vector<16xf32>
      %swap3A_822 = arith.index_cast %scan3A_72 : i32 to index
      %swap3A_823 = arith.constant 848 : index
      %swap3A_824 = tpu.vector_load %arg8[%swap3A_822, %swap3A_823] {strides = array<i32>} : memref<32x1024xf32, #tpu.memory_space<vmem>>, vector<1x16xf32>,
      %swap3A_825 = vector.shape_cast %swap3A_824 : vector<1x16xf32> to vector<16xf32>
      %swap3A_826 = vector.shape_cast %add3A_821 : vector<16xf32> to vector<1x16xf32>
      tpu.vector_store %arg8[%swap3A_822, %swap3A_823], %swap3A_826 {strides = array<i32>} : memref<32x1024xf32, #tpu.memory_space<vmem>>, vector<1x16xf32>,
      %get3A_827 = arith.index_cast %scan3A_72 : i32 to index
      %get3A_828 = arith.constant 864 : index
      %get3A_829 = tpu.vector_load %arg8[%get3A_827, %get3A_828] {strides = array<i32>} : memref<32x1024xf32, #tpu.memory_space<vmem>>, vector<1x16xf32>,
      %get3A_830 = vector.shape_cast %get3A_829 : vector<1x16xf32> to vector<16xf32>
      %get3A_831 = arith.index_cast %scan3A_72 : i32 to index
      %get3A_832 = arith.constant 864 : index
      %get3A_833 = tpu.vector_load %arg9[%get3A_831, %get3A_832] {strides = array<i32>} : memref<32x1024xf32, #tpu.memory_space<vmem>>, vector<1x16xf32>,
      %get3A_834 = vector.shape_cast %get3A_833 : vector<1x16xf32> to vector<16xf32>
      %add3A_835 = arith.addf %get3A_830, %get3A_834 : vector<16xf32>
      %swap3A_836 = arith.index_cast %scan3A_72 : i32 to index
      %swap3A_837 = arith.constant 864 : index
      %swap3A_838 = tpu.vector_load %arg8[%swap3A_836, %swap3A_837] {strides = array<i32>} : memref<32x1024xf32, #tpu.memory_space<vmem>>, vector<1x16xf32>,
      %swap3A_839 = vector.shape_cast %swap3A_838 : vector<1x16xf32> to vector<16xf32>
      %swap3A_840 = vector.shape_cast %add3A_835 : vector<16xf32> to vector<1x16xf32>
      tpu.vector_store %arg8[%swap3A_836, %swap3A_837], %swap3A_840 {strides = array<i32>} : memref<32x1024xf32, #tpu.memory_space<vmem>>, vector<1x16xf32>,
      %get3A_841 = arith.index_cast %scan3A_72 : i32 to index
      %get3A_842 = arith.constant 880 : index
      %get3A_843 = tpu.vector_load %arg8[%get3A_841, %get3A_842] {strides = array<i32>} : memref<32x1024xf32, #tpu.memory_space<vmem>>, vector<1x16xf32>,
      %get3A_844 = vector.shape_cast %get3A_843 : vector<1x16xf32> to vector<16xf32>
      %get3A_845 = arith.index_cast %scan3A_72 : i32 to index
      %get3A_846 = arith.constant 880 : index
      %get3A_847 = tpu.vector_load %arg9[%get3A_845, %get3A_846] {strides = array<i32>} : memref<32x1024xf32, #tpu.memory_space<vmem>>, vector<1x16xf32>,
      %get3A_848 = vector.shape_cast %get3A_847 : vector<1x16xf32> to vector<16xf32>
      %add3A_849 = arith.addf %get3A_844, %get3A_848 : vector<16xf32>
      %swap3A_850 = arith.index_cast %scan3A_72 : i32 to index
      %swap3A_851 = arith.constant 880 : index
      %swap3A_852 = tpu.vector_load %arg8[%swap3A_850, %swap3A_851] {strides = array<i32>} : memref<32x1024xf32, #tpu.memory_space<vmem>>, vector<1x16xf32>,
      %swap3A_853 = vector.shape_cast %swap3A_852 : vector<1x16xf32> to vector<16xf32>
      %swap3A_854 = vector.shape_cast %add3A_849 : vector<16xf32> to vector<1x16xf32>
      tpu.vector_store %arg8[%swap3A_850, %swap3A_851], %swap3A_854 {strides = array<i32>} : memref<32x1024xf32, #tpu.memory_space<vmem>>, vector<1x16xf32>,
      %get3A_855 = arith.index_cast %scan3A_72 : i32 to index
      %get3A_856 = arith.constant 896 : index
      %get3A_857 = tpu.vector_load %arg8[%get3A_855, %get3A_856] {strides = array<i32>} : memref<32x1024xf32, #tpu.memory_space<vmem>>, vector<1x16xf32>,
      %get3A_858 = vector.shape_cast %get3A_857 : vector<1x16xf32> to vector<16xf32>
      %get3A_859 = arith.index_cast %scan3A_72 : i32 to index
      %get3A_860 = arith.constant 896 : index
      %get3A_861 = tpu.vector_load %arg9[%get3A_859, %get3A_860] {strides = array<i32>} : memref<32x1024xf32, #tpu.memory_space<vmem>>, vector<1x16xf32>,
      %get3A_862 = vector.shape_cast %get3A_861 : vector<1x16xf32> to vector<16xf32>
      %add3A_863 = arith.addf %get3A_858, %get3A_862 : vector<16xf32>
      %swap3A_864 = arith.index_cast %scan3A_72 : i32 to index
      %swap3A_865 = arith.constant 896 : index
      %swap3A_866 = tpu.vector_load %arg8[%swap3A_864, %swap3A_865] {strides = array<i32>} : memref<32x1024xf32, #tpu.memory_space<vmem>>, vector<1x16xf32>,
      %swap3A_867 = vector.shape_cast %swap3A_866 : vector<1x16xf32> to vector<16xf32>
      %swap3A_868 = vector.shape_cast %add3A_863 : vector<16xf32> to vector<1x16xf32>
      tpu.vector_store %arg8[%swap3A_864, %swap3A_865], %swap3A_868 {strides = array<i32>} : memref<32x1024xf32, #tpu.memory_space<vmem>>, vector<1x16xf32>,
      %get3A_869 = arith.index_cast %scan3A_72 : i32 to index
      %get3A_870 = arith.constant 912 : index
      %get3A_871 = tpu.vector_load %arg8[%get3A_869, %get3A_870] {strides = array<i32>} : memref<32x1024xf32, #tpu.memory_space<vmem>>, vector<1x16xf32>,
      %get3A_872 = vector.shape_cast %get3A_871 : vector<1x16xf32> to vector<16xf32>
      %get3A_873 = arith.index_cast %scan3A_72 : i32 to index
      %get3A_874 = arith.constant 912 : index
      %get3A_875 = tpu.vector_load %arg9[%get3A_873, %get3A_874] {strides = array<i32>} : memref<32x1024xf32, #tpu.memory_space<vmem>>, vector<1x16xf32>,
      %get3A_876 = vector.shape_cast %get3A_875 : vector<1x16xf32> to vector<16xf32>
      %add3A_877 = arith.addf %get3A_872, %get3A_876 : vector<16xf32>
      %swap3A_878 = arith.index_cast %scan3A_72 : i32 to index
      %swap3A_879 = arith.constant 912 : index
      %swap3A_880 = tpu.vector_load %arg8[%swap3A_878, %swap3A_879] {strides = array<i32>} : memref<32x1024xf32, #tpu.memory_space<vmem>>, vector<1x16xf32>,
      %swap3A_881 = vector.shape_cast %swap3A_880 : vector<1x16xf32> to vector<16xf32>
      %swap3A_882 = vector.shape_cast %add3A_877 : vector<16xf32> to vector<1x16xf32>
      tpu.vector_store %arg8[%swap3A_878, %swap3A_879], %swap3A_882 {strides = array<i32>} : memref<32x1024xf32, #tpu.memory_space<vmem>>, vector<1x16xf32>,
      %get3A_883 = arith.index_cast %scan3A_72 : i32 to index
      %get3A_884 = arith.constant 928 : index
      %get3A_885 = tpu.vector_load %arg8[%get3A_883, %get3A_884] {strides = array<i32>} : memref<32x1024xf32, #tpu.memory_space<vmem>>, vector<1x16xf32>,
      %get3A_886 = vector.shape_cast %get3A_885 : vector<1x16xf32> to vector<16xf32>
      %get3A_887 = arith.index_cast %scan3A_72 : i32 to index
      %get3A_888 = arith.constant 928 : index
      %get3A_889 = tpu.vector_load %arg9[%get3A_887, %get3A_888] {strides = array<i32>} : memref<32x1024xf32, #tpu.memory_space<vmem>>, vector<1x16xf32>,
      %get3A_890 = vector.shape_cast %get3A_889 : vector<1x16xf32> to vector<16xf32>
      %add3A_891 = arith.addf %get3A_886, %get3A_890 : vector<16xf32>
      %swap3A_892 = arith.index_cast %scan3A_72 : i32 to index
      %swap3A_893 = arith.constant 928 : index
      %swap3A_894 = tpu.vector_load %arg8[%swap3A_892, %swap3A_893] {strides = array<i32>} : memref<32x1024xf32, #tpu.memory_space<vmem>>, vector<1x16xf32>,
      %swap3A_895 = vector.shape_cast %swap3A_894 : vector<1x16xf32> to vector<16xf32>
      %swap3A_896 = vector.shape_cast %add3A_891 : vector<16xf32> to vector<1x16xf32>
      tpu.vector_store %arg8[%swap3A_892, %swap3A_893], %swap3A_896 {strides = array<i32>} : memref<32x1024xf32, #tpu.memory_space<vmem>>, vector<1x16xf32>,
      %get3A_897 = arith.index_cast %scan3A_72 : i32 to index
      %get3A_898 = arith.constant 944 : index
      %get3A_899 = tpu.vector_load %arg8[%get3A_897, %get3A_898] {strides = array<i32>} : memref<32x1024xf32, #tpu.memory_space<vmem>>, vector<1x16xf32>,
      %get3A_900 = vector.shape_cast %get3A_899 : vector<1x16xf32> to vector<16xf32>
      %get3A_901 = arith.index_cast %scan3A_72 : i32 to index
      %get3A_902 = arith.constant 944 : index
      %get3A_903 = tpu.vector_load %arg9[%get3A_901, %get3A_902] {strides = array<i32>} : memref<32x1024xf32, #tpu.memory_space<vmem>>, vector<1x16xf32>,
      %get3A_904 = vector.shape_cast %get3A_903 : vector<1x16xf32> to vector<16xf32>
      %add3A_905 = arith.addf %get3A_900, %get3A_904 : vector<16xf32>
      %swap3A_906 = arith.index_cast %scan3A_72 : i32 to index
      %swap3A_907 = arith.constant 944 : index
      %swap3A_908 = tpu.vector_load %arg8[%swap3A_906, %swap3A_907] {strides = array<i32>} : memref<32x1024xf32, #tpu.memory_space<vmem>>, vector<1x16xf32>,
      %swap3A_909 = vector.shape_cast %swap3A_908 : vector<1x16xf32> to vector<16xf32>
      %swap3A_910 = vector.shape_cast %add3A_905 : vector<16xf32> to vector<1x16xf32>
      tpu.vector_store %arg8[%swap3A_906, %swap3A_907], %swap3A_910 {strides = array<i32>} : memref<32x1024xf32, #tpu.memory_space<vmem>>, vector<1x16xf32>,
      %get3A_911 = arith.index_cast %scan3A_72 : i32 to index
      %get3A_912 = arith.constant 960 : index
      %get3A_913 = tpu.vector_load %arg8[%get3A_911, %get3A_912] {strides = array<i32>} : memref<32x1024xf32, #tpu.memory_space<vmem>>, vector<1x16xf32>,
      %get3A_914 = vector.shape_cast %get3A_913 : vector<1x16xf32> to vector<16xf32>
      %get3A_915 = arith.index_cast %scan3A_72 : i32 to index
      %get3A_916 = arith.constant 960 : index
      %get3A_917 = tpu.vector_load %arg9[%get3A_915, %get3A_916] {strides = array<i32>} : memref<32x1024xf32, #tpu.memory_space<vmem>>, vector<1x16xf32>,
      %get3A_918 = vector.shape_cast %get3A_917 : vector<1x16xf32> to vector<16xf32>
      %add3A_919 = arith.addf %get3A_914, %get3A_918 : vector<16xf32>
      %swap3A_920 = arith.index_cast %scan3A_72 : i32 to index
      %swap3A_921 = arith.constant 960 : index
      %swap3A_922 = tpu.vector_load %arg8[%swap3A_920, %swap3A_921] {strides = array<i32>} : memref<32x1024xf32, #tpu.memory_space<vmem>>, vector<1x16xf32>,
      %swap3A_923 = vector.shape_cast %swap3A_922 : vector<1x16xf32> to vector<16xf32>
      %swap3A_924 = vector.shape_cast %add3A_919 : vector<16xf32> to vector<1x16xf32>
      tpu.vector_store %arg8[%swap3A_920, %swap3A_921], %swap3A_924 {strides = array<i32>} : memref<32x1024xf32, #tpu.memory_space<vmem>>, vector<1x16xf32>,
      %get3A_925 = arith.index_cast %scan3A_72 : i32 to index
      %get3A_926 = arith.constant 976 : index
      %get3A_927 = tpu.vector_load %arg8[%get3A_925, %get3A_926] {strides = array<i32>} : memref<32x1024xf32, #tpu.memory_space<vmem>>, vector<1x16xf32>,
      %get3A_928 = vector.shape_cast %get3A_927 : vector<1x16xf32> to vector<16xf32>
      %get3A_929 = arith.index_cast %scan3A_72 : i32 to index
      %get3A_930 = arith.constant 976 : index
      %get3A_931 = tpu.vector_load %arg9[%get3A_929, %get3A_930] {strides = array<i32>} : memref<32x1024xf32, #tpu.memory_space<vmem>>, vector<1x16xf32>,
      %get3A_932 = vector.shape_cast %get3A_931 : vector<1x16xf32> to vector<16xf32>
      %add3A_933 = arith.addf %get3A_928, %get3A_932 : vector<16xf32>
      %swap3A_934 = arith.index_cast %scan3A_72 : i32 to index
      %swap3A_935 = arith.constant 976 : index
      %swap3A_936 = tpu.vector_load %arg8[%swap3A_934, %swap3A_935] {strides = array<i32>} : memref<32x1024xf32, #tpu.memory_space<vmem>>, vector<1x16xf32>,
      %swap3A_937 = vector.shape_cast %swap3A_936 : vector<1x16xf32> to vector<16xf32>
      %swap3A_938 = vector.shape_cast %add3A_933 : vector<16xf32> to vector<1x16xf32>
      tpu.vector_store %arg8[%swap3A_934, %swap3A_935], %swap3A_938 {strides = array<i32>} : memref<32x1024xf32, #tpu.memory_space<vmem>>, vector<1x16xf32>,
      %get3A_939 = arith.index_cast %scan3A_72 : i32 to index
      %get3A_940 = arith.constant 992 : index
      %get3A_941 = tpu.vector_load %arg8[%get3A_939, %get3A_940] {strides = array<i32>} : memref<32x1024xf32, #tpu.memory_space<vmem>>, vector<1x16xf32>,
      %get3A_942 = vector.shape_cast %get3A_941 : vector<1x16xf32> to vector<16xf32>
      %get3A_943 = arith.index_cast %scan3A_72 : i32 to index
      %get3A_944 = arith.constant 992 : index
      %get3A_945 = tpu.vector_load %arg9[%get3A_943, %get3A_944] {strides = array<i32>} : memref<32x1024xf32, #tpu.memory_space<vmem>>, vector<1x16xf32>,
      %get3A_946 = vector.shape_cast %get3A_945 : vector<1x16xf32> to vector<16xf32>
      %add3A_947 = arith.addf %get3A_942, %get3A_946 : vector<16xf32>
      %swap3A_948 = arith.index_cast %scan3A_72 : i32 to index
      %swap3A_949 = arith.constant 992 : index
      %swap3A_950 = tpu.vector_load %arg8[%swap3A_948, %swap3A_949] {strides = array<i32>} : memref<32x1024xf32, #tpu.memory_space<vmem>>, vector<1x16xf32>,
      %swap3A_951 = vector.shape_cast %swap3A_950 : vector<1x16xf32> to vector<16xf32>
      %swap3A_952 = vector.shape_cast %add3A_947 : vector<16xf32> to vector<1x16xf32>
      tpu.vector_store %arg8[%swap3A_948, %swap3A_949], %swap3A_952 {strides = array<i32>} : memref<32x1024xf32, #tpu.memory_space<vmem>>, vector<1x16xf32>,
      %get3A_953 = arith.index_cast %scan3A_72 : i32 to index
      %get3A_954 = arith.constant 1008 : index
      %get3A_955 = tpu.vector_load %arg8[%get3A_953, %get3A_954] {strides = array<i32>} : memref<32x1024xf32, #tpu.memory_space<vmem>>, vector<1x16xf32>,
      %get3A_956 = vector.shape_cast %get3A_955 : vector<1x16xf32> to vector<16xf32>
      %get3A_957 = arith.index_cast %scan3A_72 : i32 to index
      %get3A_958 = arith.constant 1008 : index
      %get3A_959 = tpu.vector_load %arg9[%get3A_957, %get3A_958] {strides = array<i32>} : memref<32x1024xf32, #tpu.memory_space<vmem>>, vector<1x16xf32>,
      %get3A_960 = vector.shape_cast %get3A_959 : vector<1x16xf32> to vector<16xf32>
      %add3A_961 = arith.addf %get3A_956, %get3A_960 : vector<16xf32>
      %swap3A_962 = arith.index_cast %scan3A_72 : i32 to index
      %swap3A_963 = arith.constant 1008 : index
      %swap3A_964 = tpu.vector_load %arg8[%swap3A_962, %swap3A_963] {strides = array<i32>} : memref<32x1024xf32, #tpu.memory_space<vmem>>, vector<1x16xf32>,
      %swap3A_965 = vector.shape_cast %swap3A_964 : vector<1x16xf32> to vector<16xf32>
      %swap3A_966 = vector.shape_cast %add3A_961 : vector<16xf32> to vector<1x16xf32>
      tpu.vector_store %arg8[%swap3A_962, %swap3A_963], %swap3A_966 {strides = array<i32>} : memref<32x1024xf32, #tpu.memory_space<vmem>>, vector<1x16xf32>,
    }
    %scan3A_63 = arith.constant 32 : i32
    %dma_start3A_64 = arith.constant 0 : i32
    %dma_start3A_65 = tpu.memref_slice %arg5[%add3A_33, %dma_start3A_64] : memref<2048x1024xf32, #tpu.memory_space<hbm>> -> memref<32x1024xf32, #tpu.memory_space<hbm>>
    %dma_start3A_66 = arith.constant 0 : i32
    %dma_start3A_67 = tpu.memref_slice %arg5[%add3A_33, %dma_start3A_66] : memref<2048x1024xf32, #tpu.memory_space<hbm>> -> memref<32x1024xf32, #tpu.memory_space<hbm>>
    tpu.enqueue_dma source(%arg8 : memref<32x1024xf32, #tpu.memory_space<vmem>>) target(%dma_start3A_67 : memref<32x1024xf32, #tpu.memory_space<hbm>>) target_semaphore(%arg12 : memref<!tpu.dma_semaphore, #tpu.memory_space<semaphore_mem>>)
    %dma_wait3A_68 = arith.constant 0 : i32
    %dma_wait3A_69 = tpu.memref_slice %arg5[%add3A_33, %dma_wait3A_68] : memref<2048x1024xf32, #tpu.memory_space<hbm>> -> memref<32x1024xf32, #tpu.memory_space<hbm>>
    %dma_wait3A_70 = arith.constant 0 : i32
    %dma_wait3A_71 = tpu.memref_slice %arg5[%add3A_33, %dma_wait3A_70] : memref<2048x1024xf32, #tpu.memory_space<hbm>> -> memref<32x1024xf32, #tpu.memory_space<hbm>>
    tpu.wait_dma2 semaphore(%arg12 : memref<!tpu.dma_semaphore, #tpu.memory_space<semaphore_mem>>) src(%arg8 : memref<32x1024xf32, #tpu.memory_space<vmem>>) dst(%dma_wait3A_71 : memref<32x1024xf32, #tpu.memory_space<hbm>>)
    return
  }
}

module attributes {stable_mosaic.version = 14 : i64} {
  func.func @_router_body(%arg0: memref<2048x1024xf32, #tpu.memory_space<vmem>>, %arg1: memref<8x1024xf32, #tpu.memory_space<vmem>>, %arg2: memref<2048x2xi32, #tpu.memory_space<vmem>>, %arg3: memref<2048x2xf32, #tpu.memory_space<vmem>>) attributes {dimension_semantics = [], scalar_prefetch = 0 : i64, scratch_operands = 0 : i64, tpu.core_type = #tpu.core_type<tc>} {
    %get3A = arith.constant 0 : index
    %get3A_0 = arith.constant 0 : index
    %get3A_1 = vector.load %arg0[%get3A, %get3A_0] : memref<2048x1024xf32, #tpu.memory_space<vmem>>, vector<2048x1024xf32>
    %get3A_2 = arith.constant 0 : index
    %get3A_3 = arith.constant 0 : index
    %get3A_4 = vector.load %arg1[%get3A_2, %get3A_3] : memref<8x1024xf32, #tpu.memory_space<vmem>>, vector<8x1024xf32>
    %dot_general3A = arith.constant dense<0.000000e+00> : vector<2048x8xf32>
    %dot_general3A_5 = tpu.matmul %get3A_1, %get3A_4, %dot_general3A {dimension_numbers = #tpu.dot_dimension_numbers<[1], [1], [0], [0], [0, 0, 1, 0], [], []>, transpose_lhs_hint = false} : vector<2048x1024xf32>, vector<8x1024xf32>, vector<2048x8xf32> -> vector<2048x8xf32>
    %iota3A = tpu.iota {dimensions = array<i32: 1>} : vector<2048x8xi32>
    %reduce_max3A = arith.constant dense<0xFF800000> : vector<2048xf32>
    %reduce_max3A_6 = vector.multi_reduction <maximumf>, %dot_general3A_5, %reduce_max3A [1] : vector<2048x8xf32> to vector<2048xf32>
    %broadcast_in_dim3A = vector.shape_cast %reduce_max3A_6 : vector<2048xf32> to vector<2048x1xf32>
    %eq3A = vector.broadcast %broadcast_in_dim3A : vector<2048x1xf32> to vector<2048x8xf32>
    %eq3A_7 = arith.cmpf oeq, %dot_general3A_5, %eq3A : vector<2048x8xf32>
    %jit3A = arith.constant 8 : i32
    %broadcast_in_dim3A_8 = vector.broadcast %jit3A : i32 to vector<2048x8xi32>
    %select_n3A = arith.select %eq3A_7, %iota3A, %broadcast_in_dim3A_8 : vector<2048x8xi1>, vector<2048x8xi32>
    %reduce_min3A = arith.constant dense<2147483647> : vector<2048xi32>
    %reduce_min3A_9 = vector.multi_reduction <minsi>, %select_n3A, %reduce_min3A [1] : vector<2048x8xi32> to vector<2048xi32>
    %broadcast_in_dim3A_10 = vector.shape_cast %reduce_min3A_9 : vector<2048xi32> to vector<2048x1xi32>
    %eq3A_11 = vector.broadcast %broadcast_in_dim3A_10 : vector<2048x1xi32> to vector<2048x8xi32>
    %eq3A_12 = arith.cmpi eq, %iota3A, %eq3A_11 : vector<2048x8xi32>
    %jit3A_13 = arith.constant 0xFF800000 : f32
    %broadcast_in_dim3A_14 = vector.broadcast %jit3A_13 : f32 to vector<2048x8xf32>
    %select_n3A_15 = arith.select %eq3A_12, %broadcast_in_dim3A_14, %dot_general3A_5 : vector<2048x8xi1>, vector<2048x8xf32>
    %reduce_max3A_16 = arith.constant dense<0xFF800000> : vector<2048xf32>
    %reduce_max3A_17 = vector.multi_reduction <maximumf>, %select_n3A_15, %reduce_max3A_16 [1] : vector<2048x8xf32> to vector<2048xf32>
    %broadcast_in_dim3A_18 = vector.shape_cast %reduce_max3A_17 : vector<2048xf32> to vector<2048x1xf32>
    %eq3A_19 = vector.broadcast %broadcast_in_dim3A_18 : vector<2048x1xf32> to vector<2048x8xf32>
    %eq3A_20 = arith.cmpf oeq, %select_n3A_15, %eq3A_19 : vector<2048x8xf32>
    %jit3A_21 = arith.constant 8 : i32
    %broadcast_in_dim3A_22 = vector.broadcast %jit3A_21 : i32 to vector<2048x8xi32>
    %select_n3A_23 = arith.select %eq3A_20, %iota3A, %broadcast_in_dim3A_22 : vector<2048x8xi1>, vector<2048x8xi32>
    %reduce_min3A_24 = arith.constant dense<2147483647> : vector<2048xi32>
    %reduce_min3A_25 = vector.multi_reduction <minsi>, %select_n3A_23, %reduce_min3A_24 [1] : vector<2048x8xi32> to vector<2048xi32>
    %broadcast_in_dim3A_26 = vector.shape_cast %reduce_min3A_25 : vector<2048xi32> to vector<2048x1xi32>
    %sub3A = arith.subf %broadcast_in_dim3A_18, %broadcast_in_dim3A : vector<2048x1xf32>
    %exp3A = math.exp %sub3A : vector<2048x1xf32>
    %add3A = arith.constant 1.000000e+00 : f32
    %add3A_27 = vector.broadcast %add3A : f32 to vector<2048x1xf32>
    %add3A_28 = arith.addf %add3A_27, %exp3A : vector<2048x1xf32>
    %div3A = arith.constant 1.000000e+00 : f32
    %div3A_29 = vector.broadcast %div3A : f32 to vector<2048x1xf32>
    %div3A_30 = arith.divf %div3A_29, %add3A_28 : vector<2048x1xf32>
    %concatenate3A = tpu.concatenate %broadcast_in_dim3A_10, %broadcast_in_dim3A_26 in 1 : vector<2048x1xi32>, vector<2048x1xi32> -> vector<2048x2xi32>
    %swap3A = arith.constant 0 : index
    %swap3A_31 = arith.constant 0 : index
    %swap3A_32 = vector.load %arg2[%swap3A, %swap3A_31] : memref<2048x2xi32, #tpu.memory_space<vmem>>, vector<2048x2xi32>
    tpu.vector_store %arg2[%swap3A, %swap3A_31], %concatenate3A {strides = array<i32>} : memref<2048x2xi32, #tpu.memory_space<vmem>>, vector<2048x2xi32>,
    %sub3A_33 = arith.constant 1.000000e+00 : f32
    %sub3A_34 = vector.broadcast %sub3A_33 : f32 to vector<2048x1xf32>
    %sub3A_35 = arith.subf %sub3A_34, %div3A_30 : vector<2048x1xf32>
    %concatenate3A_36 = tpu.concatenate %div3A_30, %sub3A_35 in 1 : vector<2048x1xf32>, vector<2048x1xf32> -> vector<2048x2xf32>
    %swap3A_37 = arith.constant 0 : index
    %swap3A_38 = arith.constant 0 : index
    %swap3A_39 = vector.load %arg3[%swap3A_37, %swap3A_38] : memref<2048x2xf32, #tpu.memory_space<vmem>>, vector<2048x2xf32>
    tpu.vector_store %arg3[%swap3A_37, %swap3A_38], %concatenate3A_36 {strides = array<i32>} : memref<2048x2xf32, #tpu.memory_space<vmem>>, vector<2048x2xf32>,
    return
  }
}

module attributes {stable_mosaic.version = 14 : i64} {
  func.func @_ffn_body(%arg0: i32, %arg1: memref<24xi32, #tpu.memory_space<smem>>, %arg2: memref<24xi32, #tpu.memory_space<smem>>, %arg3: memref<256x1024xf32, #tpu.memory_space<vmem>>, %arg4: memref<1x1x2048x1024xbf16, #tpu.memory_space<vmem>>, %arg5: memref<1x1x2048x1024xbf16, #tpu.memory_space<vmem>>, %arg6: memref<1x1x1024x2048xbf16, #tpu.memory_space<vmem>>, %arg7: memref<256x1xf32, #tpu.memory_space<vmem>>, %arg8: memref<256x1024xf32, #tpu.memory_space<vmem>>) attributes {dimension_semantics = [#tpu.dimension_semantics<arbitrary>], iteration_bounds = array<i64: 24>, scalar_prefetch = 2 : i64, scratch_operands = 0 : i64, tpu.core_type = #tpu.core_type<tc>, window_params = [{transform_indices = @transform_0, window_bounds = array<i64: 256, 1024>}, {transform_indices = @transform_1, window_bounds = array<i64: 1, 1, 2048, 1024>}, {transform_indices = @transform_2, window_bounds = array<i64: 1, 1, 2048, 1024>}, {transform_indices = @transform_3, window_bounds = array<i64: 1, 1, 1024, 2048>}, {transform_indices = @transform_4, window_bounds = array<i64: 256, 1>}, {transform_indices = @transform_5, window_bounds = array<i64: 256, 1024>}]} {
    %get3A = arith.index_cast %arg0 : i32 to index
    %get3A_0 = memref.load %arg2[%get3A] : memref<24xi32, #tpu.memory_space<smem>>
    %eq3A = arith.constant 1 : i32
    %eq3A_1 = arith.cmpi eq, %get3A_0, %eq3A : i32
    %convert_element_type3A = arith.extui %eq3A_1 : i1 to i32
    %cond3A = arith.constant 0 : i32
    %cond3A_2 = arith.cmpi ne, %convert_element_type3A, %cond3A : i32
    scf.if %cond3A_2 {
      %get3A_3 = arith.constant 0 : index
      %get3A_4 = arith.constant 0 : index
      %get3A_5 = vector.load %arg3[%get3A_3, %get3A_4] : memref<256x1024xf32, #tpu.memory_space<vmem>>, vector<256x1024xf32>
      %convert_element_type3A_6 = arith.truncf %get3A_5 : vector<256x1024xf32> to vector<256x1024xbf16>
      %get3A_7 = arith.constant 0 : index
      %get3A_8 = arith.constant 0 : index
      %get3A_9 = arith.constant 0 : index
      %get3A_10 = arith.constant 0 : index
      %get3A_11 = vector.load %arg4[%get3A_7, %get3A_8, %get3A_9, %get3A_10] : memref<1x1x2048x1024xbf16, #tpu.memory_space<vmem>>, vector<1x1x2048x1024xbf16>
      %get3A_12 = vector.shape_cast %get3A_11 : vector<1x1x2048x1024xbf16> to vector<2048x1024xbf16>
      %dot_general3A = arith.constant dense<0.000000e+00> : vector<256x2048xf32>
      %dot_general3A_13 = tpu.matmul %convert_element_type3A_6, %get3A_12, %dot_general3A {dimension_numbers = #tpu.dot_dimension_numbers<[1], [1], [0], [0], [0, 0, 1, 0], [], []>, transpose_lhs_hint = false} : vector<256x1024xbf16>, vector<2048x1024xbf16>, vector<256x2048xf32> -> vector<256x2048xf32>
      %get3A_14 = arith.constant 0 : index
      %get3A_15 = arith.constant 0 : index
      %get3A_16 = arith.constant 0 : index
      %get3A_17 = arith.constant 0 : index
      %get3A_18 = vector.load %arg5[%get3A_14, %get3A_15, %get3A_16, %get3A_17] : memref<1x1x2048x1024xbf16, #tpu.memory_space<vmem>>, vector<1x1x2048x1024xbf16>
      %get3A_19 = vector.shape_cast %get3A_18 : vector<1x1x2048x1024xbf16> to vector<2048x1024xbf16>
      %dot_general3A_20 = arith.constant dense<0.000000e+00> : vector<256x2048xf32>
      %dot_general3A_21 = tpu.matmul %convert_element_type3A_6, %get3A_19, %dot_general3A_20 {dimension_numbers = #tpu.dot_dimension_numbers<[1], [1], [0], [0], [0, 0, 1, 0], [], []>, transpose_lhs_hint = false} : vector<256x1024xbf16>, vector<2048x1024xbf16>, vector<256x2048xf32> -> vector<256x2048xf32>
      %logistic3A = arith.negf %dot_general3A_13 : vector<256x2048xf32>
      %logistic3A_22 = math.exp %logistic3A : vector<256x2048xf32>
      %logistic3A_23 = arith.constant 1.000000e+00 : f32
      %logistic3A_24 = vector.broadcast %logistic3A_23 : f32 to vector<256x2048xf32>
      %logistic3A_25 = arith.addf %logistic3A_24, %logistic3A_22 : vector<256x2048xf32>
      %logistic3A_26 = arith.divf %logistic3A_24, %logistic3A_25 : vector<256x2048xf32>
      %mul3A = arith.mulf %dot_general3A_13, %logistic3A_26 : vector<256x2048xf32>
      %mul3A_27 = arith.mulf %mul3A, %dot_general3A_21 : vector<256x2048xf32>
      %get3A_28 = arith.constant 0 : index
      %get3A_29 = arith.constant 0 : index
      %get3A_30 = vector.load %arg7[%get3A_28, %get3A_29] : memref<256x1xf32, #tpu.memory_space<vmem>>, vector<256x1xf32>
      %mul3A_31 = vector.broadcast %get3A_30 : vector<256x1xf32> to vector<256x2048xf32>
      %mul3A_32 = arith.mulf %mul3A_27, %mul3A_31 : vector<256x2048xf32>
      %convert_element_type3A_33 = arith.truncf %mul3A_32 : vector<256x2048xf32> to vector<256x2048xbf16>
      %get3A_34 = arith.constant 0 : index
      %get3A_35 = arith.constant 0 : index
      %get3A_36 = arith.constant 0 : index
      %get3A_37 = arith.constant 0 : index
      %get3A_38 = vector.load %arg6[%get3A_34, %get3A_35, %get3A_36, %get3A_37] : memref<1x1x1024x2048xbf16, #tpu.memory_space<vmem>>, vector<1x1x1024x2048xbf16>
      %get3A_39 = vector.shape_cast %get3A_38 : vector<1x1x1024x2048xbf16> to vector<1024x2048xbf16>
      %dot_general3A_40 = arith.constant dense<0.000000e+00> : vector<256x1024xf32>
      %dot_general3A_41 = tpu.matmul %convert_element_type3A_33, %get3A_39, %dot_general3A_40 {dimension_numbers = #tpu.dot_dimension_numbers<[1], [1], [0], [0], [0, 0, 1, 0], [], []>, transpose_lhs_hint = false} : vector<256x2048xbf16>, vector<1024x2048xbf16>, vector<256x1024xf32> -> vector<256x1024xf32>
      %swap3A = arith.constant 0 : index
      %swap3A_42 = arith.constant 0 : index
      %swap3A_43 = vector.load %arg8[%swap3A, %swap3A_42] : memref<256x1024xf32, #tpu.memory_space<vmem>>, vector<256x1024xf32>
      tpu.vector_store %arg8[%swap3A, %swap3A_42], %dot_general3A_41 {strides = array<i32>} : memref<256x1024xf32, #tpu.memory_space<vmem>>, vector<256x1024xf32>,
    } else {
    }
    return
  }
  func.func @transform_0(%arg0: i32, %arg1: memref<24xi32, #tpu.memory_space<smem>>, %arg2: memref<24xi32, #tpu.memory_space<smem>>) -> (i32, i32) {
    %c0_i32 = arith.constant 0 : i32
    %c0_i32_0 = arith.constant 0 : i32
    return %arg0, %c0_i32 : i32, i32
  }
  func.func @transform_1(%arg0: i32, %arg1: memref<24xi32, #tpu.memory_space<smem>>, %arg2: memref<24xi32, #tpu.memory_space<smem>>) -> (i32, i32, i32, i32) {
    %get3A = arith.index_cast %arg0 : i32 to index
    %get3A_0 = memref.load %arg1[%get3A] : memref<24xi32, #tpu.memory_space<smem>>
    %c0_i32 = arith.constant 0 : i32
    %c0_i32_1 = arith.constant 0 : i32
    %c0_i32_2 = arith.constant 0 : i32
    %c0_i32_3 = arith.constant 0 : i32
    return %get3A_0, %c0_i32, %c0_i32_1, %c0_i32_2 : i32, i32, i32, i32
  }
  func.func @transform_2(%arg0: i32, %arg1: memref<24xi32, #tpu.memory_space<smem>>, %arg2: memref<24xi32, #tpu.memory_space<smem>>) -> (i32, i32, i32, i32) {
    %get3A = arith.index_cast %arg0 : i32 to index
    %get3A_0 = memref.load %arg1[%get3A] : memref<24xi32, #tpu.memory_space<smem>>
    %c1_i32 = arith.constant 1 : i32
    %c0_i32 = arith.constant 0 : i32
    %c0_i32_1 = arith.constant 0 : i32
    %c0_i32_2 = arith.constant 0 : i32
    return %get3A_0, %c1_i32, %c0_i32, %c0_i32_1 : i32, i32, i32, i32
  }
  func.func @transform_3(%arg0: i32, %arg1: memref<24xi32, #tpu.memory_space<smem>>, %arg2: memref<24xi32, #tpu.memory_space<smem>>) -> (i32, i32, i32, i32) {
    %get3A = arith.index_cast %arg0 : i32 to index
    %get3A_0 = memref.load %arg1[%get3A] : memref<24xi32, #tpu.memory_space<smem>>
    %c2_i32 = arith.constant 2 : i32
    %c0_i32 = arith.constant 0 : i32
    %c0_i32_1 = arith.constant 0 : i32
    %c0_i32_2 = arith.constant 0 : i32
    return %get3A_0, %c2_i32, %c0_i32, %c0_i32_1 : i32, i32, i32, i32
  }
  func.func @transform_4(%arg0: i32, %arg1: memref<24xi32, #tpu.memory_space<smem>>, %arg2: memref<24xi32, #tpu.memory_space<smem>>) -> (i32, i32) {
    %c0_i32 = arith.constant 0 : i32
    %c0_i32_0 = arith.constant 0 : i32
    return %arg0, %c0_i32 : i32, i32
  }
  func.func @transform_5(%arg0: i32, %arg1: memref<24xi32, #tpu.memory_space<smem>>, %arg2: memref<24xi32, #tpu.memory_space<smem>>) -> (i32, i32) {
    %c0_i32 = arith.constant 0 : i32
    %c0_i32_0 = arith.constant 0 : i32
    return %arg0, %c0_i32 : i32, i32
  }
}

</mosaic_0001>

<sc_bundles>
// kernel: gather_offload_async_start
scs
__scs_entry_jumppad:
0x0: {  	(pc) =	sbr.rel $0x88, $3  }
0x1: {  	(tag) =	ssettag $0x0;
	lr =	simm.s32 $0x1  }
0x2: {  	[smem:$0x3F9D] =	sst lr;
	_ =	strace $0xD0000000  }
0x3: {  	_ = 	snop  }
0x4: {  	_ = 	snop  }
0x5: {  	_ = 	snop  }
0x6: {  	_ = 	snop  }
0x7: {  	_ = 	snop  }
__scs_overlays_trampoline_lowered:
0x8: {  	[smem:$0x3FAC] =	sst s0  }
0x9: {  	[smem:$0x3FAD] =	sst s1  }
0xa: {  	[smem:$0x3FAE] =	sst s2  }
0xb: {  	[smem:$0x3FAF] =	sst s3  }
0xc: {  	[smem:$0x3FB0] =	sst s4  }
0xd: {  	[smem:$0x3FB1] =	sst s5  }
0xe: {  	[smem:$0x3FB2] =	sst s6  }
0xf: {  	[smem:$0x3FB3] =	sst s7  }
0x10: {  	[smem:$0x3FB4] =	sst s8  }
0x11: {  	[smem:$0x3FB5] =	sst s9;
	s0 =	simm.s32 @!p0 $0x0  }
0x12: {  	s1 =	sld [smem:$0x3F9B];
	s0 =	simm.s32 @p0 $0x1  }
0x13: {  	[smem:$0x3FB6] =	sst s0;
	s0 =	simm.s32 @!p1 $0x0  }
0x14: {  	s2 =	sld [smem:$0x3F9A];
	s0 =	simm.s32 @p1 $0x1  }
0x15: {  	[smem:$0x3FB7] =	sst s0;
	s0 =	simm.s32 @!p2 $0x0  }
0x16: {  	s3 =	sld [smem:$0x3FDB];
	s0 =	simm.s32 @p2 $0x1  }
0x17: {  	s4 =	simm.s32 $0x1BF5;
	[smem:$0x3FB9] =	sst s0  }
0x18: {  	s0 =	sld [smem:$0x3F9C];
	_ =	swait.ge [sflag:s4], $0x0  }
0x19: {  	s7 =	sld [smem:$0x3F9D]  }
0x1a: {  	s8 =	sadd.s32 $0xFFFFE003, lr  }
0x1b: {  	s9 =	sadd.s32 $0xFFFFFEF7, lr;
	s5 =	simm.s32 $0xFFFFFFFF;
	p2 =	slt.u32 s8, $0xFFFFF086  }
0x1c: {  	p1 =	slt.u32 s9, $0xF7A;
	s5 =	simm.s32 @!p2 $0x0  }
0x1d: {  	s5 =	simm.s32 @p1 $0x1;
	p0 =	seq.s32 s7, s2  }
0x1e: {  	s7 =	smul.u32 @!p0 $0xF7A, s2;
	p2 =	seq.s32 @!p0 s5, $0x0  }
0x1f: {  	s9 =	smul.u32 $0xF7A, s1;
	s8 =	simm.s32 @!p0 $0x1BF5;
	p2 =	por !p2, p0  }
0x20: {  	[sflag:s8] =	ssyncset.s32 @!p0 $0xFFFFF086;
	s6 =	sadd.s32 @!p0 s3, s7;
	s7 =	simm.s32 @!p0 $0x108  }
0x21: {  	s3 =	sadd.s32 s3, s9;
	s6 =	sadd.s32 @!p0 $0x88, s6;
	s7 =	simm.s32 @p2 $0x1082  }
0x22: {  	[simem:s7], [sflag:s8] =	dma.local @!p0 [hbm:s6], $0xF7A  }
0x23: {  	s9 =	sor.u32 $0xD0000000, s2;
	s6 =	simm.s32 $0x108;
	_ =	swait.ge @!p0 [sflag:s8], $0x0  }
0x24: {  	s3 =	sadd.s32 $0x88, s3;
	s6 =	simm.s32 @!p1 $0x1082;
	[sflag:s4] =	ssyncset.s32 $0xFFFFF086  }
0x25: {  	[simem:s6], [sflag:s4] =	dma.local [hbm:s3], $0xF7A  }
0x26: {  	[smem:$0x3F9D] =	sst s1;
	(tag) =	ssettag s2;
	_ =	strace s9  }
0x27: {  	s1 =	sld [smem:$0x3FAD]  }
0x28: {  	s2 =	sld [smem:$0x3FAE]  }
0x29: {  	s4 =	sld [smem:$0x3FB0]  }
0x2a: {  	p0 =	seq.s32 s5, $0x0;
	s5 =	sld [smem:$0x3FB1]  }
0x2b: {  	s6 =	sld [smem:$0x3FB2]  }
0x2c: {  	s7 =	sld [smem:$0x3FB3]  }
0x2d: {  	s3 =	simm.s32 $0x108;
	s8 =	sld [smem:$0x3FB4]  }
0x2e: {  	s3 =	simm.s32 @!p0 $0x1082;
	s9 =	sld [smem:$0x3FB5]  }
0x2f: {  	lr =	sadd.s32 s0, s3;
	s0 =	sld [smem:$0x3FAC]  }
0x30: {  	s3 =	sld [smem:$0x3FAF]  }
0x31: {  	[smem:$0x3FB8] =	sst s10  }
0x32: {  	s10 =	sld [smem:$0x3FB6];
	_ =	sdelay $0x3  }
0x33: {  	p0 =	seq.s32 s10, $0x1;
	s10 =	sld [smem:$0x3FB8];
	_ =	sdelay $0x3  }
0x34: {  	[smem:$0x3FB8] =	sst s10  }
0x35: {  	s10 =	sld [smem:$0x3FB7];
	_ =	sdelay $0x3  }
0x36: {  	p1 =	seq.s32 s10, $0x1;
	s10 =	sld [smem:$0x3FB8];
	_ =	sdelay $0x3  }
0x37: {  	[smem:$0x3FB8] =	sst s10  }
0x38: {  	s10 =	sld [smem:$0x3FB9]  }
0x39: {  	_ = 	snop;
	(pc) =	sbr.ind lr, $3  }
0x3a: {  	_ = 	snop  }
0x3b: {  	_ = 	snop  }
0x3c: {  	p2 =	seq.s32 s10, $0x1;
	s10 =	sld [smem:$0x3FB8]  }
0x3d: {  	_ =	shalt  }
0x3e: {  	_ =	shalt  }
0x3f: {  	_ =	shalt  }
0x40: {  	_ =	shalt  }
0x41: {  	_ =	shalt  }
0x42: {  	_ =	shalt  }
0x43: {  	_ =	shalt  }
0x44: {  	_ =	shalt  }
0x45: {  	_ =	shalt  }
0x46: {  	_ =	shalt  }
0x47: {  	_ =	shalt  }
0x48: {  	_ =	shalt  }
0x49: {  	_ =	shalt  }
0x4a: {  	_ =	shalt  }
0x4b: {  	_ =	shalt  }
0x4c: {  	_ =	shalt  }
0x4d: {  	_ =	shalt  }
0x4e: {  	_ =	shalt  }
0x4f: {  	_ =	shalt  }
0x50: {  	_ =	shalt  }
0x51: {  	_ =	shalt  }
0x52: {  	_ =	shalt  }
0x53: {  	_ =	shalt  }
0x54: {  	_ =	shalt  }
0x55: {  	_ =	shalt  }
0x56: {  	_ =	shalt  }
0x57: {  	_ =	shalt  }
0x58: {  	_ =	shalt  }
0x59: {  	_ =	shalt  }
0x5a: {  	_ =	shalt  }
0x5b: {  	_ =	shalt  }
0x5c: {  	_ =	shalt  }
0x5d: {  	_ =	shalt  }
0x5e: {  	_ =	shalt  }
0x5f: {  	_ =	shalt  }
0x60: {  	_ =	shalt  }
0x61: {  	_ =	shalt  }
0x62: {  	_ =	shalt  }
0x63: {  	_ =	shalt  }
0x64: {  	_ =	shalt  }
0x65: {  	_ =	shalt  }
0x66: {  	_ =	shalt  }
0x67: {  	_ =	shalt  }
0x68: {  	_ =	shalt  }
0x69: {  	_ =	shalt  }
0x6a: {  	_ =	shalt  }
0x6b: {  	_ =	shalt  }
0x6c: {  	_ =	shalt  }
0x6d: {  	_ =	shalt  }
0x6e: {  	_ =	shalt  }
0x6f: {  	_ =	shalt  }
0x70: {  	_ =	shalt  }
0x71: {  	_ =	shalt  }
0x72: {  	_ =	shalt  }
0x73: {  	_ =	shalt  }
0x74: {  	_ =	shalt  }
0x75: {  	_ =	shalt  }
0x76: {  	_ =	shalt  }
0x77: {  	_ =	shalt  }
0x78: {  	_ =	shalt  }
0x79: {  	_ =	shalt  }
0x7a: {  	_ =	shalt  }
0x7b: {  	_ =	shalt  }
0x7c: {  	_ =	shalt  }
0x7d: {  	_ =	shalt  }
0x7e: {  	_ =	shalt  }
0x7f: {  	_ =	shalt  }
0x80: {  	_ =	shalt  }
0x81: {  	_ =	shalt  }
0x82: {  	_ =	shalt  }
0x83: {  	_ =	shalt  }
0x84: {  	_ =	shalt  }
0x85: {  	_ =	shalt  }
0x86: {  	_ =	shalt  }
0x87: {  	_ =	shalt  }
.Lfunc_end0:
.L_simem_size_0:
called_computation.2_lowered:
.L_overlay_start_0:
0x88: {  	s2 =	sld [smem:$0x3FD9]  }
0x89: {  	s3 =	sld [smem:$0x3FFE];
	_ =	sdelay $0x1  }
0x8a: {  	s1 =	srdreg.scid  }
0x8b: {  	s0 =	sand.u32 $0x1, s1  }
0x8c: {  	s17 =	sshll.u32 s0, $0xA;
	s2 =	sadd.s32 s3, s2  }
0x8d: {  	s2 =	sadd.s32 s2, s17  }
0x8e: {  	[smem:$0x3FC4] =	sst s2  }
0x8f: {  	_ = 	snop  }
0x90: {  	s2 =	sld [smem:$0x3FD0];
	(tm) =	ssettm $0x1  }
0x91: {  	s18 =	sld [smem:$0x3FFB];
	_ =	sdelay $0x3  }
0x92: {  	_ =	strace s18  }
0x93: {  	s3 =	sld [smem:$0x3FFC];
	_ =	sdelay $0x3  }
0x94: {  	_ =	strace s3  }
0x95: {  	s3 =	sld [smem:$0x3FFD];
	_ =	sdelay $0x3  }
0x96: {  	_ =	strace s3  }
0x97: {  	_ =	strace $0x8FFFFFFF  }
0x98: {  	s19 =	sld [smem:$0x3FDB];
	_ =	sdelay $0x1  }
0x99: {  	s4 =	simm.s32 $_scs_section_size  }
0x9a: {  	s5 =	simm.s32 $_size__tile_overlayer_lowered;
	s6 =	simm.s32 $_tile_overlayer_lowered  }
0x9b: {  	s22 =	simm.s32 $0x1BFF;
	s21 =	sshll.u32 s6, $0x1;
	s3 =	sadd.s32 s4, s19  }
0x9c: {  	s7 =	simm.s32 $0x0;
	s20 =	sshll.u32 s5, $0x1;
	s5 =	sadd.s32 s21, s3  }
0x9d: {  	[timem:s7], [sflag:s22] =	dma.local [hbm:s5], s20  }
0x9e: {  	_ =	swait.ge [sflag:s22], s20  }
0x9f: {  	s4 =	ssub.s32 $0x0, s20;
	[sflag:s22] =	ssyncset.done $0x0  }
0xa0: {  	[sflag:s22] =	ssyncadd.s32 s4;
	_ =	sdelay $0x1  }
0xa1: {  	s23 =	simm.s32 $0x1B8B  }
0xa2: {  	_ =	swait.ge [sflag:s23], $0x1  }
0xa3: {  	[sflag:s23] =	ssyncset.done $0x0  }
0xa4: {  	s25 =	simm.s32 $0x1B8E;
	s24 =	sld [smem:$0x3FFE];
	[sflag:s23] =	ssyncadd.s32 $0xFFFFFFFF  }
0xa5: {  	s26 =	simm.s32 $execute0_lowered;
	[smem:$0x3FD2] =	sst s25  }
0xa6: {  	s5 =	sshll.u32 s26, $0x1;
	_ =	strace $0x80000046;
	[dreg:$0x1] =	wrdreg $0xFFFFFFFF  }
0xa7: {  	s28 =	simm.s32 $_size_execute0_lowered;
	s3 =	sadd.s32 s3, s5;
	[dreg:$0x0] =	wrdreg $0x0  }
0xa8: {  	s5 =	sshll.u32 s28, $0x1;
	[dreg:$0x2] =	wrdreg s3  }
0xa9: {  	[dreg:$0x3] =	wrdreg s5  }
0xaa: {  	[dreg:$0x4] =	wrdreg $0xC0  }
0xab: {  	_ =	task [dreg:s7], $0x5FFFF  }
0xac: {  	[dreg:$0x1] =	wrdreg $0xFFFFFFFF  }
0xad: {  	[dreg:$0x0] =	wrdreg $0x60  }
0xae: {  	[dreg:$0x2] =	wrdreg s2  }
0xaf: {  	[dreg:$0x3] =	wrdreg s24  }
0xb0: {  	[dreg:$0x4] =	wrdreg $0xB  }
0xb1: {  	_ =	task.clear_ibuf [dreg:s7], $0x5FFFF;
	_ =	strace $0x90000046  }
0xb2: {  	s29 =	simm.s32 $0xB;
	_ =	strace $0x80000048  }
0xb3: {  	_ =	swait.ge [sflag:s29], $0x1  }
0xb4: {  	[sflag:s29] =	ssyncadd.s32 $0xFFFFFFFF  }
0xb5: {  	_ =	strace $0x90000048  }
0xb6: {  	_ =	sfence  }
0xb7: {  	s30 =	sld [smem:$0x0];
	_ =	sdelay $0x2  }
0xb8: {  	s31 =	sshll.u32 s1, $0xD;
	s1 =	sshrl.u32 s1, $0x2  }
0xb9: {  	s3 =	sand.u32 $0x4000, s31;
	s1 =	sadd.s32 s1, s30  }
0xba: {  	s0 =	sor.u32 s3, s0;
	s1 =	sshll.u32 s1, $0x11  }
0xbb: {  	s0 =	sor.u32 s1, s0  }
0xbc: {  	s0 =	sadd.s32 $0x8F2B, s0  }
0xbd: {  	[sflag:s0] =	ssyncadd.remote.s32 $0x1  }
0xbe: {  	_ =	sfence.sel $0xFFFF  }
0xbf: {  	[dreg:$0x0] =	wrdreg $0xFFFFFFFF;
	(pc) =	sbr.abs _section_cstart, $3  }
0xc0: {  	[dreg:$0x1] =	wrdreg $0xFFFFFFFF  }
0xc1: {  	_ =	task.clear_ibuf [dreg:s7], $0x2FFFF;
	_ =	strace $0x9FFFFFFF  }
0xc2: {  	(tm) =	ssettm $0x7FFFFFFF  }
0xc3: {  	_ =	shalt  }
tec
execute0_lowered:
.L_overlay_start_1:
0x0: {  	(tag) =	ssettag $0x1  }
0x1: {  	s1 =	srdreg.scid;
	s2 =	rddreg [dreg:$0x0]  }
0x2: {  	s0 =	stileid.u32;
	s5 =	rddreg [dreg:$0x1];
	s6 =	simm.s32 $0x1  }
0x3: {  	s9 =	simm.s32 $0x1;
	s10 =	simm.s32 $0x3;
	s1 =	sshll.u32 s1, $0x6  }
0x4: {  	s13 =	simm.s32 $0x0;
	s3 =	sshll.u32 s0, $0x7;
	s4 =	sand.u32 $0x40, s1  }
0x5: {  	s12 =	simm.s32 $0x0;
	s1 =	rddreg [dreg:$0x2];
	s3 =	sor.u32 s3, s4  }
0x6: {  	_ =	strace $0x80000047;
	s4 =	sadd.s32 $0x10200, s5;
	s8 =	ssub.s32 $0x1000, s3  }
.Ltmp0:
0x7: {  	s5 =	sadd.s32 $0x310400, s5;
	s7 =	sand.u32 $0x7C0, s8;
	(pc) =	sbr.rel .LBB2_1-.Ltmp0, $4  }
0x8: {  	[sflag:s6] =	ssyncpa.u1 $0x0;
	s11 =	smov.u32 s3;
	p0 =	sne.s32 s7, $0x0  }
0x9: {  	s8 =	sshrl.u32 s8, $0xB;
	s7 =	simm.s32 $0x2;
	s9 =	simm.s32 @!p0 $0x0  }
0xa: {  	[sflag:s7] =	ssyncpa.u1 $0x0;
	p0 =	por $0x0, $0x0;
	s8 =	sadd.s32 s9, s8  }
0xb: {  	vm0 =	vmmov $0xffff;
	[sflag:s10] =	ssyncpa.u1 $0x0;
	s10 =	simm.s32 $0x0;
	s9 =	sadd.s32 $0x1, s8  }
.LBB2_4:
0xc: {  	v5 =	vshrl.u32 v1, $0xC;
	v6 =	vshll.u32 v1, $0x7  }
0xd: {  	vm1 =	veq.s32 v1, $0x80000000;
	v58 =	vand.u32 $0x7, v5;
	v59 =	vand.u32 $0x7FF80, v6  }
0xe: {  	v1 =	vsel vm1, $0xFFFFFFFF, v58;
	v5 =	vsel vm1, $0xFFFFFF80, v59  }
0xf: {  	v3 =	vor.u32 v4, v3;
	v60 =	vand.u32 $0xFFFFFC00, v5;
	v61 =	vand.u32 $0xFFFFFC00, v1  }
0x10: {  	v2 =	vor.u32 v2, v3;
	v63 =	vand.u32 $0x380, v5;
	v62 =	vadd.s32 v61, v60  }
0x11: {  	v1 =	vand.u32 $0x7F, v1;
	v3 =	vor.u32 v63, v62  }
0x12: {  	v1 =	vor.u32 v1, v3  }
0x13: {  	[tilespmem:s15], [sflag:$0x1] =	stream.indirect_vreg.gather [hbm4b:s2+s10], $0x1, v0, vm0, $0x4038;
	[tilespmem:$0x100] =	vst v63  }
0x14: {  	(ifvalue) =	ssetifvalue $0x7FFFFFFF  }
0x15: {  	[tilespmem:s16], [sflag:$0x1] =	stream.indirect_vreg.gather [hbm4b:s2+s10], $0x1, v2, vm0, $0x4038;
	[tilespmem:$0x100] =	vst v63  }
0x16: {  	s29 =	sadd.s32 $0x10, s16;
	(ifvalue) =	ssetifvalue $0x7FFFFFFF  }
0x17: {  	[tilespmem:s29], [sflag:$0x1] =	stream.indirect_vreg.gather [hbm4b:s2+s10], $0x1, v1, vm0, $0x4038;
	[tilespmem:$0x100] =	vst v63  }
0x18: {  	_ =	swait.ge [sflag:s6], $0x40  }
0x19: {  	s30 =	sshrl.u32 s13, $0x3;
	[sflag:s6] =	ssyncset.done $0x0  }
0x1a: {  	s31 =	sand.u32 $0x7, s13;
	s15 =	sadd.s32 s5, s30;
	[sflag:s6] =	ssyncadd.s32 $0xFFFFFFC0  }
0x1b: {  	[hbm4b:s15+s31] =	stream.linear.scatter [tilespmem:s14], [sflag:$0x3], $0x40, $0x38;
	[tilespmem:$0x100] =	vst v63  }
.LBB2_5:
0x1c: {  	s15 =	sadd.s32 $0x800, s11  }
0x1d: {  	p2 =	sgt.s32 s15, $0xFFF  }
0x1e: {  	s15 =	smov.u32 @p2 s3;
	p2 =	sne.s32 s12, s9  }
.Ltmp1:
0x1f: {  	p1 =	slt.u32 s12, $0x2;
	(pc) =	sbr.rel @!p2 .LBB2_6-.Ltmp1, $4  }
0x20: {  	s14 =	simm.s32 @!p1 $0x3  }
0x21: {  	s16 =	sadd.s32 $0x1, s12;
	_ =	swait.ge @!p1 [sflag:s14], $0x40  }
0x22: {  	s13 =	smov.u32 s11;
	p0 =	por !p0, !p0;
	[sflag:s14] =	ssyncset.done @!p1 $0x0  }
0x23: {  	s12 =	smov.u32 s16;
	s11 =	smov.u32 s15;
	[sflag:s14] =	ssyncadd.s32 @!p1 $0xFFFFFFC0  }
.LBB2_1:
0x24: {  	p1 =	sge.u32 s12, s8  }
0x25: {  	s14 =	sxor.u32 @!p1 $0xFFFFFFFF, s12  }
0x26: {  	s31 =	sadd.s32 $0xFFFFFFFF, s12;
	s15 =	sshrl.u32 @!p1 s11, $0x3;
	s14 =	sshll.u32 @!p1 s14, $0x6  }
0x27: {  	s16 =	sand.u32 @!p1 $0x7, s11;
	s15 =	sadd.s32 @!p1 s4, s15;
	s14 =	sand.u32 @!p1 $0x40, s14  }
0x28: {  	[tilespmem:s14], [sflag:$0x2] =	stream.linear.gather @!p1 [hbm4b:s15+s16], $0x40, $0x38;
	[tilespmem:$0x100] =	vst v63  }
0x29: {  	p1 =	sge.u32 s31, s8  }
.Ltmp2:
0x2a: {  	_ = 	snop;
	(pc) =	sbr.rel @p1 .LBB2_5-.Ltmp2, $1  }
0x2b: {  	_ =	sdelay $0x3  }
0x2c: {  	s14 =	simm.s32 $0x1  }
0x2d: {  	_ =	swait.ge [sflag:s7], $0x40;
	s14 =	simm.s32 @!p0 $0x0  }
0x2e: {  	[sflag:s7] =	ssyncset.done $0x0;
	s14 =	sshll.u32 s14, $0x6  }
0x2f: {  	[sflag:s7] =	ssyncadd.s32 $0xFFFFFFC0;
	(ifvalue) =	ssetifvalue $0x7FFFFFFF;
	v0 =	vld.msk [tilespmem:s14+$0x0 ss:$0x1], $0xffff;
	_ =	sdelay $0x4  }
0x30: {  	s15 =	sadd.s32 $0x10, s14;
	v2 =	vshrl.u32 v0, $0xC;
	v3 =	vshll.u32 v0, $0x7  }
0x31: {  	v1 =	vld.msk [tilespmem:s15+$0x0 ss:$0x1], $0xffff;
	vm1 =	veq.s32 v0, $0x80000000;
	v0 =	vand.u32 $0x7, v2;
	v2 =	vand.u32 $0x7FF80, v3  }
0x32: {  	v0 =	vsel vm1, $0xFFFFFFFF, v0;
	v2 =	vsel vm1, $0xFFFFFF80, v2  }
0x33: {  	v3 =	vand.u32 $0xFFFFFC00, v2;
	v4 =	vand.u32 $0xFFFFFC00, v0  }
0x34: {  	v2 =	vand.u32 $0x380, v2;
	v3 =	vadd.s32 v4, v3  }
0x35: {  	v0 =	vand.u32 $0x7F, v0;
	v2 =	vor.u32 v2, v3  }
0x36: {  	v5 =	vshll.u32 v1, $0x7;
	v4 =	vshrl.u32 v1, $0xC;
	v0 =	vor.u32 v0, v2  }
0x37: {  	s16 =	sshll.u32 s12, $0x6;
	vm1 =	veq.s32 v1, $0x80000000;
	v1 =	vand.u32 $0x7, v4;
	v4 =	vand.u32 $0x7FF80, v5  }
0x38: {  	s16 =	sand.u32 $0x40, s16;
	s18 =	sadd.s32 $0x10, s15;
	v3 =	vsel vm1, $0xFFFFFFFF, v1;
	v4 =	vsel vm1, $0xFFFFFF80, v4  }
0x39: {  	s17 =	simm.s32 $0x20;
	s15 =	sor.u32 $0x80, s14;
	s14 =	sor.u32 $0x80, s16;
	v1 =	vld.msk [tilespmem:s18+$0x0 ss:$0x1], $0xffff;
	v5 =	vand.u32 $0xFFFFFC00, v4;
	v6 =	vand.u32 $0xFFFFFC00, v3  }
0x3a: {  	s16 =	sadd.s32 $0x10, s15;
	s18 =	sadd.s32 $0x10, s18;
	(ifvalue) =	ssetifvalue $0x7FFFFFFF;
	v2 =	vand.u32 $0x7F, v3;
	v4 =	vand.u32 $0x380, v4;
	v3 =	vadd.s32 v6, v5  }
.LBB2_3:
0x3b: {  	[tilespmem:s15], [sflag:$0x1] =	stream.indirect_vreg.gather [hbm4b:s2+s10], $0x1, v0, vm0, $0x4038;
	[tilespmem:$0x100] =	vst v63  }
0x3c: {  	s17 =	sadd.s32 $0x10, s17  }
0x3d: {  	v3 =	vor.u32 v4, v3;
	p1 =	slt.u32 s17, $0x30  }
.Ltmp3:
0x3e: {  	v4 =	vshrl.u32 v1, $0xC;
	v5 =	vshll.u32 v1, $0x7;
	s15 =	smov.u32 s16;
	v0 =	vor.u32 v2, v3;
	v2 =	vmovc v1;
	v1 =	vld.msk [tilespmem:s18+$0x0 ss:$0x1], $0xffff;
	(pc) =	sbr.rel @p1 .LBB2_3-.Ltmp3, $4  }
0x3f: {  	v3 =	vand.u32 $0x7FF80, v5;
	vm1 =	veq.s32 v2, $0x80000000;
	v2 =	vand.u32 $0x7, v4  }
0x40: {  	v4 =	vsel vm1, $0xFFFFFFFF, v2;
	v5 =	vsel vm1, $0xFFFFFF80, v3  }
0x41: {  	v2 =	vand.u32 $0x7F, v4;
	v3 =	vand.u32 $0xFFFFFC00, v5;
	v4 =	vand.u32 $0xFFFFFC00, v4  }
0x42: {  	s16 =	sadd.s32 $0x10, s16;
	s18 =	sadd.s32 $0x10, s18;
	v3 =	vadd.s32 v4, v3;
	v4 =	vand.u32 $0x380, v5;
	(ifvalue) =	ssetifvalue $0x7FFFFFFF  }
.Ltmp4:
0x43: {  	_ = 	snop;
	(pc) =	sbr.rel .LBB2_4-.Ltmp4, $1  }
0x44: {  	_ =	sdelay $0x3  }
.LBB2_6:
0x45: {  	_ =	sfence.sel $0x180000  }
0x46: {  	s2 =	simm.s32 $0x2;
	[bflag:$0x0] =	sbarrier.arrive $0xFFFF  }
0x47: {  	s30 =	simm.s32 $0x3;
	[sflag:s2] =	ssyncpa.u1 $0x1  }
0x48: {  	s31 =	simm.s32 $0x1;
	[sflag:s30] =	ssyncpa.u1 $0x1  }
0x49: {  	[sflag:s31] =	ssyncpa.u1 $0x1  }
0x4a: {  	p0 =	sne.s32 s0, $0x0;
	_ =	strace $0x90000047  }
0x4b: {  	s0 =	sadd.s32 @!p0 $0x100000, s1;
	[bflag:$0x2] =	sbarrier.arrive $0xFFFF  }
0x4c: {  	[sflag:s0] =	ssyncadd.tile.s32 @!p0 $0x1;
	_ =	shalt  }
.Lfunc_end2:
_tile_overlayer_lowered:
.L_overlay_start_2:
0x4d: {  	(tag) =	ssettag $0x2  }
0x4e: {  	s0 =	rddreg [dreg:$0x0];
	s2 =	stileid.u32  }
0x4f: {  	s1 =	rddreg [dreg:$0x1];
	p0 =	sne.s32 s2, $0x0  }
0x50: {  	s3 =	rddreg [dreg:$0x2];
	[bflag:$0x3] =	sbarrier.arrive $0xFFFF;
	s2 =	simm.s32 @!p0 $0x1C01  }
0x51: {  	[timem:s3], [sflag:s2] =	dma.local @!p0 [hbm:s0], s1  }
0x52: {  	s0 =	simm.s32 @!p0 $0x1  }
0x53: {  	_ =	swait.ge @!p0 [sflag:s0], s1  }
0x54: {  	s1 =	ssub.s32 @!p0 $0x0, s1;
	[sflag:s0] =	ssyncset.done @!p0 $0x0  }
0x55: {  	[sflag:s0] =	ssyncadd.s32 @!p0 s1  }
0x56: {  	[bflag:$0x3] =	sbarrier.arrive $0xFFFF  }
0x57: {  	_ =	shalt  }

// kernel: kernel.6.cloned.1.call-start
scs
__scs_entry_jumppad:
0x0: {  	(pc) =	sbr.rel $0x88, $3  }
0x1: {  	(tag) =	ssettag $0x0;
	lr =	simm.s32 $0x1  }
0x2: {  	[smem:$0x3F9D] =	sst lr;
	_ =	strace $0xD0000000  }
0x3: {  	_ = 	snop  }
0x4: {  	_ = 	snop  }
0x5: {  	_ = 	snop  }
0x6: {  	_ = 	snop  }
0x7: {  	_ = 	snop  }
__scs_overlays_trampoline_lowered:
0x8: {  	[smem:$0x3FAC] =	sst s0  }
0x9: {  	[smem:$0x3FAD] =	sst s1  }
0xa: {  	[smem:$0x3FAE] =	sst s2  }
0xb: {  	[smem:$0x3FAF] =	sst s3  }
0xc: {  	[smem:$0x3FB0] =	sst s4  }
0xd: {  	[smem:$0x3FB1] =	sst s5  }
0xe: {  	[smem:$0x3FB2] =	sst s6  }
0xf: {  	[smem:$0x3FB3] =	sst s7  }
0x10: {  	[smem:$0x3FB4] =	sst s8  }
0x11: {  	[smem:$0x3FB5] =	sst s9;
	s0 =	simm.s32 @!p0 $0x0  }
0x12: {  	s1 =	sld [smem:$0x3F9B];
	s0 =	simm.s32 @p0 $0x1  }
0x13: {  	[smem:$0x3FB6] =	sst s0;
	s0 =	simm.s32 @!p1 $0x0  }
0x14: {  	s2 =	sld [smem:$0x3F9A];
	s0 =	simm.s32 @p1 $0x1  }
0x15: {  	[smem:$0x3FB7] =	sst s0;
	s0 =	simm.s32 @!p2 $0x0  }
0x16: {  	s3 =	sld [smem:$0x3FDB];
	s0 =	simm.s32 @p2 $0x1  }
0x17: {  	s4 =	simm.s32 $0x1BF5;
	[smem:$0x3FB9] =	sst s0  }
0x18: {  	s0 =	sld [smem:$0x3F9C];
	_ =	swait.ge [sflag:s4], $0x0  }
0x19: {  	s7 =	sld [smem:$0x3F9D]  }
0x1a: {  	s8 =	sadd.s32 $0xFFFFE003, lr  }
0x1b: {  	s9 =	sadd.s32 $0xFFFFFEF7, lr;
	s5 =	simm.s32 $0xFFFFFFFF;
	p2 =	slt.u32 s8, $0xFFFFF086  }
0x1c: {  	p1 =	slt.u32 s9, $0xF7A;
	s5 =	simm.s32 @!p2 $0x0  }
0x1d: {  	s5 =	simm.s32 @p1 $0x1;
	p0 =	seq.s32 s7, s2  }
0x1e: {  	s7 =	smul.u32 @!p0 $0xF7A, s2;
	p2 =	seq.s32 @!p0 s5, $0x0  }
0x1f: {  	s9 =	smul.u32 $0xF7A, s1;
	s8 =	simm.s32 @!p0 $0x1BF5;
	p2 =	por !p2, p0  }
0x20: {  	[sflag:s8] =	ssyncset.s32 @!p0 $0xFFFFF086;
	s6 =	sadd.s32 @!p0 s3, s7;
	s7 =	simm.s32 @!p0 $0x108  }
0x21: {  	s3 =	sadd.s32 s3, s9;
	s6 =	sadd.s32 @!p0 $0x88, s6;
	s7 =	simm.s32 @p2 $0x1082  }
0x22: {  	[simem:s7], [sflag:s8] =	dma.local @!p0 [hbm:s6], $0xF7A  }
0x23: {  	s9 =	sor.u32 $0xD0000000, s2;
	s6 =	simm.s32 $0x108;
	_ =	swait.ge @!p0 [sflag:s8], $0x0  }
0x24: {  	s3 =	sadd.s32 $0x88, s3;
	s6 =	simm.s32 @!p1 $0x1082;
	[sflag:s4] =	ssyncset.s32 $0xFFFFF086  }
0x25: {  	[simem:s6], [sflag:s4] =	dma.local [hbm:s3], $0xF7A  }
0x26: {  	[smem:$0x3F9D] =	sst s1;
	(tag) =	ssettag s2;
	_ =	strace s9  }
0x27: {  	s1 =	sld [smem:$0x3FAD]  }
0x28: {  	s2 =	sld [smem:$0x3FAE]  }
0x29: {  	s4 =	sld [smem:$0x3FB0]  }
0x2a: {  	p0 =	seq.s32 s5, $0x0;
	s5 =	sld [smem:$0x3FB1]  }
0x2b: {  	s6 =	sld [smem:$0x3FB2]  }
0x2c: {  	s7 =	sld [smem:$0x3FB3]  }
0x2d: {  	s3 =	simm.s32 $0x108;
	s8 =	sld [smem:$0x3FB4]  }
0x2e: {  	s3 =	simm.s32 @!p0 $0x1082;
	s9 =	sld [smem:$0x3FB5]  }
0x2f: {  	lr =	sadd.s32 s0, s3;
	s0 =	sld [smem:$0x3FAC]  }
0x30: {  	s3 =	sld [smem:$0x3FAF]  }
0x31: {  	[smem:$0x3FB8] =	sst s10  }
0x32: {  	s10 =	sld [smem:$0x3FB6];
	_ =	sdelay $0x3  }
0x33: {  	p0 =	seq.s32 s10, $0x1;
	s10 =	sld [smem:$0x3FB8];
	_ =	sdelay $0x3  }
0x34: {  	[smem:$0x3FB8] =	sst s10  }
0x35: {  	s10 =	sld [smem:$0x3FB7];
	_ =	sdelay $0x3  }
0x36: {  	p1 =	seq.s32 s10, $0x1;
	s10 =	sld [smem:$0x3FB8];
	_ =	sdelay $0x3  }
0x37: {  	[smem:$0x3FB8] =	sst s10  }
0x38: {  	s10 =	sld [smem:$0x3FB9]  }
0x39: {  	_ = 	snop;
	(pc) =	sbr.ind lr, $3  }
0x3a: {  	_ = 	snop  }
0x3b: {  	_ = 	snop  }
0x3c: {  	p2 =	seq.s32 s10, $0x1;
	s10 =	sld [smem:$0x3FB8]  }
0x3d: {  	_ =	shalt  }
0x3e: {  	_ =	shalt  }
0x3f: {  	_ =	shalt  }
0x40: {  	_ =	shalt  }
0x41: {  	_ =	shalt  }
0x42: {  	_ =	shalt  }
0x43: {  	_ =	shalt  }
0x44: {  	_ =	shalt  }
0x45: {  	_ =	shalt  }
0x46: {  	_ =	shalt  }
0x47: {  	_ =	shalt  }
0x48: {  	_ =	shalt  }
0x49: {  	_ =	shalt  }
0x4a: {  	_ =	shalt  }
0x4b: {  	_ =	shalt  }
0x4c: {  	_ =	shalt  }
0x4d: {  	_ =	shalt  }
0x4e: {  	_ =	shalt  }
0x4f: {  	_ =	shalt  }
0x50: {  	_ =	shalt  }
0x51: {  	_ =	shalt  }
0x52: {  	_ =	shalt  }
0x53: {  	_ =	shalt  }
0x54: {  	_ =	shalt  }
0x55: {  	_ =	shalt  }
0x56: {  	_ =	shalt  }
0x57: {  	_ =	shalt  }
0x58: {  	_ =	shalt  }
0x59: {  	_ =	shalt  }
0x5a: {  	_ =	shalt  }
0x5b: {  	_ =	shalt  }
0x5c: {  	_ =	shalt  }
0x5d: {  	_ =	shalt  }
0x5e: {  	_ =	shalt  }
0x5f: {  	_ =	shalt  }
0x60: {  	_ =	shalt  }
0x61: {  	_ =	shalt  }
0x62: {  	_ =	shalt  }
0x63: {  	_ =	shalt  }
0x64: {  	_ =	shalt  }
0x65: {  	_ =	shalt  }
0x66: {  	_ =	shalt  }
0x67: {  	_ =	shalt  }
0x68: {  	_ =	shalt  }
0x69: {  	_ =	shalt  }
0x6a: {  	_ =	shalt  }
0x6b: {  	_ =	shalt  }
0x6c: {  	_ =	shalt  }
0x6d: {  	_ =	shalt  }
0x6e: {  	_ =	shalt  }
0x6f: {  	_ =	shalt  }
0x70: {  	_ =	shalt  }
0x71: {  	_ =	shalt  }
0x72: {  	_ =	shalt  }
0x73: {  	_ =	shalt  }
0x74: {  	_ =	shalt  }
0x75: {  	_ =	shalt  }
0x76: {  	_ =	shalt  }
0x77: {  	_ =	shalt  }
0x78: {  	_ =	shalt  }
0x79: {  	_ =	shalt  }
0x7a: {  	_ =	shalt  }
0x7b: {  	_ =	shalt  }
0x7c: {  	_ =	shalt  }
0x7d: {  	_ =	shalt  }
0x7e: {  	_ =	shalt  }
0x7f: {  	_ =	shalt  }
0x80: {  	_ =	shalt  }
0x81: {  	_ =	shalt  }
0x82: {  	_ =	shalt  }
0x83: {  	_ =	shalt  }
0x84: {  	_ =	shalt  }
0x85: {  	_ =	shalt  }
0x86: {  	_ =	shalt  }
0x87: {  	_ =	shalt  }
.Lfunc_end0:
.L_simem_size_0:
called_computation.3_lowered:
.L_overlay_start_0:
0x88: {  	s2 =	sld [smem:$0x3FD9]  }
0x89: {  	s3 =	sld [smem:$0x3FFE];
	_ =	sdelay $0x1  }
0x8a: {  	s1 =	srdreg.scid  }
0x8b: {  	s0 =	sand.u32 $0x1, s1  }
0x8c: {  	s17 =	sshll.u32 s0, $0xA;
	s2 =	sadd.s32 s3, s2  }
0x8d: {  	s2 =	sadd.s32 s2, s17  }
0x8e: {  	[smem:$0x3FC4] =	sst s2  }
0x8f: {  	_ = 	snop  }
0x90: {  	s18 =	sld [smem:$0x3FC8]  }
0x91: {  	s4 =	sld [smem:$0x3FD0];
	(tm) =	ssettm $0x1  }
0x92: {  	s19 =	sld [smem:$0x3FFB];
	_ =	sdelay $0x3  }
0x93: {  	_ =	strace s19  }
0x94: {  	s2 =	sld [smem:$0x3FFC];
	_ =	sdelay $0x3  }
0x95: {  	_ =	strace s2  }
0x96: {  	s2 =	sld [smem:$0x3FFD];
	_ =	sdelay $0x3  }
0x97: {  	_ =	strace s2  }
0x98: {  	_ =	strace $0x8FFFFFFF  }
0x99: {  	s20 =	sld [smem:$0x3FDB];
	_ =	sdelay $0x1  }
0x9a: {  	s5 =	simm.s32 $_scs_section_size  }
0x9b: {  	s6 =	simm.s32 $_size__tile_overlayer_lowered;
	s7 =	simm.s32 $_tile_overlayer_lowered  }
0x9c: {  	s8 =	simm.s32 $0x1BFF;
	s21 =	sshll.u32 s7, $0x1;
	s5 =	sadd.s32 s5, s20  }
0x9d: {  	s22 =	simm.s32 $0x0;
	s6 =	sshll.u32 s6, $0x1;
	s7 =	sadd.s32 s21, s5  }
0x9e: {  	[timem:s22], [sflag:s8] =	dma.local [hbm:s7], s6  }
0x9f: {  	_ =	swait.ge [sflag:s8], s6  }
0xa0: {  	s6 =	ssub.s32 $0x0, s6;
	[sflag:s8] =	ssyncset.done $0x0  }
0xa1: {  	[sflag:s8] =	ssyncadd.s32 s6;
	_ =	sdelay $0x1  }
0xa2: {  	s23 =	simm.s32 $0x1B8B  }
0xa3: {  	_ =	swait.ge [sflag:s23], $0x1  }
0xa4: {  	[sflag:s23] =	ssyncset.done $0x0  }
0xa5: {  	[sflag:s23] =	ssyncadd.s32 $0xFFFFFFFF  }
0xa6: {  	s6 =	sld [smem:$0x0]  }
0xa7: {  	s7 =	sand.u32 $0xFFFFFFFE, s1  }
0xa8: {  	p0 =	sne.s32 s1, s7  }
0xa9: {  	s7 =	sshll.u32 @p0 s7, $0xE  }
0xaa: {  	s7 =	sadd.s32 @p0 $0x11B8D, s7;
	s8 =	sshll.u32 @p0 s6, $0x11  }
0xab: {  	s7 =	sor.u32 @p0 s8, s7  }
0xac: {  	[sflag:s7] =	ssyncadd.remote.s32 @p0 $0x1;
	_ =	sdelay $0x1  }
0xad: {  	s7 =	simm.s32 @p0 $0x1B8D  }
0xae: {  	_ =	swait.eq @p0 [sflag:s7], $0x1  }
0xaf: {  	[sflag:s7] =	ssyncadd.s32 @p0 $0xFFFFFFFF  }
0xb0: {  	s8 =	sshll.u32 @!p0 s1, $0xE  }
0xb1: {  	s8 =	sor.u32 @!p0 $0x4000, s8;
	s7 =	simm.s32 @!p0 $0x1B8D  }
0xb2: {  	s6 =	sshll.u32 @!p0 s6, $0x11;
	s8 =	sadd.s32 @!p0 $0x11B8D, s8;
	_ =	swait.eq @!p0 [sflag:s7], $0x1  }
0xb3: {  	s6 =	sor.u32 @!p0 s6, s8;
	[sflag:s7] =	ssyncadd.s32 @!p0 $0xFFFFFFFF  }
0xb4: {  	s25 =	simm.s32 $0x1B8E;
	s24 =	sld [smem:$0x3FFE];
	[sflag:s6] =	ssyncadd.remote.s32 @!p0 $0x1  }
0xb5: {  	s26 =	simm.s32 $execute0_lowered;
	[smem:$0x3FD2] =	sst s25  }
0xb6: {  	s7 =	sshll.u32 s26, $0x1;
	_ =	strace $0x8000004F;
	[dreg:$0x1] =	wrdreg $0xFFFFFFFF  }
0xb7: {  	s28 =	simm.s32 $_size_execute0_lowered;
	s5 =	sadd.s32 s5, s7;
	[dreg:$0x0] =	wrdreg $0x0  }
0xb8: {  	s7 =	sshll.u32 s28, $0x1;
	[dreg:$0x2] =	wrdreg s5  }
0xb9: {  	[dreg:$0x3] =	wrdreg s7  }
0xba: {  	[dreg:$0x4] =	wrdreg $0xC0  }
0xbb: {  	_ =	task [dreg:s22], $0x5FFFF  }
0xbc: {  	[dreg:$0x1] =	wrdreg $0xFFFFFFFF  }
0xbd: {  	[dreg:$0x0] =	wrdreg $0x60  }
0xbe: {  	[dreg:$0x2] =	wrdreg s18  }
0xbf: {  	[dreg:$0x3] =	wrdreg s4  }
0xc0: {  	[dreg:$0x4] =	wrdreg s24  }
0xc1: {  	[dreg:$0x5] =	wrdreg $0xB  }
0xc2: {  	_ =	task.clear_ibuf [dreg:s22], $0x6FFFF;
	_ =	strace $0x9000004F  }
0xc3: {  	s29 =	simm.s32 $0xB;
	_ =	strace $0x80000051  }
0xc4: {  	_ =	swait.ge [sflag:s29], $0x1  }
0xc5: {  	[sflag:s29] =	ssyncadd.s32 $0xFFFFFFFF  }
0xc6: {  	_ =	strace $0x90000051  }
0xc7: {  	_ =	sfence  }
0xc8: {  	s30 =	sld [smem:$0x0];
	_ =	sdelay $0x2  }
0xc9: {  	s31 =	sshll.u32 s1, $0xD;
	s1 =	sshrl.u32 s1, $0x2  }
0xca: {  	s4 =	sand.u32 $0x4000, s31;
	s1 =	sadd.s32 s1, s30  }
0xcb: {  	s0 =	sor.u32 s4, s0;
	s1 =	sshll.u32 s1, $0x11  }
0xcc: {  	s0 =	sor.u32 s1, s0  }
0xcd: {  	s0 =	sadd.s32 $0x8F2B, s0  }
0xce: {  	[sflag:s0] =	ssyncadd.remote.s32 $0x1  }
0xcf: {  	_ =	sfence.sel $0xFFFF  }
0xd0: {  	[dreg:$0x0] =	wrdreg $0xFFFFFFFF;
	(pc) =	sbr.abs _section_cstart, $3  }
0xd1: {  	[dreg:$0x1] =	wrdreg $0xFFFFFFFF  }
0xd2: {  	_ =	task.clear_ibuf [dreg:s22], $0x2FFFF;
	_ =	strace $0x9FFFFFFF  }
0xd3: {  	(tm) =	ssettm $0x7FFFFFFF  }
tec
execute0_lowered:
.L_overlay_start_1:
0x0: {  	(tag) =	ssettag $0x1  }
0x1: {  	s1 =	rddreg [dreg:$0x0]  }
0x2: {  	s0 =	srdreg.scid;
	s4 =	rddreg [dreg:$0x1]  }
0x3: {  	s2 =	stileid.u32;
	s5 =	rddreg [dreg:$0x2];
	s3 =	simm.s32 $0x0  }
0x4: {  	s18 =	simm.s32 $0x900;
	s19 =	simm.s32 $0x1100;
	s20 =	simm.s32 $0x1900  }
0x5: {  	s21 =	simm.s32 $0x2100;
	s22 =	simm.s32 $0x2900;
	s23 =	simm.s32 $0x3100  }
0x6: {  	s28 =	simm.s32 $0x5100;
	s29 =	simm.s32 $0x5900;
	s30 =	simm.s32 $0x6100  }
0x7: {  	s31 =	simm.s32 $0x6900;
	s12 =	simm.s32 $0x8900;
	s11 =	simm.s32 $0xA100  }
0x8: {  	s13 =	simm.s32 $0xA900;
	s0 =	sand.u32 $0x1, s0;
	s2 =	sshll.u32 s2, $0x1  }
0x9: {  	s14 =	simm.s32 $0xB100;
	s15 =	simm.s32 $0xB900;
	s2 =	sor.u32 s0, s2  }
0xa: {  	s16 =	simm.s32 $0xC100;
	[smem:$0x7FF] =	sst s3;
	s6 =	smul.u32 $0x18, s2  }
0xb: {  	s5 =	sadd.s32 $0x910600, s5;
	s0 =	ssub.s32 $0x2, s0;
	s7 =	smul.u32 $0x6000, s2  }
0xc: {  	_ =	strace $0x80000050;
	s2 =	smul.u32 $0x30000, s2;
	s8 =	sshrl.u32 s0, $0x1  }
0xd: {  	s0 =	ssub.s32 s0, s8;
	s4 =	sadd.s32 s4, s6;
	s24 =	sadd.s32 s5, s7  }
0xe: {  	s2 =	sshrl.u32 s2, $0x3;
	s6 =	sadd.s32 $0x200, s1;
	[dreg:$0x4] =	wrdreg s4  }
0xf: {  	s7 =	sadd.s32 $0x300, s1;
	s10 =	smax.u32 s0, $0x1;
	[dreg:$0x8] =	wrdreg s24  }
0x10: {  	s25 =	sadd.s32 $0x1800, s24;
	s2 =	sadd.s32 s5, s2;
	s5 =	sadd.s32 $0x100, s1  }
0x11: {  	v2 =	vlaneseq.u32;
	s24 =	simm.s32 $0x3900;
	[dreg:$0x5] =	wrdreg s25;
	s26 =	sadd.s32 $0x3000, s2  }
0x12: {  	vm0 =	vmmov $0xffff;
	v1 =	vshrl.u32 v2, $0x3;
	s2 =	sadd.s32 $0x4800, s2;
	s25 =	simm.s32 $0x4100;
	[dreg:$0x6] =	wrdreg s26  }
0x13: {  	v0 =	vand.u32 $0x7, v2;
	v2 =	vor.u32 $0x8, v2;
	v1 =	vmul.u32 $0x8, v1;
	[dreg:$0x7] =	wrdreg s2;
	s26 =	simm.s32 $0x4900;
	s2 =	simm.s32 $0x3  }
.LBB2_1:
0x14: {  	s17 =	rddreg [dreg:$0x4];
	s0 =	simm.s32 $0x5  }
0x15: {  	[tilespmem:s3], [sflag:$0x5] =	stream.linear.gather [hbm4b:s17+s3], $0xC0, $0x38;
	[tilespmem:$0x18100] =	vst v63  }
0x16: {  	_ =	swait.ge [sflag:s0], $0xC0  }
0x17: {  	[sflag:s0] =	ssyncset.done $0x0  }
0x18: {  	[sflag:s0] =	ssyncadd.s32 $0xFFFFFF40  }
0x19: {  	v3 =	vld [tilespmem:$0x0];
	_ =	sdelay $0x4  }
0x1a: {  	v4 =	vshll.u32 v3, $0x3  }
0x1b: {  	v3 =	vand.u32 $0x7, v3;
	v4 =	vand.u32 $0xFFFFFFC0, v4  }
0x1c: {  	v3 =	vor.u32 v3, v4  }
0x1d: {  	v4 =	vperm.xlane v3, v0;
	_ =	sdelay $0x1  }
0x1e: {  	v4 =	vadd.s32 v1, v4;
	_ =	sdelay $0x3  }
0x1f: {  	s4 =	simm.s32 $0x100  }
0x20: {  	[tilespmem:s4], [sflag:$0x1] =	stream.indirect_vreg.gather [hbm4b:s1+s3], $0x80, v4, vm0, $0xb8;
	[tilespmem:$0x18100] =	vst v63  }
0x21: {  	v3 =	vperm.xlane v3, v2  }
0x22: {  	[tilespmem:s18], [sflag:$0x1] =	stream.indirect_vreg.gather [hbm4b:s5+s3], $0x80, v4, vm0, $0xb8;
	[tilespmem:$0x18100] =	vst v63  }
0x23: {  	v3 =	vadd.s32 v1, v3  }
0x24: {  	[tilespmem:s19], [sflag:$0x1] =	stream.indirect_vreg.gather [hbm4b:s6+s3], $0x80, v4, vm0, $0xb8;
	[tilespmem:$0x18100] =	vst v63  }
0x25: {  	_ = 	snop  }
0x26: {  	[tilespmem:s20], [sflag:$0x1] =	stream.indirect_vreg.gather [hbm4b:s7+s3], $0x80, v4, vm0, $0xb8;
	[tilespmem:$0x18100] =	vst v63  }
0x27: {  	_ = 	snop  }
0x28: {  	[tilespmem:s21], [sflag:$0x1] =	stream.indirect_vreg.gather [hbm4b:s1+s3], $0x80, v3, vm0, $0xb8;
	[tilespmem:$0x18100] =	vst v63  }
0x29: {  	_ = 	snop  }
0x2a: {  	[tilespmem:s22], [sflag:$0x1] =	stream.indirect_vreg.gather [hbm4b:s5+s3], $0x80, v3, vm0, $0xb8;
	[tilespmem:$0x18100] =	vst v63  }
0x2b: {  	_ = 	snop  }
0x2c: {  	[tilespmem:s23], [sflag:$0x1] =	stream.indirect_vreg.gather [hbm4b:s6+s3], $0x80, v3, vm0, $0xb8;
	[tilespmem:$0x18100] =	vst v63  }
0x2d: {  	_ = 	snop  }
0x2e: {  	[tilespmem:s24], [sflag:$0x1] =	stream.indirect_vreg.gather [hbm4b:s7+s3], $0x80, v3, vm0, $0xb8;
	[tilespmem:$0x18100] =	vst v63  }
0x2f: {  	v3 =	vld [tilespmem:$0x10];
	_ =	sdelay $0x4  }
0x30: {  	v53 =	vshll.u32 v3, $0x3  }
0x31: {  	v3 =	vand.u32 $0x7, v3;
	v4 =	vand.u32 $0xFFFFFFC0, v53  }
0x32: {  	v3 =	vor.u32 v3, v4  }
0x33: {  	v4 =	vperm.xlane v3, v0;
	_ =	sdelay $0x1  }
0x34: {  	v4 =	vadd.s32 v1, v4;
	_ =	sdelay $0x4  }
0x35: {  	[tilespmem:s25], [sflag:$0x1] =	stream.indirect_vreg.gather [hbm4b:s1+s3], $0x80, v4, vm0, $0xb8;
	[tilespmem:$0x18100] =	vst v63  }
0x36: {  	v3 =	vperm.xlane v3, v2  }
0x37: {  	[tilespmem:s26], [sflag:$0x1] =	stream.indirect_vreg.gather [hbm4b:s5+s3], $0x80, v4, vm0, $0xb8;
	[tilespmem:$0x18100] =	vst v63  }
0x38: {  	v3 =	vadd.s32 v1, v3  }
0x39: {  	[tilespmem:s28], [sflag:$0x1] =	stream.indirect_vreg.gather [hbm4b:s6+s3], $0x80, v4, vm0, $0xb8;
	[tilespmem:$0x18100] =	vst v63  }
0x3a: {  	_ = 	snop  }
0x3b: {  	[tilespmem:s29], [sflag:$0x1] =	stream.indirect_vreg.gather [hbm4b:s7+s3], $0x80, v4, vm0, $0xb8;
	[tilespmem:$0x18100] =	vst v63  }
0x3c: {  	_ = 	snop  }
0x3d: {  	[tilespmem:s30], [sflag:$0x1] =	stream.indirect_vreg.gather [hbm4b:s1+s3], $0x80, v3, vm0, $0xb8;
	[tilespmem:$0x18100] =	vst v63  }
0x3e: {  	_ = 	snop  }
0x3f: {  	[tilespmem:s31], [sflag:$0x1] =	stream.indirect_vreg.gather [hbm4b:s5+s3], $0x80, v3, vm0, $0xb8;
	[tilespmem:$0x18100] =	vst v63  }
0x40: {  	s8 =	simm.s32 $0x7100  }
0x41: {  	[tilespmem:s8], [sflag:$0x1] =	stream.indirect_vreg.gather [hbm4b:s6+s3], $0x80, v3, vm0, $0xb8;
	[tilespmem:$0x18100] =	vst v63  }
0x42: {  	s9 =	simm.s32 $0x7900  }
0x43: {  	[tilespmem:s9], [sflag:$0x1] =	stream.indirect_vreg.gather [hbm4b:s7+s3], $0x80, v3, vm0, $0xb8;
	[tilespmem:$0x18100] =	vst v63  }
0x44: {  	v3 =	vld [tilespmem:$0x20];
	_ =	sdelay $0x4  }
0x45: {  	v54 =	vshll.u32 v3, $0x3  }
0x46: {  	v3 =	vand.u32 $0x7, v3;
	v4 =	vand.u32 $0xFFFFFFC0, v54  }
0x47: {  	v3 =	vor.u32 v3, v4  }
0x48: {  	v4 =	vperm.xlane v3, v0;
	_ =	sdelay $0x1  }
0x49: {  	v4 =	vadd.s32 v1, v4;
	_ =	sdelay $0x3  }
0x4a: {  	s4 =	simm.s32 $0x8100  }
0x4b: {  	[tilespmem:s4], [sflag:$0x1] =	stream.indirect_vreg.gather [hbm4b:s1+s3], $0x80, v4, vm0, $0xb8;
	[tilespmem:$0x18100] =	vst v63  }
0x4c: {  	v3 =	vperm.xlane v3, v2  }
0x4d: {  	[tilespmem:s12], [sflag:$0x1] =	stream.indirect_vreg.gather [hbm4b:s5+s3], $0x80, v4, vm0, $0xb8;
	[tilespmem:$0x18100] =	vst v63  }
0x4e: {  	s9 =	simm.s32 $0x9100;
	v3 =	vadd.s32 v1, v3  }
0x4f: {  	[tilespmem:s9], [sflag:$0x1] =	stream.indirect_vreg.gather [hbm4b:s6+s3], $0x80, v4, vm0, $0xb8;
	[tilespmem:$0x18100] =	vst v63  }
0x50: {  	s17 =	simm.s32 $0x9900  }
0x51: {  	[tilespmem:s17], [sflag:$0x1] =	stream.indirect_vreg.gather [hbm4b:s7+s3], $0x80, v4, vm0, $0xb8;
	[tilespmem:$0x18100] =	vst v63  }
0x52: {  	_ = 	snop  }
0x53: {  	[tilespmem:s11], [sflag:$0x1] =	stream.indirect_vreg.gather [hbm4b:s1+s3], $0x80, v3, vm0, $0xb8;
	[tilespmem:$0x18100] =	vst v63  }
0x54: {  	_ = 	snop  }
0x55: {  	[tilespmem:s13], [sflag:$0x1] =	stream.indirect_vreg.gather [hbm4b:s5+s3], $0x80, v3, vm0, $0xb8;
	[tilespmem:$0x18100] =	vst v63  }
0x56: {  	_ = 	snop  }
0x57: {  	[tilespmem:s14], [sflag:$0x1] =	stream.indirect_vreg.gather [hbm4b:s6+s3], $0x80, v3, vm0, $0xb8;
	[tilespmem:$0x18100] =	vst v63  }
0x58: {  	_ = 	snop  }
0x59: {  	[tilespmem:s15], [sflag:$0x1] =	stream.indirect_vreg.gather [hbm4b:s7+s3], $0x80, v3, vm0, $0xb8;
	[tilespmem:$0x18100] =	vst v63  }
0x5a: {  	v3 =	vld [tilespmem:$0x30];
	_ =	sdelay $0x4  }
0x5b: {  	v55 =	vshll.u32 v3, $0x3  }
0x5c: {  	v3 =	vand.u32 $0x7, v3;
	v4 =	vand.u32 $0xFFFFFFC0, v55  }
0x5d: {  	v3 =	vor.u32 v3, v4  }
0x5e: {  	v4 =	vperm.xlane v3, v0;
	_ =	sdelay $0x1  }
0x5f: {  	v4 =	vadd.s32 v1, v4;
	_ =	sdelay $0x4  }
0x60: {  	[tilespmem:s16], [sflag:$0x2] =	stream.indirect_vreg.gather [hbm4b:s1+s3], $0x80, v4, vm0, $0xb8;
	[tilespmem:$0x18100] =	vst v63  }
0x61: {  	s8 =	simm.s32 $0xC900;
	v3 =	vperm.xlane v3, v2  }
0x62: {  	[tilespmem:s8], [sflag:$0x2] =	stream.indirect_vreg.gather [hbm4b:s5+s3], $0x80, v4, vm0, $0xb8;
	[tilespmem:$0x18100] =	vst v63  }
0x63: {  	s17 =	simm.s32 $0xD100;
	v3 =	vadd.s32 v1, v3  }
0x64: {  	[tilespmem:s17], [sflag:$0x2] =	stream.indirect_vreg.gather [hbm4b:s6+s3], $0x80, v4, vm0, $0xb8;
	[tilespmem:$0x18100] =	vst v63  }
0x65: {  	s8 =	simm.s32 $0xD900  }
0x66: {  	[tilespmem:s8], [sflag:$0x2] =	stream.indirect_vreg.gather [hbm4b:s7+s3], $0x80, v4, vm0, $0xb8;
	[tilespmem:$0x18100] =	vst v63  }
0x67: {  	s17 =	simm.s32 $0xE100  }
0x68: {  	[tilespmem:s17], [sflag:$0x2] =	stream.indirect_vreg.gather [hbm4b:s1+s3], $0x80, v3, vm0, $0xb8;
	[tilespmem:$0x18100] =	vst v63  }
0x69: {  	s8 =	simm.s32 $0xE900  }
0x6a: {  	[tilespmem:s8], [sflag:$0x2] =	stream.indirect_vreg.gather [hbm4b:s5+s3], $0x80, v3, vm0, $0xb8;
	[tilespmem:$0x18100] =	vst v63  }
0x6b: {  	s17 =	simm.s32 $0xF100  }
0x6c: {  	[tilespmem:s17], [sflag:$0x2] =	stream.indirect_vreg.gather [hbm4b:s6+s3], $0x80, v3, vm0, $0xb8;
	[tilespmem:$0x18100] =	vst v63  }
0x6d: {  	s8 =	simm.s32 $0xF900  }
0x6e: {  	[tilespmem:s8], [sflag:$0x2] =	stream.indirect_vreg.gather [hbm4b:s7+s3], $0x80, v3, vm0, $0xb8;
	[tilespmem:$0x18100] =	vst v63  }
0x6f: {  	v3 =	vld [tilespmem:$0x40];
	_ =	sdelay $0x4  }
0x70: {  	v56 =	vshll.u32 v3, $0x3  }
0x71: {  	v3 =	vand.u32 $0x7, v3;
	v4 =	vand.u32 $0xFFFFFFC0, v56  }
0x72: {  	v3 =	vor.u32 v3, v4  }
0x73: {  	v4 =	vperm.xlane v3, v0;
	_ =	sdelay $0x1  }
0x74: {  	v4 =	vadd.s32 v1, v4;
	_ =	sdelay $0x3  }
0x75: {  	s17 =	simm.s32 $0x10100  }
0x76: {  	[tilespmem:s17], [sflag:$0x2] =	stream.indirect_vreg.gather [hbm4b:s1+s3], $0x80, v4, vm0, $0xb8;
	[tilespmem:$0x18100] =	vst v63  }
0x77: {  	s8 =	simm.s32 $0x10900;
	v3 =	vperm.xlane v3, v2  }
0x78: {  	[tilespmem:s8], [sflag:$0x2] =	stream.indirect_vreg.gather [hbm4b:s5+s3], $0x80, v4, vm0, $0xb8;
	[tilespmem:$0x18100] =	vst v63  }
0x79: {  	v3 =	vadd.s32 v1, v3;
	s17 =	simm.s32 $0x11100  }
0x7a: {  	[tilespmem:s17], [sflag:$0x2] =	stream.indirect_vreg.gather [hbm4b:s6+s3], $0x80, v4, vm0, $0xb8;
	[tilespmem:$0x18100] =	vst v63  }
0x7b: {  	s8 =	simm.s32 $0x11900  }
0x7c: {  	[tilespmem:s8], [sflag:$0x2] =	stream.indirect_vreg.gather [hbm4b:s7+s3], $0x80, v4, vm0, $0xb8;
	[tilespmem:$0x18100] =	vst v63  }
0x7d: {  	s17 =	simm.s32 $0x12100  }
0x7e: {  	[tilespmem:s17], [sflag:$0x2] =	stream.indirect_vreg.gather [hbm4b:s1+s3], $0x80, v3, vm0, $0xb8;
	[tilespmem:$0x18100] =	vst v63  }
0x7f: {  	s8 =	simm.s32 $0x12900  }
0x80: {  	[tilespmem:s8], [sflag:$0x2] =	stream.indirect_vreg.gather [hbm4b:s5+s3], $0x80, v3, vm0, $0xb8;
	[tilespmem:$0x18100] =	vst v63  }
0x81: {  	s17 =	simm.s32 $0x13100  }
0x82: {  	[tilespmem:s17], [sflag:$0x2] =	stream.indirect_vreg.gather [hbm4b:s6+s3], $0x80, v3, vm0, $0xb8;
	[tilespmem:$0x18100] =	vst v63  }
0x83: {  	s8 =	simm.s32 $0x13900  }
0x84: {  	[tilespmem:s8], [sflag:$0x2] =	stream.indirect_vreg.gather [hbm4b:s7+s3], $0x80, v3, vm0, $0xb8;
	[tilespmem:$0x18100] =	vst v63  }
0x85: {  	v3 =	vld [tilespmem:$0x50];
	_ =	sdelay $0x4  }
0x86: {  	v57 =	vshll.u32 v3, $0x3  }
0x87: {  	v3 =	vand.u32 $0x7, v3;
	v4 =	vand.u32 $0xFFFFFFC0, v57  }
0x88: {  	v3 =	vor.u32 v3, v4  }
0x89: {  	v4 =	vperm.xlane v3, v0;
	_ =	sdelay $0x1  }
0x8a: {  	v4 =	vadd.s32 v1, v4;
	_ =	sdelay $0x3  }
0x8b: {  	s17 =	simm.s32 $0x14100  }
0x8c: {  	[tilespmem:s17], [sflag:$0x2] =	stream.indirect_vreg.gather [hbm4b:s1+s3], $0x80, v4, vm0, $0xb8;
	[tilespmem:$0x18100] =	vst v63  }
0x8d: {  	s8 =	simm.s32 $0x14900;
	v3 =	vperm.xlane v3, v2  }
0x8e: {  	[tilespmem:s8], [sflag:$0x2] =	stream.indirect_vreg.gather [hbm4b:s5+s3], $0x80, v4, vm0, $0xb8;
	[tilespmem:$0x18100] =	vst v63  }
0x8f: {  	v3 =	vadd.s32 v1, v3;
	s17 =	simm.s32 $0x15100  }
0x90: {  	[tilespmem:s17], [sflag:$0x2] =	stream.indirect_vreg.gather [hbm4b:s6+s3], $0x80, v4, vm0, $0xb8;
	[tilespmem:$0x18100] =	vst v63  }
0x91: {  	s8 =	simm.s32 $0x15900  }
0x92: {  	[tilespmem:s8], [sflag:$0x2] =	stream.indirect_vreg.gather [hbm4b:s7+s3], $0x80, v4, vm0, $0xb8;
	[tilespmem:$0x18100] =	vst v63  }
0x93: {  	s17 =	simm.s32 $0x16100  }
0x94: {  	[tilespmem:s17], [sflag:$0x2] =	stream.indirect_vreg.gather [hbm4b:s1+s3], $0x80, v3, vm0, $0xb8;
	[tilespmem:$0x18100] =	vst v63  }
0x95: {  	s8 =	simm.s32 $0x16900  }
0x96: {  	[tilespmem:s8], [sflag:$0x2] =	stream.indirect_vreg.gather [hbm4b:s5+s3], $0x80, v3, vm0, $0xb8;
	[tilespmem:$0x18100] =	vst v63  }
0x97: {  	s17 =	simm.s32 $0x17100  }
0x98: {  	[tilespmem:s17], [sflag:$0x2] =	stream.indirect_vreg.gather [hbm4b:s6+s3], $0x80, v3, vm0, $0xb8;
	[tilespmem:$0x18100] =	vst v63  }
0x99: {  	s0 =	simm.s32 $0x1;
	s8 =	simm.s32 $0x17900  }
0x9a: {  	[tilespmem:s8], [sflag:$0x2] =	stream.indirect_vreg.gather [hbm4b:s7+s3], $0x80, v3, vm0, $0xb8;
	[tilespmem:$0x18100] =	vst v63  }
0x9b: {  	_ =	swait.ge [sflag:s0], $0xC000  }
0x9c: {  	[sflag:s0] =	ssyncset.done $0x0  }
0x9d: {  	s8 =	simm.s32 $0x100;
	s17 =	rddreg [dreg:$0x8];
	[sflag:s0] =	ssyncadd.s32 $0xFFFF4000  }
0x9e: {  	[hbm4b:s17+s3] =	stream.linear.scatter [tilespmem:s8], [sflag:$0x3], $0xC000, $0x38;
	[tilespmem:$0x18100] =	vst v63  }
0x9f: {  	_ =	swait.ge [sflag:s2], $0xC000  }
0xa0: {  	[sflag:s2] =	ssyncset.done $0x0  }
0xa1: {  	[sflag:s2] =	ssyncadd.s32 $0xFFFF4000  }
0xa2: {  	v3 =	vld [tilespmem:$0x60];
	_ =	sdelay $0x4  }
0xa3: {  	v58 =	vshll.u32 v3, $0x3  }
0xa4: {  	v3 =	vand.u32 $0x7, v3;
	v4 =	vand.u32 $0xFFFFFFC0, v58  }
0xa5: {  	v3 =	vor.u32 v3, v4  }
0xa6: {  	v4 =	vperm.xlane v3, v0;
	_ =	sdelay $0x1  }
0xa7: {  	v4 =	vadd.s32 v1, v4;
	_ =	sdelay $0x4  }
0xa8: {  	[tilespmem:s8], [sflag:$0x1] =	stream.indirect_vreg.gather [hbm4b:s1+s3], $0x80, v4, vm0, $0xb8;
	[tilespmem:$0x18100] =	vst v63  }
0xa9: {  	v3 =	vperm.xlane v3, v2  }
0xaa: {  	[tilespmem:s18], [sflag:$0x1] =	stream.indirect_vreg.gather [hbm4b:s5+s3], $0x80, v4, vm0, $0xb8;
	[tilespmem:$0x18100] =	vst v63  }
0xab: {  	v3 =	vadd.s32 v1, v3  }
0xac: {  	[tilespmem:s19], [sflag:$0x1] =	stream.indirect_vreg.gather [hbm4b:s6+s3], $0x80, v4, vm0, $0xb8;
	[tilespmem:$0x18100] =	vst v63  }
0xad: {  	_ = 	snop  }
0xae: {  	[tilespmem:s20], [sflag:$0x1] =	stream.indirect_vreg.gather [hbm4b:s7+s3], $0x80, v4, vm0, $0xb8;
	[tilespmem:$0x18100] =	vst v63  }
0xaf: {  	_ = 	snop  }
0xb0: {  	[tilespmem:s21], [sflag:$0x1] =	stream.indirect_vreg.gather [hbm4b:s1+s3], $0x80, v3, vm0, $0xb8;
	[tilespmem:$0x18100] =	vst v63  }
0xb1: {  	_ = 	snop  }
0xb2: {  	[tilespmem:s22], [sflag:$0x1] =	stream.indirect_vreg.gather [hbm4b:s5+s3], $0x80, v3, vm0, $0xb8;
	[tilespmem:$0x18100] =	vst v63  }
0xb3: {  	_ = 	snop  }
0xb4: {  	[tilespmem:s23], [sflag:$0x1] =	stream.indirect_vreg.gather [hbm4b:s6+s3], $0x80, v3, vm0, $0xb8;
	[tilespmem:$0x18100] =	vst v63  }
0xb5: {  	_ = 	snop  }
0xb6: {  	[tilespmem:s24], [sflag:$0x1] =	stream.indirect_vreg.gather [hbm4b:s7+s3], $0x80, v3, vm0, $0xb8;
	[tilespmem:$0x18100] =	vst v63  }
0xb7: {  	v3 =	vld [tilespmem:$0x70];
	_ =	sdelay $0x4  }
0xb8: {  	v59 =	vshll.u32 v3, $0x3  }
0xb9: {  	v3 =	vand.u32 $0x7, v3;
	v4 =	vand.u32 $0xFFFFFFC0, v59  }
0xba: {  	v3 =	vor.u32 v3, v4  }
0xbb: {  	v4 =	vperm.xlane v3, v0;
	_ =	sdelay $0x1  }
0xbc: {  	v4 =	vadd.s32 v1, v4;
	_ =	sdelay $0x4  }
0xbd: {  	[tilespmem:s25], [sflag:$0x1] =	stream.indirect_vreg.gather [hbm4b:s1+s3], $0x80, v4, vm0, $0xb8;
	[tilespmem:$0x18100] =	vst v63  }
0xbe: {  	v3 =	vperm.xlane v3, v2  }
0xbf: {  	[tilespmem:s26], [sflag:$0x1] =	stream.indirect_vreg.gather [hbm4b:s5+s3], $0x80, v4, vm0, $0xb8;
	[tilespmem:$0x18100] =	vst v63  }
0xc0: {  	v3 =	vadd.s32 v1, v3  }
0xc1: {  	[tilespmem:s28], [sflag:$0x1] =	stream.indirect_vreg.gather [hbm4b:s6+s3], $0x80, v4, vm0, $0xb8;
	[tilespmem:$0x18100] =	vst v63  }
0xc2: {  	_ = 	snop  }
0xc3: {  	[tilespmem:s29], [sflag:$0x1] =	stream.indirect_vreg.gather [hbm4b:s7+s3], $0x80, v4, vm0, $0xb8;
	[tilespmem:$0x18100] =	vst v63  }
0xc4: {  	_ = 	snop  }
0xc5: {  	[tilespmem:s30], [sflag:$0x1] =	stream.indirect_vreg.gather [hbm4b:s1+s3], $0x80, v3, vm0, $0xb8;
	[tilespmem:$0x18100] =	vst v63  }
0xc6: {  	_ = 	snop  }
0xc7: {  	[tilespmem:s31], [sflag:$0x1] =	stream.indirect_vreg.gather [hbm4b:s5+s3], $0x80, v3, vm0, $0xb8;
	[tilespmem:$0x18100] =	vst v63  }
0xc8: {  	s17 =	simm.s32 $0x7100  }
0xc9: {  	[tilespmem:s17], [sflag:$0x1] =	stream.indirect_vreg.gather [hbm4b:s6+s3], $0x80, v3, vm0, $0xb8;
	[tilespmem:$0x18100] =	vst v63  }
0xca: {  	s17 =	simm.s32 $0x7900  }
0xcb: {  	[tilespmem:s17], [sflag:$0x1] =	stream.indirect_vreg.gather [hbm4b:s7+s3], $0x80, v3, vm0, $0xb8;
	[tilespmem:$0x18100] =	vst v63  }
0xcc: {  	v3 =	vld [tilespmem:$0x80];
	_ =	sdelay $0x4  }
0xcd: {  	v60 =	vshll.u32 v3, $0x3  }
0xce: {  	v3 =	vand.u32 $0x7, v3;
	v4 =	vand.u32 $0xFFFFFFC0, v60  }
0xcf: {  	v3 =	vor.u32 v3, v4  }
0xd0: {  	v4 =	vperm.xlane v3, v0;
	_ =	sdelay $0x1  }
0xd1: {  	v4 =	vadd.s32 v1, v4;
	_ =	sdelay $0x4  }
0xd2: {  	[tilespmem:s4], [sflag:$0x1] =	stream.indirect_vreg.gather [hbm4b:s1+s3], $0x80, v4, vm0, $0xb8;
	[tilespmem:$0x18100] =	vst v63  }
0xd3: {  	v3 =	vperm.xlane v3, v2  }
0xd4: {  	[tilespmem:s12], [sflag:$0x1] =	stream.indirect_vreg.gather [hbm4b:s5+s3], $0x80, v4, vm0, $0xb8;
	[tilespmem:$0x18100] =	vst v63  }
0xd5: {  	v3 =	vadd.s32 v1, v3  }
0xd6: {  	[tilespmem:s9], [sflag:$0x1] =	stream.indirect_vreg.gather [hbm4b:s6+s3], $0x80, v4, vm0, $0xb8;
	[tilespmem:$0x18100] =	vst v63  }
0xd7: {  	s8 =	simm.s32 $0x9900  }
0xd8: {  	[tilespmem:s8], [sflag:$0x1] =	stream.indirect_vreg.gather [hbm4b:s7+s3], $0x80, v4, vm0, $0xb8;
	[tilespmem:$0x18100] =	vst v63  }
0xd9: {  	_ = 	snop  }
0xda: {  	[tilespmem:s11], [sflag:$0x1] =	stream.indirect_vreg.gather [hbm4b:s1+s3], $0x80, v3, vm0, $0xb8;
	[tilespmem:$0x18100] =	vst v63  }
0xdb: {  	_ = 	snop  }
0xdc: {  	[tilespmem:s13], [sflag:$0x1] =	stream.indirect_vreg.gather [hbm4b:s5+s3], $0x80, v3, vm0, $0xb8;
	[tilespmem:$0x18100] =	vst v63  }
0xdd: {  	_ = 	snop  }
0xde: {  	[tilespmem:s14], [sflag:$0x1] =	stream.indirect_vreg.gather [hbm4b:s6+s3], $0x80, v3, vm0, $0xb8;
	[tilespmem:$0x18100] =	vst v63  }
0xdf: {  	s4 =	simm.s32 $0x2  }
0xe0: {  	[tilespmem:s15], [sflag:$0x1] =	stream.indirect_vreg.gather [hbm4b:s7+s3], $0x80, v3, vm0, $0xb8;
	[tilespmem:$0x18100] =	vst v63  }
0xe1: {  	_ =	swait.ge [sflag:s4], $0xC000  }
0xe2: {  	[sflag:s4] =	ssyncset.done $0x0  }
0xe3: {  	s9 =	rddreg [dreg:$0x5];
	[sflag:s4] =	ssyncadd.s32 $0xFFFF4000  }
0xe4: {  	[hbm4b:s9+s3] =	stream.linear.scatter [tilespmem:s16], [sflag:$0x4], $0xC000, $0x38;
	[tilespmem:$0x18100] =	vst v63  }
0xe5: {  	s9 =	simm.s32 $0x4  }
0xe6: {  	_ =	swait.ge [sflag:s9], $0xC000  }
0xe7: {  	[sflag:s9] =	ssyncset.done $0x0  }
0xe8: {  	[sflag:s9] =	ssyncadd.s32 $0xFFFF4000  }
0xe9: {  	v3 =	vld [tilespmem:$0x90];
	_ =	sdelay $0x4  }
0xea: {  	v61 =	vshll.u32 v3, $0x3  }
0xeb: {  	v3 =	vand.u32 $0x7, v3;
	v4 =	vand.u32 $0xFFFFFFC0, v61  }
0xec: {  	v3 =	vor.u32 v3, v4  }
0xed: {  	v4 =	vperm.xlane v3, v0;
	_ =	sdelay $0x1  }
0xee: {  	v4 =	vadd.s32 v1, v4;
	_ =	sdelay $0x4  }
0xef: {  	[tilespmem:s16], [sflag:$0x2] =	stream.indirect_vreg.gather [hbm4b:s1+s3], $0x80, v4, vm0, $0xb8;
	[tilespmem:$0x18100] =	vst v63  }
0xf0: {  	s17 =	simm.s32 $0xC900;
	v3 =	vperm.xlane v3, v2  }
0xf1: {  	[tilespmem:s17], [sflag:$0x2] =	stream.indirect_vreg.gather [hbm4b:s5+s3], $0x80, v4, vm0, $0xb8;
	[tilespmem:$0x18100] =	vst v63  }
0xf2: {  	v3 =	vadd.s32 v1, v3;
	s17 =	simm.s32 $0xD100  }
0xf3: {  	[tilespmem:s17], [sflag:$0x2] =	stream.indirect_vreg.gather [hbm4b:s6+s3], $0x80, v4, vm0, $0xb8;
	[tilespmem:$0x18100] =	vst v63  }
0xf4: {  	s17 =	simm.s32 $0xD900  }
0xf5: {  	[tilespmem:s17], [sflag:$0x2] =	stream.indirect_vreg.gather [hbm4b:s7+s3], $0x80, v4, vm0, $0xb8;
	[tilespmem:$0x18100] =	vst v63  }
0xf6: {  	s17 =	simm.s32 $0xE100  }
0xf7: {  	[tilespmem:s17], [sflag:$0x2] =	stream.indirect_vreg.gather [hbm4b:s1+s3], $0x80, v3, vm0, $0xb8;
	[tilespmem:$0x18100] =	vst v63  }
0xf8: {  	s17 =	simm.s32 $0xE900  }
0xf9: {  	[tilespmem:s17], [sflag:$0x2] =	stream.indirect_vreg.gather [hbm4b:s5+s3], $0x80, v3, vm0, $0xb8;
	[tilespmem:$0x18100] =	vst v63  }
0xfa: {  	s17 =	simm.s32 $0xF100  }
0xfb: {  	[tilespmem:s17], [sflag:$0x2] =	stream.indirect_vreg.gather [hbm4b:s6+s3], $0x80, v3, vm0, $0xb8;
	[tilespmem:$0x18100] =	vst v63  }
0xfc: {  	s17 =	simm.s32 $0xF900  }
0xfd: {  	[tilespmem:s17], [sflag:$0x2] =	stream.indirect_vreg.gather [hbm4b:s7+s3], $0x80, v3, vm0, $0xb8;
	[tilespmem:$0x18100] =	vst v63  }
0xfe: {  	v3 =	vld [tilespmem:$0xA0];
	_ =	sdelay $0x4  }
0xff: {  	v62 =	vshll.u32 v3, $0x3  }
0x100: {  	v3 =	vand.u32 $0x7, v3;
	v4 =	vand.u32 $0xFFFFFFC0, v62  }
0x101: {  	v3 =	vor.u32 v3, v4  }
0x102: {  	v4 =	vperm.xlane v3, v0;
	_ =	sdelay $0x1  }
0x103: {  	v4 =	vadd.s32 v1, v4;
	_ =	sdelay $0x3  }
0x104: {  	s17 =	simm.s32 $0x10100  }
0x105: {  	[tilespmem:s17], [sflag:$0x2] =	stream.indirect_vreg.gather [hbm4b:s1+s3], $0x80, v4, vm0, $0xb8;
	[tilespmem:$0x18100] =	vst v63  }
0x106: {  	v3 =	vperm.xlane v3, v2;
	s17 =	simm.s32 $0x10900  }
0x107: {  	[tilespmem:s17], [sflag:$0x2] =	stream.indirect_vreg.gather [hbm4b:s5+s3], $0x80, v4, vm0, $0xb8;
	[tilespmem:$0x18100] =	vst v63  }
0x108: {  	v3 =	vadd.s32 v1, v3;
	s17 =	simm.s32 $0x11100  }
0x109: {  	[tilespmem:s17], [sflag:$0x2] =	stream.indirect_vreg.gather [hbm4b:s6+s3], $0x80, v4, vm0, $0xb8;
	[tilespmem:$0x18100] =	vst v63  }
0x10a: {  	s17 =	simm.s32 $0x11900  }
0x10b: {  	[tilespmem:s17], [sflag:$0x2] =	stream.indirect_vreg.gather [hbm4b:s7+s3], $0x80, v4, vm0, $0xb8;
	[tilespmem:$0x18100] =	vst v63  }
0x10c: {  	s17 =	simm.s32 $0x12100  }
0x10d: {  	[tilespmem:s17], [sflag:$0x2] =	stream.indirect_vreg.gather [hbm4b:s1+s3], $0x80, v3, vm0, $0xb8;
	[tilespmem:$0x18100] =	vst v63  }
0x10e: {  	s17 =	simm.s32 $0x12900  }
0x10f: {  	[tilespmem:s17], [sflag:$0x2] =	stream.indirect_vreg.gather [hbm4b:s5+s3], $0x80, v3, vm0, $0xb8;
	[tilespmem:$0x18100] =	vst v63  }
0x110: {  	s17 =	simm.s32 $0x13100  }
0x111: {  	[tilespmem:s17], [sflag:$0x2] =	stream.indirect_vreg.gather [hbm4b:s6+s3], $0x80, v3, vm0, $0xb8;
	[tilespmem:$0x18100] =	vst v63  }
0x112: {  	s17 =	simm.s32 $0x13900  }
0x113: {  	[tilespmem:s17], [sflag:$0x2] =	stream.indirect_vreg.gather [hbm4b:s7+s3], $0x80, v3, vm0, $0xb8;
	[tilespmem:$0x18100] =	vst v63  }
0x114: {  	v3 =	vld [tilespmem:$0xB0];
	_ =	sdelay $0x4  }
0x115: {  	v63 =	vshll.u32 v3, $0x3  }
0x116: {  	v3 =	vand.u32 $0x7, v3;
	v4 =	vand.u32 $0xFFFFFFC0, v63  }
0x117: {  	v3 =	vor.u32 v3, v4  }
0x118: {  	v4 =	vperm.xlane v3, v0;
	_ =	sdelay $0x1  }
0x119: {  	v4 =	vadd.s32 v1, v4;
	_ =	sdelay $0x3  }
0x11a: {  	s17 =	simm.s32 $0x14100  }
0x11b: {  	[tilespmem:s17], [sflag:$0x2] =	stream.indirect_vreg.gather [hbm4b:s1+s3], $0x80, v4, vm0, $0xb8;
	[tilespmem:$0x18100] =	vst v63  }
0x11c: {  	v3 =	vperm.xlane v3, v2;
	s17 =	simm.s32 $0x14900  }
0x11d: {  	[tilespmem:s17], [sflag:$0x2] =	stream.indirect_vreg.gather [hbm4b:s5+s3], $0x80, v4, vm0, $0xb8;
	[tilespmem:$0x18100] =	vst v63  }
0x11e: {  	v3 =	vadd.s32 v1, v3;
	s17 =	simm.s32 $0x15100  }
0x11f: {  	[tilespmem:s17], [sflag:$0x2] =	stream.indirect_vreg.gather [hbm4b:s6+s3], $0x80, v4, vm0, $0xb8;
	[tilespmem:$0x18100] =	vst v63  }
0x120: {  	s17 =	simm.s32 $0x15900  }
0x121: {  	[tilespmem:s17], [sflag:$0x2] =	stream.indirect_vreg.gather [hbm4b:s7+s3], $0x80, v4, vm0, $0xb8;
	[tilespmem:$0x18100] =	vst v63  }
0x122: {  	s17 =	simm.s32 $0x16100  }
0x123: {  	[tilespmem:s17], [sflag:$0x2] =	stream.indirect_vreg.gather [hbm4b:s1+s3], $0x80, v3, vm0, $0xb8;
	[tilespmem:$0x18100] =	vst v63  }
0x124: {  	s17 =	simm.s32 $0x16900  }
0x125: {  	[tilespmem:s17], [sflag:$0x2] =	stream.indirect_vreg.gather [hbm4b:s5+s3], $0x80, v3, vm0, $0xb8;
	[tilespmem:$0x18100] =	vst v63  }
0x126: {  	s17 =	simm.s32 $0x17100  }
0x127: {  	[tilespmem:s17], [sflag:$0x2] =	stream.indirect_vreg.gather [hbm4b:s6+s3], $0x80, v3, vm0, $0xb8;
	[tilespmem:$0x18100] =	vst v63  }
0x128: {  	s17 =	simm.s32 $0x17900  }
0x129: {  	[tilespmem:s17], [sflag:$0x2] =	stream.indirect_vreg.gather [hbm4b:s7+s3], $0x80, v3, vm0, $0xb8;
	[tilespmem:$0x18100] =	vst v63  }
0x12a: {  	_ =	swait.ge [sflag:s0], $0xC000  }
0x12b: {  	[sflag:s0] =	ssyncset.done $0x0  }
0x12c: {  	s8 =	simm.s32 $0x100;
	s17 =	rddreg [dreg:$0x6];
	[sflag:s0] =	ssyncadd.s32 $0xFFFF4000  }
0x12d: {  	[hbm4b:s17+s3] =	stream.linear.scatter [tilespmem:s8], [sflag:$0x3], $0xC000, $0x38;
	[tilespmem:$0x18100] =	vst v63  }
0x12e: {  	_ =	swait.ge [sflag:s4], $0xC000  }
0x12f: {  	[sflag:s4] =	ssyncset.done $0x0  }
0x130: {  	s8 =	rddreg [dreg:$0x7];
	[sflag:s4] =	ssyncadd.s32 $0xFFFF4000  }
0x131: {  	[hbm4b:s8+s3] =	stream.linear.scatter [tilespmem:s16], [sflag:$0x4], $0xC000, $0x38;
	[tilespmem:$0x18100] =	vst v63  }
0x132: {  	p0 =	sne.s32 s10, $0x1;
	_ =	swait.ge [sflag:s2], $0xC000  }
.Ltmp0:
0x133: {  	[sflag:s2] =	ssyncset.done $0x0;
	(pc) =	sbr.rel @p0 .LBB2_1-.Ltmp0, $4  }
0x134: {  	[sflag:s2] =	ssyncadd.s32 $0xFFFF4000  }
0x135: {  	_ =	swait.ge [sflag:s9], $0xC000  }
0x136: {  	[sflag:s9] =	ssyncset.done $0x0  }
0x137: {  	s10 =	sadd.s32 $0xFFFFFFFF, s10;
	[sflag:s9] =	ssyncadd.s32 $0xFFFF4000  }
0x138: {  	_ =	sfence.sel $0x180000  }
0x139: {  	[bflag:$0x0] =	sbarrier.arrive $0xFFFF  }
0x13a: {  	_ =	strace $0x90000050  }
0x13b: {  	s0 =	stileid.u32;
	[bflag:$0x2] =	sbarrier.arrive $0xFFFF  }
0x13c: {  	p0 =	sne.s32 s0, $0x0;
	s0 =	rddreg [dreg:$0x3]  }
0x13d: {  	s0 =	sadd.s32 @!p0 $0x100000, s0  }
0x13e: {  	[sflag:s0] =	ssyncadd.tile.s32 @!p0 $0x1;
	_ =	shalt  }
.Lfunc_end2:
_tile_overlayer_lowered:
.L_overlay_start_2:
0x13f: {  	(tag) =	ssettag $0x2  }
0x140: {  	s0 =	rddreg [dreg:$0x0];
	s2 =	stileid.u32  }
0x141: {  	s1 =	rddreg [dreg:$0x1];
	p0 =	sne.s32 s2, $0x0  }
0x142: {  	s3 =	rddreg [dreg:$0x2];
	[bflag:$0x3] =	sbarrier.arrive $0xFFFF;
	s2 =	simm.s32 @!p0 $0x1C05  }
0x143: {  	[timem:s3], [sflag:s2] =	dma.local @!p0 [hbm:s0], s1  }
0x144: {  	s0 =	simm.s32 @!p0 $0x5  }
0x145: {  	_ =	swait.ge @!p0 [sflag:s0], s1  }
0x146: {  	s1 =	ssub.s32 @!p0 $0x0, s1;
	[sflag:s0] =	ssyncset.done @!p0 $0x0  }
0x147: {  	[sflag:s0] =	ssyncadd.s32 @!p0 s1  }
0x148: {  	[bflag:$0x3] =	sbarrier.arrive $0xFFFF  }
0x149: {  	_ =	shalt  }

// kernel: kernel.9.cloned.1.call-start
scs
__scs_entry_jumppad:
0x0: {  	(pc) =	sbr.rel $0x88, $3  }
0x1: {  	(tag) =	ssettag $0x0;
	lr =	simm.s32 $0x1  }
0x2: {  	[smem:$0x3F9D] =	sst lr;
	_ =	strace $0xD0000000  }
0x3: {  	_ = 	snop  }
0x4: {  	_ = 	snop  }
0x5: {  	_ = 	snop  }
0x6: {  	_ = 	snop  }
0x7: {  	_ = 	snop  }
__scs_overlays_trampoline_lowered:
0x8: {  	[smem:$0x3FAC] =	sst s0  }
0x9: {  	[smem:$0x3FAD] =	sst s1  }
0xa: {  	[smem:$0x3FAE] =	sst s2  }
0xb: {  	[smem:$0x3FAF] =	sst s3  }
0xc: {  	[smem:$0x3FB0] =	sst s4  }
0xd: {  	[smem:$0x3FB1] =	sst s5  }
0xe: {  	[smem:$0x3FB2] =	sst s6  }
0xf: {  	[smem:$0x3FB3] =	sst s7  }
0x10: {  	[smem:$0x3FB4] =	sst s8  }
0x11: {  	[smem:$0x3FB5] =	sst s9;
	s0 =	simm.s32 @!p0 $0x0  }
0x12: {  	s1 =	sld [smem:$0x3F9B];
	s0 =	simm.s32 @p0 $0x1  }
0x13: {  	[smem:$0x3FB6] =	sst s0;
	s0 =	simm.s32 @!p1 $0x0  }
0x14: {  	s2 =	sld [smem:$0x3F9A];
	s0 =	simm.s32 @p1 $0x1  }
0x15: {  	[smem:$0x3FB7] =	sst s0;
	s0 =	simm.s32 @!p2 $0x0  }
0x16: {  	s3 =	sld [smem:$0x3FDB];
	s0 =	simm.s32 @p2 $0x1  }
0x17: {  	s4 =	simm.s32 $0x1BF5;
	[smem:$0x3FB9] =	sst s0  }
0x18: {  	s0 =	sld [smem:$0x3F9C];
	_ =	swait.ge [sflag:s4], $0x0  }
0x19: {  	s7 =	sld [smem:$0x3F9D]  }
0x1a: {  	s8 =	sadd.s32 $0xFFFFE003, lr  }
0x1b: {  	s9 =	sadd.s32 $0xFFFFFEF7, lr;
	s5 =	simm.s32 $0xFFFFFFFF;
	p2 =	slt.u32 s8, $0xFFFFF086  }
0x1c: {  	p1 =	slt.u32 s9, $0xF7A;
	s5 =	simm.s32 @!p2 $0x0  }
0x1d: {  	s5 =	simm.s32 @p1 $0x1;
	p0 =	seq.s32 s7, s2  }
0x1e: {  	s7 =	smul.u32 @!p0 $0xF7A, s2;
	p2 =	seq.s32 @!p0 s5, $0x0  }
0x1f: {  	s9 =	smul.u32 $0xF7A, s1;
	s8 =	simm.s32 @!p0 $0x1BF5;
	p2 =	por !p2, p0  }
0x20: {  	[sflag:s8] =	ssyncset.s32 @!p0 $0xFFFFF086;
	s6 =	sadd.s32 @!p0 s3, s7;
	s7 =	simm.s32 @!p0 $0x108  }
0x21: {  	s3 =	sadd.s32 s3, s9;
	s6 =	sadd.s32 @!p0 $0x88, s6;
	s7 =	simm.s32 @p2 $0x1082  }
0x22: {  	[simem:s7], [sflag:s8] =	dma.local @!p0 [hbm:s6], $0xF7A  }
0x23: {  	s9 =	sor.u32 $0xD0000000, s2;
	s6 =	simm.s32 $0x108;
	_ =	swait.ge @!p0 [sflag:s8], $0x0  }
0x24: {  	s3 =	sadd.s32 $0x88, s3;
	s6 =	simm.s32 @!p1 $0x1082;
	[sflag:s4] =	ssyncset.s32 $0xFFFFF086  }
0x25: {  	[simem:s6], [sflag:s4] =	dma.local [hbm:s3], $0xF7A  }
0x26: {  	[smem:$0x3F9D] =	sst s1;
	(tag) =	ssettag s2;
	_ =	strace s9  }
0x27: {  	s1 =	sld [smem:$0x3FAD]  }
0x28: {  	s2 =	sld [smem:$0x3FAE]  }
0x29: {  	s4 =	sld [smem:$0x3FB0]  }
0x2a: {  	p0 =	seq.s32 s5, $0x0;
	s5 =	sld [smem:$0x3FB1]  }
0x2b: {  	s6 =	sld [smem:$0x3FB2]  }
0x2c: {  	s7 =	sld [smem:$0x3FB3]  }
0x2d: {  	s3 =	simm.s32 $0x108;
	s8 =	sld [smem:$0x3FB4]  }
0x2e: {  	s3 =	simm.s32 @!p0 $0x1082;
	s9 =	sld [smem:$0x3FB5]  }
0x2f: {  	lr =	sadd.s32 s0, s3;
	s0 =	sld [smem:$0x3FAC]  }
0x30: {  	s3 =	sld [smem:$0x3FAF]  }
0x31: {  	[smem:$0x3FB8] =	sst s10  }
0x32: {  	s10 =	sld [smem:$0x3FB6];
	_ =	sdelay $0x3  }
0x33: {  	p0 =	seq.s32 s10, $0x1;
	s10 =	sld [smem:$0x3FB8];
	_ =	sdelay $0x3  }
0x34: {  	[smem:$0x3FB8] =	sst s10  }
0x35: {  	s10 =	sld [smem:$0x3FB7];
	_ =	sdelay $0x3  }
0x36: {  	p1 =	seq.s32 s10, $0x1;
	s10 =	sld [smem:$0x3FB8];
	_ =	sdelay $0x3  }
0x37: {  	[smem:$0x3FB8] =	sst s10  }
0x38: {  	s10 =	sld [smem:$0x3FB9]  }
0x39: {  	_ = 	snop;
	(pc) =	sbr.ind lr, $3  }
0x3a: {  	_ = 	snop  }
0x3b: {  	_ = 	snop  }
0x3c: {  	p2 =	seq.s32 s10, $0x1;
	s10 =	sld [smem:$0x3FB8]  }
0x3d: {  	_ =	shalt  }
0x3e: {  	_ =	shalt  }
0x3f: {  	_ =	shalt  }
0x40: {  	_ =	shalt  }
0x41: {  	_ =	shalt  }
0x42: {  	_ =	shalt  }
0x43: {  	_ =	shalt  }
0x44: {  	_ =	shalt  }
0x45: {  	_ =	shalt  }
0x46: {  	_ =	shalt  }
0x47: {  	_ =	shalt  }
0x48: {  	_ =	shalt  }
0x49: {  	_ =	shalt  }
0x4a: {  	_ =	shalt  }
0x4b: {  	_ =	shalt  }
0x4c: {  	_ =	shalt  }
0x4d: {  	_ =	shalt  }
0x4e: {  	_ =	shalt  }
0x4f: {  	_ =	shalt  }
0x50: {  	_ =	shalt  }
0x51: {  	_ =	shalt  }
0x52: {  	_ =	shalt  }
0x53: {  	_ =	shalt  }
0x54: {  	_ =	shalt  }
0x55: {  	_ =	shalt  }
0x56: {  	_ =	shalt  }
0x57: {  	_ =	shalt  }
0x58: {  	_ =	shalt  }
0x59: {  	_ =	shalt  }
0x5a: {  	_ =	shalt  }
0x5b: {  	_ =	shalt  }
0x5c: {  	_ =	shalt  }
0x5d: {  	_ =	shalt  }
0x5e: {  	_ =	shalt  }
0x5f: {  	_ =	shalt  }
0x60: {  	_ =	shalt  }
0x61: {  	_ =	shalt  }
0x62: {  	_ =	shalt  }
0x63: {  	_ =	shalt  }
0x64: {  	_ =	shalt  }
0x65: {  	_ =	shalt  }
0x66: {  	_ =	shalt  }
0x67: {  	_ =	shalt  }
0x68: {  	_ =	shalt  }
0x69: {  	_ =	shalt  }
0x6a: {  	_ =	shalt  }
0x6b: {  	_ =	shalt  }
0x6c: {  	_ =	shalt  }
0x6d: {  	_ =	shalt  }
0x6e: {  	_ =	shalt  }
0x6f: {  	_ =	shalt  }
0x70: {  	_ =	shalt  }
0x71: {  	_ =	shalt  }
0x72: {  	_ =	shalt  }
0x73: {  	_ =	shalt  }
0x74: {  	_ =	shalt  }
0x75: {  	_ =	shalt  }
0x76: {  	_ =	shalt  }
0x77: {  	_ =	shalt  }
0x78: {  	_ =	shalt  }
0x79: {  	_ =	shalt  }
0x7a: {  	_ =	shalt  }
0x7b: {  	_ =	shalt  }
0x7c: {  	_ =	shalt  }
0x7d: {  	_ =	shalt  }
0x7e: {  	_ =	shalt  }
0x7f: {  	_ =	shalt  }
0x80: {  	_ =	shalt  }
0x81: {  	_ =	shalt  }
0x82: {  	_ =	shalt  }
0x83: {  	_ =	shalt  }
0x84: {  	_ =	shalt  }
0x85: {  	_ =	shalt  }
0x86: {  	_ =	shalt  }
0x87: {  	_ =	shalt  }
.Lfunc_end0:
.L_simem_size_0:
called_computation.4_lowered:
.L_overlay_start_0:
0x88: {  	s2 =	sld [smem:$0x3FD9]  }
0x89: {  	s3 =	sld [smem:$0x3FFE];
	_ =	sdelay $0x1  }
0x8a: {  	s1 =	srdreg.scid  }
0x8b: {  	s0 =	sand.u32 $0x1, s1  }
0x8c: {  	s17 =	sshll.u32 s0, $0xA;
	s2 =	sadd.s32 s3, s2  }
0x8d: {  	s2 =	sadd.s32 s2, s17  }
0x8e: {  	[smem:$0x3FC4] =	sst s2  }
0x8f: {  	_ = 	snop  }
0x90: {  	s2 =	sld [smem:$0x3FD0];
	(tm) =	ssettm $0x1  }
0x91: {  	s18 =	sld [smem:$0x3FFB];
	_ =	sdelay $0x3  }
0x92: {  	_ =	strace s18  }
0x93: {  	s3 =	sld [smem:$0x3FFC];
	_ =	sdelay $0x3  }
0x94: {  	_ =	strace s3  }
0x95: {  	s3 =	sld [smem:$0x3FFD];
	_ =	sdelay $0x3  }
0x96: {  	_ =	strace s3  }
0x97: {  	_ =	strace $0x8FFFFFFF  }
0x98: {  	s19 =	sld [smem:$0x3FDB];
	_ =	sdelay $0x1  }
0x99: {  	s4 =	simm.s32 $_scs_section_size  }
0x9a: {  	s5 =	simm.s32 $_size__tile_overlayer_lowered;
	s6 =	simm.s32 $_tile_overlayer_lowered  }
0x9b: {  	s22 =	simm.s32 $0x1BFF;
	s21 =	sshll.u32 s6, $0x1;
	s3 =	sadd.s32 s4, s19  }
0x9c: {  	s7 =	simm.s32 $0x0;
	s20 =	sshll.u32 s5, $0x1;
	s5 =	sadd.s32 s21, s3  }
0x9d: {  	[timem:s7], [sflag:s22] =	dma.local [hbm:s5], s20  }
0x9e: {  	_ =	swait.ge [sflag:s22], s20  }
0x9f: {  	s4 =	ssub.s32 $0x0, s20;
	[sflag:s22] =	ssyncset.done $0x0  }
0xa0: {  	[sflag:s22] =	ssyncadd.s32 s4;
	_ =	sdelay $0x1  }
0xa1: {  	s23 =	simm.s32 $0x1B8B  }
0xa2: {  	_ =	swait.ge [sflag:s23], $0x1  }
0xa3: {  	[sflag:s23] =	ssyncset.done $0x0  }
0xa4: {  	s25 =	simm.s32 $0x1B8E;
	s24 =	sld [smem:$0x3FFE];
	[sflag:s23] =	ssyncadd.s32 $0xFFFFFFFF  }
0xa5: {  	s26 =	simm.s32 $execute0_lowered;
	[smem:$0x3FD2] =	sst s25  }
0xa6: {  	s5 =	sshll.u32 s26, $0x1;
	_ =	strace $0x80000052;
	[dreg:$0x1] =	wrdreg $0xFFFFFFFF  }
0xa7: {  	s28 =	simm.s32 $_size_execute0_lowered;
	s3 =	sadd.s32 s3, s5;
	[dreg:$0x0] =	wrdreg $0x0  }
0xa8: {  	s5 =	sshll.u32 s28, $0x1;
	[dreg:$0x2] =	wrdreg s3  }
0xa9: {  	[dreg:$0x3] =	wrdreg s5  }
0xaa: {  	[dreg:$0x4] =	wrdreg $0xC0  }
0xab: {  	_ =	task [dreg:s7], $0x5FFFF  }
0xac: {  	[dreg:$0x1] =	wrdreg $0xFFFFFFFF  }
0xad: {  	[dreg:$0x0] =	wrdreg $0x60  }
0xae: {  	[dreg:$0x2] =	wrdreg s24  }
0xaf: {  	[dreg:$0x3] =	wrdreg s2  }
0xb0: {  	[dreg:$0x4] =	wrdreg $0x9  }
0xb1: {  	_ =	task.clear_ibuf [dreg:s7], $0x5FFFF;
	_ =	strace $0x90000052  }
0xb2: {  	s29 =	simm.s32 $0x9;
	_ =	strace $0x80000054  }
0xb3: {  	_ =	swait.ge [sflag:s29], $0x1  }
0xb4: {  	[sflag:s29] =	ssyncadd.s32 $0xFFFFFFFF  }
0xb5: {  	_ =	strace $0x90000054  }
0xb6: {  	_ =	sfence  }
0xb7: {  	s30 =	sld [smem:$0x0];
	_ =	sdelay $0x2  }
0xb8: {  	s31 =	sshll.u32 s1, $0xD;
	s1 =	sshrl.u32 s1, $0x2  }
0xb9: {  	s3 =	sand.u32 $0x4000, s31;
	s1 =	sadd.s32 s1, s30  }
0xba: {  	s0 =	sor.u32 s3, s0;
	s1 =	sshll.u32 s1, $0x11  }
0xbb: {  	s0 =	sor.u32 s1, s0  }
0xbc: {  	s0 =	sadd.s32 $0x8F2B, s0  }
0xbd: {  	[sflag:s0] =	ssyncadd.remote.s32 $0x1  }
0xbe: {  	_ =	sfence.sel $0xFFFF  }
0xbf: {  	[dreg:$0x0] =	wrdreg $0xFFFFFFFF;
	(pc) =	sbr.abs _section_cstart, $3  }
0xc0: {  	[dreg:$0x1] =	wrdreg $0xFFFFFFFF  }
0xc1: {  	_ =	task.clear_ibuf [dreg:s7], $0x2FFFF;
	_ =	strace $0x9FFFFFFF  }
0xc2: {  	(tm) =	ssettm $0x7FFFFFFF  }
0xc3: {  	_ =	shalt  }
tec
execute0_lowered:
.L_overlay_start_1:
0x0: {  	(tag) =	ssettag $0x1  }
0x1: {  	s0 =	rddreg [dreg:$0x0]  }
0x2: {  	s1 =	rddreg [dreg:$0x1];
	s2 =	srdreg.scid  }
0x3: {  	s4 =	stileid.u32;
	s12 =	simm.s32 $0x4;
	s14 =	simm.s32 $0x100  }
0x4: {  	s15 =	simm.s32 $0xA100;
	s16 =	simm.s32 $0xB100;
	s17 =	simm.s32 $0xB900  }
0x5: {  	s18 =	simm.s32 $0xC900;
	s19 =	simm.s32 $0xD100;
	s20 =	simm.s32 $0xD900  }
0x6: {  	s21 =	simm.s32 $0xE100;
	s22 =	simm.s32 $0xE900;
	s23 =	simm.s32 $0xF900  }
0x7: {  	s11 =	simm.s32 $0x1;
	s24 =	simm.s32 $0x2;
	s25 =	simm.s32 $0x3  }
0x8: {  	s26 =	simm.s32 $0x0;
	s3 =	sand.u32 $0x1, s2;
	s2 =	simm.s32 $0x0  }
0x9: {  	s4 =	sshll.u32 s4, $0x7;
	s8 =	sadd.s32 $0x600, s0;
	s9 =	sadd.s32 $0x700, s0  }
0xa: {  	s5 =	sshll.u32 s3, $0x6;
	[smem:$0x7FF] =	sst s2;
	s6 =	ssub.s32 $0x2, s3  }
0xb: {  	s3 =	sadd.s32 $0x400, s0;
	s4 =	sor.u32 s5, s4;
	s7 =	sshrl.u32 s6, $0x1  }
0xc: {  	_ =	strace $0x80000053;
	s5 =	sshrl.u32 s4, $0x3;
	s10 =	ssub.s32 s6, s7  }
0xd: {  	s4 =	sshll.u32 s4, $0x7;
	s5 =	sadd.s32 s5, s0;
	s31 =	smax.u32 s10, $0x1  }
0xe: {  	s6 =	sadd.s32 $0x500, s0;
	s29 =	sadd.s32 $0x200, s5;
	[dreg:$0x6] =	wrdreg s31  }
0xf: {  	v2 =	vlaneseq.u32;
	s7 =	sadd.s32 s1, s4;
	s5 =	sadd.s32 $0x310400, s5;
	[dreg:$0x3] =	wrdreg s29  }
0x10: {  	vm0 =	vmmov $0xffff;
	v1 =	vshrl.u32 v2, $0x3;
	s4 =	simm.s32 $0xA900;
	s30 =	sadd.s32 $0x1000, s7;
	[dreg:$0x4] =	wrdreg s5  }
0x11: {  	v0 =	vand.u32 $0x7, v2;
	v2 =	vor.u32 $0x8, v2;
	v1 =	vmul.u32 $0x8, v1;
	s10 =	simm.s32 $0xF100;
	[dreg:$0x5] =	wrdreg s30;
	s5 =	simm.s32 $0xC100  }
.LBB2_1:
0x12: {  	s0 =	rddreg [dreg:$0x3]  }
0x13: {  	[tilespmem:s2], [sflag:$0x4] =	stream.linear.gather [hbm4b:s0+s2], $0x40, $0x38;
	[tilespmem:$0x10100] =	vst v63  }
0x14: {  	_ =	swait.ge [sflag:s12], $0x40  }
0x15: {  	[sflag:s12] =	ssyncset.done $0x0  }
0x16: {  	s1 =	simm.s32 $0x80;
	s13 =	rddreg [dreg:$0x4];
	[sflag:s12] =	ssyncadd.s32 $0xFFFFFFC0  }
0x17: {  	[tilespmem:s1], [sflag:$0x4] =	stream.linear.gather [hbm4b:s13+s2], $0x40, $0x38;
	[tilespmem:$0x10100] =	vst v63  }
0x18: {  	_ =	swait.ge [sflag:s12], $0x40  }
0x19: {  	[sflag:s12] =	ssyncset.done $0x0  }
0x1a: {  	[sflag:s12] =	ssyncadd.s32 $0xFFFFFFC0  }
0x1b: {  	v3 =	vld [tilespmem:$0x0];
	_ =	sdelay $0x4  }
0x1c: {  	v4 =	vshll.u32 v3, $0x3  }
0x1d: {  	v3 =	vand.u32 $0x7, v3;
	v4 =	vand.u32 $0xFFFFFFC0, v4  }
0x1e: {  	v3 =	vor.u32 v3, v4  }
0x1f: {  	v4 =	vperm.xlane v3, v0;
	_ =	sdelay $0x1  }
0x20: {  	v4 =	vadd.s32 v1, v4;
	_ =	sdelay $0x4  }
0x21: {  	[tilespmem:s14], [sflag:$0x1] =	stream.indirect_vreg.gather [hbm4b:s3+s2], $0x80, v4, vm0, $0xb8;
	[tilespmem:$0x10100] =	vst v63  }
0x22: {  	s13 =	simm.s32 $0x900;
	v3 =	vperm.xlane v3, v2  }
0x23: {  	[tilespmem:s13], [sflag:$0x1] =	stream.indirect_vreg.gather [hbm4b:s6+s2], $0x80, v4, vm0, $0xb8;
	[tilespmem:$0x10100] =	vst v63  }
0x24: {  	s1 =	simm.s32 $0x1100;
	v3 =	vadd.s32 v1, v3  }
0x25: {  	[tilespmem:s1], [sflag:$0x1] =	stream.indirect_vreg.gather [hbm4b:s8+s2], $0x80, v4, vm0, $0xb8;
	[tilespmem:$0x10100] =	vst v63  }
0x26: {  	s13 =	simm.s32 $0x1900  }
0x27: {  	[tilespmem:s13], [sflag:$0x1] =	stream.indirect_vreg.gather [hbm4b:s9+s2], $0x80, v4, vm0, $0xb8;
	[tilespmem:$0x10100] =	vst v63  }
0x28: {  	s1 =	simm.s32 $0x2100  }
0x29: {  	[tilespmem:s1], [sflag:$0x1] =	stream.indirect_vreg.gather [hbm4b:s3+s2], $0x80, v3, vm0, $0xb8;
	[tilespmem:$0x10100] =	vst v63  }
0x2a: {  	s13 =	simm.s32 $0x2900  }
0x2b: {  	[tilespmem:s13], [sflag:$0x1] =	stream.indirect_vreg.gather [hbm4b:s6+s2], $0x80, v3, vm0, $0xb8;
	[tilespmem:$0x10100] =	vst v63  }
0x2c: {  	s1 =	simm.s32 $0x3100  }
0x2d: {  	[tilespmem:s1], [sflag:$0x1] =	stream.indirect_vreg.gather [hbm4b:s8+s2], $0x80, v3, vm0, $0xb8;
	[tilespmem:$0x10100] =	vst v63  }
0x2e: {  	s13 =	simm.s32 $0x3900  }
0x2f: {  	[tilespmem:s13], [sflag:$0x1] =	stream.indirect_vreg.gather [hbm4b:s9+s2], $0x80, v3, vm0, $0xb8;
	[tilespmem:$0x10100] =	vst v63  }
0x30: {  	v3 =	vld [tilespmem:$0x10];
	_ =	sdelay $0x4  }
0x31: {  	v61 =	vshll.u32 v3, $0x3  }
0x32: {  	v3 =	vand.u32 $0x7, v3;
	v4 =	vand.u32 $0xFFFFFFC0, v61  }
0x33: {  	v3 =	vor.u32 v3, v4  }
0x34: {  	v4 =	vperm.xlane v3, v0;
	_ =	sdelay $0x1  }
0x35: {  	v4 =	vadd.s32 v1, v4;
	_ =	sdelay $0x3  }
0x36: {  	s1 =	simm.s32 $0x4100  }
0x37: {  	[tilespmem:s1], [sflag:$0x1] =	stream.indirect_vreg.gather [hbm4b:s3+s2], $0x80, v4, vm0, $0xb8;
	[tilespmem:$0x10100] =	vst v63  }
0x38: {  	s13 =	simm.s32 $0x4900;
	v3 =	vperm.xlane v3, v2  }
0x39: {  	[tilespmem:s13], [sflag:$0x1] =	stream.indirect_vreg.gather [hbm4b:s6+s2], $0x80, v4, vm0, $0xb8;
	[tilespmem:$0x10100] =	vst v63  }
0x3a: {  	v3 =	vadd.s32 v1, v3;
	s1 =	simm.s32 $0x5100  }
0x3b: {  	[tilespmem:s1], [sflag:$0x1] =	stream.indirect_vreg.gather [hbm4b:s8+s2], $0x80, v4, vm0, $0xb8;
	[tilespmem:$0x10100] =	vst v63  }
0x3c: {  	s13 =	simm.s32 $0x5900  }
0x3d: {  	[tilespmem:s13], [sflag:$0x1] =	stream.indirect_vreg.gather [hbm4b:s9+s2], $0x80, v4, vm0, $0xb8;
	[tilespmem:$0x10100] =	vst v63  }
0x3e: {  	s1 =	simm.s32 $0x6100  }
0x3f: {  	[tilespmem:s1], [sflag:$0x1] =	stream.indirect_vreg.gather [hbm4b:s3+s2], $0x80, v3, vm0, $0xb8;
	[tilespmem:$0x10100] =	vst v63  }
0x40: {  	s13 =	simm.s32 $0x6900  }
0x41: {  	[tilespmem:s13], [sflag:$0x1] =	stream.indirect_vreg.gather [hbm4b:s6+s2], $0x80, v3, vm0, $0xb8;
	[tilespmem:$0x10100] =	vst v63  }
0x42: {  	s1 =	simm.s32 $0x7100  }
0x43: {  	[tilespmem:s1], [sflag:$0x1] =	stream.indirect_vreg.gather [hbm4b:s8+s2], $0x80, v3, vm0, $0xb8;
	[tilespmem:$0x10100] =	vst v63  }
0x44: {  	s13 =	simm.s32 $0x7900  }
0x45: {  	[tilespmem:s13], [sflag:$0x1] =	stream.indirect_vreg.gather [hbm4b:s9+s2], $0x80, v3, vm0, $0xb8;
	[tilespmem:$0x10100] =	vst v63  }
0x46: {  	v3 =	vld [tilespmem:$0x80];
	_ =	sdelay $0x4  }
0x47: {  	v62 =	vshll.u32 v3, $0x3  }
0x48: {  	v3 =	vand.u32 $0x7, v3;
	v4 =	vand.u32 $0xFFFFFFC0, v62  }
0x49: {  	v3 =	vor.u32 v3, v4  }
0x4a: {  	v4 =	vperm.xlane v3, v0;
	_ =	sdelay $0x1  }
0x4b: {  	v4 =	vadd.s32 v1, v4;
	_ =	sdelay $0x3  }
0x4c: {  	s1 =	simm.s32 $0x8100  }
0x4d: {  	[tilespmem:s1], [sflag:$0x2] =	stream.indirect_vreg.gather [hbm4b:s3+s2], $0x80, v4, vm0, $0xb8;
	[tilespmem:$0x10100] =	vst v63  }
0x4e: {  	s13 =	simm.s32 $0x8900;
	v3 =	vperm.xlane v3, v2  }
0x4f: {  	[tilespmem:s13], [sflag:$0x2] =	stream.indirect_vreg.gather [hbm4b:s6+s2], $0x80, v4, vm0, $0xb8;
	[tilespmem:$0x10100] =	vst v63  }
0x50: {  	v3 =	vadd.s32 v1, v3;
	s1 =	simm.s32 $0x9100  }
0x51: {  	[tilespmem:s1], [sflag:$0x2] =	stream.indirect_vreg.gather [hbm4b:s8+s2], $0x80, v4, vm0, $0xb8;
	[tilespmem:$0x10100] =	vst v63  }
0x52: {  	s13 =	simm.s32 $0x9900  }
0x53: {  	[tilespmem:s13], [sflag:$0x2] =	stream.indirect_vreg.gather [hbm4b:s9+s2], $0x80, v4, vm0, $0xb8;
	[tilespmem:$0x10100] =	vst v63  }
0x54: {  	_ = 	snop  }
0x55: {  	[tilespmem:s15], [sflag:$0x2] =	stream.indirect_vreg.gather [hbm4b:s3+s2], $0x80, v3, vm0, $0xb8;
	[tilespmem:$0x10100] =	vst v63  }
0x56: {  	_ = 	snop  }
0x57: {  	[tilespmem:s4], [sflag:$0x2] =	stream.indirect_vreg.gather [hbm4b:s6+s2], $0x80, v3, vm0, $0xb8;
	[tilespmem:$0x10100] =	vst v63  }
0x58: {  	_ = 	snop  }
0x59: {  	[tilespmem:s16], [sflag:$0x2] =	stream.indirect_vreg.gather [hbm4b:s8+s2], $0x80, v3, vm0, $0xb8;
	[tilespmem:$0x10100] =	vst v63  }
0x5a: {  	_ = 	snop  }
0x5b: {  	[tilespmem:s17], [sflag:$0x2] =	stream.indirect_vreg.gather [hbm4b:s9+s2], $0x80, v3, vm0, $0xb8;
	[tilespmem:$0x10100] =	vst v63  }
0x5c: {  	v3 =	vld [tilespmem:$0x90];
	_ =	sdelay $0x4  }
0x5d: {  	v63 =	vshll.u32 v3, $0x3  }
0x5e: {  	v3 =	vand.u32 $0x7, v3;
	v4 =	vand.u32 $0xFFFFFFC0, v63  }
0x5f: {  	v3 =	vor.u32 v3, v4  }
0x60: {  	v4 =	vperm.xlane v3, v0;
	_ =	sdelay $0x1  }
0x61: {  	v4 =	vadd.s32 v1, v4;
	_ =	sdelay $0x4  }
0x62: {  	[tilespmem:s5], [sflag:$0x2] =	stream.indirect_vreg.gather [hbm4b:s3+s2], $0x80, v4, vm0, $0xb8;
	[tilespmem:$0x10100] =	vst v63  }
0x63: {  	v3 =	vperm.xlane v3, v2  }
0x64: {  	[tilespmem:s18], [sflag:$0x2] =	stream.indirect_vreg.gather [hbm4b:s6+s2], $0x80, v4, vm0, $0xb8;
	[tilespmem:$0x10100] =	vst v63  }
0x65: {  	v3 =	vadd.s32 v1, v3  }
0x66: {  	[tilespmem:s19], [sflag:$0x2] =	stream.indirect_vreg.gather [hbm4b:s8+s2], $0x80, v4, vm0, $0xb8;
	[tilespmem:$0x10100] =	vst v63  }
0x67: {  	_ = 	snop  }
0x68: {  	[tilespmem:s20], [sflag:$0x2] =	stream.indirect_vreg.gather [hbm4b:s9+s2], $0x80, v4, vm0, $0xb8;
	[tilespmem:$0x10100] =	vst v63  }
0x69: {  	_ = 	snop  }
0x6a: {  	[tilespmem:s21], [sflag:$0x2] =	stream.indirect_vreg.gather [hbm4b:s3+s2], $0x80, v3, vm0, $0xb8;
	[tilespmem:$0x10100] =	vst v63  }
0x6b: {  	_ = 	snop  }
0x6c: {  	[tilespmem:s22], [sflag:$0x2] =	stream.indirect_vreg.gather [hbm4b:s6+s2], $0x80, v3, vm0, $0xb8;
	[tilespmem:$0x10100] =	vst v63  }
0x6d: {  	_ = 	snop  }
0x6e: {  	[tilespmem:s10], [sflag:$0x2] =	stream.indirect_vreg.gather [hbm4b:s8+s2], $0x80, v3, vm0, $0xb8;
	[tilespmem:$0x10100] =	vst v63  }
0x6f: {  	_ = 	snop  }
0x70: {  	[tilespmem:s23], [sflag:$0x2] =	stream.indirect_vreg.gather [hbm4b:s9+s2], $0x80, v3, vm0, $0xb8;
	[tilespmem:$0x10100] =	vst v63  }
0x71: {  	_ =	swait.ge [sflag:s11], $0x8000  }
0x72: {  	[sflag:s11] =	ssyncset.done $0x0  }
0x73: {  	[sflag:s11] =	ssyncadd.s32 $0xFFFF8000  }
0x74: {  	_ =	swait.ge [sflag:s24], $0x8000  }
0x75: {  	s28 =	simm.s32 $0xFFFF8000;
	s29 =	simm.s32 $0x0;
	[sflag:s24] =	ssyncset.done $0x0  }
0x76: {  	s30 =	simm.s32 $0x0;
	s31 =	simm.s32 $0x0;
	[sflag:s24] =	ssyncadd.s32 $0xFFFF8000  }
.LBB2_2:
0x77: {  	s0 =	sadd.s32 $0x8000, s28  }
0x78: {  	s1 =	sand.u32 $0x380, s31;
	s0 =	sand.u32 $0x6000, s0  }
0x79: {  	s0 =	sor.u32 s1, s0  }
0x7a: {  	v3 =	vld [tilespmem:s0+$0x100]  }
0x7b: {  	v4 =	vld [tilespmem:s0+$0x8100]  }
0x7c: {  	v5 =	vld [tilespmem:s0+$0x110]  }
0x7d: {  	v6 =	vld [tilespmem:s0+$0x8110]  }
0x7e: {  	v7 =	vld [tilespmem:s0+$0x120]  }
0x7f: {  	v8 =	vld [tilespmem:s0+$0x8120]  }
0x80: {  	v9 =	vld [tilespmem:s0+$0x130]  }
0x81: {  	v10 =	vld [tilespmem:s0+$0x8130]  }
0x82: {  	v11 =	vld [tilespmem:s0+$0x140]  }
0x83: {  	v12 =	vld [tilespmem:s0+$0x8140]  }
0x84: {  	v13 =	vld [tilespmem:s0+$0x150]  }
0x85: {  	v14 =	vld [tilespmem:s0+$0x8150]  }
0x86: {  	v15 =	vld [tilespmem:s0+$0x160]  }
0x87: {  	v16 =	vld [tilespmem:s0+$0x8160]  }
0x88: {  	v17 =	vld [tilespmem:s0+$0x170]  }
0x89: {  	v18 =	vld [tilespmem:s0+$0x8170]  }
0x8a: {  	v19 =	vld [tilespmem:s0+$0x500]  }
0x8b: {  	v20 =	vld [tilespmem:s0+$0x8500]  }
0x8c: {  	v21 =	vld [tilespmem:s0+$0x510]  }
0x8d: {  	v22 =	vld [tilespmem:s0+$0x8510]  }
0x8e: {  	v23 =	vld [tilespmem:s0+$0x520]  }
0x8f: {  	v24 =	vld [tilespmem:s0+$0x8520]  }
0x90: {  	v25 =	vld [tilespmem:s0+$0x530]  }
0x91: {  	v26 =	vld [tilespmem:s0+$0x8530]  }
0x92: {  	v27 =	vld [tilespmem:s0+$0x540]  }
0x93: {  	v28 =	vld [tilespmem:s0+$0x8540]  }
0x94: {  	v29 =	vld [tilespmem:s0+$0x550]  }
0x95: {  	v30 =	vld [tilespmem:s0+$0x8550]  }
0x96: {  	v31 =	vld [tilespmem:s0+$0x560]  }
0x97: {  	v32 =	vld [tilespmem:s0+$0x8560]  }
0x98: {  	v33 =	vld [tilespmem:s0+$0x570]  }
0x99: {  	v34 =	vld [tilespmem:s0+$0x8570]  }
0x9a: {  	v35 =	vld [tilespmem:s0+$0x900]  }
0x9b: {  	v36 =	vld [tilespmem:s0+$0x8900]  }
0x9c: {  	v37 =	vld [tilespmem:s0+$0x910]  }
0x9d: {  	v38 =	vld [tilespmem:s0+$0x8910]  }
0x9e: {  	v39 =	vld [tilespmem:s0+$0x920]  }
0x9f: {  	v40 =	vld [tilespmem:s0+$0x8920]  }
0xa0: {  	v41 =	vld [tilespmem:s0+$0x930]  }
0xa1: {  	v42 =	vld [tilespmem:s0+$0x8930]  }
0xa2: {  	v43 =	vld [tilespmem:s0+$0x940]  }
0xa3: {  	v44 =	vld [tilespmem:s0+$0x8940]  }
0xa4: {  	v45 =	vld [tilespmem:s0+$0x950]  }
0xa5: {  	v46 =	vld [tilespmem:s0+$0x8950]  }
0xa6: {  	v47 =	vld [tilespmem:s0+$0x960]  }
0xa7: {  	v48 =	vld [tilespmem:s0+$0x8960]  }
0xa8: {  	v49 =	vld [tilespmem:s0+$0x970]  }
0xa9: {  	v50 =	vld [tilespmem:s0+$0x8970]  }
0xaa: {  	v51 =	vld [tilespmem:s0+$0xD00]  }
0xab: {  	v52 =	vld [tilespmem:s0+$0x8D00]  }
0xac: {  	v53 =	vld [tilespmem:s0+$0xD10]  }
0xad: {  	v54 =	vld [tilespmem:s0+$0x8D10]  }
0xae: {  	v55 =	vld [tilespmem:s0+$0xD20]  }
0xaf: {  	v56 =	vld [tilespmem:s0+$0x8D20]  }
0xb0: {  	v57 =	vld [tilespmem:s0+$0xD30]  }
0xb1: {  	v58 =	vld [tilespmem:s0+$0x8D30]  }
0xb2: {  	v59 =	vld [tilespmem:s0+$0xD40]  }
0xb3: {  	v60 =	vld [tilespmem:s0+$0x8D40]  }
0xb4: {  	v61 =	vld [tilespmem:s0+$0xD50]  }
0xb5: {  	v62 =	vld [tilespmem:s0+$0x8D50]  }
0xb6: {  	v63 =	vld [tilespmem:s0+$0xD60]  }
0xb7: {  	v3 =	vadd.f32 v4, v3;
	v4 =	vld [tilespmem:s0+$0x8D60]  }
0xb8: {  	v5 =	vadd.f32 v6, v5;
	v6 =	vld [tilespmem:s0+$0xD70]  }
0xb9: {  	v14 =	vadd.f32 v14, v13;
	v13 =	vld [tilespmem:s0+$0x9120];
	[tilespmem:s0+$0x100] =	vst v3;
	v3 =	vadd.f32 v8, v7  }
0xba: {  	v18 =	vadd.f32 v18, v17;
	v17 =	vld [tilespmem:s0+$0x9140];
	[tilespmem:s0+$0x110] =	vst v5  }
0xbb: {  	v22 =	vadd.f32 v22, v21;
	v21 =	vld [tilespmem:s0+$0x9160];
	[tilespmem:s0+$0x120] =	vst v3;
	v3 =	vadd.f32 v12, v11  }
0xbc: {  	v7 =	vld [tilespmem:s0+$0x8D70];
	[tilespmem:s0+$0x150] =	vst v14  }
0xbd: {  	v8 =	vld [tilespmem:s0+$0x1100];
	[tilespmem:s0+$0x140] =	vst v3;
	v3 =	vadd.f32 v16, v15  }
0xbe: {  	v5 =	vadd.f32 v10, v9;
	v9 =	vld [tilespmem:s0+$0x9100];
	[tilespmem:s0+$0x170] =	vst v18  }
0xbf: {  	v10 =	vld [tilespmem:s0+$0x1110];
	[tilespmem:s0+$0x160] =	vst v3;
	v3 =	vadd.f32 v20, v19  }
0xc0: {  	v26 =	vadd.f32 v26, v25;
	v14 =	vld [tilespmem:s0+$0x1130];
	[tilespmem:s0+$0x510] =	vst v22  }
0xc1: {  	v18 =	vld [tilespmem:s0+$0x1150];
	[tilespmem:s0+$0x500] =	vst v3;
	v3 =	vadd.f32 v24, v23  }
0xc2: {  	v30 =	vadd.f32 v30, v29;
	[tilespmem:s0+$0x530] =	vst v26;
	v22 =	vld [tilespmem:s0+$0x1170]  }
0xc3: {  	v19 =	vld [tilespmem:s0+$0x9150];
	[tilespmem:s0+$0x520] =	vst v3;
	v3 =	vadd.f32 v28, v27  }
0xc4: {  	v34 =	vadd.f32 v34, v33;
	[tilespmem:s0+$0x550] =	vst v30;
	v11 =	vld [tilespmem:s0+$0x9110]  }
0xc5: {  	v12 =	vld [tilespmem:s0+$0x1120];
	[tilespmem:s0+$0x540] =	vst v3;
	v3 =	vadd.f32 v32, v31  }
0xc6: {  	[tilespmem:s0+$0x570] =	vst v34;
	v15 =	vld [tilespmem:s0+$0x9130]  }
0xc7: {  	v16 =	vld [tilespmem:s0+$0x1140];
	[tilespmem:s0+$0x560] =	vst v3;
	v3 =	vadd.f32 v36, v35  }
0xc8: {  	[tilespmem:s0+$0x130] =	vst v5;
	v20 =	vld [tilespmem:s0+$0x1160];
	v19 =	vadd.f32 v19, v18  }
0xc9: {  	v24 =	vld [tilespmem:s0+$0x1500];
	[tilespmem:s0+$0x900] =	vst v3;
	v3 =	vadd.f32 v40, v39  }
0xca: {  	[tilespmem:s0+$0x1150] =	vst v19;
	v36 =	vadd.f32 v38, v37;
	v37 =	vld [tilespmem:s0+$0x9170]  }
0xcb: {  	v38 =	vadd.f32 v42, v41;
	v41 =	vld [tilespmem:s0+$0x1510];
	[tilespmem:s0+$0x920] =	vst v3;
	v3 =	vadd.f32 v44, v43  }
0xcc: {  	v42 =	vld [tilespmem:s0+$0x9510];
	[tilespmem:s0+$0x910] =	vst v36  }
0xcd: {  	v35 =	vld [tilespmem:s0+$0x1910];
	[tilespmem:s0+$0x940] =	vst v3;
	v3 =	vadd.f32 v48, v47  }
0xce: {  	v39 =	vld [tilespmem:s0+$0x9500];
	[tilespmem:s0+$0x930] =	vst v38;
	v40 =	vadd.f32 v46, v45  }
0xcf: {  	v45 =	vld [tilespmem:s0+$0x9520];
	[tilespmem:s0+$0x960] =	vst v3;
	v3 =	vadd.f32 v52, v51  }
0xd0: {  	v46 =	vadd.f32 v54, v53;
	v53 =	vld [tilespmem:s0+$0x1550];
	[tilespmem:s0+$0x950] =	vst v40  }
0xd1: {  	v54 =	vld [tilespmem:s0+$0x9550];
	[tilespmem:s0+$0xD00] =	vst v3;
	v3 =	vadd.f32 v56, v55  }
0xd2: {  	v36 =	vld [tilespmem:s0+$0x9910];
	v43 =	vadd.f32 v50, v49;
	[tilespmem:s0+$0xD10] =	vst v46  }
0xd3: {  	v38 =	vld [tilespmem:s0+$0x1920];
	[tilespmem:s0+$0xD20] =	vst v3;
	v3 =	vadd.f32 v60, v59  }
0xd4: {  	v44 =	vld [tilespmem:s0+$0x1520];
	v49 =	vadd.f32 v58, v57;
	[tilespmem:s0+$0x970] =	vst v43  }
0xd5: {  	v50 =	vld [tilespmem:s0+$0x1540];
	[tilespmem:s0+$0xD40] =	vst v3;
	v3 =	vadd.f32 v4, v63  }
0xd6: {  	v57 =	vld [tilespmem:s0+$0x9560];
	v58 =	vadd.f32 v11, v10;
	[tilespmem:s0+$0xD30] =	vst v49  }
0xd7: {  	v46 =	vld [tilespmem:s0+$0x9950];
	[tilespmem:s0+$0xD60] =	vst v3;
	v3 =	vadd.f32 v9, v8  }
0xd8: {  	v37 =	vadd.f32 v37, v22;
	v40 =	vadd.f32 v42, v41;
	v41 =	vld [tilespmem:s0+$0x1930];
	[tilespmem:s0+$0x1110] =	vst v58  }
0xd9: {  	v42 =	vld [tilespmem:s0+$0x9930];
	[tilespmem:s0+$0x1100] =	vst v3;
	v3 =	vadd.f32 v13, v12  }
0xda: {  	v47 =	vld [tilespmem:s0+$0x1530];
	[tilespmem:s0+$0x1170] =	vst v37  }
0xdb: {  	v48 =	vld [tilespmem:s0+$0x9530];
	[tilespmem:s0+$0x1120] =	vst v3;
	v3 =	vadd.f32 v17, v16  }
0xdc: {  	v49 =	vld [tilespmem:s0+$0x9960];
	[tilespmem:s0+$0x1510] =	vst v40;
	v52 =	vadd.f32 v62, v61  }
0xdd: {  	v51 =	vld [tilespmem:s0+$0x9540];
	[tilespmem:s0+$0x1140] =	vst v3;
	v3 =	vadd.f32 v21, v20  }
0xde: {  	v61 =	vadd.f32 v15, v14;
	v62 =	vld [tilespmem:s0+$0x1900];
	[tilespmem:s0+$0xD50] =	vst v52  }
0xdf: {  	v56 =	vld [tilespmem:s0+$0x1560];
	[tilespmem:s0+$0x1160] =	vst v3;
	v3 =	vadd.f32 v39, v24  }
0xe0: {  	v55 =	vadd.f32 v7, v6;
	[tilespmem:s0+$0x1130] =	vst v61;
	v52 =	vld [tilespmem:s0+$0x9970]  }
0xe1: {  	v43 =	vadd.f32 v48, v47;
	v47 =	vld [tilespmem:s0+$0x1960];
	[tilespmem:s0+$0x1500] =	vst v3;
	v3 =	vadd.f32 v45, v44  }
0xe2: {  	[tilespmem:s0+$0xD70] =	vst v55;
	v63 =	vld [tilespmem:s0+$0x9900]  }
0xe3: {  	v59 =	vld [tilespmem:s0+$0x1570];
	[tilespmem:s0+$0x1520] =	vst v3;
	v3 =	vadd.f32 v51, v50  }
0xe4: {  	[tilespmem:s0+$0x1530] =	vst v43;
	v4 =	vadd.f32 v54, v53;
	v39 =	vld [tilespmem:s0+$0x9920]  }
0xe5: {  	v60 =	vld [tilespmem:s0+$0x9570];
	[tilespmem:s0+$0x1540] =	vst v3;
	v3 =	vadd.f32 v57, v56  }
0xe6: {  	v54 =	vadd.f32 v42, v41;
	[tilespmem:s0+$0x1550] =	vst v4;
	v45 =	vld [tilespmem:s0+$0x1950]  }
0xe7: {  	v53 =	vld [tilespmem:s0+$0x9940];
	[tilespmem:s0+$0x1560] =	vst v3;
	v3 =	vadd.f32 v63, v62  }
0xe8: {  	[tilespmem:s0+$0x1930] =	vst v54;
	v55 =	vadd.f32 v49, v47;
	v50 =	vld [tilespmem:s0+$0x1970]  }
0xe9: {  	v44 =	vld [tilespmem:s0+$0x1940];
	[tilespmem:s0+$0x1900] =	vst v3;
	v3 =	vadd.f32 v39, v38  }
0xea: {  	v48 =	vadd.f32 v60, v59;
	[tilespmem:s0+$0x1960] =	vst v55  }
0xeb: {  	[tilespmem:s0+$0x1920] =	vst v3;
	v3 =	vadd.f32 v46, v45  }
0xec: {  	s13 =	sand.u32 $0x7, s29;
	[tilespmem:s0+$0x1570] =	vst v48;
	v51 =	vadd.f32 v36, v35  }
0xed: {  	s1 =	sshll.u32 s13, $0x7;
	[tilespmem:s0+$0x1950] =	vst v3;
	v3 =	vadd.f32 v52, v50  }
0xee: {  	s1 =	sadd.s32 s1, s30;
	[tilespmem:s0+$0x1910] =	vst v51;
	v56 =	vadd.f32 v53, v44  }
0xef: {  	s13 =	sor.u32 $0x1C00, s1;
	[tilespmem:s0+$0x1970] =	vst v3  }
0xf0: {  	[tilespmem:s0+$0x1940] =	vst v56;
	v3 =	vld [tilespmem:s13+$0x100]  }
0xf1: {  	v4 =	vld [tilespmem:s13+$0x8100];
	_ =	sdelay $0x4  }
0xf2: {  	v3 =	vadd.f32 v4, v3;
	_ =	sdelay $0x1  }
0xf3: {  	[tilespmem:s13+$0x100] =	vst v3;
	s13 =	sor.u32 $0x1C10, s1  }
0xf4: {  	v3 =	vld [tilespmem:s13+$0x100]  }
0xf5: {  	v57 =	vld [tilespmem:s13+$0x8100];
	_ =	sdelay $0x4  }
0xf6: {  	v3 =	vadd.f32 v57, v3;
	_ =	sdelay $0x1  }
0xf7: {  	[tilespmem:s13+$0x100] =	vst v3;
	s13 =	sor.u32 $0x1C20, s1  }
0xf8: {  	v3 =	vld [tilespmem:s13+$0x100]  }
0xf9: {  	v58 =	vld [tilespmem:s13+$0x8100];
	_ =	sdelay $0x4  }
0xfa: {  	v3 =	vadd.f32 v58, v3;
	_ =	sdelay $0x1  }
0xfb: {  	[tilespmem:s13+$0x100] =	vst v3;
	s13 =	sor.u32 $0x1C30, s1  }
0xfc: {  	v3 =	vld [tilespmem:s13+$0x100]  }
0xfd: {  	v59 =	vld [tilespmem:s13+$0x8100];
	_ =	sdelay $0x4  }
0xfe: {  	v3 =	vadd.f32 v59, v3;
	_ =	sdelay $0x1  }
0xff: {  	[tilespmem:s13+$0x100] =	vst v3;
	s13 =	sor.u32 $0x1C40, s1  }
0x100: {  	v3 =	vld [tilespmem:s13+$0x100]  }
0x101: {  	v60 =	vld [tilespmem:s13+$0x8100];
	_ =	sdelay $0x4  }
0x102: {  	v3 =	vadd.f32 v60, v3;
	_ =	sdelay $0x1  }
0x103: {  	[tilespmem:s13+$0x100] =	vst v3;
	s13 =	sor.u32 $0x1C50, s1  }
0x104: {  	v3 =	vld [tilespmem:s13+$0x100]  }
0x105: {  	v61 =	vld [tilespmem:s13+$0x8100];
	_ =	sdelay $0x4  }
0x106: {  	v3 =	vadd.f32 v61, v3;
	_ =	sdelay $0x1  }
0x107: {  	[tilespmem:s13+$0x100] =	vst v3;
	s13 =	sor.u32 $0x1C60, s1  }
0x108: {  	v3 =	vld [tilespmem:s13+$0x100]  }
0x109: {  	v62 =	vld [tilespmem:s13+$0x8100];
	_ =	sdelay $0x4  }
0x10a: {  	v3 =	vadd.f32 v62, v3;
	_ =	sdelay $0x1  }
0x10b: {  	[tilespmem:s13+$0x100] =	vst v3;
	s13 =	sor.u32 $0x1C70, s1  }
0x10c: {  	v3 =	vld [tilespmem:s13+$0x100]  }
0x10d: {  	v63 =	vld [tilespmem:s13+$0x8100];
	_ =	sdelay $0x1  }
0x10e: {  	p0 =	sne.s32 s31, $0xF80  }
.Ltmp0:
0x10f: {  	_ = 	snop;
	(pc) =	sbr.rel @p0 .LBB2_2-.Ltmp0, $4  }
0x110: {  	_ = 	snop  }
0x111: {  	v3 =	vadd.f32 v63, v3  }
0x112: {  	s29 =	sadd.s32 $0x1, s29  }
0x113: {  	s28 =	sadd.s32 $0x400, s28;
	s31 =	sadd.s32 $0x80, s31;
	s30 =	sadd.s32 $0x400, s30;
	[tilespmem:s13+$0x100] =	vst v3  }
0x114: {  	s28 =	simm.s32 $0x0  }
0x115: {  	[hbm4b:s7+s28] =	stream.linear.scatter [tilespmem:s14], [sflag:$0x3], $0x8000, $0x38;
	[tilespmem:$0x10100] =	vst v63  }
0x116: {  	_ =	swait.ge [sflag:s25], $0x8000  }
0x117: {  	[sflag:s25] =	ssyncset.done $0x0  }
0x118: {  	[sflag:s25] =	ssyncadd.s32 $0xFFFF8000  }
0x119: {  	v3 =	vld [tilespmem:$0x20];
	_ =	sdelay $0x4  }
0x11a: {  	v4 =	vshll.u32 v3, $0x3  }
0x11b: {  	v3 =	vand.u32 $0x7, v3;
	v4 =	vand.u32 $0xFFFFFFC0, v4  }
0x11c: {  	v3 =	vor.u32 v3, v4  }
0x11d: {  	v4 =	vperm.xlane v3, v0;
	_ =	sdelay $0x1  }
0x11e: {  	v4 =	vadd.s32 v1, v4;
	_ =	sdelay $0x4  }
0x11f: {  	[tilespmem:s14], [sflag:$0x1] =	stream.indirect_vreg.gather [hbm4b:s3+s28], $0x80, v4, vm0, $0xb8;
	[tilespmem:$0x10100] =	vst v63  }
0x120: {  	s0 =	simm.s32 $0x900;
	v3 =	vperm.xlane v3, v2  }
0x121: {  	[tilespmem:s0], [sflag:$0x1] =	stream.indirect_vreg.gather [hbm4b:s6+s28], $0x80, v4, vm0, $0xb8;
	[tilespmem:$0x10100] =	vst v63  }
0x122: {  	s1 =	simm.s32 $0x1100;
	v3 =	vadd.s32 v1, v3  }
0x123: {  	[tilespmem:s1], [sflag:$0x1] =	stream.indirect_vreg.gather [hbm4b:s8+s28], $0x80, v4, vm0, $0xb8;
	[tilespmem:$0x10100] =	vst v63  }
0x124: {  	s13 =	simm.s32 $0x1900  }
0x125: {  	[tilespmem:s13], [sflag:$0x1] =	stream.indirect_vreg.gather [hbm4b:s9+s28], $0x80, v4, vm0, $0xb8;
	[tilespmem:$0x10100] =	vst v63  }
0x126: {  	s1 =	simm.s32 $0x2100  }
0x127: {  	[tilespmem:s1], [sflag:$0x1] =	stream.indirect_vreg.gather [hbm4b:s3+s28], $0x80, v3, vm0, $0xb8;
	[tilespmem:$0x10100] =	vst v63  }
0x128: {  	s13 =	simm.s32 $0x2900  }
0x129: {  	[tilespmem:s13], [sflag:$0x1] =	stream.indirect_vreg.gather [hbm4b:s6+s28], $0x80, v3, vm0, $0xb8;
	[tilespmem:$0x10100] =	vst v63  }
0x12a: {  	s1 =	simm.s32 $0x3100  }
0x12b: {  	[tilespmem:s1], [sflag:$0x1] =	stream.indirect_vreg.gather [hbm4b:s8+s28], $0x80, v3, vm0, $0xb8;
	[tilespmem:$0x10100] =	vst v63  }
0x12c: {  	s13 =	simm.s32 $0x3900  }
0x12d: {  	[tilespmem:s13], [sflag:$0x1] =	stream.indirect_vreg.gather [hbm4b:s9+s28], $0x80, v3, vm0, $0xb8;
	[tilespmem:$0x10100] =	vst v63  }
0x12e: {  	v3 =	vld [tilespmem:$0x30];
	_ =	sdelay $0x4  }
0x12f: {  	v61 =	vshll.u32 v3, $0x3  }
0x130: {  	v3 =	vand.u32 $0x7, v3;
	v4 =	vand.u32 $0xFFFFFFC0, v61  }
0x131: {  	v3 =	vor.u32 v3, v4  }
0x132: {  	v4 =	vperm.xlane v3, v0;
	_ =	sdelay $0x1  }
0x133: {  	v4 =	vadd.s32 v1, v4;
	_ =	sdelay $0x3  }
0x134: {  	s1 =	simm.s32 $0x4100  }
0x135: {  	[tilespmem:s1], [sflag:$0x1] =	stream.indirect_vreg.gather [hbm4b:s3+s28], $0x80, v4, vm0, $0xb8;
	[tilespmem:$0x10100] =	vst v63  }
0x136: {  	s13 =	simm.s32 $0x4900;
	v3 =	vperm.xlane v3, v2  }
0x137: {  	[tilespmem:s13], [sflag:$0x1] =	stream.indirect_vreg.gather [hbm4b:s6+s28], $0x80, v4, vm0, $0xb8;
	[tilespmem:$0x10100] =	vst v63  }
0x138: {  	v3 =	vadd.s32 v1, v3;
	s1 =	simm.s32 $0x5100  }
0x139: {  	[tilespmem:s1], [sflag:$0x1] =	stream.indirect_vreg.gather [hbm4b:s8+s28], $0x80, v4, vm0, $0xb8;
	[tilespmem:$0x10100] =	vst v63  }
0x13a: {  	s13 =	simm.s32 $0x5900  }
0x13b: {  	[tilespmem:s13], [sflag:$0x1] =	stream.indirect_vreg.gather [hbm4b:s9+s28], $0x80, v4, vm0, $0xb8;
	[tilespmem:$0x10100] =	vst v63  }
0x13c: {  	s1 =	simm.s32 $0x6100  }
0x13d: {  	[tilespmem:s1], [sflag:$0x1] =	stream.indirect_vreg.gather [hbm4b:s3+s28], $0x80, v3, vm0, $0xb8;
	[tilespmem:$0x10100] =	vst v63  }
0x13e: {  	s13 =	simm.s32 $0x6900  }
0x13f: {  	[tilespmem:s13], [sflag:$0x1] =	stream.indirect_vreg.gather [hbm4b:s6+s28], $0x80, v3, vm0, $0xb8;
	[tilespmem:$0x10100] =	vst v63  }
0x140: {  	s1 =	simm.s32 $0x7100  }
0x141: {  	[tilespmem:s1], [sflag:$0x1] =	stream.indirect_vreg.gather [hbm4b:s8+s28], $0x80, v3, vm0, $0xb8;
	[tilespmem:$0x10100] =	vst v63  }
0x142: {  	s13 =	simm.s32 $0x7900  }
0x143: {  	[tilespmem:s13], [sflag:$0x1] =	stream.indirect_vreg.gather [hbm4b:s9+s28], $0x80, v3, vm0, $0xb8;
	[tilespmem:$0x10100] =	vst v63  }
0x144: {  	v3 =	vld [tilespmem:$0xA0];
	_ =	sdelay $0x4  }
0x145: {  	v62 =	vshll.u32 v3, $0x3  }
0x146: {  	v3 =	vand.u32 $0x7, v3;
	v4 =	vand.u32 $0xFFFFFFC0, v62  }
0x147: {  	v3 =	vor.u32 v3, v4  }
0x148: {  	v4 =	vperm.xlane v3, v0;
	_ =	sdelay $0x1  }
0x149: {  	v4 =	vadd.s32 v1, v4;
	_ =	sdelay $0x3  }
0x14a: {  	s1 =	simm.s32 $0x8100  }
0x14b: {  	[tilespmem:s1], [sflag:$0x2] =	stream.indirect_vreg.gather [hbm4b:s3+s28], $0x80, v4, vm0, $0xb8;
	[tilespmem:$0x10100] =	vst v63  }
0x14c: {  	s13 =	simm.s32 $0x8900;
	v3 =	vperm.xlane v3, v2  }
0x14d: {  	[tilespmem:s13], [sflag:$0x2] =	stream.indirect_vreg.gather [hbm4b:s6+s28], $0x80, v4, vm0, $0xb8;
	[tilespmem:$0x10100] =	vst v63  }
0x14e: {  	v3 =	vadd.s32 v1, v3;
	s1 =	simm.s32 $0x9100  }
0x14f: {  	[tilespmem:s1], [sflag:$0x2] =	stream.indirect_vreg.gather [hbm4b:s8+s28], $0x80, v4, vm0, $0xb8;
	[tilespmem:$0x10100] =	vst v63  }
0x150: {  	s13 =	simm.s32 $0x9900  }
0x151: {  	[tilespmem:s13], [sflag:$0x2] =	stream.indirect_vreg.gather [hbm4b:s9+s28], $0x80, v4, vm0, $0xb8;
	[tilespmem:$0x10100] =	vst v63  }
0x152: {  	_ = 	snop  }
0x153: {  	[tilespmem:s15], [sflag:$0x2] =	stream.indirect_vreg.gather [hbm4b:s3+s28], $0x80, v3, vm0, $0xb8;
	[tilespmem:$0x10100] =	vst v63  }
0x154: {  	_ = 	snop  }
0x155: {  	[tilespmem:s4], [sflag:$0x2] =	stream.indirect_vreg.gather [hbm4b:s6+s28], $0x80, v3, vm0, $0xb8;
	[tilespmem:$0x10100] =	vst v63  }
0x156: {  	_ = 	snop  }
0x157: {  	[tilespmem:s16], [sflag:$0x2] =	stream.indirect_vreg.gather [hbm4b:s8+s28], $0x80, v3, vm0, $0xb8;
	[tilespmem:$0x10100] =	vst v63  }
0x158: {  	_ = 	snop  }
0x159: {  	[tilespmem:s17], [sflag:$0x2] =	stream.indirect_vreg.gather [hbm4b:s9+s28], $0x80, v3, vm0, $0xb8;
	[tilespmem:$0x10100] =	vst v63  }
0x15a: {  	v3 =	vld [tilespmem:$0xB0];
	_ =	sdelay $0x4  }
0x15b: {  	v63 =	vshll.u32 v3, $0x3  }
0x15c: {  	v3 =	vand.u32 $0x7, v3;
	v4 =	vand.u32 $0xFFFFFFC0, v63  }
0x15d: {  	v3 =	vor.u32 v3, v4  }
0x15e: {  	v4 =	vperm.xlane v3, v0;
	_ =	sdelay $0x1  }
0x15f: {  	v4 =	vadd.s32 v1, v4;
	_ =	sdelay $0x4  }
0x160: {  	[tilespmem:s5], [sflag:$0x2] =	stream.indirect_vreg.gather [hbm4b:s3+s28], $0x80, v4, vm0, $0xb8;
	[tilespmem:$0x10100] =	vst v63  }
0x161: {  	v3 =	vperm.xlane v3, v2  }
0x162: {  	[tilespmem:s18], [sflag:$0x2] =	stream.indirect_vreg.gather [hbm4b:s6+s28], $0x80, v4, vm0, $0xb8;
	[tilespmem:$0x10100] =	vst v63  }
0x163: {  	v3 =	vadd.s32 v1, v3  }
0x164: {  	[tilespmem:s19], [sflag:$0x2] =	stream.indirect_vreg.gather [hbm4b:s8+s28], $0x80, v4, vm0, $0xb8;
	[tilespmem:$0x10100] =	vst v63  }
0x165: {  	_ = 	snop  }
0x166: {  	[tilespmem:s20], [sflag:$0x2] =	stream.indirect_vreg.gather [hbm4b:s9+s28], $0x80, v4, vm0, $0xb8;
	[tilespmem:$0x10100] =	vst v63  }
0x167: {  	_ = 	snop  }
0x168: {  	[tilespmem:s21], [sflag:$0x2] =	stream.indirect_vreg.gather [hbm4b:s3+s28], $0x80, v3, vm0, $0xb8;
	[tilespmem:$0x10100] =	vst v63  }
0x169: {  	_ = 	snop  }
0x16a: {  	[tilespmem:s22], [sflag:$0x2] =	stream.indirect_vreg.gather [hbm4b:s6+s28], $0x80, v3, vm0, $0xb8;
	[tilespmem:$0x10100] =	vst v63  }
0x16b: {  	_ = 	snop  }
0x16c: {  	[tilespmem:s10], [sflag:$0x2] =	stream.indirect_vreg.gather [hbm4b:s8+s28], $0x80, v3, vm0, $0xb8;
	[tilespmem:$0x10100] =	vst v63  }
0x16d: {  	_ = 	snop  }
0x16e: {  	[tilespmem:s23], [sflag:$0x2] =	stream.indirect_vreg.gather [hbm4b:s9+s28], $0x80, v3, vm0, $0xb8;
	[tilespmem:$0x10100] =	vst v63  }
0x16f: {  	_ =	swait.ge [sflag:s11], $0x8000  }
0x170: {  	[sflag:s11] =	ssyncset.done $0x0  }
0x171: {  	[sflag:s11] =	ssyncadd.s32 $0xFFFF8000  }
0x172: {  	_ =	swait.ge [sflag:s24], $0x8000  }
0x173: {  	s29 =	simm.s32 $0xFFFF8000;
	[sflag:s24] =	ssyncset.done $0x0  }
0x174: {  	s30 =	simm.s32 $0x0;
	s31 =	simm.s32 $0x0;
	[sflag:s24] =	ssyncadd.s32 $0xFFFF8000  }
.LBB2_4:
0x175: {  	s0 =	sadd.s32 $0x8000, s29  }
0x176: {  	s1 =	sand.u32 $0x380, s31;
	s0 =	sand.u32 $0x6000, s0  }
0x177: {  	s0 =	sor.u32 s1, s0  }
0x178: {  	v3 =	vld [tilespmem:s0+$0x100]  }
0x179: {  	v4 =	vld [tilespmem:s0+$0x8100]  }
0x17a: {  	v5 =	vld [tilespmem:s0+$0x110]  }
0x17b: {  	v6 =	vld [tilespmem:s0+$0x8110]  }
0x17c: {  	v7 =	vld [tilespmem:s0+$0x120]  }
0x17d: {  	v8 =	vld [tilespmem:s0+$0x8120]  }
0x17e: {  	v9 =	vld [tilespmem:s0+$0x130]  }
0x17f: {  	v10 =	vld [tilespmem:s0+$0x8130]  }
0x180: {  	v11 =	vld [tilespmem:s0+$0x140]  }
0x181: {  	v12 =	vld [tilespmem:s0+$0x8140]  }
0x182: {  	v13 =	vld [tilespmem:s0+$0x150]  }
0x183: {  	v14 =	vld [tilespmem:s0+$0x8150]  }
0x184: {  	v15 =	vld [tilespmem:s0+$0x160]  }
0x185: {  	v16 =	vld [tilespmem:s0+$0x8160]  }
0x186: {  	v17 =	vld [tilespmem:s0+$0x170]  }
0x187: {  	v18 =	vld [tilespmem:s0+$0x8170]  }
0x188: {  	v19 =	vld [tilespmem:s0+$0x500]  }
0x189: {  	v20 =	vld [tilespmem:s0+$0x8500]  }
0x18a: {  	v21 =	vld [tilespmem:s0+$0x510]  }
0x18b: {  	v22 =	vld [tilespmem:s0+$0x8510]  }
0x18c: {  	v23 =	vld [tilespmem:s0+$0x520]  }
0x18d: {  	v24 =	vld [tilespmem:s0+$0x8520]  }
0x18e: {  	v25 =	vld [tilespmem:s0+$0x530]  }
0x18f: {  	v26 =	vld [tilespmem:s0+$0x8530]  }
0x190: {  	v27 =	vld [tilespmem:s0+$0x540]  }
0x191: {  	v28 =	vld [tilespmem:s0+$0x8540]  }
0x192: {  	v29 =	vld [tilespmem:s0+$0x550]  }
0x193: {  	v30 =	vld [tilespmem:s0+$0x8550]  }
0x194: {  	v31 =	vld [tilespmem:s0+$0x560]  }
0x195: {  	v32 =	vld [tilespmem:s0+$0x8560]  }
0x196: {  	v33 =	vld [tilespmem:s0+$0x570]  }
0x197: {  	v34 =	vld [tilespmem:s0+$0x8570]  }
0x198: {  	v35 =	vld [tilespmem:s0+$0x900]  }
0x199: {  	v36 =	vld [tilespmem:s0+$0x8900]  }
0x19a: {  	v37 =	vld [tilespmem:s0+$0x910]  }
0x19b: {  	v38 =	vld [tilespmem:s0+$0x8910]  }
0x19c: {  	v39 =	vld [tilespmem:s0+$0x920]  }
0x19d: {  	v40 =	vld [tilespmem:s0+$0x8920]  }
0x19e: {  	v41 =	vld [tilespmem:s0+$0x930]  }
0x19f: {  	v42 =	vld [tilespmem:s0+$0x8930]  }
0x1a0: {  	v43 =	vld [tilespmem:s0+$0x940]  }
0x1a1: {  	v44 =	vld [tilespmem:s0+$0x8940]  }
0x1a2: {  	v45 =	vld [tilespmem:s0+$0x950]  }
0x1a3: {  	v46 =	vld [tilespmem:s0+$0x8950]  }
0x1a4: {  	v47 =	vld [tilespmem:s0+$0x960]  }
0x1a5: {  	v48 =	vld [tilespmem:s0+$0x8960]  }
0x1a6: {  	v49 =	vld [tilespmem:s0+$0x970]  }
0x1a7: {  	v50 =	vld [tilespmem:s0+$0x8970]  }
0x1a8: {  	v51 =	vld [tilespmem:s0+$0xD00]  }
0x1a9: {  	v52 =	vld [tilespmem:s0+$0x8D00]  }
0x1aa: {  	v53 =	vld [tilespmem:s0+$0xD10]  }
0x1ab: {  	v54 =	vld [tilespmem:s0+$0x8D10]  }
0x1ac: {  	v55 =	vld [tilespmem:s0+$0xD20]  }
0x1ad: {  	v56 =	vld [tilespmem:s0+$0x8D20]  }
0x1ae: {  	v57 =	vld [tilespmem:s0+$0xD30]  }
0x1af: {  	v58 =	vld [tilespmem:s0+$0x8D30]  }
0x1b0: {  	v59 =	vld [tilespmem:s0+$0xD40]  }
0x1b1: {  	v60 =	vld [tilespmem:s0+$0x8D40]  }
0x1b2: {  	v61 =	vld [tilespmem:s0+$0xD50]  }
0x1b3: {  	v62 =	vld [tilespmem:s0+$0x8D50]  }
0x1b4: {  	v63 =	vld [tilespmem:s0+$0xD60]  }
0x1b5: {  	v3 =	vadd.f32 v4, v3;
	v4 =	vld [tilespmem:s0+$0x8D60]  }
0x1b6: {  	v5 =	vadd.f32 v6, v5;
	v6 =	vld [tilespmem:s0+$0xD70]  }
0x1b7: {  	v14 =	vadd.f32 v14, v13;
	v13 =	vld [tilespmem:s0+$0x9120];
	[tilespmem:s0+$0x100] =	vst v3;
	v3 =	vadd.f32 v8, v7  }
0x1b8: {  	v18 =	vadd.f32 v18, v17;
	v17 =	vld [tilespmem:s0+$0x9140];
	[tilespmem:s0+$0x110] =	vst v5  }
0x1b9: {  	v22 =	vadd.f32 v22, v21;
	v21 =	vld [tilespmem:s0+$0x9160];
	[tilespmem:s0+$0x120] =	vst v3;
	v3 =	vadd.f32 v12, v11  }
0x1ba: {  	v7 =	vld [tilespmem:s0+$0x8D70];
	[tilespmem:s0+$0x150] =	vst v14  }
0x1bb: {  	v8 =	vld [tilespmem:s0+$0x1100];
	[tilespmem:s0+$0x140] =	vst v3;
	v3 =	vadd.f32 v16, v15  }
0x1bc: {  	v5 =	vadd.f32 v10, v9;
	v9 =	vld [tilespmem:s0+$0x9100];
	[tilespmem:s0+$0x170] =	vst v18  }
0x1bd: {  	v10 =	vld [tilespmem:s0+$0x1110];
	[tilespmem:s0+$0x160] =	vst v3;
	v3 =	vadd.f32 v20, v19  }
0x1be: {  	v26 =	vadd.f32 v26, v25;
	v14 =	vld [tilespmem:s0+$0x1130];
	[tilespmem:s0+$0x510] =	vst v22  }
0x1bf: {  	v18 =	vld [tilespmem:s0+$0x1150];
	[tilespmem:s0+$0x500] =	vst v3;
	v3 =	vadd.f32 v24, v23  }
0x1c0: {  	v30 =	vadd.f32 v30, v29;
	[tilespmem:s0+$0x530] =	vst v26;
	v22 =	vld [tilespmem:s0+$0x1170]  }
0x1c1: {  	v19 =	vld [tilespmem:s0+$0x9150];
	[tilespmem:s0+$0x520] =	vst v3;
	v3 =	vadd.f32 v28, v27  }
0x1c2: {  	v34 =	vadd.f32 v34, v33;
	[tilespmem:s0+$0x550] =	vst v30;
	v11 =	vld [tilespmem:s0+$0x9110]  }
0x1c3: {  	v12 =	vld [tilespmem:s0+$0x1120];
	[tilespmem:s0+$0x540] =	vst v3;
	v3 =	vadd.f32 v32, v31  }
0x1c4: {  	[tilespmem:s0+$0x570] =	vst v34;
	v15 =	vld [tilespmem:s0+$0x9130]  }
0x1c5: {  	v16 =	vld [tilespmem:s0+$0x1140];
	[tilespmem:s0+$0x560] =	vst v3;
	v3 =	vadd.f32 v36, v35  }
0x1c6: {  	[tilespmem:s0+$0x130] =	vst v5;
	v20 =	vld [tilespmem:s0+$0x1160];
	v19 =	vadd.f32 v19, v18  }
0x1c7: {  	v24 =	vld [tilespmem:s0+$0x1500];
	[tilespmem:s0+$0x900] =	vst v3;
	v3 =	vadd.f32 v40, v39  }
0x1c8: {  	[tilespmem:s0+$0x1150] =	vst v19;
	v36 =	vadd.f32 v38, v37;
	v37 =	vld [tilespmem:s0+$0x9170]  }
0x1c9: {  	v38 =	vadd.f32 v42, v41;
	v41 =	vld [tilespmem:s0+$0x1510];
	[tilespmem:s0+$0x920] =	vst v3;
	v3 =	vadd.f32 v44, v43  }
0x1ca: {  	v42 =	vld [tilespmem:s0+$0x9510];
	[tilespmem:s0+$0x910] =	vst v36  }
0x1cb: {  	v35 =	vld [tilespmem:s0+$0x1910];
	[tilespmem:s0+$0x940] =	vst v3;
	v3 =	vadd.f32 v48, v47  }
0x1cc: {  	v39 =	vld [tilespmem:s0+$0x9500];
	[tilespmem:s0+$0x930] =	vst v38;
	v40 =	vadd.f32 v46, v45  }
0x1cd: {  	v45 =	vld [tilespmem:s0+$0x9520];
	[tilespmem:s0+$0x960] =	vst v3;
	v3 =	vadd.f32 v52, v51  }
0x1ce: {  	v46 =	vadd.f32 v54, v53;
	v53 =	vld [tilespmem:s0+$0x1550];
	[tilespmem:s0+$0x950] =	vst v40  }
0x1cf: {  	v54 =	vld [tilespmem:s0+$0x9550];
	[tilespmem:s0+$0xD00] =	vst v3;
	v3 =	vadd.f32 v56, v55  }
0x1d0: {  	v36 =	vld [tilespmem:s0+$0x9910];
	v43 =	vadd.f32 v50, v49;
	[tilespmem:s0+$0xD10] =	vst v46  }
0x1d1: {  	v38 =	vld [tilespmem:s0+$0x1920];
	[tilespmem:s0+$0xD20] =	vst v3;
	v3 =	vadd.f32 v60, v59  }
0x1d2: {  	v44 =	vld [tilespmem:s0+$0x1520];
	v49 =	vadd.f32 v58, v57;
	[tilespmem:s0+$0x970] =	vst v43  }
0x1d3: {  	v50 =	vld [tilespmem:s0+$0x1540];
	[tilespmem:s0+$0xD40] =	vst v3;
	v3 =	vadd.f32 v4, v63  }
0x1d4: {  	v57 =	vld [tilespmem:s0+$0x9560];
	v58 =	vadd.f32 v11, v10;
	[tilespmem:s0+$0xD30] =	vst v49  }
0x1d5: {  	v46 =	vld [tilespmem:s0+$0x9950];
	[tilespmem:s0+$0xD60] =	vst v3;
	v3 =	vadd.f32 v9, v8  }
0x1d6: {  	v37 =	vadd.f32 v37, v22;
	v40 =	vadd.f32 v42, v41;
	v41 =	vld [tilespmem:s0+$0x1930];
	[tilespmem:s0+$0x1110] =	vst v58  }
0x1d7: {  	v42 =	vld [tilespmem:s0+$0x9930];
	[tilespmem:s0+$0x1100] =	vst v3;
	v3 =	vadd.f32 v13, v12  }
0x1d8: {  	v47 =	vld [tilespmem:s0+$0x1530];
	[tilespmem:s0+$0x1170] =	vst v37  }
0x1d9: {  	v48 =	vld [tilespmem:s0+$0x9530];
	[tilespmem:s0+$0x1120] =	vst v3;
	v3 =	vadd.f32 v17, v16  }
0x1da: {  	v49 =	vld [tilespmem:s0+$0x9960];
	[tilespmem:s0+$0x1510] =	vst v40;
	v52 =	vadd.f32 v62, v61  }
0x1db: {  	v51 =	vld [tilespmem:s0+$0x9540];
	[tilespmem:s0+$0x1140] =	vst v3;
	v3 =	vadd.f32 v21, v20  }
0x1dc: {  	v61 =	vadd.f32 v15, v14;
	v62 =	vld [tilespmem:s0+$0x1900];
	[tilespmem:s0+$0xD50] =	vst v52  }
0x1dd: {  	v56 =	vld [tilespmem:s0+$0x1560];
	[tilespmem:s0+$0x1160] =	vst v3;
	v3 =	vadd.f32 v39, v24  }
0x1de: {  	v55 =	vadd.f32 v7, v6;
	[tilespmem:s0+$0x1130] =	vst v61;
	v52 =	vld [tilespmem:s0+$0x9970]  }
0x1df: {  	v43 =	vadd.f32 v48, v47;
	v47 =	vld [tilespmem:s0+$0x1960];
	[tilespmem:s0+$0x1500] =	vst v3;
	v3 =	vadd.f32 v45, v44  }
0x1e0: {  	[tilespmem:s0+$0xD70] =	vst v55;
	v63 =	vld [tilespmem:s0+$0x9900]  }
0x1e1: {  	v59 =	vld [tilespmem:s0+$0x1570];
	[tilespmem:s0+$0x1520] =	vst v3;
	v3 =	vadd.f32 v51, v50  }
0x1e2: {  	[tilespmem:s0+$0x1530] =	vst v43;
	v4 =	vadd.f32 v54, v53;
	v39 =	vld [tilespmem:s0+$0x9920]  }
0x1e3: {  	v60 =	vld [tilespmem:s0+$0x9570];
	[tilespmem:s0+$0x1540] =	vst v3;
	v3 =	vadd.f32 v57, v56  }
0x1e4: {  	v54 =	vadd.f32 v42, v41;
	[tilespmem:s0+$0x1550] =	vst v4;
	v45 =	vld [tilespmem:s0+$0x1950]  }
0x1e5: {  	v53 =	vld [tilespmem:s0+$0x9940];
	[tilespmem:s0+$0x1560] =	vst v3;
	v3 =	vadd.f32 v63, v62  }
0x1e6: {  	[tilespmem:s0+$0x1930] =	vst v54;
	v55 =	vadd.f32 v49, v47;
	v50 =	vld [tilespmem:s0+$0x1970]  }
0x1e7: {  	v44 =	vld [tilespmem:s0+$0x1940];
	[tilespmem:s0+$0x1900] =	vst v3;
	v3 =	vadd.f32 v39, v38  }
0x1e8: {  	v48 =	vadd.f32 v60, v59;
	[tilespmem:s0+$0x1960] =	vst v55  }
0x1e9: {  	[tilespmem:s0+$0x1920] =	vst v3;
	v3 =	vadd.f32 v46, v45  }
0x1ea: {  	s13 =	sand.u32 $0x7, s28;
	[tilespmem:s0+$0x1570] =	vst v48;
	v51 =	vadd.f32 v36, v35  }
0x1eb: {  	s1 =	sshll.u32 s13, $0x7;
	[tilespmem:s0+$0x1950] =	vst v3;
	v3 =	vadd.f32 v52, v50  }
0x1ec: {  	s1 =	sadd.s32 s1, s30;
	[tilespmem:s0+$0x1910] =	vst v51;
	v56 =	vadd.f32 v53, v44  }
0x1ed: {  	s13 =	sor.u32 $0x1C00, s1;
	[tilespmem:s0+$0x1970] =	vst v3  }
0x1ee: {  	[tilespmem:s0+$0x1940] =	vst v56;
	v3 =	vld [tilespmem:s13+$0x100]  }
0x1ef: {  	v4 =	vld [tilespmem:s13+$0x8100];
	_ =	sdelay $0x4  }
0x1f0: {  	v3 =	vadd.f32 v4, v3;
	_ =	sdelay $0x1  }
0x1f1: {  	[tilespmem:s13+$0x100] =	vst v3;
	s13 =	sor.u32 $0x1C10, s1  }
0x1f2: {  	v3 =	vld [tilespmem:s13+$0x100]  }
0x1f3: {  	v57 =	vld [tilespmem:s13+$0x8100];
	_ =	sdelay $0x4  }
0x1f4: {  	v3 =	vadd.f32 v57, v3;
	_ =	sdelay $0x1  }
0x1f5: {  	[tilespmem:s13+$0x100] =	vst v3;
	s13 =	sor.u32 $0x1C20, s1  }
0x1f6: {  	v3 =	vld [tilespmem:s13+$0x100]  }
0x1f7: {  	v58 =	vld [tilespmem:s13+$0x8100];
	_ =	sdelay $0x4  }
0x1f8: {  	v3 =	vadd.f32 v58, v3;
	_ =	sdelay $0x1  }
0x1f9: {  	[tilespmem:s13+$0x100] =	vst v3;
	s13 =	sor.u32 $0x1C30, s1  }
0x1fa: {  	v3 =	vld [tilespmem:s13+$0x100]  }
0x1fb: {  	v59 =	vld [tilespmem:s13+$0x8100];
	_ =	sdelay $0x4  }
0x1fc: {  	v3 =	vadd.f32 v59, v3;
	_ =	sdelay $0x1  }
0x1fd: {  	[tilespmem:s13+$0x100] =	vst v3;
	s13 =	sor.u32 $0x1C40, s1  }
0x1fe: {  	v3 =	vld [tilespmem:s13+$0x100]  }
0x1ff: {  	v60 =	vld [tilespmem:s13+$0x8100];
	_ =	sdelay $0x4  }
0x200: {  	v3 =	vadd.f32 v60, v3;
	_ =	sdelay $0x1  }
0x201: {  	[tilespmem:s13+$0x100] =	vst v3;
	s13 =	sor.u32 $0x1C50, s1  }
0x202: {  	v3 =	vld [tilespmem:s13+$0x100]  }
0x203: {  	v61 =	vld [tilespmem:s13+$0x8100];
	_ =	sdelay $0x4  }
0x204: {  	v3 =	vadd.f32 v61, v3;
	_ =	sdelay $0x1  }
0x205: {  	[tilespmem:s13+$0x100] =	vst v3;
	s13 =	sor.u32 $0x1C60, s1  }
0x206: {  	v3 =	vld [tilespmem:s13+$0x100]  }
0x207: {  	v62 =	vld [tilespmem:s13+$0x8100];
	_ =	sdelay $0x4  }
0x208: {  	v3 =	vadd.f32 v62, v3;
	_ =	sdelay $0x1  }
0x209: {  	[tilespmem:s13+$0x100] =	vst v3;
	s13 =	sor.u32 $0x1C70, s1  }
0x20a: {  	v3 =	vld [tilespmem:s13+$0x100]  }
0x20b: {  	v63 =	vld [tilespmem:s13+$0x8100];
	_ =	sdelay $0x1  }
0x20c: {  	p0 =	sne.s32 s31, $0xF80  }
.Ltmp1:
0x20d: {  	_ = 	snop;
	(pc) =	sbr.rel @p0 .LBB2_4-.Ltmp1, $4  }
0x20e: {  	_ = 	snop  }
0x20f: {  	v3 =	vadd.f32 v63, v3  }
0x210: {  	s28 =	sadd.s32 $0x1, s28  }
0x211: {  	s29 =	sadd.s32 $0x400, s29;
	s31 =	sadd.s32 $0x80, s31;
	s30 =	sadd.s32 $0x400, s30;
	[tilespmem:s13+$0x100] =	vst v3  }
0x212: {  	s0 =	rddreg [dreg:$0x5]  }
0x213: {  	[hbm4b:s0+s2] =	stream.linear.scatter [tilespmem:s14], [sflag:$0x3], $0x8000, $0x38;
	[tilespmem:$0x10100] =	vst v63  }
0x214: {  	_ =	swait.ge [sflag:s25], $0x8000  }
0x215: {  	s26 =	sadd.s32 $0x1, s26;
	s31 =	rddreg [dreg:$0x6]  }
0x216: {  	p0 =	sne.s32 s26, s31  }
.Ltmp2:
0x217: {  	_ = 	snop;
	(pc) =	sbr.rel @p0 .LBB2_1-.Ltmp2, $3  }
0x218: {  	_ =	sdelay $0x1  }
0x219: {  	[sflag:s25] =	ssyncset.done $0x0  }
0x21a: {  	[sflag:s25] =	ssyncadd.s32 $0xFFFF8000  }
0x21b: {  	_ =	sfence.sel $0x180000  }
0x21c: {  	[bflag:$0x0] =	sbarrier.arrive $0xFFFF  }
0x21d: {  	_ =	strace $0x90000053  }
0x21e: {  	s0 =	stileid.u32;
	[bflag:$0x2] =	sbarrier.arrive $0xFFFF  }
0x21f: {  	p0 =	sne.s32 s0, $0x0;
	s0 =	rddreg [dreg:$0x2]  }
0x220: {  	s0 =	sadd.s32 @!p0 $0x100000, s0  }
0x221: {  	[sflag:s0] =	ssyncadd.tile.s32 @!p0 $0x1;
	_ =	shalt  }
.Lfunc_end2:
_tile_overlayer_lowered:
.L_overlay_start_2:
0x222: {  	(tag) =	ssettag $0x2  }
0x223: {  	s0 =	rddreg [dreg:$0x0];
	s2 =	stileid.u32  }
0x224: {  	s1 =	rddreg [dreg:$0x1];
	p0 =	sne.s32 s2, $0x0  }
0x225: {  	s3 =	rddreg [dreg:$0x2];
	[bflag:$0x3] =	sbarrier.arrive $0xFFFF;
	s2 =	simm.s32 @!p0 $0x1C04  }
0x226: {  	[timem:s3], [sflag:s2] =	dma.local @!p0 [hbm:s0], s1  }
0x227: {  	s0 =	simm.s32 @!p0 $0x4  }
0x228: {  	_ =	swait.ge @!p0 [sflag:s0], s1  }
0x229: {  	s1 =	ssub.s32 @!p0 $0x0, s1;
	[sflag:s0] =	ssyncset.done @!p0 $0x0  }
0x22a: {  	[sflag:s0] =	ssyncadd.s32 @!p0 s1  }
0x22b: {  	[bflag:$0x3] =	sbarrier.arrive $0xFFFF  }
0x22c: {  	_ =	shalt  }

// kernel: sparse-core-data-format-call.1.cloned.1.call-start
scs
called_computation.1_lowered:
.L_overlay_start_0:
0x0: {  	s2 =	sld [smem:$0x3FD9]  }
0x1: {  	s3 =	sld [smem:$0x3FFE];
	_ =	sdelay $0x1  }
0x2: {  	s1 =	srdreg.scid  }
0x3: {  	s0 =	sand.u32 $0x1, s1  }
0x4: {  	s18 =	sshll.u32 s0, $0xA;
	s2 =	sadd.s32 s3, s2  }
0x5: {  	s2 =	sadd.s32 s2, s18  }
0x6: {  	[smem:$0x3FC4] =	sst s2  }
0x7: {  	_ = 	snop  }
0x8: {  	(tm) =	ssettm $0x1  }
0x9: {  	s19 =	sld [smem:$0x3FFB];
	_ =	sdelay $0x3  }
0xa: {  	_ =	strace s19  }
0xb: {  	s2 =	sld [smem:$0x3FFC];
	_ =	sdelay $0x3  }
0xc: {  	_ =	strace s2  }
0xd: {  	s2 =	sld [smem:$0x3FFD];
	_ =	sdelay $0x3  }
0xe: {  	_ =	strace s2  }
0xf: {  	_ =	strace $0x8FFFFFFF  }
0x10: {  	s20 =	sld [smem:$0x3FDB];
	_ =	sdelay $0x1  }
0x11: {  	s21 =	simm.s32 $_scs_section_size  }
0x12: {  	s4 =	simm.s32 $_size__tile_overlayer_lowered;
	s5 =	simm.s32 $_tile_overlayer_lowered  }
0x13: {  	s6 =	simm.s32 $0x1BFF;
	s22 =	sshll.u32 s5, $0x1;
	s3 =	sadd.s32 s21, s20  }
0x14: {  	s23 =	simm.s32 $0x0;
	s4 =	sshll.u32 s4, $0x1;
	s5 =	sadd.s32 s22, s3  }
0x15: {  	[timem:s23], [sflag:s6] =	dma.local [hbm:s5], s4  }
0x16: {  	_ =	swait.ge [sflag:s6], s4  }
0x17: {  	s4 =	ssub.s32 $0x0, s4;
	[sflag:s6] =	ssyncset.done $0x0  }
0x18: {  	[sflag:s6] =	ssyncadd.s32 s4;
	_ =	sdelay $0x1  }
0x19: {  	s24 =	simm.s32 $0x1B8B  }
0x1a: {  	_ =	swait.ge [sflag:s24], $0x1  }
0x1b: {  	[sflag:s24] =	ssyncset.done $0x0  }
0x1c: {  	[sflag:s24] =	ssyncadd.s32 $0xFFFFFFFF  }
0x1d: {  	s4 =	sld [smem:$0x0]  }
0x1e: {  	s5 =	sand.u32 $0xFFFFFFFE, s1  }
0x1f: {  	p0 =	sne.s32 s1, s5  }
0x20: {  	s5 =	sshll.u32 @p0 s5, $0xE  }
0x21: {  	s5 =	sadd.s32 @p0 $0x11B8D, s5;
	s6 =	sshll.u32 @p0 s4, $0x11  }
0x22: {  	s5 =	sor.u32 @p0 s6, s5  }
0x23: {  	[sflag:s5] =	ssyncadd.remote.s32 @p0 $0x1;
	_ =	sdelay $0x1  }
0x24: {  	s5 =	simm.s32 @p0 $0x1B8D  }
0x25: {  	_ =	swait.eq @p0 [sflag:s5], $0x1  }
0x26: {  	[sflag:s5] =	ssyncadd.s32 @p0 $0xFFFFFFFF  }
0x27: {  	s6 =	sshll.u32 @!p0 s1, $0xE  }
0x28: {  	s6 =	sor.u32 @!p0 $0x4000, s6;
	s5 =	simm.s32 @!p0 $0x1B8D  }
0x29: {  	s4 =	sshll.u32 @!p0 s4, $0x11;
	s6 =	sadd.s32 @!p0 $0x11B8D, s6;
	_ =	swait.eq @!p0 [sflag:s5], $0x1  }
0x2a: {  	s4 =	sor.u32 @!p0 s4, s6;
	[sflag:s5] =	ssyncadd.s32 @!p0 $0xFFFFFFFF  }
0x2b: {  	s26 =	simm.s32 $0x1B8E;
	s25 =	sld [smem:$0x3FFE];
	[sflag:s4] =	ssyncadd.remote.s32 @!p0 $0x1  }
0x2c: {  	s27 =	simm.s32 $execute0_lowered;
	[smem:$0x3FD2] =	sst s26  }
0x2d: {  	s5 =	sshll.u32 s27, $0x1;
	_ =	strace $0x80000049;
	[dreg:$0x1] =	wrdreg $0xFFFFFFFF  }
0x2e: {  	s28 =	simm.s32 $_size_execute0_lowered;
	s3 =	sadd.s32 s3, s5;
	[dreg:$0x0] =	wrdreg $0x0  }
0x2f: {  	s5 =	sshll.u32 s28, $0x1;
	[dreg:$0x2] =	wrdreg s3  }
0x30: {  	[dreg:$0x3] =	wrdreg s5  }
0x31: {  	[dreg:$0x4] =	wrdreg $0xC0  }
0x32: {  	_ =	task [dreg:s23], $0x5FFFF  }
0x33: {  	[dreg:$0x1] =	wrdreg $0xFFFFFFFF  }
0x34: {  	[dreg:$0x0] =	wrdreg $0x60  }
0x35: {  	[dreg:$0x2] =	wrdreg s25  }
0x36: {  	[dreg:$0x3] =	wrdreg $0xA  }
0x37: {  	_ =	task.clear_ibuf [dreg:s23], $0x4FFFF;
	_ =	strace $0x90000049  }
0x38: {  	s29 =	simm.s32 $0xA;
	_ =	strace $0x8000004B  }
0x39: {  	_ =	swait.ge [sflag:s29], $0x1  }
0x3a: {  	[sflag:s29] =	ssyncadd.s32 $0xFFFFFFFF  }
0x3b: {  	_ =	strace $0x9000004B  }
0x3c: {  	_ =	sfence  }
0x3d: {  	s30 =	sld [smem:$0x0];
	_ =	sdelay $0x2  }
0x3e: {  	s31 =	sshll.u32 s1, $0xD;
	s1 =	sshrl.u32 s1, $0x2  }
0x3f: {  	s4 =	sand.u32 $0x4000, s31;
	s1 =	sadd.s32 s1, s30  }
0x40: {  	s0 =	sor.u32 s4, s0;
	s1 =	sshll.u32 s1, $0x11  }
0x41: {  	s0 =	sor.u32 s1, s0  }
0x42: {  	s0 =	sadd.s32 $0x8F2B, s0  }
0x43: {  	[sflag:s0] =	ssyncadd.remote.s32 $0x1  }
0x44: {  	_ =	sfence.sel $0xFFFF  }
0x45: {  	[dreg:$0x0] =	wrdreg $0xFFFFFFFF;
	(pc) =	sbr.abs _section_cstart, $3  }
0x46: {  	[dreg:$0x1] =	wrdreg $0xFFFFFFFF  }
0x47: {  	_ =	task.clear_ibuf [dreg:s23], $0x2FFFF;
	_ =	strace $0x9FFFFFFF  }
0x48: {  	(tm) =	ssettm $0x7FFFFFFF  }
0x49: {  	_ =	shalt  }
tec
execute0_lowered:
.L_overlay_start_1:
0x0: {  	(tag) =	ssettag $0x1  }
0x1: {  	s0 =	srdreg.scid  }
0x2: {  	s5 =	rddreg [dreg:$0x0];
	s7 =	simm.s32 $0x1;
	s8 =	simm.s32 $0x2  }
0x3: {  	s14 =	simm.s32 $0x0;
	s9 =	simm.s32 $0x0;
	s1 =	sshll.u32 s0, $0x4  }
0x4: {  	s15 =	simm.s32 $0x0;
	s0 =	stileid.u32;
	s1 =	sand.u32 $0x10, s1  }
0x5: {  	s16 =	simm.s32 $0x0;
	s10 =	simm.s32 $0x0;
	s1 =	sor.u32 s0, s1  }
0x6: {  	s11 =	simm.s32 $0x0;
	s13 =	simm.s32 $0x0;
	s2 =	sshll.u32 s1, $0x3  }
0x7: {  	s3 =	sadd.s32 $0x10400, s5;
	s5 =	sadd.s32 $0x310600, s5;
	s6 =	ssub.s32 $0x1800, s2  }
.Ltmp0:
0x8: {  	s1 =	rddreg [dreg:$0x1];
	s4 =	sand.u32 $0xF8, s6;
	(pc) =	sbr.rel .LBB1_1-.Ltmp0, $4  }
0x9: {  	_ =	strace $0x8000004A;
	p0 =	sne.s32 s4, $0x0;
	s4 =	simm.s32 $0x1  }
0xa: {  	s6 =	sshrl.u32 s6, $0x8;
	s7 =	simm.s32 @!p0 $0x0;
	[sflag:s4] =	ssyncpa.u1 $0x0  }
0xb: {  	s12 =	smov.u32 s2;
	s7 =	sadd.s32 s7, s6;
	[sflag:s8] =	ssyncpa.u1 $0x0  }
0xc: {  	s8 =	simm.s32 $0x300000;
	s6 =	sshll.u32 s7, $0x1;
	s7 =	sshllo.u32 s7, $0x1  }
.LBB1_9:
0xd: {  	s17 =	sadd.s32 $0x200, s10  }
0xe: {  	s14 =	sadd.s32 $0x8, s11;
	s18 =	smov.u32 s11;
	p1 =	sgt.s32 s17, $0x3FF  }
0xf: {  	s18 =	smov.u32 @p1 s14  }
0x10: {  	s20 =	smov.u32 s12;
	s14 =	sadd.s32 $0x100, s12;
	p2 =	sgt.s32 s18, $0x7  }
0x11: {  	s20 =	smov.u32 @p2 s14  }
0x12: {  	s17 =	simm.s32 @p1 $0x0;
	p1 =	sgt.s32 s20, $0x17FF  }
0x13: {  	p0 =	slt.u32 s13, $0x2;
	s20 =	smov.u32 @p1 s2;
	p1 =	sne.s32 s13, s7  }
.Ltmp1:
0x14: {  	s19 =	simm.s32 @!p0 $0x2;
	(pc) =	sbr.rel @!p1 .LBB1_10-.Ltmp1, $4  }
0x15: {  	s15 =	smov.u32 s11;
	s16 =	smov.u32 s12;
	_ =	swait.ge @!p0 [sflag:s19], $0x4000  }
0x16: {  	s9 =	sadd.s32 $0x8000, s9;
	[sflag:s19] =	ssyncset.done @!p0 $0x0;
	s18 =	simm.s32 @p2 $0x0  }
0x17: {  	s14 =	smov.u32 s10;
	[sflag:s19] =	ssyncadd.s32 @!p0 $0xFFFFC000;
	s10 =	smov.u32 s17  }
0x18: {  	s11 =	smov.u32 s18;
	s13 =	sadd.s32 $0x1, s13;
	s12 =	smov.u32 s20  }
.LBB1_1:
0x19: {  	p0 =	sge.u32 s13, s6  }
0x1a: {  	s17 =	sshll.u32 @!p0 s11, $0x7;
	s18 =	sshll.u32 @!p0 s10, $0x1  }
0x1b: {  	s31 =	sadd.s32 $0xFFFFFFFF, s13;
	s17 =	sand.u32 @!p0 $0x300, s17;
	s18 =	sand.u32 @!p0 $0xF0, s18  }
0x1c: {  	s19 =	sshrl.u32 @!p0 s10, $0x1;
	s17 =	sor.u32 @!p0 s17, s18;
	s18 =	sshll.u32 @!p0 s12, $0x9  }
0x1d: {  	s20 =	sxor.u32 @!p0 $0xFFFFFFFF, s13;
	s19 =	sand.u32 @!p0 $0x1C0, s19;
	s18 =	sadd.s32 @!p0 s3, s18  }
0x1e: {  	s17 =	sshrl.u32 @!p0 s17, $0x4;
	s18 =	sadd.s32 @!p0 s19, s18;
	s19 =	sand.u32 @!p0 $0x7, s10  }
0x1f: {  	s17 =	sadd.s32 @!p0 s17, s18;
	s18 =	sshll.u32 @!p0 s20, $0xE;
	s19 =	sshll.u32 @!p0 s19, $0x12  }
0x20: {  	s20 =	simm.s32 @!p0 $0x1000;
	s18 =	sand.u32 @!p0 $0x4000, s18;
	s19 =	sor.u32 @!p0 $0x800, s19  }
0x21: {  	[tilespmem:s18], [sflag:$0x1] =	stream.strided.gather @!p0 [hbm4b:s17+s19], $0x4000, s20, s19, $0x38;
	[tilespmem:$0x10000] =	vst v63  }
0x22: {  	p0 =	sge.u32 s31, s6  }
.Ltmp2:
0x23: {  	_ = 	snop;
	(pc) =	sbr.rel @p0 .LBB1_9-.Ltmp2, $1  }
0x24: {  	_ =	sdelay $0x3  }
0x25: {  	s17 =	sshll.u32 s9, $0x1;
	_ =	swait.ge [sflag:s4], $0x4000  }
0x26: {  	s19 =	sshll.u32 s13, $0xE;
	s21 =	simm.s32 $0x0;
	p0 =	por $0x0, $0x0  }
0x27: {  	s17 =	sand.u32 $0x10000, s17;
	[sflag:s4] =	ssyncset.done $0x0;
	s19 =	sand.u32 $0x4000, s19  }
0x28: {  	s18 =	sshrl.u32 s17, $0x2;
	s20 =	sshrl.u32 s17, $0x2;
	[sflag:s4] =	ssyncadd.s32 $0xFFFFC000  }
0x29: {  	s17 =	sor.u32 $0x8000, s19;
	s19 =	sadd.s32 $0x8870, s20;
	s20 =	simm.s32 $0x0  }
.LBB1_3:
0x2a: {  	s22 =	simm.s32 $0x1  }
0x2b: {  	s23 =	sshll.u32 s20, $0x1;
	s22 =	simm.s32 @!p0 $0x0  }
0x2c: {  	s23 =	sand.u32 $0xFFFFFC00, s23;
	s22 =	sshll.u32 s22, $0x9  }
0x2d: {  	s22 =	sor.u32 s22, s23  }
0x2e: {  	p1 =	por $0x0, $0x0;
	s22 =	sshrl.u32 s22, $0x2  }
0x2f: {  	s24 =	simm.s32 $0x0;
	s23 =	simm.s32 $0x0;
	s22 =	sadd.s32 s22, s19  }
.LBB1_4:
0x30: {  	s25 =	simm.s32 $0x1  }
0x31: {  	s26 =	sshll.u32 s23, $0x2;
	s25 =	simm.s32 @!p1 $0x0  }
0x32: {  	s26 =	sand.u32 $0xFFFFFC00, s26;
	s25 =	sshll.u32 s25, $0x9  }
0x33: {  	s25 =	sor.u32 s25, s26  }
0x34: {  	s25 =	sshrl.u32 s25, $0x2  }
0x35: {  	s25 =	sadd.s32 s25, s18  }
0x36: {  	v1 =	vmov s25;
	_ =	sdelay $0x3  }
0x37: {  	s25 =	simm.s32 $0x0  }
0x38: {  	v2 =	vld.idx.msk [tilespmem:v1+s25+$0x70 ss:$0x1], $0xffff  }
0x39: {  	v3 =	vld.idx.msk [tilespmem:v1+s25+$0x870 ss:$0x1], $0xffff  }
0x3a: {  	v4 =	vld.idx.msk [tilespmem:v1+s25+$0x0 ss:$0x1], $0xffff  }
0x3b: {  	v5 =	vld.idx.msk [tilespmem:v1+s25+$0x800 ss:$0x1], $0xffff  }
0x3c: {  	v6 =	vld.idx.msk [tilespmem:v1+s25+$0x10 ss:$0x1], $0xffff  }
0x3d: {  	v7 =	vld.idx.msk [tilespmem:v1+s25+$0x810 ss:$0x1], $0xffff;
	_ =	sdelay $0x1  }
0x3e: {  	v0 =	vmov s22;
	v9 =	vld.idx.msk [tilespmem:v1+s25+$0x20 ss:$0x1], $0xffff;
	v8 =	vunpack.i.l.s16.s32 v2  }
0x3f: {  	v12 =	vld.idx.msk [tilespmem:v1+s25+$0x820 ss:$0x1], $0xffff;
	v10 =	vunpack.i.l.s16.s32 v3;
	v2 =	vunpack.i.u.s16.s32 v2;
	v3 =	vunpack.i.u.s16.s32 v3  }
0x40: {  	v13 =	vld.idx.msk [tilespmem:v1+s25+$0x30 ss:$0x1], $0xffff;
	v11 =	vunpack.i.u.s16.s32 v4;
	v14 =	vunpack.i.u.s16.s32 v5;
	v5 =	vunpack.i.l.s16.s32 v5  }
0x41: {  	v15 =	vld.idx.msk [tilespmem:v1+s25+$0x830 ss:$0x1], $0xffff;
	v16 =	vunpack.i.u.s16.s32 v6;
	v17 =	vunpack.i.l.s16.s32 v6;
	v18 =	vunpack.i.u.s16.s32 v7  }
0x42: {  	v7 =	vunpack.i.l.s16.s32 v7;
	v6 =	vld.idx.msk [tilespmem:v1+s25+$0x850 ss:$0x1], $0xffff;
	v8 =	vpack.i.b32.b16 v10, v8;
	v10 =	vunpack.i.l.s16.s32 v4  }
0x43: {  	v3 =	vpack.i.b32.b16 v3, v2;
	v2 =	vld.idx.msk [tilespmem:v1+s25+$0x40 ss:$0x1], $0xffff;
	v7 =	vpack.i.b32.b16 v7, v17;
	[tilespmem:v0+s25+$0xFFFFF800 ss:$0x1] =	vst.idx.msk $0xffff, v8  }
0x44: {  	v4 =	vld.idx.msk [tilespmem:v1+s25+$0x840 ss:$0x1], $0xffff;
	v16 =	vpack.i.b32.b16 v18, v16;
	v5 =	vpack.i.b32.b16 v5, v10;
	[tilespmem:v0+s25+$0xFFFFF7A0 ss:$0x1] =	vst.idx.msk $0xffff, v7  }
0x45: {  	v8 =	vunpack.i.u.s16.s32 v9;
	v10 =	vunpack.i.l.s16.s32 v9;
	v9 =	vunpack.i.u.s16.s32 v13;
	[tilespmem:v0+s25+$0x0 ss:$0x1] =	vst.idx.msk $0xffff, v3;
	v3 =	vld.idx.msk [tilespmem:v1+s25+$0x50 ss:$0x1], $0xffff  }
0x46: {  	v13 =	vunpack.i.l.s16.s32 v13;
	v7 =	vld.idx.msk [tilespmem:v1+s25+$0x860 ss:$0x1], $0xffff;
	[tilespmem:v0+s25+$0xFFFFF790 ss:$0x1] =	vst.idx.msk $0xffff, v5;
	v5 =	vpack.i.b32.b16 v14, v11;
	v11 =	vunpack.i.u.s16.s32 v12  }
0x47: {  	s27 =	simm.s32 $0x800;
	s26 =	simm.s32 $0x0;
	v14 =	vunpack.i.l.s16.s32 v12;
	v12 =	vunpack.i.u.s16.s32 v15;
	v15 =	vunpack.i.l.s16.s32 v15;
	[tilespmem:v0+s25+$0xFFFFFF90 ss:$0x1] =	vst.idx.msk $0xffff, v5;
	v5 =	vld.idx.msk [tilespmem:v1+s25+$0x60 ss:$0x1], $0xffff  }
.LBB1_5:
0x48: {  	s28 =	sshra.s32 s27, $0x2;
	[tilespmem:v0+s25+$0xFFFFFFA0 ss:$0x1] =	vst.idx.msk $0xffff, v16;
	v10 =	vpack.i.b32.b16 v14, v10;
	v14 =	vunpack.i.u.s16.s32 v2;
	v2 =	vunpack.i.l.s16.s32 v2  }
0x49: {  	v8 =	vpack.i.b32.b16 v11, v8;
	v16 =	vld.idx.msk [tilespmem:v1+s28+$0x70 ss:$0x1], $0xffff;
	[tilespmem:v0+s25+$0xFFFFF7B0 ss:$0x1] =	vst.idx.msk $0xffff, v10;
	v10 =	vunpack.i.u.s16.s32 v4;
	v4 =	vunpack.i.l.s16.s32 v4  }
0x4a: {  	s26 =	sadd.s32 $0x80, s26;
	v11 =	vld.idx.msk [tilespmem:v1+s28+$0x870 ss:$0x1], $0xffff;
	[tilespmem:v0+s25+$0xFFFFFFB0 ss:$0x1] =	vst.idx.msk $0xffff, v8;
	v8 =	vpack.i.b32.b16 v15, v13;
	v13 =	vunpack.i.u.s16.s32 v3;
	v3 =	vunpack.i.l.s16.s32 v3  }
0x4b: {  	p2 =	slt.u32 s26, $0x180;
	v15 =	vld.idx.msk [tilespmem:v1+s28+$0x0 ss:$0x1], $0xffff;
	[tilespmem:v0+s25+$0xFFFFF7C0 ss:$0x1] =	vst.idx.msk $0xffff, v8;
	v8 =	vpack.i.b32.b16 v12, v9;
	v9 =	vunpack.i.u.s16.s32 v6;
	v6 =	vunpack.i.l.s16.s32 v6  }
0x4c: {  	v2 =	vpack.i.b32.b16 v4, v2;
	v4 =	vunpack.i.u.s16.s32 v5;
	v5 =	vunpack.i.l.s16.s32 v5;
	v12 =	vld.idx.msk [tilespmem:v1+s28+$0x800 ss:$0x1], $0xffff;
	[tilespmem:v0+s25+$0xFFFFFFC0 ss:$0x1] =	vst.idx.msk $0xffff, v8  }
0x4d: {  	v8 =	vld.idx.msk [tilespmem:v1+s28+$0x10 ss:$0x1], $0xffff;
	[tilespmem:v0+s25+$0xFFFFF7D0 ss:$0x1] =	vst.idx.msk $0xffff, v2;
	v2 =	vpack.i.b32.b16 v10, v14;
	v10 =	vunpack.i.u.s16.s32 v7;
	v7 =	vunpack.i.l.s16.s32 v7  }
0x4e: {  	v3 =	vpack.i.b32.b16 v6, v3;
	v6 =	vpack.i.b32.b16 v9, v13;
	v14 =	vld.idx.msk [tilespmem:v1+s28+$0x810 ss:$0x1], $0xffff;
	v5 =	vpack.i.b32.b16 v7, v5  }
0x4f: {  	v9 =	vpack.i.b32.b16 v10, v4;
	v7 =	vld.idx.msk [tilespmem:v1+s28+$0x20 ss:$0x1], $0xffff;
	[tilespmem:v0+s25+$0xFFFFFFD0 ss:$0x1] =	vst.idx.msk $0xffff, v2  }
0x50: {  	v2 =	vunpack.i.l.s16.s32 v16;
	v4 =	vunpack.i.l.s16.s32 v11;
	v13 =	vld.idx.msk [tilespmem:v1+s28+$0x820 ss:$0x1], $0xffff;
	[tilespmem:v0+s25+$0xFFFFF7E0 ss:$0x1] =	vst.idx.msk $0xffff, v3  }
0x51: {  	v10 =	vunpack.i.u.s16.s32 v11;
	v3 =	vunpack.i.u.s16.s32 v16;
	v2 =	vpack.i.b32.b16 v4, v2;
	v17 =	vld.idx.msk [tilespmem:v1+s28+$0x30 ss:$0x1], $0xffff;
	[tilespmem:v0+s25+$0xFFFFFFE0 ss:$0x1] =	vst.idx.msk $0xffff, v6  }
0x52: {  	v11 =	vunpack.i.l.s16.s32 v15;
	v6 =	vunpack.i.u.s16.s32 v15;
	v3 =	vpack.i.b32.b16 v10, v3;
	v15 =	vld.idx.msk [tilespmem:v1+s28+$0x830 ss:$0x1], $0xffff;
	[tilespmem:v0+s28+$0xFFFFF800 ss:$0x1] =	vst.idx.msk $0xffff, v2  }
0x53: {  	v16 =	vunpack.i.u.s16.s32 v12;
	v10 =	vunpack.i.l.s16.s32 v12;
	v12 =	vunpack.i.u.s16.s32 v8;
	v2 =	vld.idx.msk [tilespmem:v1+s28+$0x40 ss:$0x1], $0xffff;
	[tilespmem:v0+s28+$0x0 ss:$0x1] =	vst.idx.msk $0xffff, v3  }
.Ltmp3:
0x54: {  	v18 =	vunpack.i.l.s16.s32 v8;
	v19 =	vunpack.i.u.s16.s32 v14;
	v20 =	vunpack.i.l.s16.s32 v14;
	v4 =	vld.idx.msk [tilespmem:v1+s28+$0x840 ss:$0x1], $0xffff;
	[tilespmem:v0+s25+$0xFFFFF7F0 ss:$0x1] =	vst.idx.msk $0xffff, v5;
	(pc) =	sbr.rel @p2 .LBB1_5-.Ltmp3, $4  }
0x55: {  	v5 =	vpack.i.b32.b16 v10, v11;
	v8 =	vunpack.i.u.s16.s32 v7;
	v10 =	vunpack.i.l.s16.s32 v7;
	v3 =	vld.idx.msk [tilespmem:v1+s28+$0x50 ss:$0x1], $0xffff;
	[tilespmem:v0+s25+$0xFFFFFFF0 ss:$0x1] =	vst.idx.msk $0xffff, v9;
	s25 =	smov.u32 s28  }
0x56: {  	v11 =	vunpack.i.u.s16.s32 v13;
	v14 =	vunpack.i.l.s16.s32 v13;
	[tilespmem:v0+s25+$0xFFFFF790 ss:$0x1] =	vst.idx.msk $0xffff, v5;
	v5 =	vpack.i.b32.b16 v16, v6;
	v6 =	vld.idx.msk [tilespmem:v1+s25+$0x850 ss:$0x1], $0xffff  }
0x57: {  	v7 =	vpack.i.b32.b16 v20, v18;
	v9 =	vunpack.i.u.s16.s32 v17;
	v13 =	vunpack.i.l.s16.s32 v17;
	[tilespmem:v0+s25+$0xFFFFFF90 ss:$0x1] =	vst.idx.msk $0xffff, v5;
	v5 =	vld.idx.msk [tilespmem:v1+s25+$0x60 ss:$0x1], $0xffff  }
0x58: {  	s27 =	sadd.s32 $0x800, s27;
	v16 =	vpack.i.b32.b16 v19, v12;
	v12 =	vunpack.i.u.s16.s32 v15;
	v15 =	vunpack.i.l.s16.s32 v15;
	[tilespmem:v0+s25+$0xFFFFF7A0 ss:$0x1] =	vst.idx.msk $0xffff, v7;
	v7 =	vld.idx.msk [tilespmem:v1+s25+$0x860 ss:$0x1], $0xffff  }
0x59: {  	_ =	sdelay $0x3  }
0x5a: {  	[tilespmem:v0+s25+$0xFFFFFFA0 ss:$0x1] =	vst.idx.msk $0xffff, v16;
	v1 =	vpack.i.b32.b16 v14, v10  }
0x5b: {  	v46 =	vpack.i.b32.b16 v15, v13;
	[tilespmem:v0+s25+$0xFFFFF7B0 ss:$0x1] =	vst.idx.msk $0xffff, v1  }
0x5c: {  	v45 =	vpack.i.b32.b16 v11, v8;
	[tilespmem:v0+s25+$0xFFFFF7C0 ss:$0x1] =	vst.idx.msk $0xffff, v46  }
0x5d: {  	v47 =	vunpack.i.l.s16.s32 v2;
	v48 =	vunpack.i.l.s16.s32 v4;
	v49 =	vpack.i.b32.b16 v12, v9;
	[tilespmem:v0+s25+$0xFFFFFFB0 ss:$0x1] =	vst.idx.msk $0xffff, v45  }
0x5e: {  	v50 =	vunpack.i.u.s16.s32 v2;
	v51 =	vunpack.i.u.s16.s32 v4;
	v52 =	vpack.i.b32.b16 v48, v47;
	[tilespmem:v0+s25+$0xFFFFFFC0 ss:$0x1] =	vst.idx.msk $0xffff, v49  }
0x5f: {  	p2 =	slt.u32 s24, $0x6;
	v53 =	vunpack.i.l.s16.s32 v3;
	v55 =	vpack.i.b32.b16 v51, v50;
	v54 =	vunpack.i.l.s16.s32 v6;
	[tilespmem:v0+s25+$0xFFFFF7D0 ss:$0x1] =	vst.idx.msk $0xffff, v52  }
.Ltmp4:
0x60: {  	v56 =	vunpack.i.u.s16.s32 v3;
	v57 =	vunpack.i.u.s16.s32 v6;
	v58 =	vpack.i.b32.b16 v54, v53;
	[tilespmem:v0+s25+$0xFFFFFFD0 ss:$0x1] =	vst.idx.msk $0xffff, v55;
	(pc) =	sbr.rel @p2 .LBB1_4-.Ltmp4, $4  }
0x61: {  	v59 =	vunpack.i.l.s16.s32 v5;
	v2 =	vpack.i.b32.b16 v57, v56;
	v60 =	vunpack.i.l.s16.s32 v7;
	[tilespmem:v0+s25+$0xFFFFF7E0 ss:$0x1] =	vst.idx.msk $0xffff, v58  }
0x62: {  	v61 =	vunpack.i.u.s16.s32 v5;
	v62 =	vunpack.i.u.s16.s32 v7;
	v1 =	vpack.i.b32.b16 v60, v59;
	[tilespmem:v0+s25+$0xFFFFFFE0 ss:$0x1] =	vst.idx.msk $0xffff, v2  }
0x63: {  	s24 =	sadd.s32 $0x2, s24;
	v63 =	vpack.i.b32.b16 v62, v61;
	[tilespmem:v0+s25+$0xFFFFF7F0 ss:$0x1] =	vst.idx.msk $0xffff, v1  }
0x64: {  	s22 =	sadd.s32 $0x1000, s22;
	s23 =	sadd.s32 $0x80, s23;
	p1 =	por !p1, !p1;
	[tilespmem:v0+s25+$0xFFFFFFF0 ss:$0x1] =	vst.idx.msk $0xffff, v63  }
0x65: {  	p1 =	slt.u32 s21, $0x6  }
.Ltmp5:
0x66: {  	_ = 	snop;
	(pc) =	sbr.rel @p1 .LBB1_3-.Ltmp5, $3  }
0x67: {  	_ =	sdelay $0x1  }
0x68: {  	s22 =	sadd.s32 $0x2, s21;
	s20 =	sadd.s32 $0x100, s20  }
0x69: {  	p0 =	por !p0, !p0;
	s18 =	sadd.s32 $0x1000, s18;
	s21 =	smov.u32 s22  }
0x6a: {  	s18 =	sshll.u32 s16, $0xA  }
0x6b: {  	s19 =	sshll.u32 s14, $0x3;
	s18 =	sand.u32 $0xFFFFE000, s18  }
0x6c: {  	s18 =	sadd.s32 s18, s19  }
0x6d: {  	s18 =	sshrl.u32 s18, $0xA  }
0x6e: {  	s29 =	smulhi.u32 $0x2AAAAB, s18  }
0x6f: {  	s30 =	sshll.u32 s16, $0x7  }
0x70: {  	s20 =	sshll.u32 s14, $0x1;
	s15 =	smul.u32 $0x60000, s15;
	s19 =	sshrl.u32 s29, $0x2  }
0x71: {  	s16 =	sand.u32 $0x300, s30;
	s20 =	sand.u32 $0xF0, s20;
	s19 =	smul.u32 $0x1800, s19  }
.Ltmp6:
0x72: {  	s31 =	sand.u32 $0x7, s14;
	s16 =	sor.u32 s16, s20;
	(pc) =	sbr.rel .LBB1_9-.Ltmp6, $4  }
0x73: {  	s15 =	sadd.s32 s5, s15;
	s16 =	sshrl.u32 s16, $0x4;
	s18 =	ssub.s32 s18, s19  }
0x74: {  	s14 =	sshll.u32 s31, $0x12;
	s15 =	sadd.s32 s16, s15;
	s18 =	sshll.u32 s18, $0x6  }
0x75: {  	s14 =	sor.u32 $0x800, s14;
	s15 =	sadd.s32 s18, s15  }
0x76: {  	[hbm4b:s15+s14] =	stream.strided.scatter [tilespmem:s17], [sflag:$0x2], $0x4000, s8, s14, $0x38;
	[tilespmem:$0x10000] =	vst v63  }
.LBB1_10:
0x77: {  	_ =	sfence.sel $0x180000  }
0x78: {  	s2 =	simm.s32 $0x1;
	[bflag:$0x0] =	sbarrier.arrive $0xFFFF  }
0x79: {  	s31 =	simm.s32 $0x2;
	[sflag:s2] =	ssyncpa.u1 $0x1  }
0x7a: {  	[sflag:s31] =	ssyncpa.u1 $0x1  }
0x7b: {  	p0 =	sne.s32 s0, $0x0;
	_ =	strace $0x9000004A  }
0x7c: {  	s0 =	sadd.s32 @!p0 $0x100000, s1;
	[bflag:$0x2] =	sbarrier.arrive $0xFFFF  }
0x7d: {  	[sflag:s0] =	ssyncadd.tile.s32 @!p0 $0x1;
	_ =	shalt  }
.Lfunc_end1:
_tile_overlayer_lowered:
.L_overlay_start_2:
0x7e: {  	(tag) =	ssettag $0x2  }
0x7f: {  	s0 =	rddreg [dreg:$0x0];
	s2 =	stileid.u32  }
0x80: {  	s1 =	rddreg [dreg:$0x1];
	p0 =	sne.s32 s2, $0x0  }
0x81: {  	s3 =	rddreg [dreg:$0x2];
	[bflag:$0x3] =	sbarrier.arrive $0xFFFF;
	s2 =	simm.s32 @!p0 $0x1C01  }
0x82: {  	[timem:s3], [sflag:s2] =	dma.local @!p0 [hbm:s0], s1  }
0x83: {  	s0 =	simm.s32 @!p0 $0x1  }
0x84: {  	_ =	swait.ge @!p0 [sflag:s0], s1  }
0x85: {  	s1 =	ssub.s32 @!p0 $0x0, s1;
	[sflag:s0] =	ssyncset.done @!p0 $0x0  }
0x86: {  	[sflag:s0] =	ssyncadd.s32 @!p0 s1  }
0x87: {  	[bflag:$0x3] =	sbarrier.arrive $0xFFFF  }
0x88: {  	_ =	shalt  }

// kernel: sparse-core-data-format-call.cloned.1.call-start
scs
called_computation_lowered:
.L_overlay_start_0:
0x0: {  	s2 =	sld [smem:$0x3FD9]  }
0x1: {  	s3 =	sld [smem:$0x3FFE];
	_ =	sdelay $0x1  }
0x2: {  	s1 =	srdreg.scid  }
0x3: {  	s0 =	sand.u32 $0x1, s1  }
0x4: {  	s18 =	sshll.u32 s0, $0xA;
	s2 =	sadd.s32 s3, s2  }
0x5: {  	s2 =	sadd.s32 s2, s18  }
0x6: {  	[smem:$0x3FC4] =	sst s2  }
0x7: {  	_ = 	snop  }
0x8: {  	(tm) =	ssettm $0x1  }
0x9: {  	s19 =	sld [smem:$0x3FFB];
	_ =	sdelay $0x3  }
0xa: {  	_ =	strace s19  }
0xb: {  	s2 =	sld [smem:$0x3FFC];
	_ =	sdelay $0x3  }
0xc: {  	_ =	strace s2  }
0xd: {  	s2 =	sld [smem:$0x3FFD];
	_ =	sdelay $0x3  }
0xe: {  	_ =	strace s2  }
0xf: {  	_ =	strace $0x8FFFFFFF  }
0x10: {  	s20 =	sld [smem:$0x3FDB];
	_ =	sdelay $0x1  }
0x11: {  	s21 =	simm.s32 $_scs_section_size  }
0x12: {  	s4 =	simm.s32 $_size__tile_overlayer_lowered;
	s5 =	simm.s32 $_tile_overlayer_lowered  }
0x13: {  	s6 =	simm.s32 $0x1BFF;
	s22 =	sshll.u32 s5, $0x1;
	s3 =	sadd.s32 s21, s20  }
0x14: {  	s23 =	simm.s32 $0x0;
	s4 =	sshll.u32 s4, $0x1;
	s5 =	sadd.s32 s22, s3  }
0x15: {  	[timem:s23], [sflag:s6] =	dma.local [hbm:s5], s4  }
0x16: {  	_ =	swait.ge [sflag:s6], s4  }
0x17: {  	s4 =	ssub.s32 $0x0, s4;
	[sflag:s6] =	ssyncset.done $0x0  }
0x18: {  	[sflag:s6] =	ssyncadd.s32 s4;
	_ =	sdelay $0x1  }
0x19: {  	s24 =	simm.s32 $0x1B8B  }
0x1a: {  	_ =	swait.ge [sflag:s24], $0x1  }
0x1b: {  	[sflag:s24] =	ssyncset.done $0x0  }
0x1c: {  	[sflag:s24] =	ssyncadd.s32 $0xFFFFFFFF  }
0x1d: {  	s4 =	sld [smem:$0x0]  }
0x1e: {  	s5 =	sand.u32 $0xFFFFFFFE, s1  }
0x1f: {  	p0 =	sne.s32 s1, s5  }
0x20: {  	s5 =	sshll.u32 @p0 s5, $0xE  }
0x21: {  	s5 =	sadd.s32 @p0 $0x11B8D, s5;
	s6 =	sshll.u32 @p0 s4, $0x11  }
0x22: {  	s5 =	sor.u32 @p0 s6, s5  }
0x23: {  	[sflag:s5] =	ssyncadd.remote.s32 @p0 $0x1;
	_ =	sdelay $0x1  }
0x24: {  	s5 =	simm.s32 @p0 $0x1B8D  }
0x25: {  	_ =	swait.eq @p0 [sflag:s5], $0x1  }
0x26: {  	[sflag:s5] =	ssyncadd.s32 @p0 $0xFFFFFFFF  }
0x27: {  	s6 =	sshll.u32 @!p0 s1, $0xE  }
0x28: {  	s6 =	sor.u32 @!p0 $0x4000, s6;
	s5 =	simm.s32 @!p0 $0x1B8D  }
0x29: {  	s4 =	sshll.u32 @!p0 s4, $0x11;
	s6 =	sadd.s32 @!p0 $0x11B8D, s6;
	_ =	swait.eq @!p0 [sflag:s5], $0x1  }
0x2a: {  	s4 =	sor.u32 @!p0 s4, s6;
	[sflag:s5] =	ssyncadd.s32 @!p0 $0xFFFFFFFF  }
0x2b: {  	s26 =	simm.s32 $0x1B8E;
	s25 =	sld [smem:$0x3FFE];
	[sflag:s4] =	ssyncadd.remote.s32 @!p0 $0x1  }
0x2c: {  	s27 =	simm.s32 $execute0_lowered;
	[smem:$0x3FD2] =	sst s26  }
0x2d: {  	s5 =	sshll.u32 s27, $0x1;
	_ =	strace $0x8000004C;
	[dreg:$0x1] =	wrdreg $0xFFFFFFFF  }
0x2e: {  	s28 =	simm.s32 $_size_execute0_lowered;
	s3 =	sadd.s32 s3, s5;
	[dreg:$0x0] =	wrdreg $0x0  }
0x2f: {  	s5 =	sshll.u32 s28, $0x1;
	[dreg:$0x2] =	wrdreg s3  }
0x30: {  	[dreg:$0x3] =	wrdreg s5  }
0x31: {  	[dreg:$0x4] =	wrdreg $0xC0  }
0x32: {  	_ =	task [dreg:s23], $0x5FFFF  }
0x33: {  	[dreg:$0x1] =	wrdreg $0xFFFFFFFF  }
0x34: {  	[dreg:$0x0] =	wrdreg $0x60  }
0x35: {  	[dreg:$0x2] =	wrdreg s25  }
0x36: {  	[dreg:$0x3] =	wrdreg $0x9  }
0x37: {  	_ =	task.clear_ibuf [dreg:s23], $0x4FFFF;
	_ =	strace $0x9000004C  }
0x38: {  	s29 =	simm.s32 $0x9;
	_ =	strace $0x8000004E  }
0x39: {  	_ =	swait.ge [sflag:s29], $0x1  }
0x3a: {  	[sflag:s29] =	ssyncadd.s32 $0xFFFFFFFF  }
0x3b: {  	_ =	strace $0x9000004E  }
0x3c: {  	_ =	sfence  }
0x3d: {  	s30 =	sld [smem:$0x0];
	_ =	sdelay $0x2  }
0x3e: {  	s31 =	sshll.u32 s1, $0xD;
	s1 =	sshrl.u32 s1, $0x2  }
0x3f: {  	s4 =	sand.u32 $0x4000, s31;
	s1 =	sadd.s32 s1, s30  }
0x40: {  	s0 =	sor.u32 s4, s0;
	s1 =	sshll.u32 s1, $0x11  }
0x41: {  	s0 =	sor.u32 s1, s0  }
0x42: {  	s0 =	sadd.s32 $0x8F2B, s0  }
0x43: {  	[sflag:s0] =	ssyncadd.remote.s32 $0x1  }
0x44: {  	_ =	sfence.sel $0xFFFF  }
0x45: {  	[dreg:$0x0] =	wrdreg $0xFFFFFFFF;
	(pc) =	sbr.abs _section_cstart, $3  }
0x46: {  	[dreg:$0x1] =	wrdreg $0xFFFFFFFF  }
0x47: {  	_ =	task.clear_ibuf [dreg:s23], $0x2FFFF;
	_ =	strace $0x9FFFFFFF  }
0x48: {  	(tm) =	ssettm $0x7FFFFFFF  }
0x49: {  	_ =	shalt  }
tec
execute0_lowered:
.L_overlay_start_1:
0x0: {  	(tag) =	ssettag $0x1  }
0x1: {  	s0 =	srdreg.scid  }
0x2: {  	s5 =	rddreg [dreg:$0x0];
	s7 =	simm.s32 $0x1;
	s1 =	sshll.u32 s0, $0x4  }
0x3: {  	s8 =	simm.s32 $0x2;
	s0 =	stileid.u32;
	s1 =	sand.u32 $0x10, s1  }
0x4: {  	s14 =	simm.s32 $0x0;
	s9 =	simm.s32 $0x0;
	s1 =	sor.u32 s0, s1  }
0x5: {  	s15 =	simm.s32 $0x0;
	s16 =	simm.s32 $0x0;
	s2 =	sshll.u32 s1, $0x3  }
0x6: {  	s10 =	simm.s32 $0x0;
	s11 =	simm.s32 $0x0;
	s6 =	ssub.s32 $0xC00, s2  }
0x7: {  	s13 =	simm.s32 $0x0;
	s3 =	sadd.s32 $0x10400, s5;
	s4 =	sand.u32 $0xF8, s6  }
.Ltmp0:
0x8: {  	s5 =	sadd.s32 $0x610600, s5;
	p0 =	sne.s32 s4, $0x0;
	(pc) =	sbr.rel .LBB1_1-.Ltmp0, $4  }
0x9: {  	s1 =	rddreg [dreg:$0x1];
	s6 =	sshrl.u32 s6, $0x8;
	s7 =	simm.s32 @!p0 $0x0  }
0xa: {  	_ =	strace $0x8000004D;
	s4 =	simm.s32 $0x1;
	s6 =	sadd.s32 s7, s6  }
0xb: {  	s12 =	smov.u32 s2;
	[sflag:s4] =	ssyncpa.u1 $0x0;
	s6 =	sshll.u32 s6, $0x2  }
0xc: {  	[sflag:s8] =	ssyncpa.u1 $0x0;
	s8 =	simm.s32 $0x300000;
	s7 =	sor.u32 $0x1, s6  }
.LBB1_9:
0xd: {  	s17 =	sadd.s32 $0x200, s10  }
0xe: {  	s14 =	sadd.s32 $0x8, s11;
	s18 =	smov.u32 s11;
	p1 =	sgt.s32 s17, $0x7FF  }
0xf: {  	s18 =	smov.u32 @p1 s14  }
0x10: {  	s20 =	smov.u32 s12;
	s14 =	sadd.s32 $0x100, s12;
	p2 =	sgt.s32 s18, $0x7  }
0x11: {  	s20 =	smov.u32 @p2 s14  }
0x12: {  	s17 =	simm.s32 @p1 $0x0;
	p1 =	sgt.s32 s20, $0xBFF  }
0x13: {  	p0 =	slt.u32 s13, $0x2;
	s20 =	smov.u32 @p1 s2;
	p1 =	sne.s32 s13, s7  }
.Ltmp1:
0x14: {  	s19 =	simm.s32 @!p0 $0x2;
	(pc) =	sbr.rel @!p1 .LBB1_10-.Ltmp1, $4  }
0x15: {  	s15 =	smov.u32 s11;
	s16 =	smov.u32 s12;
	_ =	swait.ge @!p0 [sflag:s19], $0x4000  }
0x16: {  	s9 =	sadd.s32 $0x8000, s9;
	[sflag:s19] =	ssyncset.done @!p0 $0x0;
	s18 =	simm.s32 @p2 $0x0  }
0x17: {  	s14 =	smov.u32 s10;
	[sflag:s19] =	ssyncadd.s32 @!p0 $0xFFFFC000;
	s10 =	smov.u32 s17  }
0x18: {  	s11 =	smov.u32 s18;
	s13 =	sadd.s32 $0x1, s13;
	s12 =	smov.u32 s20  }
.LBB1_1:
0x19: {  	p0 =	sge.u32 s13, s6  }
0x1a: {  	s17 =	sshll.u32 @!p0 s10, $0x3;
	s18 =	sshll.u32 @!p0 s11, $0x7  }
0x1b: {  	s19 =	sshll.u32 @!p0 s10, $0x1;
	s18 =	sand.u32 @!p0 $0x300, s18;
	s17 =	sand.u32 @!p0 $0x400, s17  }
0x1c: {  	s31 =	sadd.s32 $0xFFFFFFFF, s13;
	s19 =	sand.u32 @!p0 $0xF0, s19;
	s17 =	sor.u32 @!p0 s18, s17  }
0x1d: {  	s18 =	sshll.u32 @!p0 s12, $0xA;
	s17 =	sor.u32 @!p0 s19, s17;
	s19 =	sshrl.u32 @!p0 s10, $0x1  }
0x1e: {  	s20 =	sxor.u32 @!p0 $0xFFFFFFFF, s13;
	s18 =	sadd.s32 @!p0 s3, s18;
	s19 =	sand.u32 @!p0 $0x380, s19  }
0x1f: {  	s17 =	sshrl.u32 @!p0 s17, $0x4;
	s18 =	sadd.s32 @!p0 s19, s18;
	s19 =	sand.u32 @!p0 $0x7, s10  }
0x20: {  	s17 =	sadd.s32 @!p0 s17, s18;
	s18 =	sshll.u32 @!p0 s20, $0xE;
	s19 =	sshll.u32 @!p0 s19, $0x12  }
0x21: {  	s20 =	simm.s32 @!p0 $0x2000;
	s18 =	sand.u32 @!p0 $0x4000, s18;
	s19 =	sor.u32 @!p0 $0x800, s19  }
0x22: {  	[tilespmem:s18], [sflag:$0x1] =	stream.strided.gather @!p0 [hbm4b:s17+s19], $0x4000, s20, s19, $0x38;
	[tilespmem:$0x10000] =	vst v63  }
0x23: {  	p0 =	sge.u32 s31, s6  }
.Ltmp2:
0x24: {  	_ = 	snop;
	(pc) =	sbr.rel @p0 .LBB1_9-.Ltmp2, $1  }
0x25: {  	_ =	sdelay $0x3  }
0x26: {  	s17 =	sshll.u32 s9, $0x1;
	_ =	swait.ge [sflag:s4], $0x4000  }
0x27: {  	s19 =	sshll.u32 s13, $0xE;
	s21 =	simm.s32 $0x0;
	p0 =	por $0x0, $0x0  }
0x28: {  	s17 =	sand.u32 $0x10000, s17;
	[sflag:s4] =	ssyncset.done $0x0;
	s19 =	sand.u32 $0x4000, s19  }
0x29: {  	s18 =	sshrl.u32 s17, $0x2;
	s20 =	sshrl.u32 s17, $0x2;
	[sflag:s4] =	ssyncadd.s32 $0xFFFFC000  }
0x2a: {  	s17 =	sor.u32 $0x8000, s19;
	s19 =	sadd.s32 $0x8870, s20;
	s20 =	simm.s32 $0x0  }
.LBB1_3:
0x2b: {  	s22 =	simm.s32 $0x1  }
0x2c: {  	s23 =	sshll.u32 s20, $0x1;
	s22 =	simm.s32 @!p0 $0x0  }
0x2d: {  	s23 =	sand.u32 $0xFFFFFC00, s23;
	s22 =	sshll.u32 s22, $0x9  }
0x2e: {  	s22 =	sor.u32 s22, s23  }
0x2f: {  	p1 =	por $0x0, $0x0;
	s22 =	sshrl.u32 s22, $0x2  }
0x30: {  	s24 =	simm.s32 $0x0;
	s23 =	simm.s32 $0x0;
	s22 =	sadd.s32 s22, s19  }
.LBB1_4:
0x31: {  	s25 =	simm.s32 $0x1  }
0x32: {  	s26 =	sshll.u32 s23, $0x2;
	s25 =	simm.s32 @!p1 $0x0  }
0x33: {  	s26 =	sand.u32 $0xFFFFFC00, s26;
	s25 =	sshll.u32 s25, $0x9  }
0x34: {  	s25 =	sor.u32 s25, s26  }
0x35: {  	s25 =	sshrl.u32 s25, $0x2  }
0x36: {  	s25 =	sadd.s32 s25, s18  }
0x37: {  	v1 =	vmov s25;
	_ =	sdelay $0x3  }
0x38: {  	s25 =	simm.s32 $0x0  }
0x39: {  	v2 =	vld.idx.msk [tilespmem:v1+s25+$0x70 ss:$0x1], $0xffff  }
0x3a: {  	v3 =	vld.idx.msk [tilespmem:v1+s25+$0x870 ss:$0x1], $0xffff  }
0x3b: {  	v4 =	vld.idx.msk [tilespmem:v1+s25+$0x0 ss:$0x1], $0xffff  }
0x3c: {  	v5 =	vld.idx.msk [tilespmem:v1+s25+$0x800 ss:$0x1], $0xffff  }
0x3d: {  	v6 =	vld.idx.msk [tilespmem:v1+s25+$0x10 ss:$0x1], $0xffff  }
0x3e: {  	v7 =	vld.idx.msk [tilespmem:v1+s25+$0x810 ss:$0x1], $0xffff;
	_ =	sdelay $0x1  }
0x3f: {  	v0 =	vmov s22;
	v9 =	vld.idx.msk [tilespmem:v1+s25+$0x20 ss:$0x1], $0xffff;
	v8 =	vunpack.i.l.s16.s32 v2  }
0x40: {  	v12 =	vld.idx.msk [tilespmem:v1+s25+$0x820 ss:$0x1], $0xffff;
	v10 =	vunpack.i.l.s16.s32 v3;
	v2 =	vunpack.i.u.s16.s32 v2;
	v3 =	vunpack.i.u.s16.s32 v3  }
0x41: {  	v13 =	vld.idx.msk [tilespmem:v1+s25+$0x30 ss:$0x1], $0xffff;
	v11 =	vunpack.i.u.s16.s32 v4;
	v14 =	vunpack.i.u.s16.s32 v5;
	v5 =	vunpack.i.l.s16.s32 v5  }
0x42: {  	v15 =	vld.idx.msk [tilespmem:v1+s25+$0x830 ss:$0x1], $0xffff;
	v16 =	vunpack.i.u.s16.s32 v6;
	v17 =	vunpack.i.l.s16.s32 v6;
	v18 =	vunpack.i.u.s16.s32 v7  }
0x43: {  	v7 =	vunpack.i.l.s16.s32 v7;
	v6 =	vld.idx.msk [tilespmem:v1+s25+$0x850 ss:$0x1], $0xffff;
	v8 =	vpack.i.b32.b16 v10, v8;
	v10 =	vunpack.i.l.s16.s32 v4  }
0x44: {  	v3 =	vpack.i.b32.b16 v3, v2;
	v2 =	vld.idx.msk [tilespmem:v1+s25+$0x40 ss:$0x1], $0xffff;
	v7 =	vpack.i.b32.b16 v7, v17;
	[tilespmem:v0+s25+$0xFFFFF800 ss:$0x1] =	vst.idx.msk $0xffff, v8  }
0x45: {  	v4 =	vld.idx.msk [tilespmem:v1+s25+$0x840 ss:$0x1], $0xffff;
	v16 =	vpack.i.b32.b16 v18, v16;
	v5 =	vpack.i.b32.b16 v5, v10;
	[tilespmem:v0+s25+$0xFFFFF7A0 ss:$0x1] =	vst.idx.msk $0xffff, v7  }
0x46: {  	v8 =	vunpack.i.u.s16.s32 v9;
	v10 =	vunpack.i.l.s16.s32 v9;
	v9 =	vunpack.i.u.s16.s32 v13;
	[tilespmem:v0+s25+$0x0 ss:$0x1] =	vst.idx.msk $0xffff, v3;
	v3 =	vld.idx.msk [tilespmem:v1+s25+$0x50 ss:$0x1], $0xffff  }
0x47: {  	v13 =	vunpack.i.l.s16.s32 v13;
	v7 =	vld.idx.msk [tilespmem:v1+s25+$0x860 ss:$0x1], $0xffff;
	[tilespmem:v0+s25+$0xFFFFF790 ss:$0x1] =	vst.idx.msk $0xffff, v5;
	v5 =	vpack.i.b32.b16 v14, v11;
	v11 =	vunpack.i.u.s16.s32 v12  }
0x48: {  	s27 =	simm.s32 $0x800;
	s26 =	simm.s32 $0x0;
	v14 =	vunpack.i.l.s16.s32 v12;
	v12 =	vunpack.i.u.s16.s32 v15;
	v15 =	vunpack.i.l.s16.s32 v15;
	[tilespmem:v0+s25+$0xFFFFFF90 ss:$0x1] =	vst.idx.msk $0xffff, v5;
	v5 =	vld.idx.msk [tilespmem:v1+s25+$0x60 ss:$0x1], $0xffff  }
.LBB1_5:
0x49: {  	s28 =	sshra.s32 s27, $0x2;
	[tilespmem:v0+s25+$0xFFFFFFA0 ss:$0x1] =	vst.idx.msk $0xffff, v16;
	v10 =	vpack.i.b32.b16 v14, v10;
	v14 =	vunpack.i.u.s16.s32 v2;
	v2 =	vunpack.i.l.s16.s32 v2  }
0x4a: {  	v8 =	vpack.i.b32.b16 v11, v8;
	v16 =	vld.idx.msk [tilespmem:v1+s28+$0x70 ss:$0x1], $0xffff;
	[tilespmem:v0+s25+$0xFFFFF7B0 ss:$0x1] =	vst.idx.msk $0xffff, v10;
	v10 =	vunpack.i.u.s16.s32 v4;
	v4 =	vunpack.i.l.s16.s32 v4  }
0x4b: {  	s26 =	sadd.s32 $0x80, s26;
	v11 =	vld.idx.msk [tilespmem:v1+s28+$0x870 ss:$0x1], $0xffff;
	[tilespmem:v0+s25+$0xFFFFFFB0 ss:$0x1] =	vst.idx.msk $0xffff, v8;
	v8 =	vpack.i.b32.b16 v15, v13;
	v13 =	vunpack.i.u.s16.s32 v3;
	v3 =	vunpack.i.l.s16.s32 v3  }
0x4c: {  	p2 =	slt.u32 s26, $0x180;
	v15 =	vld.idx.msk [tilespmem:v1+s28+$0x0 ss:$0x1], $0xffff;
	[tilespmem:v0+s25+$0xFFFFF7C0 ss:$0x1] =	vst.idx.msk $0xffff, v8;
	v8 =	vpack.i.b32.b16 v12, v9;
	v9 =	vunpack.i.u.s16.s32 v6;
	v6 =	vunpack.i.l.s16.s32 v6  }
0x4d: {  	v2 =	vpack.i.b32.b16 v4, v2;
	v4 =	vunpack.i.u.s16.s32 v5;
	v5 =	vunpack.i.l.s16.s32 v5;
	v12 =	vld.idx.msk [tilespmem:v1+s28+$0x800 ss:$0x1], $0xffff;
	[tilespmem:v0+s25+$0xFFFFFFC0 ss:$0x1] =	vst.idx.msk $0xffff, v8  }
0x4e: {  	v8 =	vld.idx.msk [tilespmem:v1+s28+$0x10 ss:$0x1], $0xffff;
	[tilespmem:v0+s25+$0xFFFFF7D0 ss:$0x1] =	vst.idx.msk $0xffff, v2;
	v2 =	vpack.i.b32.b16 v10, v14;
	v10 =	vunpack.i.u.s16.s32 v7;
	v7 =	vunpack.i.l.s16.s32 v7  }
0x4f: {  	v3 =	vpack.i.b32.b16 v6, v3;
	v6 =	vpack.i.b32.b16 v9, v13;
	v14 =	vld.idx.msk [tilespmem:v1+s28+$0x810 ss:$0x1], $0xffff;
	v5 =	vpack.i.b32.b16 v7, v5  }
0x50: {  	v9 =	vpack.i.b32.b16 v10, v4;
	v7 =	vld.idx.msk [tilespmem:v1+s28+$0x20 ss:$0x1], $0xffff;
	[tilespmem:v0+s25+$0xFFFFFFD0 ss:$0x1] =	vst.idx.msk $0xffff, v2  }
0x51: {  	v2 =	vunpack.i.l.s16.s32 v16;
	v4 =	vunpack.i.l.s16.s32 v11;
	v13 =	vld.idx.msk [tilespmem:v1+s28+$0x820 ss:$0x1], $0xffff;
	[tilespmem:v0+s25+$0xFFFFF7E0 ss:$0x1] =	vst.idx.msk $0xffff, v3  }
0x52: {  	v10 =	vunpack.i.u.s16.s32 v11;
	v3 =	vunpack.i.u.s16.s32 v16;
	v2 =	vpack.i.b32.b16 v4, v2;
	v17 =	vld.idx.msk [tilespmem:v1+s28+$0x30 ss:$0x1], $0xffff;
	[tilespmem:v0+s25+$0xFFFFFFE0 ss:$0x1] =	vst.idx.msk $0xffff, v6  }
0x53: {  	v11 =	vunpack.i.l.s16.s32 v15;
	v6 =	vunpack.i.u.s16.s32 v15;
	v3 =	vpack.i.b32.b16 v10, v3;
	v15 =	vld.idx.msk [tilespmem:v1+s28+$0x830 ss:$0x1], $0xffff;
	[tilespmem:v0+s28+$0xFFFFF800 ss:$0x1] =	vst.idx.msk $0xffff, v2  }
0x54: {  	v16 =	vunpack.i.u.s16.s32 v12;
	v10 =	vunpack.i.l.s16.s32 v12;
	v12 =	vunpack.i.u.s16.s32 v8;
	v2 =	vld.idx.msk [tilespmem:v1+s28+$0x40 ss:$0x1], $0xffff;
	[tilespmem:v0+s28+$0x0 ss:$0x1] =	vst.idx.msk $0xffff, v3  }
.Ltmp3:
0x55: {  	v18 =	vunpack.i.l.s16.s32 v8;
	v19 =	vunpack.i.u.s16.s32 v14;
	v20 =	vunpack.i.l.s16.s32 v14;
	v4 =	vld.idx.msk [tilespmem:v1+s28+$0x840 ss:$0x1], $0xffff;
	[tilespmem:v0+s25+$0xFFFFF7F0 ss:$0x1] =	vst.idx.msk $0xffff, v5;
	(pc) =	sbr.rel @p2 .LBB1_5-.Ltmp3, $4  }
0x56: {  	v5 =	vpack.i.b32.b16 v10, v11;
	v8 =	vunpack.i.u.s16.s32 v7;
	v10 =	vunpack.i.l.s16.s32 v7;
	v3 =	vld.idx.msk [tilespmem:v1+s28+$0x50 ss:$0x1], $0xffff;
	[tilespmem:v0+s25+$0xFFFFFFF0 ss:$0x1] =	vst.idx.msk $0xffff, v9;
	s25 =	smov.u32 s28  }
0x57: {  	v11 =	vunpack.i.u.s16.s32 v13;
	v14 =	vunpack.i.l.s16.s32 v13;
	[tilespmem:v0+s25+$0xFFFFF790 ss:$0x1] =	vst.idx.msk $0xffff, v5;
	v5 =	vpack.i.b32.b16 v16, v6;
	v6 =	vld.idx.msk [tilespmem:v1+s25+$0x850 ss:$0x1], $0xffff  }
0x58: {  	v7 =	vpack.i.b32.b16 v20, v18;
	v9 =	vunpack.i.u.s16.s32 v17;
	v13 =	vunpack.i.l.s16.s32 v17;
	[tilespmem:v0+s25+$0xFFFFFF90 ss:$0x1] =	vst.idx.msk $0xffff, v5;
	v5 =	vld.idx.msk [tilespmem:v1+s25+$0x60 ss:$0x1], $0xffff  }
0x59: {  	s27 =	sadd.s32 $0x800, s27;
	v16 =	vpack.i.b32.b16 v19, v12;
	v12 =	vunpack.i.u.s16.s32 v15;
	v15 =	vunpack.i.l.s16.s32 v15;
	[tilespmem:v0+s25+$0xFFFFF7A0 ss:$0x1] =	vst.idx.msk $0xffff, v7;
	v7 =	vld.idx.msk [tilespmem:v1+s25+$0x860 ss:$0x1], $0xffff  }
0x5a: {  	_ =	sdelay $0x3  }
0x5b: {  	[tilespmem:v0+s25+$0xFFFFFFA0 ss:$0x1] =	vst.idx.msk $0xffff, v16;
	v1 =	vpack.i.b32.b16 v14, v10  }
0x5c: {  	v46 =	vpack.i.b32.b16 v15, v13;
	[tilespmem:v0+s25+$0xFFFFF7B0 ss:$0x1] =	vst.idx.msk $0xffff, v1  }
0x5d: {  	v45 =	vpack.i.b32.b16 v11, v8;
	[tilespmem:v0+s25+$0xFFFFF7C0 ss:$0x1] =	vst.idx.msk $0xffff, v46  }
0x5e: {  	v47 =	vunpack.i.l.s16.s32 v2;
	v48 =	vunpack.i.l.s16.s32 v4;
	v49 =	vpack.i.b32.b16 v12, v9;
	[tilespmem:v0+s25+$0xFFFFFFB0 ss:$0x1] =	vst.idx.msk $0xffff, v45  }
0x5f: {  	v50 =	vunpack.i.u.s16.s32 v2;
	v51 =	vunpack.i.u.s16.s32 v4;
	v52 =	vpack.i.b32.b16 v48, v47;
	[tilespmem:v0+s25+$0xFFFFFFC0 ss:$0x1] =	vst.idx.msk $0xffff, v49  }
0x60: {  	p2 =	slt.u32 s24, $0x6;
	v53 =	vunpack.i.l.s16.s32 v3;
	v55 =	vpack.i.b32.b16 v51, v50;
	v54 =	vunpack.i.l.s16.s32 v6;
	[tilespmem:v0+s25+$0xFFFFF7D0 ss:$0x1] =	vst.idx.msk $0xffff, v52  }
.Ltmp4:
0x61: {  	v56 =	vunpack.i.u.s16.s32 v3;
	v57 =	vunpack.i.u.s16.s32 v6;
	v58 =	vpack.i.b32.b16 v54, v53;
	[tilespmem:v0+s25+$0xFFFFFFD0 ss:$0x1] =	vst.idx.msk $0xffff, v55;
	(pc) =	sbr.rel @p2 .LBB1_4-.Ltmp4, $4  }
0x62: {  	v59 =	vunpack.i.l.s16.s32 v5;
	v2 =	vpack.i.b32.b16 v57, v56;
	v60 =	vunpack.i.l.s16.s32 v7;
	[tilespmem:v0+s25+$0xFFFFF7E0 ss:$0x1] =	vst.idx.msk $0xffff, v58  }
0x63: {  	v61 =	vunpack.i.u.s16.s32 v5;
	v62 =	vunpack.i.u.s16.s32 v7;
	v1 =	vpack.i.b32.b16 v60, v59;
	[tilespmem:v0+s25+$0xFFFFFFE0 ss:$0x1] =	vst.idx.msk $0xffff, v2  }
0x64: {  	s24 =	sadd.s32 $0x2, s24;
	v63 =	vpack.i.b32.b16 v62, v61;
	[tilespmem:v0+s25+$0xFFFFF7F0 ss:$0x1] =	vst.idx.msk $0xffff, v1  }
0x65: {  	s22 =	sadd.s32 $0x1000, s22;
	s23 =	sadd.s32 $0x80, s23;
	p1 =	por !p1, !p1;
	[tilespmem:v0+s25+$0xFFFFFFF0 ss:$0x1] =	vst.idx.msk $0xffff, v63  }
0x66: {  	p1 =	slt.u32 s21, $0x6  }
.Ltmp5:
0x67: {  	_ = 	snop;
	(pc) =	sbr.rel @p1 .LBB1_3-.Ltmp5, $3  }
0x68: {  	_ =	sdelay $0x1  }
0x69: {  	s22 =	sadd.s32 $0x2, s21;
	s20 =	sadd.s32 $0x100, s20  }
0x6a: {  	p0 =	por !p0, !p0;
	s18 =	sadd.s32 $0x1000, s18;
	s21 =	smov.u32 s22  }
0x6b: {  	s18 =	sshll.u32 s16, $0xB  }
0x6c: {  	s19 =	sshll.u32 s14, $0x3;
	s18 =	sand.u32 $0xFFFFC000, s18  }
0x6d: {  	s18 =	sadd.s32 s18, s19  }
0x6e: {  	s18 =	sshrl.u32 s18, $0xB  }
0x6f: {  	s29 =	sshll.u32 s16, $0x7;
	s21 =	sshll.u32 s14, $0x1;
	s20 =	smulhi.u32 $0x155556, s18  }
0x70: {  	s15 =	smul.u32 $0x60000, s15;
	s16 =	sand.u32 $0x300, s29;
	s19 =	sand.u32 $0x400, s19  }
0x71: {  	s30 =	sand.u32 $0xF0, s21;
	s16 =	sor.u32 s16, s19;
	s20 =	smul.u32 $0xC00, s20  }
.Ltmp6:
0x72: {  	s31 =	sand.u32 $0x7, s14;
	s16 =	sor.u32 s30, s16;
	(pc) =	sbr.rel .LBB1_9-.Ltmp6, $4  }
0x73: {  	s15 =	sadd.s32 s5, s15;
	s16 =	sshrl.u32 s16, $0x4;
	s18 =	ssub.s32 s18, s20  }
0x74: {  	s14 =	sshll.u32 s31, $0x12;
	s15 =	sadd.s32 s16, s15;
	s18 =	sshll.u32 s18, $0x7  }
0x75: {  	s14 =	sor.u32 $0x800, s14;
	s15 =	sadd.s32 s18, s15  }
0x76: {  	[hbm4b:s15+s14] =	stream.strided.scatter [tilespmem:s17], [sflag:$0x2], $0x4000, s8, s14, $0x38;
	[tilespmem:$0x10000] =	vst v63  }
.LBB1_10:
0x77: {  	_ =	sfence.sel $0x180000  }
0x78: {  	s2 =	simm.s32 $0x1;
	[bflag:$0x0] =	sbarrier.arrive $0xFFFF  }
0x79: {  	s31 =	simm.s32 $0x2;
	[sflag:s2] =	ssyncpa.u1 $0x1  }
0x7a: {  	[sflag:s31] =	ssyncpa.u1 $0x1  }
0x7b: {  	p0 =	sne.s32 s0, $0x0;
	_ =	strace $0x9000004D  }
0x7c: {  	s0 =	sadd.s32 @!p0 $0x100000, s1;
	[bflag:$0x2] =	sbarrier.arrive $0xFFFF  }
0x7d: {  	[sflag:s0] =	ssyncadd.tile.s32 @!p0 $0x1;
	_ =	shalt  }
.Lfunc_end1:
_tile_overlayer_lowered:
.L_overlay_start_2:
0x7e: {  	(tag) =	ssettag $0x2  }
0x7f: {  	s0 =	rddreg [dreg:$0x0];
	s2 =	stileid.u32  }
0x80: {  	s1 =	rddreg [dreg:$0x1];
	p0 =	sne.s32 s2, $0x0  }
0x81: {  	s3 =	rddreg [dreg:$0x2];
	[bflag:$0x3] =	sbarrier.arrive $0xFFFF;
	s2 =	simm.s32 @!p0 $0x1C01  }
0x82: {  	[timem:s3], [sflag:s2] =	dma.local @!p0 [hbm:s0], s1  }
0x83: {  	s0 =	simm.s32 @!p0 $0x1  }
0x84: {  	_ =	swait.ge @!p0 [sflag:s0], s1  }
0x85: {  	s1 =	ssub.s32 @!p0 $0x0, s1;
	[sflag:s0] =	ssyncset.done @!p0 $0x0  }
0x86: {  	[sflag:s0] =	ssyncadd.s32 @!p0 s1  }
0x87: {  	[bflag:$0x3] =	sbarrier.arrive $0xFFFF  }
0x88: {  	_ =	shalt  }

</sc_bundles>
